<compile_context>
chip_gen: v7x
topology: tpu7x:2x2x1
jax: 0.10.2.dev20260603
libtpu: 0.0.44.dev20260713+nightly
codegen_flags: <defaults>
</compile_context>

<pallas_src>
import jax
import jax.numpy as jnp
from jax import lax
from jax.experimental import pallas as pl
from jax.experimental.pallas import tpu as pltpu
from jax.experimental.pallas import tpu_sc as plsc

V = 2048
D = 256
E = 262144
M = 128
H = 8
C = 32
HC = H * C

NC = 2
NS = 16
NW = NC * NS
EK = 64
NCHUNK = E // (NW * EK)
LANES = 16

_NEG_SLOPE = 0.2


def _pre_body(x_ref, mat_ref, Ws_ref, bs_ref, Wl1_ref, Wl2_ref, bl_ref,
              Wr1_ref, Wr2_ref, br_ref, xl_ref, xr_ref):
    x = x_ref[...]
    mat = mat_ref[...]
    xs = lax.dot_general(mat, x, (((0,), (0,)), ((), ())),
                         preferred_element_type=jnp.float32)
    spec = jnp.dot(mat, jnp.dot(xs, Ws_ref[...]) + bs_ref[...],
                   preferred_element_type=jnp.float32)
    xl_ref[...] = (jnp.dot(x, Wl1_ref[...], preferred_element_type=jnp.float32)
                   + jnp.dot(spec, Wl2_ref[...], preferred_element_type=jnp.float32)
                   + bl_ref[...])
    xr_ref[...] = (jnp.dot(x, Wr1_ref[...], preferred_element_type=jnp.float32)
                   + jnp.dot(spec, Wr2_ref[...], preferred_element_type=jnp.float32)
                   + br_ref[...])


def _tc_pre(x, mat, Ws, bs, Wl1, Wl2, bl, Wr1, Wr2, br):
    return pl.pallas_call(
        _pre_body,
        out_shape=(jax.ShapeDtypeStruct((V, HC), jnp.float32),
                   jax.ShapeDtypeStruct((V, HC), jnp.float32)),
    )(x, mat, Ws, bs, Wl1, Wl2, bl, Wr1, Wr2, br)


def _sc_body(xl_hbm, xr_hbm, src_hbm, dst_hbm, ea_hbm, we_hbm, att_hbm,
             agg_out, asum_out,
             src_v, dst_v, ea_v, xl_stage, xr_stage, agg_stage, asum_stage,
             wea_v, ea_splat, sem0, sem1, sem2, sem3, agg_sh, asum_sh):
    cid = lax.axis_index("c")
    sid = lax.axis_index("s")
    wid = cid * NS + sid

    pltpu.sync_copy(src_hbm.at[pl.ds(wid * NCHUNK, NCHUNK)], src_v)
    pltpu.sync_copy(dst_hbm.at[pl.ds(wid * NCHUNK, NCHUNK)], dst_v)
    pltpu.sync_copy(ea_hbm.at[pl.ds(wid * NCHUNK, NCHUNK)], ea_v)

    pltpu.sync_copy(we_hbm, wea_v.at[0])
    pltpu.sync_copy(att_hbm, wea_v.at[1])

    zero16 = jnp.zeros((LANES,), jnp.float32)

    def _zero_row(r, _):
        for c in range(HC // LANES):
            agg_stage[0, r, pl.ds(c * LANES, LANES)] = zero16
        asum_stage[0, r, :] = zero16
        asum_stage[1, r, :] = zero16
        return _
    lax.fori_loop(0, EK, _zero_row, None)

    rows_per_sid = V // NS
    for b in range(rows_per_sid // EK):
        pltpu.sync_copy(agg_stage.at[0],
                        agg_sh.at[pl.ds(sid * rows_per_sid + b * EK, EK)])
    for b in range(rows_per_sid // EK):
        pltpu.sync_copy(asum_stage.at[0],
                        asum_sh.at[pl.ds(sid * rows_per_sid + b * EK, EK)])
    plsc.subcore_barrier()

    lane_iota = lax.iota(jnp.int32, LANES)
    mask8 = lane_iota < H

    def _start_gather(j, slot):
        pltpu.async_copy(xl_hbm.at[src_v.at[j]], xl_stage.at[slot], sem0)
        pltpu.async_copy(xr_hbm.at[dst_v.at[j]], xr_stage.at[slot], sem1)

    def _wait_gather(j, slot):
        pltpu.make_async_copy(xl_hbm.at[src_v.at[j]], xl_stage.at[slot],
                              sem0).wait()
        pltpu.make_async_copy(xr_hbm.at[dst_v.at[j]], xr_stage.at[slot],
                              sem1).wait()

    def _start_scatter(j, slot):
        pltpu.async_copy(agg_stage.at[slot], agg_sh.at[dst_v.at[j]], sem2,
                         add=True)
        pltpu.async_copy(asum_stage.at[slot], asum_sh.at[dst_v.at[j]], sem3,
                         add=True)

    def _wait_scatter(j, slot):
        pltpu.make_async_copy(agg_stage.at[slot], agg_sh.at[dst_v.at[j]],
                              sem2).wait()
        pltpu.make_async_copy(asum_stage.at[slot], asum_sh.at[dst_v.at[j]],
                              sem3).wait()

    _start_gather(0, 0)

    def _chunk(j, _):
        slot = lax.rem(j, 2)
        _wait_gather(j, slot)
        pl.when(j < NCHUNK - 1)(lambda: _start_gather(j + 1, 1 - slot))
        pl.when(j >= 2)(lambda: _wait_scatter(j - 2, slot))

        xl_b = xl_stage.at[slot]
        xr_b = xr_stage.at[slot]
        agg_b = agg_stage.at[slot]
        asum_b = asum_stage.at[slot]

        for g in range(EK // LANES):
            ea16 = ea_v[j, pl.ds(g * LANES, LANES)]
            for i in range(LANES):
                sp = jnp.broadcast_to(ea16[i], (LANES,))
                ea_splat[g * LANES + i, :] = plsc.pack(
                    sp, sp, format=plsc.PackFormat.INTERLEAVED)

        def _unp(x):
            return plsc.unpack(x, format=plsc.PackFormat.INTERLEAVED,
                               preferred_element_type=jnp.float32)

        neg_slope_bf = jnp.bfloat16(_NEG_SLOPE)

        @plsc.parallel_loop(0, EK, 1, unroll=2)
        def _edge(e):
            eav = ea_splat[e, :]
            rs = []
            for h in range(H):
                a = xl_b[e, pl.ds(h * C, C)]
                b = xr_b[e, pl.ds(h * C, C)]
                u = a + b + eav * wea_v[0, pl.ds(h * C, C)]
                t = jnp.maximum(u, neg_slope_bf * u)
                s0, s1 = _unp(t * wea_v[1, pl.ds(h * C, C)])
                rs.append(jnp.sum(s0 + s1))
            parts = [jnp.where(lane_iota == h, rs[h], 0.0) for h in range(H)]
            av = ((parts[0] + parts[1]) + (parts[2] + parts[3])) + (
                (parts[4] + parts[5]) + (parts[6] + parts[7]))
            w = jnp.where(mask8, jnp.exp(av), 0.0)
            asum_b[e, :] = w

        @plsc.parallel_loop(0, EK, 1, unroll=2)
        def _edge_agg(e):
            w = asum_b[e, :]
            for h in range(H):
                a0, a1 = _unp(xl_b[e, pl.ds(h * C, C)])
                wh = w[h]
                agg_b[e, pl.ds(h * C, LANES)] = wh * a0
                agg_b[e, pl.ds(h * C + LANES, LANES)] = wh * a1

        _start_scatter(j, slot)
        return _
    lax.fori_loop(0, NCHUNK, _chunk, None)

    _wait_scatter(NCHUNK - 2, 0)
    _wait_scatter(NCHUNK - 1, 1)
    plsc.subcore_barrier()
    out_row = cid * V + sid * rows_per_sid
    pltpu.sync_copy(agg_sh.at[pl.ds(sid * rows_per_sid, rows_per_sid)],
                    agg_out.at[pl.ds(out_row, rows_per_sid)])
    pltpu.sync_copy(asum_sh.at[pl.ds(sid * rows_per_sid, rows_per_sid)],
                    asum_out.at[pl.ds(out_row, rows_per_sid)])


def _sc_edge(xl, xr, src2d, dst2d, ea2d, we_flat, att_flat):
    mesh = plsc.VectorSubcoreMesh(core_axis_name="c", subcore_axis_name="s")
    kfn = pl.kernel(
        _sc_body,
        out_type=(jax.ShapeDtypeStruct((NC * V, HC), jnp.float32),
                  jax.ShapeDtypeStruct((NC * V, LANES), jnp.float32)),
        mesh=mesh,
        compiler_params=pltpu.CompilerParams(use_tc_tiling_on_sc=False,
                                             needs_layout_passes=False),
        scratch_types=[
            pltpu.VMEM((NCHUNK, EK), jnp.int32),
            pltpu.VMEM((NCHUNK, EK), jnp.int32),
            pltpu.VMEM((NCHUNK, EK), jnp.float32),
            pltpu.VMEM((2, EK, HC), jnp.bfloat16),
            pltpu.VMEM((2, EK, HC), jnp.bfloat16),
            pltpu.VMEM((2, EK, HC), jnp.float32),
            pltpu.VMEM((2, EK, LANES), jnp.float32),
            pltpu.VMEM((2, HC), jnp.bfloat16),
            pltpu.VMEM((EK, C), jnp.bfloat16),
            pltpu.SemaphoreType.DMA,
            pltpu.SemaphoreType.DMA,
            pltpu.SemaphoreType.DMA,
            pltpu.SemaphoreType.DMA,
            pltpu.VMEM_SHARED((V, HC), jnp.float32),
            pltpu.VMEM_SHARED((V, LANES), jnp.float32),
        ],
    )
    return kfn(xl, xr, src2d, dst2d, ea2d, we_flat, att_flat)


def _graph_norm(y, w, b):
    m = jnp.mean(y)
    s = jnp.sqrt(jnp.mean((y - m) * (y - m)))
    return (y - m) / (s + 1e-5) * w + b


def _post_body(x_ref, xl_ref, xr_ref, ei_ref, agg_ref, asum_ref, we_ref,
               att_ref, gb_ref, n1w_ref, n1b_ref, W2_ref, b2_ref, n2w_ref,
               n2b_ref, W3_ref, b3_ref, n3w_ref, n3b_ref, out_ref):
    x = x_ref[...]
    xl = xl_ref[...]
    xr = xr_ref[...]
    mea = jnp.mean(ei_ref[...])

    row = lax.broadcasted_iota(jnp.int32, (LANES, HC), 0)
    col = lax.broadcasted_iota(jnp.int32, (LANES, HC), 1)
    B = (col // C == row).astype(jnp.float32)

    u = xl + xr + mea * we_ref[...]
    t = jnp.maximum(u, _NEG_SLOPE * u)
    alpha_l = lax.dot_general(t * att_ref[...], B, (((1,), (1,)), ((), ())),
                              preferred_element_type=jnp.float32)
    w_l = jnp.exp(alpha_l)
    asum = asum_ref[0] + asum_ref[1] + w_l
    num = agg_ref[0] + agg_ref[1] + jnp.dot(
        w_l, B, preferred_element_type=jnp.float32) * xl
    recip = 1.0 / (asum + 1e-16)
    gat = num * jnp.dot(recip, B, preferred_element_type=jnp.float32) + gb_ref[...]

    x1 = _graph_norm(x + jnp.maximum(gat, 0.0), n1w_ref[...], n1b_ref[...])
    x2 = _graph_norm(
        x1 + jnp.dot(x1, W2_ref[...], preferred_element_type=jnp.float32)
        + b2_ref[...], n2w_ref[...], n2b_ref[...])
    x3 = _graph_norm(
        x2 + jnp.dot(x2, W3_ref[...], preferred_element_type=jnp.float32)
        + b3_ref[...], n3w_ref[...], n3b_ref[...])
    out_ref[...] = x3


def _tc_post(x, xl, xr, ei2d, agg_p, asum_p, we_row, att_row, gat_bias,
             n1w, n1b, W2, b2, n2w, n2b, W3, b3, n3w, n3b):
    return pl.pallas_call(
        _post_body,
        out_shape=jax.ShapeDtypeStruct((V, D), jnp.float32),
    )(x, xl, xr, ei2d, agg_p, asum_p, we_row, att_row, gat_bias,
      n1w, n1b, W2, b2, n2w, n2b, W3, b3, n3w, n3b)


@jax.jit
def kernel(x, full_edge_index, edge_indicators, batch, spectrum_mats, Ws, bs,
           Wl, bl, Wr, br, We, att, gat_bias, n1w, n1b, W2, b2, n2w, n2b,
           W3, b3, n3w, n3b):
    mat = spectrum_mats[0]
    xl, xr = _tc_pre(x, mat, Ws, bs, Wl[:D], Wl[D:], bl, Wr[:D], Wr[D:], br)

    src2d = full_edge_index[0].reshape(NW * NCHUNK, EK)
    dst2d = full_edge_index[1].reshape(NW * NCHUNK, EK)
    ea2d = edge_indicators.reshape(NW * NCHUNK, EK)
    we_flat = We.reshape(HC)
    att_flat = att.reshape(HC)

    def _ilv(t):
        n = t.shape[0]
        return (t.reshape(n, H, 2, LANES).transpose(0, 1, 3, 2)
                .reshape(n, HC).astype(jnp.bfloat16))

    agg_p, asum_p = _sc_edge(_ilv(xl), _ilv(xr), src2d, dst2d, ea2d,
                             _ilv(we_flat.reshape(1, HC)).reshape(HC),
                             _ilv(att_flat.reshape(1, HC)).reshape(HC))
    agg_p = agg_p.reshape(NC, V, HC)
    asum_p = asum_p.reshape(NC, V, LANES)

    ei2d = edge_indicators.reshape(V, E // V)
    return _tc_post(x, xl, xr, ei2d, agg_p, asum_p, We.reshape(1, HC),
                    att.reshape(1, HC), gat_bias, n1w, n1b, W2, b2, n2w,
                    n2b, W3, b3, n3w, n3b)

# --- scband reference (transcript-rebuilt; emitter-appended) ---
"""Pipeline reference for scband-graph-attention-layer-68736656605834 (READ-ONLY COPY).

The authoritative reference and input builder live on the scoring server;
editing this copy changes nothing except your own understanding.
"""

import jax, jax.numpy as jnp
import numpy as np

V = 2048
D = 256
E = 262144
M = 128
H = 8
C = 32
HC = H * C


def setup_inputs(seed: int = 0) -> dict:
    key = jax.random.key(seed)
    ks = jax.random.split(key, 30)
    def rn(k, shape, scale=0.05):
        return jax.random.normal(k, shape, dtype=jnp.float32) * scale
    inp = {}
    inp["x"] = jax.random.normal(ks[0], (V, D), dtype=jnp.float32)
    inp["full_edge_index"] = jax.random.randint(ks[1], (2, E), 0, V, dtype=jnp.int32)
    inp["edge_indicators"] = jax.random.uniform(ks[2], (E, 1), dtype=jnp.float32)
    inp["batch"] = jnp.zeros((V,), dtype=jnp.int32)
    inp["spectrum_mats"] = jax.random.normal(ks[3], (1, V, M), dtype=jnp.float32) * 0.05
    # spectral_dense: Linear(D, D)
    inp["Ws"] = rn(ks[4], (D, D))
    inp["bs"] = jnp.zeros((D,), dtype=jnp.float32)
    # GATv2Conv(2D -> C, heads=H, edge_dim=1)
    inp["Wl"] = rn(ks[5], (2 * D, HC))
    inp["bl"] = jnp.zeros((HC,), dtype=jnp.float32)
    inp["Wr"] = rn(ks[6], (2 * D, HC))
    inp["br"] = jnp.zeros((HC,), dtype=jnp.float32)
    inp["We"] = rn(ks[7], (1, HC))
    inp["att"] = rn(ks[8], (H, C))
    inp["gat_bias"] = jnp.zeros((HC,), dtype=jnp.float32)
    # norms (PyG LayerNorm mode='graph', affine per-channel)
    inp["n1w"] = jnp.ones((HC,), dtype=jnp.float32)
    inp["n1b"] = jnp.zeros((HC,), dtype=jnp.float32)
    inp["W2"] = rn(ks[9], (HC, D))
    inp["b2"] = jnp.zeros((D,), dtype=jnp.float32)
    inp["n2w"] = jnp.ones((D,), dtype=jnp.float32)
    inp["n2b"] = jnp.zeros((D,), dtype=jnp.float32)
    inp["W3"] = rn(ks[10], (D, D))
    inp["b3"] = jnp.zeros((D,), dtype=jnp.float32)
    inp["n3w"] = jnp.ones((D,), dtype=jnp.float32)
    inp["n3b"] = jnp.zeros((D,), dtype=jnp.float32)
    return inp


def _graph_norm(x, w, b):
    # torch_geometric.nn.LayerNorm, mode='graph', no batch: normalize over all elements
    m = jnp.mean(x)
    s = jnp.std(x)
    return (x - m) / (s + 1e-5) * w + b


def reference(x, full_edge_index, edge_indicators, batch, spectrum_mats,
              Ws, bs, Wl, bl, Wr, br, We, att, gat_bias,
              n1w, n1b, W2, b2, n2w, n2b, W3, b3, n3w, n3b):
    Vn = x.shape[0]
    # spectral conv (single graph in batch)
    mat = spectrum_mats[0]
    x_spec = mat.T @ x
    specconv = mat @ (x_spec @ Ws + bs)
    x_cat = jnp.concatenate([x, specconv], axis=1)
    # GATv2Conv with edge features, add_self_loops=True (fill_value='mean')
    src = full_edge_index[0]
    dst = full_edge_index[1]
    loop = jnp.arange(Vn, dtype=src.dtype)
    srcf = jnp.concatenate([src, loop])
    dstf = jnp.concatenate([dst, loop])
    mean_attr = jnp.mean(edge_indicators, axis=0, keepdims=True)
    ea = jnp.concatenate([edge_indicators, jnp.broadcast_to(mean_attr, (Vn, edge_indicators.shape[1]))], axis=0)
    x_l = (x_cat @ Wl + bl).reshape(Vn, H, C)
    x_r = (x_cat @ Wr + br).reshape(Vn, H, C)
    e = (ea @ We).reshape(-1, H, C)
    msg = jax.nn.leaky_relu(x_l[srcf] + x_r[dstf] + e, 0.2)
    alpha = jnp.sum(msg * att, axis=-1)  # [E+V, H]
    amax = jax.lax.stop_gradient(jax.ops.segment_max(alpha, dstf, num_segments=Vn))
    aexp = jnp.exp(alpha - amax[dstf])
    asum = jax.ops.segment_sum(aexp, dstf, num_segments=Vn)
    alpha = aexp / (asum[dstf] + 1e-16)
    agg = jax.ops.segment_sum(x_l[srcf] * alpha[..., None], dstf, num_segments=Vn)
    gat_out = agg.reshape(Vn, HC) + gat_bias
    # post-GAT residual stack (dropout = identity in eval)
    x1 = _graph_norm(x + jax.nn.relu(gat_out), n1w, n1b)
    x2 = _graph_norm(x1 + (x1 @ W2 + b2), n2w, n2b)
    x3 = _graph_norm(x2 + (x2 @ W3 + b3), n3w, n3b)
    return x3

if __name__ == "__main__":
    import jax
    _d = setup_inputs()
    print(jax.jit(kernel)(*tuple(_d.values())))

</pallas_src>

<mosaic_0001>
#map = affine_map<(d0, d1) -> (0, 0)>
#map1 = affine_map<(d0, d1) -> (0)>
module attributes {stable_mosaic.version = 14 : i64} {
  func.func @_sc_body(%arg0: i32, %arg1: i32, %arg2: memref<2048x256xbf16, #tpu.memory_space<hbm>>, %arg3: memref<2048x256xbf16, #tpu.memory_space<hbm>>, %arg4: memref<4096x64xi32, #tpu.memory_space<hbm>>, %arg5: memref<4096x64xi32, #tpu.memory_space<hbm>>, %arg6: memref<4096x64xf32, #tpu.memory_space<hbm>>, %arg7: memref<256xbf16, #tpu.memory_space<hbm>>, %arg8: memref<256xbf16, #tpu.memory_space<hbm>>, %arg9: memref<4096x256xf32, #tpu.memory_space<hbm>>, %arg10: memref<4096x16xf32, #tpu.memory_space<hbm>>, %arg11: memref<128x64xi32, #tpu.memory_space<vmem>>, %arg12: memref<128x64xi32, #tpu.memory_space<vmem>>, %arg13: memref<128x64xf32, #tpu.memory_space<vmem>>, %arg14: memref<2x64x256xbf16, #tpu.memory_space<vmem>>, %arg15: memref<2x64x256xbf16, #tpu.memory_space<vmem>>, %arg16: memref<2x64x256xf32, #tpu.memory_space<vmem>>, %arg17: memref<2x64x16xf32, #tpu.memory_space<vmem>>, %arg18: memref<2x256xbf16, #tpu.memory_space<vmem>>, %arg19: memref<64x32xbf16, #tpu.memory_space<vmem>>, %arg20: memref<!tpu.dma_semaphore, #tpu.memory_space<semaphore_mem>>, %arg21: memref<!tpu.dma_semaphore, #tpu.memory_space<semaphore_mem>>, %arg22: memref<!tpu.dma_semaphore, #tpu.memory_space<semaphore_mem>>, %arg23: memref<!tpu.dma_semaphore, #tpu.memory_space<semaphore_mem>>, %arg24: memref<2048x256xf32, #tpu.memory_space<vmem_shared>>, %arg25: memref<2048x16xf32, #tpu.memory_space<vmem_shared>>) attributes {dimension_semantics = [#tpu.dimension_semantics<core_parallel>, #tpu.dimension_semantics<subcore_parallel>], iteration_bounds = array<i64: 2, 16>, scalar_prefetch = 0 : i64, scratch_operands = 15 : i64, tpu.core_type = #tpu.core_type<sc_vector_subcore>, window_params = [{transform_indices = #map}, {transform_indices = #map}, {transform_indices = #map}, {transform_indices = #map}, {transform_indices = #map}, {transform_indices = #map1}, {transform_indices = #map1}, {transform_indices = #map}, {transform_indices = #map}]} {
    %mul3A = arith.constant 16 : i32
    %mul3A_0 = arith.muli %arg0, %mul3A : i32
    %add3A = arith.addi %mul3A_0, %arg1 : i32
    %mul3A_1 = arith.constant 128 : i32
    %mul3A_2 = arith.muli %add3A, %mul3A_1 : i32
    "tpu.region"() ({
      %run_scoped3A_120 = tpu.sem_alloc : memref<!tpu.dma_semaphore, #tpu.memory_space<semaphore_mem>>
      %dma_start3A_121 = arith.constant 0 : i32
      %dma_start3A_122 = tpu.memref_slice %arg4[%mul3A_2, %dma_start3A_121] : memref<4096x64xi32, #tpu.memory_space<hbm>> -> memref<128x64xi32, #tpu.memory_space<hbm>>
      %dma_start3A_123 = arith.constant 0 : i32
      %dma_start3A_124 = tpu.memref_slice %arg4[%mul3A_2, %dma_start3A_123] : memref<4096x64xi32, #tpu.memory_space<hbm>> -> memref<128x64xi32, #tpu.memory_space<hbm>>
      tpu.enqueue_dma source(%dma_start3A_124 : memref<128x64xi32, #tpu.memory_space<hbm>>) target(%arg11 : memref<128x64xi32, #tpu.memory_space<vmem>>) target_semaphore(%run_scoped3A_120 : memref<!tpu.dma_semaphore, #tpu.memory_space<semaphore_mem>>)
      %dma_wait3A_125 = arith.constant 0 : i32
      %dma_wait3A_126 = tpu.memref_slice %arg4[%mul3A_2, %dma_wait3A_125] : memref<4096x64xi32, #tpu.memory_space<hbm>> -> memref<128x64xi32, #tpu.memory_space<hbm>>
      %dma_wait3A_127 = arith.constant 0 : i32
      %dma_wait3A_128 = tpu.memref_slice %arg4[%mul3A_2, %dma_wait3A_127] : memref<4096x64xi32, #tpu.memory_space<hbm>> -> memref<128x64xi32, #tpu.memory_space<hbm>>
      tpu.wait_dma2 semaphore(%run_scoped3A_120 : memref<!tpu.dma_semaphore, #tpu.memory_space<semaphore_mem>>) src(%dma_wait3A_128 : memref<128x64xi32, #tpu.memory_space<hbm>>) dst(%arg11 : memref<128x64xi32, #tpu.memory_space<vmem>>)
      tpu.yield
    }) : () -> ()
    %mul3A_3 = arith.constant 128 : i32
    %mul3A_4 = arith.muli %add3A, %mul3A_3 : i32
    "tpu.region"() ({
      %run_scoped3A_120 = tpu.sem_alloc : memref<!tpu.dma_semaphore, #tpu.memory_space<semaphore_mem>>
      %dma_start3A_121 = arith.constant 0 : i32
      %dma_start3A_122 = tpu.memref_slice %arg5[%mul3A_4, %dma_start3A_121] : memref<4096x64xi32, #tpu.memory_space<hbm>> -> memref<128x64xi32, #tpu.memory_space<hbm>>
      %dma_start3A_123 = arith.constant 0 : i32
      %dma_start3A_124 = tpu.memref_slice %arg5[%mul3A_4, %dma_start3A_123] : memref<4096x64xi32, #tpu.memory_space<hbm>> -> memref<128x64xi32, #tpu.memory_space<hbm>>
      tpu.enqueue_dma source(%dma_start3A_124 : memref<128x64xi32, #tpu.memory_space<hbm>>) target(%arg12 : memref<128x64xi32, #tpu.memory_space<vmem>>) target_semaphore(%run_scoped3A_120 : memref<!tpu.dma_semaphore, #tpu.memory_space<semaphore_mem>>)
      %dma_wait3A_125 = arith.constant 0 : i32
      %dma_wait3A_126 = tpu.memref_slice %arg5[%mul3A_4, %dma_wait3A_125] : memref<4096x64xi32, #tpu.memory_space<hbm>> -> memref<128x64xi32, #tpu.memory_space<hbm>>
      %dma_wait3A_127 = arith.constant 0 : i32
      %dma_wait3A_128 = tpu.memref_slice %arg5[%mul3A_4, %dma_wait3A_127] : memref<4096x64xi32, #tpu.memory_space<hbm>> -> memref<128x64xi32, #tpu.memory_space<hbm>>
      tpu.wait_dma2 semaphore(%run_scoped3A_120 : memref<!tpu.dma_semaphore, #tpu.memory_space<semaphore_mem>>) src(%dma_wait3A_128 : memref<128x64xi32, #tpu.memory_space<hbm>>) dst(%arg12 : memref<128x64xi32, #tpu.memory_space<vmem>>)
      tpu.yield
    }) : () -> ()
    %mul3A_5 = arith.constant 128 : i32
    %mul3A_6 = arith.muli %add3A, %mul3A_5 : i32
    "tpu.region"() ({
      %run_scoped3A_120 = tpu.sem_alloc : memref<!tpu.dma_semaphore, #tpu.memory_space<semaphore_mem>>
      %dma_start3A_121 = arith.constant 0 : i32
      %dma_start3A_122 = tpu.memref_slice %arg6[%mul3A_6, %dma_start3A_121] : memref<4096x64xf32, #tpu.memory_space<hbm>> -> memref<128x64xf32, #tpu.memory_space<hbm>>
      %dma_start3A_123 = arith.constant 0 : i32
      %dma_start3A_124 = tpu.memref_slice %arg6[%mul3A_6, %dma_start3A_123] : memref<4096x64xf32, #tpu.memory_space<hbm>> -> memref<128x64xf32, #tpu.memory_space<hbm>>
      tpu.enqueue_dma source(%dma_start3A_124 : memref<128x64xf32, #tpu.memory_space<hbm>>) target(%arg13 : memref<128x64xf32, #tpu.memory_space<vmem>>) target_semaphore(%run_scoped3A_120 : memref<!tpu.dma_semaphore, #tpu.memory_space<semaphore_mem>>)
      %dma_wait3A_125 = arith.constant 0 : i32
      %dma_wait3A_126 = tpu.memref_slice %arg6[%mul3A_6, %dma_wait3A_125] : memref<4096x64xf32, #tpu.memory_space<hbm>> -> memref<128x64xf32, #tpu.memory_space<hbm>>
      %dma_wait3A_127 = arith.constant 0 : i32
      %dma_wait3A_128 = tpu.memref_slice %arg6[%mul3A_6, %dma_wait3A_127] : memref<4096x64xf32, #tpu.memory_space<hbm>> -> memref<128x64xf32, #tpu.memory_space<hbm>>
      tpu.wait_dma2 semaphore(%run_scoped3A_120 : memref<!tpu.dma_semaphore, #tpu.memory_space<semaphore_mem>>) src(%dma_wait3A_128 : memref<128x64xf32, #tpu.memory_space<hbm>>) dst(%arg13 : memref<128x64xf32, #tpu.memory_space<vmem>>)
      tpu.yield
    }) : () -> ()
    %run_scoped3A = arith.constant 0 : i32
    "tpu.region"() ({
      %run_scoped3A_120 = tpu.sem_alloc : memref<!tpu.dma_semaphore, #tpu.memory_space<semaphore_mem>>
      %dma_start3A_121 = arith.constant 0 : i32
      %dma_start3A_122 = tpu.memref_slice %arg18[%run_scoped3A, %dma_start3A_121] : memref<2x256xbf16, #tpu.memory_space<vmem>> -> memref<1x256xbf16, #tpu.memory_space<vmem>>
      %dma_start3A_123 = tpu.memref_squeeze %dma_start3A_122 : memref<1x256xbf16, #tpu.memory_space<vmem>> -> memref<256xbf16, #tpu.memory_space<vmem>>
      %dma_start3A_124 = arith.constant 0 : i32
      %dma_start3A_125 = tpu.memref_slice %arg18[%run_scoped3A, %dma_start3A_124] : memref<2x256xbf16, #tpu.memory_space<vmem>> -> memref<1x256xbf16, #tpu.memory_space<vmem>>
      %dma_start3A_126 = tpu.memref_squeeze %dma_start3A_125 : memref<1x256xbf16, #tpu.memory_space<vmem>> -> memref<256xbf16, #tpu.memory_space<vmem>>
      tpu.enqueue_dma source(%arg7 : memref<256xbf16, #tpu.memory_space<hbm>>) target(%dma_start3A_126 : memref<256xbf16, #tpu.memory_space<vmem>>) target_semaphore(%run_scoped3A_120 : memref<!tpu.dma_semaphore, #tpu.memory_space<semaphore_mem>>)
      %dma_wait3A_127 = arith.constant 0 : i32
      %dma_wait3A_128 = tpu.memref_slice %arg18[%run_scoped3A, %dma_wait3A_127] : memref<2x256xbf16, #tpu.memory_space<vmem>> -> memref<1x256xbf16, #tpu.memory_space<vmem>>
      %dma_wait3A_129 = tpu.memref_squeeze %dma_wait3A_128 : memref<1x256xbf16, #tpu.memory_space<vmem>> -> memref<256xbf16, #tpu.memory_space<vmem>>
      %dma_wait3A_130 = arith.constant 0 : i32
      %dma_wait3A_131 = tpu.memref_slice %arg18[%run_scoped3A, %dma_wait3A_130] : memref<2x256xbf16, #tpu.memory_space<vmem>> -> memref<1x256xbf16, #tpu.memory_space<vmem>>
      %dma_wait3A_132 = tpu.memref_squeeze %dma_wait3A_131 : memref<1x256xbf16, #tpu.memory_space<vmem>> -> memref<256xbf16, #tpu.memory_space<vmem>>
      tpu.wait_dma2 semaphore(%run_scoped3A_120 : memref<!tpu.dma_semaphore, #tpu.memory_space<semaphore_mem>>) src(%arg7 : memref<256xbf16, #tpu.memory_space<hbm>>) dst(%dma_wait3A_132 : memref<256xbf16, #tpu.memory_space<vmem>>)
      tpu.yield
    }) : () -> ()
    %run_scoped3A_7 = arith.constant 1 : i32
    "tpu.region"() ({
      %run_scoped3A_120 = tpu.sem_alloc : memref<!tpu.dma_semaphore, #tpu.memory_space<semaphore_mem>>
      %dma_start3A_121 = arith.constant 0 : i32
      %dma_start3A_122 = tpu.memref_slice %arg18[%run_scoped3A_7, %dma_start3A_121] : memref<2x256xbf16, #tpu.memory_space<vmem>> -> memref<1x256xbf16, #tpu.memory_space<vmem>>
      %dma_start3A_123 = tpu.memref_squeeze %dma_start3A_122 : memref<1x256xbf16, #tpu.memory_space<vmem>> -> memref<256xbf16, #tpu.memory_space<vmem>>
      %dma_start3A_124 = arith.constant 0 : i32
      %dma_start3A_125 = tpu.memref_slice %arg18[%run_scoped3A_7, %dma_start3A_124] : memref<2x256xbf16, #tpu.memory_space<vmem>> -> memref<1x256xbf16, #tpu.memory_space<vmem>>
      %dma_start3A_126 = tpu.memref_squeeze %dma_start3A_125 : memref<1x256xbf16, #tpu.memory_space<vmem>> -> memref<256xbf16, #tpu.memory_space<vmem>>
      tpu.enqueue_dma source(%arg8 : memref<256xbf16, #tpu.memory_space<hbm>>) target(%dma_start3A_126 : memref<256xbf16, #tpu.memory_space<vmem>>) target_semaphore(%run_scoped3A_120 : memref<!tpu.dma_semaphore, #tpu.memory_space<semaphore_mem>>)
      %dma_wait3A_127 = arith.constant 0 : i32
      %dma_wait3A_128 = tpu.memref_slice %arg18[%run_scoped3A_7, %dma_wait3A_127] : memref<2x256xbf16, #tpu.memory_space<vmem>> -> memref<1x256xbf16, #tpu.memory_space<vmem>>
      %dma_wait3A_129 = tpu.memref_squeeze %dma_wait3A_128 : memref<1x256xbf16, #tpu.memory_space<vmem>> -> memref<256xbf16, #tpu.memory_space<vmem>>
      %dma_wait3A_130 = arith.constant 0 : i32
      %dma_wait3A_131 = tpu.memref_slice %arg18[%run_scoped3A_7, %dma_wait3A_130] : memref<2x256xbf16, #tpu.memory_space<vmem>> -> memref<1x256xbf16, #tpu.memory_space<vmem>>
      %dma_wait3A_132 = tpu.memref_squeeze %dma_wait3A_131 : memref<1x256xbf16, #tpu.memory_space<vmem>> -> memref<256xbf16, #tpu.memory_space<vmem>>
      tpu.wait_dma2 semaphore(%run_scoped3A_120 : memref<!tpu.dma_semaphore, #tpu.memory_space<semaphore_mem>>) src(%arg8 : memref<256xbf16, #tpu.memory_space<hbm>>) dst(%dma_wait3A_132 : memref<256xbf16, #tpu.memory_space<vmem>>)
      tpu.yield
    }) : () -> ()
    %broadcast_in_dim3A = arith.constant 0.000000e+00 : f32
    %broadcast_in_dim3A_8 = vector.broadcast %broadcast_in_dim3A : f32 to vector<16xf32>
    %scan3A = arith.constant 0 : i32
    %scan3A_9 = arith.constant 64 : i32
    %scan3A_10 = arith.addi %scan3A, %scan3A_9 : i32
    %scan3A_11 = arith.constant 1 : i32
    scf.for %scan3A_120 = %scan3A to %scan3A_10 step %scan3A_11  : i32 {
      %swap3A = arith.constant 0 : i32
      %swap3A_121 = arith.index_cast %swap3A : i32 to index
      %swap3A_122 = arith.index_cast %scan3A_120 : i32 to index
      %swap3A_123 = arith.constant 0 : index
      %swap3A_124 = tpu.vector_load %arg16[%swap3A_121, %swap3A_122, %swap3A_123] {strides = array<i32>} : memref<2x64x256xf32, #tpu.memory_space<vmem>>, vector<16xf32>,
      tpu.vector_store %arg16[%swap3A_121, %swap3A_122, %swap3A_123], %broadcast_in_dim3A_8 {strides = array<i32>} : memref<2x64x256xf32, #tpu.memory_space<vmem>>, vector<16xf32>,
      %swap3A_125 = arith.constant 0 : i32
      %swap3A_126 = arith.index_cast %swap3A_125 : i32 to index
      %swap3A_127 = arith.index_cast %scan3A_120 : i32 to index
      %swap3A_128 = arith.constant 16 : index
      %swap3A_129 = tpu.vector_load %arg16[%swap3A_126, %swap3A_127, %swap3A_128] {strides = array<i32>} : memref<2x64x256xf32, #tpu.memory_space<vmem>>, vector<16xf32>,
      tpu.vector_store %arg16[%swap3A_126, %swap3A_127, %swap3A_128], %broadcast_in_dim3A_8 {strides = array<i32>} : memref<2x64x256xf32, #tpu.memory_space<vmem>>, vector<16xf32>,
      %swap3A_130 = arith.constant 0 : i32
      %swap3A_131 = arith.index_cast %swap3A_130 : i32 to index
      %swap3A_132 = arith.index_cast %scan3A_120 : i32 to index
      %swap3A_133 = arith.constant 32 : index
      %swap3A_134 = tpu.vector_load %arg16[%swap3A_131, %swap3A_132, %swap3A_133] {strides = array<i32>} : memref<2x64x256xf32, #tpu.memory_space<vmem>>, vector<16xf32>,
      tpu.vector_store %arg16[%swap3A_131, %swap3A_132, %swap3A_133], %broadcast_in_dim3A_8 {strides = array<i32>} : memref<2x64x256xf32, #tpu.memory_space<vmem>>, vector<16xf32>,
      %swap3A_135 = arith.constant 0 : i32
      %swap3A_136 = arith.index_cast %swap3A_135 : i32 to index
      %swap3A_137 = arith.index_cast %scan3A_120 : i32 to index
      %swap3A_138 = arith.constant 48 : index
      %swap3A_139 = tpu.vector_load %arg16[%swap3A_136, %swap3A_137, %swap3A_138] {strides = array<i32>} : memref<2x64x256xf32, #tpu.memory_space<vmem>>, vector<16xf32>,
      tpu.vector_store %arg16[%swap3A_136, %swap3A_137, %swap3A_138], %broadcast_in_dim3A_8 {strides = array<i32>} : memref<2x64x256xf32, #tpu.memory_space<vmem>>, vector<16xf32>,
      %swap3A_140 = arith.constant 0 : i32
      %swap3A_141 = arith.index_cast %swap3A_140 : i32 to index
      %swap3A_142 = arith.index_cast %scan3A_120 : i32 to index
      %swap3A_143 = arith.constant 64 : index
      %swap3A_144 = tpu.vector_load %arg16[%swap3A_141, %swap3A_142, %swap3A_143] {strides = array<i32>} : memref<2x64x256xf32, #tpu.memory_space<vmem>>, vector<16xf32>,
      tpu.vector_store %arg16[%swap3A_141, %swap3A_142, %swap3A_143], %broadcast_in_dim3A_8 {strides = array<i32>} : memref<2x64x256xf32, #tpu.memory_space<vmem>>, vector<16xf32>,
      %swap3A_145 = arith.constant 0 : i32
      %swap3A_146 = arith.index_cast %swap3A_145 : i32 to index
      %swap3A_147 = arith.index_cast %scan3A_120 : i32 to index
      %swap3A_148 = arith.constant 80 : index
      %swap3A_149 = tpu.vector_load %arg16[%swap3A_146, %swap3A_147, %swap3A_148] {strides = array<i32>} : memref<2x64x256xf32, #tpu.memory_space<vmem>>, vector<16xf32>,
      tpu.vector_store %arg16[%swap3A_146, %swap3A_147, %swap3A_148], %broadcast_in_dim3A_8 {strides = array<i32>} : memref<2x64x256xf32, #tpu.memory_space<vmem>>, vector<16xf32>,
      %swap3A_150 = arith.constant 0 : i32
      %swap3A_151 = arith.index_cast %swap3A_150 : i32 to index
      %swap3A_152 = arith.index_cast %scan3A_120 : i32 to index
      %swap3A_153 = arith.constant 96 : index
      %swap3A_154 = tpu.vector_load %arg16[%swap3A_151, %swap3A_152, %swap3A_153] {strides = array<i32>} : memref<2x64x256xf32, #tpu.memory_space<vmem>>, vector<16xf32>,
      tpu.vector_store %arg16[%swap3A_151, %swap3A_152, %swap3A_153], %broadcast_in_dim3A_8 {strides = array<i32>} : memref<2x64x256xf32, #tpu.memory_space<vmem>>, vector<16xf32>,
      %swap3A_155 = arith.constant 0 : i32
      %swap3A_156 = arith.index_cast %swap3A_155 : i32 to index
      %swap3A_157 = arith.index_cast %scan3A_120 : i32 to index
      %swap3A_158 = arith.constant 112 : index
      %swap3A_159 = tpu.vector_load %arg16[%swap3A_156, %swap3A_157, %swap3A_158] {strides = array<i32>} : memref<2x64x256xf32, #tpu.memory_space<vmem>>, vector<16xf32>,
      tpu.vector_store %arg16[%swap3A_156, %swap3A_157, %swap3A_158], %broadcast_in_dim3A_8 {strides = array<i32>} : memref<2x64x256xf32, #tpu.memory_space<vmem>>, vector<16xf32>,
      %swap3A_160 = arith.constant 0 : i32
      %swap3A_161 = arith.index_cast %swap3A_160 : i32 to index
      %swap3A_162 = arith.index_cast %scan3A_120 : i32 to index
      %swap3A_163 = arith.constant 128 : index
      %swap3A_164 = tpu.vector_load %arg16[%swap3A_161, %swap3A_162, %swap3A_163] {strides = array<i32>} : memref<2x64x256xf32, #tpu.memory_space<vmem>>, vector<16xf32>,
      tpu.vector_store %arg16[%swap3A_161, %swap3A_162, %swap3A_163], %broadcast_in_dim3A_8 {strides = array<i32>} : memref<2x64x256xf32, #tpu.memory_space<vmem>>, vector<16xf32>,
      %swap3A_165 = arith.constant 0 : i32
      %swap3A_166 = arith.index_cast %swap3A_165 : i32 to index
      %swap3A_167 = arith.index_cast %scan3A_120 : i32 to index
      %swap3A_168 = arith.constant 144 : index
      %swap3A_169 = tpu.vector_load %arg16[%swap3A_166, %swap3A_167, %swap3A_168] {strides = array<i32>} : memref<2x64x256xf32, #tpu.memory_space<vmem>>, vector<16xf32>,
      tpu.vector_store %arg16[%swap3A_166, %swap3A_167, %swap3A_168], %broadcast_in_dim3A_8 {strides = array<i32>} : memref<2x64x256xf32, #tpu.memory_space<vmem>>, vector<16xf32>,
      %swap3A_170 = arith.constant 0 : i32
      %swap3A_171 = arith.index_cast %swap3A_170 : i32 to index
      %swap3A_172 = arith.index_cast %scan3A_120 : i32 to index
      %swap3A_173 = arith.constant 160 : index
      %swap3A_174 = tpu.vector_load %arg16[%swap3A_171, %swap3A_172, %swap3A_173] {strides = array<i32>} : memref<2x64x256xf32, #tpu.memory_space<vmem>>, vector<16xf32>,
      tpu.vector_store %arg16[%swap3A_171, %swap3A_172, %swap3A_173], %broadcast_in_dim3A_8 {strides = array<i32>} : memref<2x64x256xf32, #tpu.memory_space<vmem>>, vector<16xf32>,
      %swap3A_175 = arith.constant 0 : i32
      %swap3A_176 = arith.index_cast %swap3A_175 : i32 to index
      %swap3A_177 = arith.index_cast %scan3A_120 : i32 to index
      %swap3A_178 = arith.constant 176 : index
      %swap3A_179 = tpu.vector_load %arg16[%swap3A_176, %swap3A_177, %swap3A_178] {strides = array<i32>} : memref<2x64x256xf32, #tpu.memory_space<vmem>>, vector<16xf32>,
      tpu.vector_store %arg16[%swap3A_176, %swap3A_177, %swap3A_178], %broadcast_in_dim3A_8 {strides = array<i32>} : memref<2x64x256xf32, #tpu.memory_space<vmem>>, vector<16xf32>,
      %swap3A_180 = arith.constant 0 : i32
      %swap3A_181 = arith.index_cast %swap3A_180 : i32 to index
      %swap3A_182 = arith.index_cast %scan3A_120 : i32 to index
      %swap3A_183 = arith.constant 192 : index
      %swap3A_184 = tpu.vector_load %arg16[%swap3A_181, %swap3A_182, %swap3A_183] {strides = array<i32>} : memref<2x64x256xf32, #tpu.memory_space<vmem>>, vector<16xf32>,
      tpu.vector_store %arg16[%swap3A_181, %swap3A_182, %swap3A_183], %broadcast_in_dim3A_8 {strides = array<i32>} : memref<2x64x256xf32, #tpu.memory_space<vmem>>, vector<16xf32>,
      %swap3A_185 = arith.constant 0 : i32
      %swap3A_186 = arith.index_cast %swap3A_185 : i32 to index
      %swap3A_187 = arith.index_cast %scan3A_120 : i32 to index
      %swap3A_188 = arith.constant 208 : index
      %swap3A_189 = tpu.vector_load %arg16[%swap3A_186, %swap3A_187, %swap3A_188] {strides = array<i32>} : memref<2x64x256xf32, #tpu.memory_space<vmem>>, vector<16xf32>,
      tpu.vector_store %arg16[%swap3A_186, %swap3A_187, %swap3A_188], %broadcast_in_dim3A_8 {strides = array<i32>} : memref<2x64x256xf32, #tpu.memory_space<vmem>>, vector<16xf32>,
      %swap3A_190 = arith.constant 0 : i32
      %swap3A_191 = arith.index_cast %swap3A_190 : i32 to index
      %swap3A_192 = arith.index_cast %scan3A_120 : i32 to index
      %swap3A_193 = arith.constant 224 : index
      %swap3A_194 = tpu.vector_load %arg16[%swap3A_191, %swap3A_192, %swap3A_193] {strides = array<i32>} : memref<2x64x256xf32, #tpu.memory_space<vmem>>, vector<16xf32>,
      tpu.vector_store %arg16[%swap3A_191, %swap3A_192, %swap3A_193], %broadcast_in_dim3A_8 {strides = array<i32>} : memref<2x64x256xf32, #tpu.memory_space<vmem>>, vector<16xf32>,
      %swap3A_195 = arith.constant 0 : i32
      %swap3A_196 = arith.index_cast %swap3A_195 : i32 to index
      %swap3A_197 = arith.index_cast %scan3A_120 : i32 to index
      %swap3A_198 = arith.constant 240 : index
      %swap3A_199 = tpu.vector_load %arg16[%swap3A_196, %swap3A_197, %swap3A_198] {strides = array<i32>} : memref<2x64x256xf32, #tpu.memory_space<vmem>>, vector<16xf32>,
      tpu.vector_store %arg16[%swap3A_196, %swap3A_197, %swap3A_198], %broadcast_in_dim3A_8 {strides = array<i32>} : memref<2x64x256xf32, #tpu.memory_space<vmem>>, vector<16xf32>,
      %swap3A_200 = arith.constant 0 : i32
      %swap3A_201 = arith.index_cast %swap3A_200 : i32 to index
      %swap3A_202 = arith.index_cast %scan3A_120 : i32 to index
      %swap3A_203 = arith.constant 0 : index
      %swap3A_204 = tpu.vector_load %arg17[%swap3A_201, %swap3A_202, %swap3A_203] {strides = array<i32>} : memref<2x64x16xf32, #tpu.memory_space<vmem>>, vector<16xf32>,
      tpu.vector_store %arg17[%swap3A_201, %swap3A_202, %swap3A_203], %broadcast_in_dim3A_8 {strides = array<i32>} : memref<2x64x16xf32, #tpu.memory_space<vmem>>, vector<16xf32>,
      %swap3A_205 = arith.constant 1 : i32
      %swap3A_206 = arith.index_cast %swap3A_205 : i32 to index
      %swap3A_207 = arith.index_cast %scan3A_120 : i32 to index
      %swap3A_208 = arith.constant 0 : index
      %swap3A_209 = tpu.vector_load %arg17[%swap3A_206, %swap3A_207, %swap3A_208] {strides = array<i32>} : memref<2x64x16xf32, #tpu.memory_space<vmem>>, vector<16xf32>,
      tpu.vector_store %arg17[%swap3A_206, %swap3A_207, %swap3A_208], %broadcast_in_dim3A_8 {strides = array<i32>} : memref<2x64x16xf32, #tpu.memory_space<vmem>>, vector<16xf32>,
    }
    %scan3A_12 = arith.constant 64 : i32
    %mul3A_13 = arith.constant 128 : i32
    %mul3A_14 = arith.muli %arg1, %mul3A_13 : i32
    %add3A_15 = arith.constant 0 : i32
    %add3A_16 = arith.addi %mul3A_14, %add3A_15 : i32
    %run_scoped3A_17 = arith.constant 0 : i32
    "tpu.region"() ({
      %run_scoped3A_120 = tpu.sem_alloc : memref<!tpu.dma_semaphore, #tpu.memory_space<semaphore_mem>>
      %dma_start3A_121 = arith.constant 0 : i32
      %dma_start3A_122 = arith.constant 0 : i32
      %dma_start3A_123 = tpu.memref_slice %arg16[%run_scoped3A_17, %dma_start3A_121, %dma_start3A_122] : memref<2x64x256xf32, #tpu.memory_space<vmem>> -> memref<1x64x256xf32, #tpu.memory_space<vmem>>
      %dma_start3A_124 = tpu.memref_squeeze %dma_start3A_123 : memref<1x64x256xf32, #tpu.memory_space<vmem>> -> memref<64x256xf32, #tpu.memory_space<vmem>>
      %dma_start3A_125 = arith.constant 0 : i32
      %dma_start3A_126 = tpu.memref_slice %arg24[%add3A_16, %dma_start3A_125] : memref<2048x256xf32, #tpu.memory_space<vmem_shared>> -> memref<64x256xf32, #tpu.memory_space<vmem_shared>>
      %dma_start3A_127 = arith.constant 0 : i32
      %dma_start3A_128 = tpu.memref_slice %arg24[%add3A_16, %dma_start3A_127] : memref<2048x256xf32, #tpu.memory_space<vmem_shared>> -> memref<64x256xf32, #tpu.memory_space<vmem_shared>>
      %dma_start3A_129 = arith.constant 0 : i32
      %dma_start3A_130 = arith.constant 0 : i32
      %dma_start3A_131 = tpu.memref_slice %arg16[%run_scoped3A_17, %dma_start3A_129, %dma_start3A_130] : memref<2x64x256xf32, #tpu.memory_space<vmem>> -> memref<1x64x256xf32, #tpu.memory_space<vmem>>
      %dma_start3A_132 = tpu.memref_squeeze %dma_start3A_131 : memref<1x64x256xf32, #tpu.memory_space<vmem>> -> memref<64x256xf32, #tpu.memory_space<vmem>>
      tpu.enqueue_dma source(%dma_start3A_132 : memref<64x256xf32, #tpu.memory_space<vmem>>) target(%dma_start3A_128 : memref<64x256xf32, #tpu.memory_space<vmem_shared>>) target_semaphore(%run_scoped3A_120 : memref<!tpu.dma_semaphore, #tpu.memory_space<semaphore_mem>>)
      %dma_wait3A_133 = arith.constant 0 : i32
      %dma_wait3A_134 = arith.constant 0 : i32
      %dma_wait3A_135 = tpu.memref_slice %arg16[%run_scoped3A_17, %dma_wait3A_133, %dma_wait3A_134] : memref<2x64x256xf32, #tpu.memory_space<vmem>> -> memref<1x64x256xf32, #tpu.memory_space<vmem>>
      %dma_wait3A_136 = tpu.memref_squeeze %dma_wait3A_135 : memref<1x64x256xf32, #tpu.memory_space<vmem>> -> memref<64x256xf32, #tpu.memory_space<vmem>>
      %dma_wait3A_137 = arith.constant 0 : i32
      %dma_wait3A_138 = tpu.memref_slice %arg24[%add3A_16, %dma_wait3A_137] : memref<2048x256xf32, #tpu.memory_space<vmem_shared>> -> memref<64x256xf32, #tpu.memory_space<vmem_shared>>
      %dma_wait3A_139 = arith.constant 0 : i32
      %dma_wait3A_140 = tpu.memref_slice %arg24[%add3A_16, %dma_wait3A_139] : memref<2048x256xf32, #tpu.memory_space<vmem_shared>> -> memref<64x256xf32, #tpu.memory_space<vmem_shared>>
      %dma_wait3A_141 = arith.constant 0 : i32
      %dma_wait3A_142 = arith.constant 0 : i32
      %dma_wait3A_143 = tpu.memref_slice %arg16[%run_scoped3A_17, %dma_wait3A_141, %dma_wait3A_142] : memref<2x64x256xf32, #tpu.memory_space<vmem>> -> memref<1x64x256xf32, #tpu.memory_space<vmem>>
      %dma_wait3A_144 = tpu.memref_squeeze %dma_wait3A_143 : memref<1x64x256xf32, #tpu.memory_space<vmem>> -> memref<64x256xf32, #tpu.memory_space<vmem>>
      tpu.wait_dma2 semaphore(%run_scoped3A_120 : memref<!tpu.dma_semaphore, #tpu.memory_space<semaphore_mem>>) src(%dma_wait3A_144 : memref<64x256xf32, #tpu.memory_space<vmem>>) dst(%dma_wait3A_140 : memref<64x256xf32, #tpu.memory_space<vmem_shared>>)
      tpu.yield
    }) : () -> ()
    %mul3A_18 = arith.constant 128 : i32
    %mul3A_19 = arith.muli %arg1, %mul3A_18 : i32
    %add3A_20 = arith.constant 64 : i32
    %add3A_21 = arith.addi %mul3A_19, %add3A_20 : i32
    %run_scoped3A_22 = arith.constant 0 : i32
    "tpu.region"() ({
      %run_scoped3A_120 = tpu.sem_alloc : memref<!tpu.dma_semaphore, #tpu.memory_space<semaphore_mem>>
      %dma_start3A_121 = arith.constant 0 : i32
      %dma_start3A_122 = arith.constant 0 : i32
      %dma_start3A_123 = tpu.memref_slice %arg16[%run_scoped3A_22, %dma_start3A_121, %dma_start3A_122] : memref<2x64x256xf32, #tpu.memory_space<vmem>> -> memref<1x64x256xf32, #tpu.memory_space<vmem>>
      %dma_start3A_124 = tpu.memref_squeeze %dma_start3A_123 : memref<1x64x256xf32, #tpu.memory_space<vmem>> -> memref<64x256xf32, #tpu.memory_space<vmem>>
      %dma_start3A_125 = arith.constant 0 : i32
      %dma_start3A_126 = tpu.memref_slice %arg24[%add3A_21, %dma_start3A_125] : memref<2048x256xf32, #tpu.memory_space<vmem_shared>> -> memref<64x256xf32, #tpu.memory_space<vmem_shared>>
      %dma_start3A_127 = arith.constant 0 : i32
      %dma_start3A_128 = tpu.memref_slice %arg24[%add3A_21, %dma_start3A_127] : memref<2048x256xf32, #tpu.memory_space<vmem_shared>> -> memref<64x256xf32, #tpu.memory_space<vmem_shared>>
      %dma_start3A_129 = arith.constant 0 : i32
      %dma_start3A_130 = arith.constant 0 : i32
      %dma_start3A_131 = tpu.memref_slice %arg16[%run_scoped3A_22, %dma_start3A_129, %dma_start3A_130] : memref<2x64x256xf32, #tpu.memory_space<vmem>> -> memref<1x64x256xf32, #tpu.memory_space<vmem>>
      %dma_start3A_132 = tpu.memref_squeeze %dma_start3A_131 : memref<1x64x256xf32, #tpu.memory_space<vmem>> -> memref<64x256xf32, #tpu.memory_space<vmem>>
      tpu.enqueue_dma source(%dma_start3A_132 : memref<64x256xf32, #tpu.memory_space<vmem>>) target(%dma_start3A_128 : memref<64x256xf32, #tpu.memory_space<vmem_shared>>) target_semaphore(%run_scoped3A_120 : memref<!tpu.dma_semaphore, #tpu.memory_space<semaphore_mem>>)
      %dma_wait3A_133 = arith.constant 0 : i32
      %dma_wait3A_134 = arith.constant 0 : i32
      %dma_wait3A_135 = tpu.memref_slice %arg16[%run_scoped3A_22, %dma_wait3A_133, %dma_wait3A_134] : memref<2x64x256xf32, #tpu.memory_space<vmem>> -> memref<1x64x256xf32, #tpu.memory_space<vmem>>
      %dma_wait3A_136 = tpu.memref_squeeze %dma_wait3A_135 : memref<1x64x256xf32, #tpu.memory_space<vmem>> -> memref<64x256xf32, #tpu.memory_space<vmem>>
      %dma_wait3A_137 = arith.constant 0 : i32
      %dma_wait3A_138 = tpu.memref_slice %arg24[%add3A_21, %dma_wait3A_137] : memref<2048x256xf32, #tpu.memory_space<vmem_shared>> -> memref<64x256xf32, #tpu.memory_space<vmem_shared>>
      %dma_wait3A_139 = arith.constant 0 : i32
      %dma_wait3A_140 = tpu.memref_slice %arg24[%add3A_21, %dma_wait3A_139] : memref<2048x256xf32, #tpu.memory_space<vmem_shared>> -> memref<64x256xf32, #tpu.memory_space<vmem_shared>>
      %dma_wait3A_141 = arith.constant 0 : i32
      %dma_wait3A_142 = arith.constant 0 : i32
      %dma_wait3A_143 = tpu.memref_slice %arg16[%run_scoped3A_22, %dma_wait3A_141, %dma_wait3A_142] : memref<2x64x256xf32, #tpu.memory_space<vmem>> -> memref<1x64x256xf32, #tpu.memory_space<vmem>>
      %dma_wait3A_144 = tpu.memref_squeeze %dma_wait3A_143 : memref<1x64x256xf32, #tpu.memory_space<vmem>> -> memref<64x256xf32, #tpu.memory_space<vmem>>
      tpu.wait_dma2 semaphore(%run_scoped3A_120 : memref<!tpu.dma_semaphore, #tpu.memory_space<semaphore_mem>>) src(%dma_wait3A_144 : memref<64x256xf32, #tpu.memory_space<vmem>>) dst(%dma_wait3A_140 : memref<64x256xf32, #tpu.memory_space<vmem_shared>>)
      tpu.yield
    }) : () -> ()
    %mul3A_23 = arith.constant 128 : i32
    %mul3A_24 = arith.muli %arg1, %mul3A_23 : i32
    %add3A_25 = arith.constant 0 : i32
    %add3A_26 = arith.addi %mul3A_24, %add3A_25 : i32
    %run_scoped3A_27 = arith.constant 0 : i32
    "tpu.region"() ({
      %run_scoped3A_120 = tpu.sem_alloc : memref<!tpu.dma_semaphore, #tpu.memory_space<semaphore_mem>>
      %dma_start3A_121 = arith.constant 0 : i32
      %dma_start3A_122 = arith.constant 0 : i32
      %dma_start3A_123 = tpu.memref_slice %arg17[%run_scoped3A_27, %dma_start3A_121, %dma_start3A_122] : memref<2x64x16xf32, #tpu.memory_space<vmem>> -> memref<1x64x16xf32, #tpu.memory_space<vmem>>
      %dma_start3A_124 = tpu.memref_squeeze %dma_start3A_123 : memref<1x64x16xf32, #tpu.memory_space<vmem>> -> memref<64x16xf32, #tpu.memory_space<vmem>>
      %dma_start3A_125 = arith.constant 0 : i32
      %dma_start3A_126 = tpu.memref_slice %arg25[%add3A_26, %dma_start3A_125] : memref<2048x16xf32, #tpu.memory_space<vmem_shared>> -> memref<64x16xf32, #tpu.memory_space<vmem_shared>>
      %dma_start3A_127 = arith.constant 0 : i32
      %dma_start3A_128 = tpu.memref_slice %arg25[%add3A_26, %dma_start3A_127] : memref<2048x16xf32, #tpu.memory_space<vmem_shared>> -> memref<64x16xf32, #tpu.memory_space<vmem_shared>>
      %dma_start3A_129 = arith.constant 0 : i32
      %dma_start3A_130 = arith.constant 0 : i32
      %dma_start3A_131 = tpu.memref_slice %arg17[%run_scoped3A_27, %dma_start3A_129, %dma_start3A_130] : memref<2x64x16xf32, #tpu.memory_space<vmem>> -> memref<1x64x16xf32, #tpu.memory_space<vmem>>
      %dma_start3A_132 = tpu.memref_squeeze %dma_start3A_131 : memref<1x64x16xf32, #tpu.memory_space<vmem>> -> memref<64x16xf32, #tpu.memory_space<vmem>>
      tpu.enqueue_dma source(%dma_start3A_132 : memref<64x16xf32, #tpu.memory_space<vmem>>) target(%dma_start3A_128 : memref<64x16xf32, #tpu.memory_space<vmem_shared>>) target_semaphore(%run_scoped3A_120 : memref<!tpu.dma_semaphore, #tpu.memory_space<semaphore_mem>>)
      %dma_wait3A_133 = arith.constant 0 : i32
      %dma_wait3A_134 = arith.constant 0 : i32
      %dma_wait3A_135 = tpu.memref_slice %arg17[%run_scoped3A_27, %dma_wait3A_133, %dma_wait3A_134] : memref<2x64x16xf32, #tpu.memory_space<vmem>> -> memref<1x64x16xf32, #tpu.memory_space<vmem>>
      %dma_wait3A_136 = tpu.memref_squeeze %dma_wait3A_135 : memref<1x64x16xf32, #tpu.memory_space<vmem>> -> memref<64x16xf32, #tpu.memory_space<vmem>>
      %dma_wait3A_137 = arith.constant 0 : i32
      %dma_wait3A_138 = tpu.memref_slice %arg25[%add3A_26, %dma_wait3A_137] : memref<2048x16xf32, #tpu.memory_space<vmem_shared>> -> memref<64x16xf32, #tpu.memory_space<vmem_shared>>
      %dma_wait3A_139 = arith.constant 0 : i32
      %dma_wait3A_140 = tpu.memref_slice %arg25[%add3A_26, %dma_wait3A_139] : memref<2048x16xf32, #tpu.memory_space<vmem_shared>> -> memref<64x16xf32, #tpu.memory_space<vmem_shared>>
      %dma_wait3A_141 = arith.constant 0 : i32
      %dma_wait3A_142 = arith.constant 0 : i32
      %dma_wait3A_143 = tpu.memref_slice %arg17[%run_scoped3A_27, %dma_wait3A_141, %dma_wait3A_142] : memref<2x64x16xf32, #tpu.memory_space<vmem>> -> memref<1x64x16xf32, #tpu.memory_space<vmem>>
      %dma_wait3A_144 = tpu.memref_squeeze %dma_wait3A_143 : memref<1x64x16xf32, #tpu.memory_space<vmem>> -> memref<64x16xf32, #tpu.memory_space<vmem>>
      tpu.wait_dma2 semaphore(%run_scoped3A_120 : memref<!tpu.dma_semaphore, #tpu.memory_space<semaphore_mem>>) src(%dma_wait3A_144 : memref<64x16xf32, #tpu.memory_space<vmem>>) dst(%dma_wait3A_140 : memref<64x16xf32, #tpu.memory_space<vmem_shared>>)
      tpu.yield
    }) : () -> ()
    %mul3A_28 = arith.constant 128 : i32
    %mul3A_29 = arith.muli %arg1, %mul3A_28 : i32
    %add3A_30 = arith.constant 64 : i32
    %add3A_31 = arith.addi %mul3A_29, %add3A_30 : i32
    %run_scoped3A_32 = arith.constant 0 : i32
    "tpu.region"() ({
      %run_scoped3A_120 = tpu.sem_alloc : memref<!tpu.dma_semaphore, #tpu.memory_space<semaphore_mem>>
      %dma_start3A_121 = arith.constant 0 : i32
      %dma_start3A_122 = arith.constant 0 : i32
      %dma_start3A_123 = tpu.memref_slice %arg17[%run_scoped3A_32, %dma_start3A_121, %dma_start3A_122] : memref<2x64x16xf32, #tpu.memory_space<vmem>> -> memref<1x64x16xf32, #tpu.memory_space<vmem>>
      %dma_start3A_124 = tpu.memref_squeeze %dma_start3A_123 : memref<1x64x16xf32, #tpu.memory_space<vmem>> -> memref<64x16xf32, #tpu.memory_space<vmem>>
      %dma_start3A_125 = arith.constant 0 : i32
      %dma_start3A_126 = tpu.memref_slice %arg25[%add3A_31, %dma_start3A_125] : memref<2048x16xf32, #tpu.memory_space<vmem_shared>> -> memref<64x16xf32, #tpu.memory_space<vmem_shared>>
      %dma_start3A_127 = arith.constant 0 : i32
      %dma_start3A_128 = tpu.memref_slice %arg25[%add3A_31, %dma_start3A_127] : memref<2048x16xf32, #tpu.memory_space<vmem_shared>> -> memref<64x16xf32, #tpu.memory_space<vmem_shared>>
      %dma_start3A_129 = arith.constant 0 : i32
      %dma_start3A_130 = arith.constant 0 : i32
      %dma_start3A_131 = tpu.memref_slice %arg17[%run_scoped3A_32, %dma_start3A_129, %dma_start3A_130] : memref<2x64x16xf32, #tpu.memory_space<vmem>> -> memref<1x64x16xf32, #tpu.memory_space<vmem>>
      %dma_start3A_132 = tpu.memref_squeeze %dma_start3A_131 : memref<1x64x16xf32, #tpu.memory_space<vmem>> -> memref<64x16xf32, #tpu.memory_space<vmem>>
      tpu.enqueue_dma source(%dma_start3A_132 : memref<64x16xf32, #tpu.memory_space<vmem>>) target(%dma_start3A_128 : memref<64x16xf32, #tpu.memory_space<vmem_shared>>) target_semaphore(%run_scoped3A_120 : memref<!tpu.dma_semaphore, #tpu.memory_space<semaphore_mem>>)
      %dma_wait3A_133 = arith.constant 0 : i32
      %dma_wait3A_134 = arith.constant 0 : i32
      %dma_wait3A_135 = tpu.memref_slice %arg17[%run_scoped3A_32, %dma_wait3A_133, %dma_wait3A_134] : memref<2x64x16xf32, #tpu.memory_space<vmem>> -> memref<1x64x16xf32, #tpu.memory_space<vmem>>
      %dma_wait3A_136 = tpu.memref_squeeze %dma_wait3A_135 : memref<1x64x16xf32, #tpu.memory_space<vmem>> -> memref<64x16xf32, #tpu.memory_space<vmem>>
      %dma_wait3A_137 = arith.constant 0 : i32
      %dma_wait3A_138 = tpu.memref_slice %arg25[%add3A_31, %dma_wait3A_137] : memref<2048x16xf32, #tpu.memory_space<vmem_shared>> -> memref<64x16xf32, #tpu.memory_space<vmem_shared>>
      %dma_wait3A_139 = arith.constant 0 : i32
      %dma_wait3A_140 = tpu.memref_slice %arg25[%add3A_31, %dma_wait3A_139] : memref<2048x16xf32, #tpu.memory_space<vmem_shared>> -> memref<64x16xf32, #tpu.memory_space<vmem_shared>>
      %dma_wait3A_141 = arith.constant 0 : i32
      %dma_wait3A_142 = arith.constant 0 : i32
      %dma_wait3A_143 = tpu.memref_slice %arg17[%run_scoped3A_32, %dma_wait3A_141, %dma_wait3A_142] : memref<2x64x16xf32, #tpu.memory_space<vmem>> -> memref<1x64x16xf32, #tpu.memory_space<vmem>>
      %dma_wait3A_144 = tpu.memref_squeeze %dma_wait3A_143 : memref<1x64x16xf32, #tpu.memory_space<vmem>> -> memref<64x16xf32, #tpu.memory_space<vmem>>
      tpu.wait_dma2 semaphore(%run_scoped3A_120 : memref<!tpu.dma_semaphore, #tpu.memory_space<semaphore_mem>>) src(%dma_wait3A_144 : memref<64x16xf32, #tpu.memory_space<vmem>>) dst(%dma_wait3A_140 : memref<64x16xf32, #tpu.memory_space<vmem_shared>>)
      tpu.yield
    }) : () -> ()
    %barrier3A = arith.constant 0 : index
    tpu.barrier barrier_id(%barrier3A)
    %iota3A = tpu.iota {dimensions = array<i32: 0>} : vector<16xi32>
    %lt3A = arith.constant 8 : i32
    %lt3A_33 = vector.broadcast %lt3A : i32 to vector<16xi32>
    %lt3A_34 = arith.cmpi slt, %iota3A, %lt3A_33 : vector<16xi32>
    %dma_start3A = arith.constant 0 : i32
    %dma_start3A_35 = arith.constant 0 : i32
    %dma_start3A_36 = arith.constant 0 : i32
    %dma_start3A_37 = arith.constant 0 : i32
    %dma_start3A_38 = tpu.memref_slice %arg14[%dma_start3A_35, %dma_start3A_36, %dma_start3A_37] : memref<2x64x256xbf16, #tpu.memory_space<vmem>> -> memref<1x64x256xbf16, #tpu.memory_space<vmem>>
    %dma_start3A_39 = tpu.memref_squeeze %dma_start3A_38 : memref<1x64x256xbf16, #tpu.memory_space<vmem>> -> memref<64x256xbf16, #tpu.memory_space<vmem>>
    %dma_start3A_40 = arith.constant 0 : i32
    %dma_start3A_41 = tpu.memref_slice %arg11[%dma_start3A, %dma_start3A_40] : memref<128x64xi32, #tpu.memory_space<vmem>> -> memref<1x64xi32, #tpu.memory_space<vmem>>
    %dma_start3A_42 = tpu.memref_squeeze %dma_start3A_41 : memref<1x64xi32, #tpu.memory_space<vmem>> -> memref<64xi32, #tpu.memory_space<vmem>>
    %dma_start3A_43 = arith.constant 0 : i32
    %dma_start3A_44 = arith.constant 0 : i32
    %dma_start3A_45 = tpu.memref_slice %arg2[%dma_start3A_43, %dma_start3A_44] : memref<2048x256xbf16, #tpu.memory_space<hbm>> -> memref<2048x256xbf16, #tpu.memory_space<hbm>>
    tpu.enqueue_indirect_dma source(%dma_start3A_45 : memref<2048x256xbf16, #tpu.memory_space<hbm>>) target(%dma_start3A_39 : memref<64x256xbf16, #tpu.memory_space<vmem>>) offsets(%dma_start3A_42 : memref<64xi32, #tpu.memory_space<vmem>>) semaphore(%arg20 : memref<!tpu.dma_semaphore, #tpu.memory_space<semaphore_mem>>)
    %dma_start3A_46 = arith.constant 0 : i32
    %dma_start3A_47 = arith.constant 0 : i32
    %dma_start3A_48 = arith.constant 0 : i32
    %dma_start3A_49 = arith.constant 0 : i32
    %dma_start3A_50 = tpu.memref_slice %arg15[%dma_start3A_47, %dma_start3A_48, %dma_start3A_49] : memref<2x64x256xbf16, #tpu.memory_space<vmem>> -> memref<1x64x256xbf16, #tpu.memory_space<vmem>>
    %dma_start3A_51 = tpu.memref_squeeze %dma_start3A_50 : memref<1x64x256xbf16, #tpu.memory_space<vmem>> -> memref<64x256xbf16, #tpu.memory_space<vmem>>
    %dma_start3A_52 = arith.constant 0 : i32
    %dma_start3A_53 = tpu.memref_slice %arg12[%dma_start3A_46, %dma_start3A_52] : memref<128x64xi32, #tpu.memory_space<vmem>> -> memref<1x64xi32, #tpu.memory_space<vmem>>
    %dma_start3A_54 = tpu.memref_squeeze %dma_start3A_53 : memref<1x64xi32, #tpu.memory_space<vmem>> -> memref<64xi32, #tpu.memory_space<vmem>>
    %dma_start3A_55 = arith.constant 0 : i32
    %dma_start3A_56 = arith.constant 0 : i32
    %dma_start3A_57 = tpu.memref_slice %arg3[%dma_start3A_55, %dma_start3A_56] : memref<2048x256xbf16, #tpu.memory_space<hbm>> -> memref<2048x256xbf16, #tpu.memory_space<hbm>>
    tpu.enqueue_indirect_dma source(%dma_start3A_57 : memref<2048x256xbf16, #tpu.memory_space<hbm>>) target(%dma_start3A_51 : memref<64x256xbf16, #tpu.memory_space<vmem>>) offsets(%dma_start3A_54 : memref<64xi32, #tpu.memory_space<vmem>>) semaphore(%arg21 : memref<!tpu.dma_semaphore, #tpu.memory_space<semaphore_mem>>)
    %scan3A_58 = arith.constant 0 : i32
    %scan3A_59 = arith.constant 128 : i32
    %scan3A_60 = arith.addi %scan3A_58, %scan3A_59 : i32
    %scan3A_61 = arith.constant 1 : i32
    scf.for %scan3A_120 = %scan3A_58 to %scan3A_60 step %scan3A_61  : i32 {
      %rem3A = arith.constant 2 : i32
      %rem3A_121 = arith.remsi %scan3A_120, %rem3A : i32
      %dma_wait3A_122 = arith.constant 0 : i32
      %dma_wait3A_123 = arith.constant 0 : i32
      %dma_wait3A_124 = tpu.memref_slice %arg14[%rem3A_121, %dma_wait3A_122, %dma_wait3A_123] : memref<2x64x256xbf16, #tpu.memory_space<vmem>> -> memref<1x64x256xbf16, #tpu.memory_space<vmem>>
      %dma_wait3A_125 = tpu.memref_squeeze %dma_wait3A_124 : memref<1x64x256xbf16, #tpu.memory_space<vmem>> -> memref<64x256xbf16, #tpu.memory_space<vmem>>
      %dma_wait3A_126 = arith.constant 0 : i32
      %dma_wait3A_127 = tpu.memref_slice %arg11[%scan3A_120, %dma_wait3A_126] : memref<128x64xi32, #tpu.memory_space<vmem>> -> memref<1x64xi32, #tpu.memory_space<vmem>>
      %dma_wait3A_128 = tpu.memref_squeeze %dma_wait3A_127 : memref<1x64xi32, #tpu.memory_space<vmem>> -> memref<64xi32, #tpu.memory_space<vmem>>
      %dma_wait3A_129 = arith.constant 0 : i32
      %dma_wait3A_130 = arith.constant 0 : i32
      %dma_wait3A_131 = tpu.memref_slice %arg2[%dma_wait3A_129, %dma_wait3A_130] : memref<2048x256xbf16, #tpu.memory_space<hbm>> -> memref<2048x256xbf16, #tpu.memory_space<hbm>>
      tpu.wait_indirect_dma semaphore(%arg20 : memref<!tpu.dma_semaphore, #tpu.memory_space<semaphore_mem>>) src(%dma_wait3A_131 : memref<2048x256xbf16, #tpu.memory_space<hbm>>) dst(%dma_wait3A_125 : memref<64x256xbf16, #tpu.memory_space<vmem>>)
      %dma_wait3A_132 = arith.constant 0 : i32
      %dma_wait3A_133 = arith.constant 0 : i32
      %dma_wait3A_134 = tpu.memref_slice %arg15[%rem3A_121, %dma_wait3A_132, %dma_wait3A_133] : memref<2x64x256xbf16, #tpu.memory_space<vmem>> -> memref<1x64x256xbf16, #tpu.memory_space<vmem>>
      %dma_wait3A_135 = tpu.memref_squeeze %dma_wait3A_134 : memref<1x64x256xbf16, #tpu.memory_space<vmem>> -> memref<64x256xbf16, #tpu.memory_space<vmem>>
      %dma_wait3A_136 = arith.constant 0 : i32
      %dma_wait3A_137 = tpu.memref_slice %arg12[%scan3A_120, %dma_wait3A_136] : memref<128x64xi32, #tpu.memory_space<vmem>> -> memref<1x64xi32, #tpu.memory_space<vmem>>
      %dma_wait3A_138 = tpu.memref_squeeze %dma_wait3A_137 : memref<1x64xi32, #tpu.memory_space<vmem>> -> memref<64xi32, #tpu.memory_space<vmem>>
      %dma_wait3A_139 = arith.constant 0 : i32
      %dma_wait3A_140 = arith.constant 0 : i32
      %dma_wait3A_141 = tpu.memref_slice %arg3[%dma_wait3A_139, %dma_wait3A_140] : memref<2048x256xbf16, #tpu.memory_space<hbm>> -> memref<2048x256xbf16, #tpu.memory_space<hbm>>
      tpu.wait_indirect_dma semaphore(%arg21 : memref<!tpu.dma_semaphore, #tpu.memory_space<semaphore_mem>>) src(%dma_wait3A_141 : memref<2048x256xbf16, #tpu.memory_space<hbm>>) dst(%dma_wait3A_135 : memref<64x256xbf16, #tpu.memory_space<vmem>>)
      %lt3A_142 = arith.constant 127 : i32
      %lt3A_143 = arith.cmpi slt, %scan3A_120, %lt3A_142 : i32
      %convert_element_type3A = arith.extui %lt3A_143 : i1 to i32
      %cond3A = arith.constant 0 : i32
      %cond3A_144 = arith.cmpi ne, %convert_element_type3A, %cond3A : i32
      scf.if %cond3A_144 {
        %add3A_694 = arith.constant 1 : i32
        %add3A_695 = arith.addi %scan3A_120, %add3A_694 : i32
        %sub3A = arith.constant 1 : i32
        %sub3A_696 = arith.subi %sub3A, %rem3A_121 : i32
        %dma_start3A_697 = arith.constant 0 : i32
        %dma_start3A_698 = arith.constant 0 : i32
        %dma_start3A_699 = tpu.memref_slice %arg14[%sub3A_696, %dma_start3A_697, %dma_start3A_698] : memref<2x64x256xbf16, #tpu.memory_space<vmem>> -> memref<1x64x256xbf16, #tpu.memory_space<vmem>>
        %dma_start3A_700 = tpu.memref_squeeze %dma_start3A_699 : memref<1x64x256xbf16, #tpu.memory_space<vmem>> -> memref<64x256xbf16, #tpu.memory_space<vmem>>
        %dma_start3A_701 = arith.constant 0 : i32
        %dma_start3A_702 = tpu.memref_slice %arg11[%add3A_695, %dma_start3A_701] : memref<128x64xi32, #tpu.memory_space<vmem>> -> memref<1x64xi32, #tpu.memory_space<vmem>>
        %dma_start3A_703 = tpu.memref_squeeze %dma_start3A_702 : memref<1x64xi32, #tpu.memory_space<vmem>> -> memref<64xi32, #tpu.memory_space<vmem>>
        %dma_start3A_704 = arith.constant 0 : i32
        %dma_start3A_705 = arith.constant 0 : i32
        %dma_start3A_706 = tpu.memref_slice %arg2[%dma_start3A_704, %dma_start3A_705] : memref<2048x256xbf16, #tpu.memory_space<hbm>> -> memref<2048x256xbf16, #tpu.memory_space<hbm>>
        tpu.enqueue_indirect_dma source(%dma_start3A_706 : memref<2048x256xbf16, #tpu.memory_space<hbm>>) target(%dma_start3A_700 : memref<64x256xbf16, #tpu.memory_space<vmem>>) offsets(%dma_start3A_703 : memref<64xi32, #tpu.memory_space<vmem>>) semaphore(%arg20 : memref<!tpu.dma_semaphore, #tpu.memory_space<semaphore_mem>>)
        %dma_start3A_707 = arith.constant 0 : i32
        %dma_start3A_708 = arith.constant 0 : i32
        %dma_start3A_709 = tpu.memref_slice %arg15[%sub3A_696, %dma_start3A_707, %dma_start3A_708] : memref<2x64x256xbf16, #tpu.memory_space<vmem>> -> memref<1x64x256xbf16, #tpu.memory_space<vmem>>
        %dma_start3A_710 = tpu.memref_squeeze %dma_start3A_709 : memref<1x64x256xbf16, #tpu.memory_space<vmem>> -> memref<64x256xbf16, #tpu.memory_space<vmem>>
        %dma_start3A_711 = arith.constant 0 : i32
        %dma_start3A_712 = tpu.memref_slice %arg12[%add3A_695, %dma_start3A_711] : memref<128x64xi32, #tpu.memory_space<vmem>> -> memref<1x64xi32, #tpu.memory_space<vmem>>
        %dma_start3A_713 = tpu.memref_squeeze %dma_start3A_712 : memref<1x64xi32, #tpu.memory_space<vmem>> -> memref<64xi32, #tpu.memory_space<vmem>>
        %dma_start3A_714 = arith.constant 0 : i32
        %dma_start3A_715 = arith.constant 0 : i32
        %dma_start3A_716 = tpu.memref_slice %arg3[%dma_start3A_714, %dma_start3A_715] : memref<2048x256xbf16, #tpu.memory_space<hbm>> -> memref<2048x256xbf16, #tpu.memory_space<hbm>>
        tpu.enqueue_indirect_dma source(%dma_start3A_716 : memref<2048x256xbf16, #tpu.memory_space<hbm>>) target(%dma_start3A_710 : memref<64x256xbf16, #tpu.memory_space<vmem>>) offsets(%dma_start3A_713 : memref<64xi32, #tpu.memory_space<vmem>>) semaphore(%arg21 : memref<!tpu.dma_semaphore, #tpu.memory_space<semaphore_mem>>)
      } else {
      }
      %ge3A = arith.constant 2 : i32
      %ge3A_145 = arith.cmpi sge, %scan3A_120, %ge3A : i32
      %convert_element_type3A_146 = arith.extui %ge3A_145 : i1 to i32
      %cond3A_147 = arith.constant 0 : i32
      %cond3A_148 = arith.cmpi ne, %convert_element_type3A_146, %cond3A_147 : i32
      scf.if %cond3A_148 {
        %sub3A = arith.constant 2 : i32
        %sub3A_694 = arith.subi %scan3A_120, %sub3A : i32
        %dma_wait3A_695 = arith.constant 0 : i32
        %dma_wait3A_696 = arith.constant 0 : i32
        %dma_wait3A_697 = tpu.memref_slice %arg16[%rem3A_121, %dma_wait3A_695, %dma_wait3A_696] : memref<2x64x256xf32, #tpu.memory_space<vmem>> -> memref<1x64x256xf32, #tpu.memory_space<vmem>>
        %dma_wait3A_698 = tpu.memref_squeeze %dma_wait3A_697 : memref<1x64x256xf32, #tpu.memory_space<vmem>> -> memref<64x256xf32, #tpu.memory_space<vmem>>
        %dma_wait3A_699 = arith.constant 0 : i32
        %dma_wait3A_700 = tpu.memref_slice %arg12[%sub3A_694, %dma_wait3A_699] : memref<128x64xi32, #tpu.memory_space<vmem>> -> memref<1x64xi32, #tpu.memory_space<vmem>>
        %dma_wait3A_701 = tpu.memref_squeeze %dma_wait3A_700 : memref<1x64xi32, #tpu.memory_space<vmem>> -> memref<64xi32, #tpu.memory_space<vmem>>
        %dma_wait3A_702 = arith.constant 0 : i32
        %dma_wait3A_703 = arith.constant 0 : i32
        %dma_wait3A_704 = tpu.memref_slice %arg24[%dma_wait3A_702, %dma_wait3A_703] : memref<2048x256xf32, #tpu.memory_space<vmem_shared>> -> memref<2048x256xf32, #tpu.memory_space<vmem_shared>>
        tpu.wait_indirect_dma semaphore(%arg22 : memref<!tpu.dma_semaphore, #tpu.memory_space<semaphore_mem>>) src(%dma_wait3A_698 : memref<64x256xf32, #tpu.memory_space<vmem>>) dst(%dma_wait3A_704 : memref<2048x256xf32, #tpu.memory_space<vmem_shared>>)
        %dma_wait3A_705 = arith.constant 0 : i32
        %dma_wait3A_706 = arith.constant 0 : i32
        %dma_wait3A_707 = tpu.memref_slice %arg17[%rem3A_121, %dma_wait3A_705, %dma_wait3A_706] : memref<2x64x16xf32, #tpu.memory_space<vmem>> -> memref<1x64x16xf32, #tpu.memory_space<vmem>>
        %dma_wait3A_708 = tpu.memref_squeeze %dma_wait3A_707 : memref<1x64x16xf32, #tpu.memory_space<vmem>> -> memref<64x16xf32, #tpu.memory_space<vmem>>
        %dma_wait3A_709 = arith.constant 0 : i32
        %dma_wait3A_710 = tpu.memref_slice %arg12[%sub3A_694, %dma_wait3A_709] : memref<128x64xi32, #tpu.memory_space<vmem>> -> memref<1x64xi32, #tpu.memory_space<vmem>>
        %dma_wait3A_711 = tpu.memref_squeeze %dma_wait3A_710 : memref<1x64xi32, #tpu.memory_space<vmem>> -> memref<64xi32, #tpu.memory_space<vmem>>
        %dma_wait3A_712 = arith.constant 0 : i32
        %dma_wait3A_713 = arith.constant 0 : i32
        %dma_wait3A_714 = tpu.memref_slice %arg25[%dma_wait3A_712, %dma_wait3A_713] : memref<2048x16xf32, #tpu.memory_space<vmem_shared>> -> memref<2048x16xf32, #tpu.memory_space<vmem_shared>>
        tpu.wait_indirect_dma semaphore(%arg23 : memref<!tpu.dma_semaphore, #tpu.memory_space<semaphore_mem>>) src(%dma_wait3A_708 : memref<64x16xf32, #tpu.memory_space<vmem>>) dst(%dma_wait3A_714 : memref<2048x16xf32, #tpu.memory_space<vmem_shared>>)
      } else {
      }
      %get3A = arith.index_cast %scan3A_120 : i32 to index
      %get3A_149 = arith.constant 0 : index
      %get3A_150 = tpu.vector_load %arg13[%get3A, %get3A_149] {strides = array<i32>} : memref<128x64xf32, #tpu.memory_space<vmem>>, vector<16xf32>,
      %slice3A = vector.extract_strided_slice %get3A_150 {offsets = [0], sizes = [1], strides = [1]} : vector<16xf32> to vector<1xf32>
      %squeeze3A = vector.extract %slice3A[0] : f32 from vector<1xf32>
      %broadcast_in_dim3A_151 = vector.broadcast %squeeze3A : f32 to vector<16xf32>
      %pack3A = tpu.pack_subelements %broadcast_in_dim3A_151, %broadcast_in_dim3A_151 {pack_format = #tpu.pack_format<interleaved>, positions = array<i32: 0, 1>} : vector<16xf32>, vector<16xf32> -> vector<32xbf16>
      %swap3A = arith.constant 0 : i32
      %swap3A_152 = arith.index_cast %swap3A : i32 to index
      %swap3A_153 = arith.constant 0 : index
      %swap3A_154 = tpu.vector_load %arg19[%swap3A_152, %swap3A_153] {strides = array<i32>} : memref<64x32xbf16, #tpu.memory_space<vmem>>, vector<32xbf16>,
      tpu.vector_store %arg19[%swap3A_152, %swap3A_153], %pack3A {strides = array<i32>} : memref<64x32xbf16, #tpu.memory_space<vmem>>, vector<32xbf16>,
      %slice3A_155 = vector.extract_strided_slice %get3A_150 {offsets = [1], sizes = [1], strides = [1]} : vector<16xf32> to vector<1xf32>
      %squeeze3A_156 = vector.extract %slice3A_155[0] : f32 from vector<1xf32>
      %broadcast_in_dim3A_157 = vector.broadcast %squeeze3A_156 : f32 to vector<16xf32>
      %pack3A_158 = tpu.pack_subelements %broadcast_in_dim3A_157, %broadcast_in_dim3A_157 {pack_format = #tpu.pack_format<interleaved>, positions = array<i32: 0, 1>} : vector<16xf32>, vector<16xf32> -> vector<32xbf16>
      %swap3A_159 = arith.constant 1 : i32
      %swap3A_160 = arith.index_cast %swap3A_159 : i32 to index
      %swap3A_161 = arith.constant 0 : index
      %swap3A_162 = tpu.vector_load %arg19[%swap3A_160, %swap3A_161] {strides = array<i32>} : memref<64x32xbf16, #tpu.memory_space<vmem>>, vector<32xbf16>,
      tpu.vector_store %arg19[%swap3A_160, %swap3A_161], %pack3A_158 {strides = array<i32>} : memref<64x32xbf16, #tpu.memory_space<vmem>>, vector<32xbf16>,
      %slice3A_163 = vector.extract_strided_slice %get3A_150 {offsets = [2], sizes = [1], strides = [1]} : vector<16xf32> to vector<1xf32>
      %squeeze3A_164 = vector.extract %slice3A_163[0] : f32 from vector<1xf32>
      %broadcast_in_dim3A_165 = vector.broadcast %squeeze3A_164 : f32 to vector<16xf32>
      %pack3A_166 = tpu.pack_subelements %broadcast_in_dim3A_165, %broadcast_in_dim3A_165 {pack_format = #tpu.pack_format<interleaved>, positions = array<i32: 0, 1>} : vector<16xf32>, vector<16xf32> -> vector<32xbf16>
      %swap3A_167 = arith.constant 2 : i32
      %swap3A_168 = arith.index_cast %swap3A_167 : i32 to index
      %swap3A_169 = arith.constant 0 : index
      %swap3A_170 = tpu.vector_load %arg19[%swap3A_168, %swap3A_169] {strides = array<i32>} : memref<64x32xbf16, #tpu.memory_space<vmem>>, vector<32xbf16>,
      tpu.vector_store %arg19[%swap3A_168, %swap3A_169], %pack3A_166 {strides = array<i32>} : memref<64x32xbf16, #tpu.memory_space<vmem>>, vector<32xbf16>,
      %slice3A_171 = vector.extract_strided_slice %get3A_150 {offsets = [3], sizes = [1], strides = [1]} : vector<16xf32> to vector<1xf32>
      %squeeze3A_172 = vector.extract %slice3A_171[0] : f32 from vector<1xf32>
      %broadcast_in_dim3A_173 = vector.broadcast %squeeze3A_172 : f32 to vector<16xf32>
      %pack3A_174 = tpu.pack_subelements %broadcast_in_dim3A_173, %broadcast_in_dim3A_173 {pack_format = #tpu.pack_format<interleaved>, positions = array<i32: 0, 1>} : vector<16xf32>, vector<16xf32> -> vector<32xbf16>
      %swap3A_175 = arith.constant 3 : i32
      %swap3A_176 = arith.index_cast %swap3A_175 : i32 to index
      %swap3A_177 = arith.constant 0 : index
      %swap3A_178 = tpu.vector_load %arg19[%swap3A_176, %swap3A_177] {strides = array<i32>} : memref<64x32xbf16, #tpu.memory_space<vmem>>, vector<32xbf16>,
      tpu.vector_store %arg19[%swap3A_176, %swap3A_177], %pack3A_174 {strides = array<i32>} : memref<64x32xbf16, #tpu.memory_space<vmem>>, vector<32xbf16>,
      %slice3A_179 = vector.extract_strided_slice %get3A_150 {offsets = [4], sizes = [1], strides = [1]} : vector<16xf32> to vector<1xf32>
      %squeeze3A_180 = vector.extract %slice3A_179[0] : f32 from vector<1xf32>
      %broadcast_in_dim3A_181 = vector.broadcast %squeeze3A_180 : f32 to vector<16xf32>
      %pack3A_182 = tpu.pack_subelements %broadcast_in_dim3A_181, %broadcast_in_dim3A_181 {pack_format = #tpu.pack_format<interleaved>, positions = array<i32: 0, 1>} : vector<16xf32>, vector<16xf32> -> vector<32xbf16>
      %swap3A_183 = arith.constant 4 : i32
      %swap3A_184 = arith.index_cast %swap3A_183 : i32 to index
      %swap3A_185 = arith.constant 0 : index
      %swap3A_186 = tpu.vector_load %arg19[%swap3A_184, %swap3A_185] {strides = array<i32>} : memref<64x32xbf16, #tpu.memory_space<vmem>>, vector<32xbf16>,
      tpu.vector_store %arg19[%swap3A_184, %swap3A_185], %pack3A_182 {strides = array<i32>} : memref<64x32xbf16, #tpu.memory_space<vmem>>, vector<32xbf16>,
      %slice3A_187 = vector.extract_strided_slice %get3A_150 {offsets = [5], sizes = [1], strides = [1]} : vector<16xf32> to vector<1xf32>
      %squeeze3A_188 = vector.extract %slice3A_187[0] : f32 from vector<1xf32>
      %broadcast_in_dim3A_189 = vector.broadcast %squeeze3A_188 : f32 to vector<16xf32>
      %pack3A_190 = tpu.pack_subelements %broadcast_in_dim3A_189, %broadcast_in_dim3A_189 {pack_format = #tpu.pack_format<interleaved>, positions = array<i32: 0, 1>} : vector<16xf32>, vector<16xf32> -> vector<32xbf16>
      %swap3A_191 = arith.constant 5 : i32
      %swap3A_192 = arith.index_cast %swap3A_191 : i32 to index
      %swap3A_193 = arith.constant 0 : index
      %swap3A_194 = tpu.vector_load %arg19[%swap3A_192, %swap3A_193] {strides = array<i32>} : memref<64x32xbf16, #tpu.memory_space<vmem>>, vector<32xbf16>,
      tpu.vector_store %arg19[%swap3A_192, %swap3A_193], %pack3A_190 {strides = array<i32>} : memref<64x32xbf16, #tpu.memory_space<vmem>>, vector<32xbf16>,
      %slice3A_195 = vector.extract_strided_slice %get3A_150 {offsets = [6], sizes = [1], strides = [1]} : vector<16xf32> to vector<1xf32>
      %squeeze3A_196 = vector.extract %slice3A_195[0] : f32 from vector<1xf32>
      %broadcast_in_dim3A_197 = vector.broadcast %squeeze3A_196 : f32 to vector<16xf32>
      %pack3A_198 = tpu.pack_subelements %broadcast_in_dim3A_197, %broadcast_in_dim3A_197 {pack_format = #tpu.pack_format<interleaved>, positions = array<i32: 0, 1>} : vector<16xf32>, vector<16xf32> -> vector<32xbf16>
      %swap3A_199 = arith.constant 6 : i32
      %swap3A_200 = arith.index_cast %swap3A_199 : i32 to index
      %swap3A_201 = arith.constant 0 : index
      %swap3A_202 = tpu.vector_load %arg19[%swap3A_200, %swap3A_201] {strides = array<i32>} : memref<64x32xbf16, #tpu.memory_space<vmem>>, vector<32xbf16>,
      tpu.vector_store %arg19[%swap3A_200, %swap3A_201], %pack3A_198 {strides = array<i32>} : memref<64x32xbf16, #tpu.memory_space<vmem>>, vector<32xbf16>,
      %slice3A_203 = vector.extract_strided_slice %get3A_150 {offsets = [7], sizes = [1], strides = [1]} : vector<16xf32> to vector<1xf32>
      %squeeze3A_204 = vector.extract %slice3A_203[0] : f32 from vector<1xf32>
      %broadcast_in_dim3A_205 = vector.broadcast %squeeze3A_204 : f32 to vector<16xf32>
      %pack3A_206 = tpu.pack_subelements %broadcast_in_dim3A_205, %broadcast_in_dim3A_205 {pack_format = #tpu.pack_format<interleaved>, positions = array<i32: 0, 1>} : vector<16xf32>, vector<16xf32> -> vector<32xbf16>
      %swap3A_207 = arith.constant 7 : i32
      %swap3A_208 = arith.index_cast %swap3A_207 : i32 to index
      %swap3A_209 = arith.constant 0 : index
      %swap3A_210 = tpu.vector_load %arg19[%swap3A_208, %swap3A_209] {strides = array<i32>} : memref<64x32xbf16, #tpu.memory_space<vmem>>, vector<32xbf16>,
      tpu.vector_store %arg19[%swap3A_208, %swap3A_209], %pack3A_206 {strides = array<i32>} : memref<64x32xbf16, #tpu.memory_space<vmem>>, vector<32xbf16>,
      %slice3A_211 = vector.extract_strided_slice %get3A_150 {offsets = [8], sizes = [1], strides = [1]} : vector<16xf32> to vector<1xf32>
      %squeeze3A_212 = vector.extract %slice3A_211[0] : f32 from vector<1xf32>
      %broadcast_in_dim3A_213 = vector.broadcast %squeeze3A_212 : f32 to vector<16xf32>
      %pack3A_214 = tpu.pack_subelements %broadcast_in_dim3A_213, %broadcast_in_dim3A_213 {pack_format = #tpu.pack_format<interleaved>, positions = array<i32: 0, 1>} : vector<16xf32>, vector<16xf32> -> vector<32xbf16>
      %swap3A_215 = arith.constant 8 : i32
      %swap3A_216 = arith.index_cast %swap3A_215 : i32 to index
      %swap3A_217 = arith.constant 0 : index
      %swap3A_218 = tpu.vector_load %arg19[%swap3A_216, %swap3A_217] {strides = array<i32>} : memref<64x32xbf16, #tpu.memory_space<vmem>>, vector<32xbf16>,
      tpu.vector_store %arg19[%swap3A_216, %swap3A_217], %pack3A_214 {strides = array<i32>} : memref<64x32xbf16, #tpu.memory_space<vmem>>, vector<32xbf16>,
      %slice3A_219 = vector.extract_strided_slice %get3A_150 {offsets = [9], sizes = [1], strides = [1]} : vector<16xf32> to vector<1xf32>
      %squeeze3A_220 = vector.extract %slice3A_219[0] : f32 from vector<1xf32>
      %broadcast_in_dim3A_221 = vector.broadcast %squeeze3A_220 : f32 to vector<16xf32>
      %pack3A_222 = tpu.pack_subelements %broadcast_in_dim3A_221, %broadcast_in_dim3A_221 {pack_format = #tpu.pack_format<interleaved>, positions = array<i32: 0, 1>} : vector<16xf32>, vector<16xf32> -> vector<32xbf16>
      %swap3A_223 = arith.constant 9 : i32
      %swap3A_224 = arith.index_cast %swap3A_223 : i32 to index
      %swap3A_225 = arith.constant 0 : index
      %swap3A_226 = tpu.vector_load %arg19[%swap3A_224, %swap3A_225] {strides = array<i32>} : memref<64x32xbf16, #tpu.memory_space<vmem>>, vector<32xbf16>,
      tpu.vector_store %arg19[%swap3A_224, %swap3A_225], %pack3A_222 {strides = array<i32>} : memref<64x32xbf16, #tpu.memory_space<vmem>>, vector<32xbf16>,
      %slice3A_227 = vector.extract_strided_slice %get3A_150 {offsets = [10], sizes = [1], strides = [1]} : vector<16xf32> to vector<1xf32>
      %squeeze3A_228 = vector.extract %slice3A_227[0] : f32 from vector<1xf32>
      %broadcast_in_dim3A_229 = vector.broadcast %squeeze3A_228 : f32 to vector<16xf32>
      %pack3A_230 = tpu.pack_subelements %broadcast_in_dim3A_229, %broadcast_in_dim3A_229 {pack_format = #tpu.pack_format<interleaved>, positions = array<i32: 0, 1>} : vector<16xf32>, vector<16xf32> -> vector<32xbf16>
      %swap3A_231 = arith.constant 10 : i32
      %swap3A_232 = arith.index_cast %swap3A_231 : i32 to index
      %swap3A_233 = arith.constant 0 : index
      %swap3A_234 = tpu.vector_load %arg19[%swap3A_232, %swap3A_233] {strides = array<i32>} : memref<64x32xbf16, #tpu.memory_space<vmem>>, vector<32xbf16>,
      tpu.vector_store %arg19[%swap3A_232, %swap3A_233], %pack3A_230 {strides = array<i32>} : memref<64x32xbf16, #tpu.memory_space<vmem>>, vector<32xbf16>,
      %slice3A_235 = vector.extract_strided_slice %get3A_150 {offsets = [11], sizes = [1], strides = [1]} : vector<16xf32> to vector<1xf32>
      %squeeze3A_236 = vector.extract %slice3A_235[0] : f32 from vector<1xf32>
      %broadcast_in_dim3A_237 = vector.broadcast %squeeze3A_236 : f32 to vector<16xf32>
      %pack3A_238 = tpu.pack_subelements %broadcast_in_dim3A_237, %broadcast_in_dim3A_237 {pack_format = #tpu.pack_format<interleaved>, positions = array<i32: 0, 1>} : vector<16xf32>, vector<16xf32> -> vector<32xbf16>
      %swap3A_239 = arith.constant 11 : i32
      %swap3A_240 = arith.index_cast %swap3A_239 : i32 to index
      %swap3A_241 = arith.constant 0 : index
      %swap3A_242 = tpu.vector_load %arg19[%swap3A_240, %swap3A_241] {strides = array<i32>} : memref<64x32xbf16, #tpu.memory_space<vmem>>, vector<32xbf16>,
      tpu.vector_store %arg19[%swap3A_240, %swap3A_241], %pack3A_238 {strides = array<i32>} : memref<64x32xbf16, #tpu.memory_space<vmem>>, vector<32xbf16>,
      %slice3A_243 = vector.extract_strided_slice %get3A_150 {offsets = [12], sizes = [1], strides = [1]} : vector<16xf32> to vector<1xf32>
      %squeeze3A_244 = vector.extract %slice3A_243[0] : f32 from vector<1xf32>
      %broadcast_in_dim3A_245 = vector.broadcast %squeeze3A_244 : f32 to vector<16xf32>
      %pack3A_246 = tpu.pack_subelements %broadcast_in_dim3A_245, %broadcast_in_dim3A_245 {pack_format = #tpu.pack_format<interleaved>, positions = array<i32: 0, 1>} : vector<16xf32>, vector<16xf32> -> vector<32xbf16>
      %swap3A_247 = arith.constant 12 : i32
      %swap3A_248 = arith.index_cast %swap3A_247 : i32 to index
      %swap3A_249 = arith.constant 0 : index
      %swap3A_250 = tpu.vector_load %arg19[%swap3A_248, %swap3A_249] {strides = array<i32>} : memref<64x32xbf16, #tpu.memory_space<vmem>>, vector<32xbf16>,
      tpu.vector_store %arg19[%swap3A_248, %swap3A_249], %pack3A_246 {strides = array<i32>} : memref<64x32xbf16, #tpu.memory_space<vmem>>, vector<32xbf16>,
      %slice3A_251 = vector.extract_strided_slice %get3A_150 {offsets = [13], sizes = [1], strides = [1]} : vector<16xf32> to vector<1xf32>
      %squeeze3A_252 = vector.extract %slice3A_251[0] : f32 from vector<1xf32>
      %broadcast_in_dim3A_253 = vector.broadcast %squeeze3A_252 : f32 to vector<16xf32>
      %pack3A_254 = tpu.pack_subelements %broadcast_in_dim3A_253, %broadcast_in_dim3A_253 {pack_format = #tpu.pack_format<interleaved>, positions = array<i32: 0, 1>} : vector<16xf32>, vector<16xf32> -> vector<32xbf16>
      %swap3A_255 = arith.constant 13 : i32
      %swap3A_256 = arith.index_cast %swap3A_255 : i32 to index
      %swap3A_257 = arith.constant 0 : index
      %swap3A_258 = tpu.vector_load %arg19[%swap3A_256, %swap3A_257] {strides = array<i32>} : memref<64x32xbf16, #tpu.memory_space<vmem>>, vector<32xbf16>,
      tpu.vector_store %arg19[%swap3A_256, %swap3A_257], %pack3A_254 {strides = array<i32>} : memref<64x32xbf16, #tpu.memory_space<vmem>>, vector<32xbf16>,
      %slice3A_259 = vector.extract_strided_slice %get3A_150 {offsets = [14], sizes = [1], strides = [1]} : vector<16xf32> to vector<1xf32>
      %squeeze3A_260 = vector.extract %slice3A_259[0] : f32 from vector<1xf32>
      %broadcast_in_dim3A_261 = vector.broadcast %squeeze3A_260 : f32 to vector<16xf32>
      %pack3A_262 = tpu.pack_subelements %broadcast_in_dim3A_261, %broadcast_in_dim3A_261 {pack_format = #tpu.pack_format<interleaved>, positions = array<i32: 0, 1>} : vector<16xf32>, vector<16xf32> -> vector<32xbf16>
      %swap3A_263 = arith.constant 14 : i32
      %swap3A_264 = arith.index_cast %swap3A_263 : i32 to index
      %swap3A_265 = arith.constant 0 : index
      %swap3A_266 = tpu.vector_load %arg19[%swap3A_264, %swap3A_265] {strides = array<i32>} : memref<64x32xbf16, #tpu.memory_space<vmem>>, vector<32xbf16>,
      tpu.vector_store %arg19[%swap3A_264, %swap3A_265], %pack3A_262 {strides = array<i32>} : memref<64x32xbf16, #tpu.memory_space<vmem>>, vector<32xbf16>,
      %slice3A_267 = vector.extract_strided_slice %get3A_150 {offsets = [15], sizes = [1], strides = [1]} : vector<16xf32> to vector<1xf32>
      %squeeze3A_268 = vector.extract %slice3A_267[0] : f32 from vector<1xf32>
      %broadcast_in_dim3A_269 = vector.broadcast %squeeze3A_268 : f32 to vector<16xf32>
      %pack3A_270 = tpu.pack_subelements %broadcast_in_dim3A_269, %broadcast_in_dim3A_269 {pack_format = #tpu.pack_format<interleaved>, positions = array<i32: 0, 1>} : vector<16xf32>, vector<16xf32> -> vector<32xbf16>
      %swap3A_271 = arith.constant 15 : i32
      %swap3A_272 = arith.index_cast %swap3A_271 : i32 to index
      %swap3A_273 = arith.constant 0 : index
      %swap3A_274 = tpu.vector_load %arg19[%swap3A_272, %swap3A_273] {strides = array<i32>} : memref<64x32xbf16, #tpu.memory_space<vmem>>, vector<32xbf16>,
      tpu.vector_store %arg19[%swap3A_272, %swap3A_273], %pack3A_270 {strides = array<i32>} : memref<64x32xbf16, #tpu.memory_space<vmem>>, vector<32xbf16>,
      %get3A_275 = arith.index_cast %scan3A_120 : i32 to index
      %get3A_276 = arith.constant 16 : index
      %get3A_277 = tpu.vector_load %arg13[%get3A_275, %get3A_276] {strides = array<i32>} : memref<128x64xf32, #tpu.memory_space<vmem>>, vector<16xf32>,
      %slice3A_278 = vector.extract_strided_slice %get3A_277 {offsets = [0], sizes = [1], strides = [1]} : vector<16xf32> to vector<1xf32>
      %squeeze3A_279 = vector.extract %slice3A_278[0] : f32 from vector<1xf32>
      %broadcast_in_dim3A_280 = vector.broadcast %squeeze3A_279 : f32 to vector<16xf32>
      %pack3A_281 = tpu.pack_subelements %broadcast_in_dim3A_280, %broadcast_in_dim3A_280 {pack_format = #tpu.pack_format<interleaved>, positions = array<i32: 0, 1>} : vector<16xf32>, vector<16xf32> -> vector<32xbf16>
      %swap3A_282 = arith.constant 16 : i32
      %swap3A_283 = arith.index_cast %swap3A_282 : i32 to index
      %swap3A_284 = arith.constant 0 : index
      %swap3A_285 = tpu.vector_load %arg19[%swap3A_283, %swap3A_284] {strides = array<i32>} : memref<64x32xbf16, #tpu.memory_space<vmem>>, vector<32xbf16>,
      tpu.vector_store %arg19[%swap3A_283, %swap3A_284], %pack3A_281 {strides = array<i32>} : memref<64x32xbf16, #tpu.memory_space<vmem>>, vector<32xbf16>,
      %slice3A_286 = vector.extract_strided_slice %get3A_277 {offsets = [1], sizes = [1], strides = [1]} : vector<16xf32> to vector<1xf32>
      %squeeze3A_287 = vector.extract %slice3A_286[0] : f32 from vector<1xf32>
      %broadcast_in_dim3A_288 = vector.broadcast %squeeze3A_287 : f32 to vector<16xf32>
      %pack3A_289 = tpu.pack_subelements %broadcast_in_dim3A_288, %broadcast_in_dim3A_288 {pack_format = #tpu.pack_format<interleaved>, positions = array<i32: 0, 1>} : vector<16xf32>, vector<16xf32> -> vector<32xbf16>
      %swap3A_290 = arith.constant 17 : i32
      %swap3A_291 = arith.index_cast %swap3A_290 : i32 to index
      %swap3A_292 = arith.constant 0 : index
      %swap3A_293 = tpu.vector_load %arg19[%swap3A_291, %swap3A_292] {strides = array<i32>} : memref<64x32xbf16, #tpu.memory_space<vmem>>, vector<32xbf16>,
      tpu.vector_store %arg19[%swap3A_291, %swap3A_292], %pack3A_289 {strides = array<i32>} : memref<64x32xbf16, #tpu.memory_space<vmem>>, vector<32xbf16>,
      %slice3A_294 = vector.extract_strided_slice %get3A_277 {offsets = [2], sizes = [1], strides = [1]} : vector<16xf32> to vector<1xf32>
      %squeeze3A_295 = vector.extract %slice3A_294[0] : f32 from vector<1xf32>
      %broadcast_in_dim3A_296 = vector.broadcast %squeeze3A_295 : f32 to vector<16xf32>
      %pack3A_297 = tpu.pack_subelements %broadcast_in_dim3A_296, %broadcast_in_dim3A_296 {pack_format = #tpu.pack_format<interleaved>, positions = array<i32: 0, 1>} : vector<16xf32>, vector<16xf32> -> vector<32xbf16>
      %swap3A_298 = arith.constant 18 : i32
      %swap3A_299 = arith.index_cast %swap3A_298 : i32 to index
      %swap3A_300 = arith.constant 0 : index
      %swap3A_301 = tpu.vector_load %arg19[%swap3A_299, %swap3A_300] {strides = array<i32>} : memref<64x32xbf16, #tpu.memory_space<vmem>>, vector<32xbf16>,
      tpu.vector_store %arg19[%swap3A_299, %swap3A_300], %pack3A_297 {strides = array<i32>} : memref<64x32xbf16, #tpu.memory_space<vmem>>, vector<32xbf16>,
      %slice3A_302 = vector.extract_strided_slice %get3A_277 {offsets = [3], sizes = [1], strides = [1]} : vector<16xf32> to vector<1xf32>
      %squeeze3A_303 = vector.extract %slice3A_302[0] : f32 from vector<1xf32>
      %broadcast_in_dim3A_304 = vector.broadcast %squeeze3A_303 : f32 to vector<16xf32>
      %pack3A_305 = tpu.pack_subelements %broadcast_in_dim3A_304, %broadcast_in_dim3A_304 {pack_format = #tpu.pack_format<interleaved>, positions = array<i32: 0, 1>} : vector<16xf32>, vector<16xf32> -> vector<32xbf16>
      %swap3A_306 = arith.constant 19 : i32
      %swap3A_307 = arith.index_cast %swap3A_306 : i32 to index
      %swap3A_308 = arith.constant 0 : index
      %swap3A_309 = tpu.vector_load %arg19[%swap3A_307, %swap3A_308] {strides = array<i32>} : memref<64x32xbf16, #tpu.memory_space<vmem>>, vector<32xbf16>,
      tpu.vector_store %arg19[%swap3A_307, %swap3A_308], %pack3A_305 {strides = array<i32>} : memref<64x32xbf16, #tpu.memory_space<vmem>>, vector<32xbf16>,
      %slice3A_310 = vector.extract_strided_slice %get3A_277 {offsets = [4], sizes = [1], strides = [1]} : vector<16xf32> to vector<1xf32>
      %squeeze3A_311 = vector.extract %slice3A_310[0] : f32 from vector<1xf32>
      %broadcast_in_dim3A_312 = vector.broadcast %squeeze3A_311 : f32 to vector<16xf32>
      %pack3A_313 = tpu.pack_subelements %broadcast_in_dim3A_312, %broadcast_in_dim3A_312 {pack_format = #tpu.pack_format<interleaved>, positions = array<i32: 0, 1>} : vector<16xf32>, vector<16xf32> -> vector<32xbf16>
      %swap3A_314 = arith.constant 20 : i32
      %swap3A_315 = arith.index_cast %swap3A_314 : i32 to index
      %swap3A_316 = arith.constant 0 : index
      %swap3A_317 = tpu.vector_load %arg19[%swap3A_315, %swap3A_316] {strides = array<i32>} : memref<64x32xbf16, #tpu.memory_space<vmem>>, vector<32xbf16>,
      tpu.vector_store %arg19[%swap3A_315, %swap3A_316], %pack3A_313 {strides = array<i32>} : memref<64x32xbf16, #tpu.memory_space<vmem>>, vector<32xbf16>,
      %slice3A_318 = vector.extract_strided_slice %get3A_277 {offsets = [5], sizes = [1], strides = [1]} : vector<16xf32> to vector<1xf32>
      %squeeze3A_319 = vector.extract %slice3A_318[0] : f32 from vector<1xf32>
      %broadcast_in_dim3A_320 = vector.broadcast %squeeze3A_319 : f32 to vector<16xf32>
      %pack3A_321 = tpu.pack_subelements %broadcast_in_dim3A_320, %broadcast_in_dim3A_320 {pack_format = #tpu.pack_format<interleaved>, positions = array<i32: 0, 1>} : vector<16xf32>, vector<16xf32> -> vector<32xbf16>
      %swap3A_322 = arith.constant 21 : i32
      %swap3A_323 = arith.index_cast %swap3A_322 : i32 to index
      %swap3A_324 = arith.constant 0 : index
      %swap3A_325 = tpu.vector_load %arg19[%swap3A_323, %swap3A_324] {strides = array<i32>} : memref<64x32xbf16, #tpu.memory_space<vmem>>, vector<32xbf16>,
      tpu.vector_store %arg19[%swap3A_323, %swap3A_324], %pack3A_321 {strides = array<i32>} : memref<64x32xbf16, #tpu.memory_space<vmem>>, vector<32xbf16>,
      %slice3A_326 = vector.extract_strided_slice %get3A_277 {offsets = [6], sizes = [1], strides = [1]} : vector<16xf32> to vector<1xf32>
      %squeeze3A_327 = vector.extract %slice3A_326[0] : f32 from vector<1xf32>
      %broadcast_in_dim3A_328 = vector.broadcast %squeeze3A_327 : f32 to vector<16xf32>
      %pack3A_329 = tpu.pack_subelements %broadcast_in_dim3A_328, %broadcast_in_dim3A_328 {pack_format = #tpu.pack_format<interleaved>, positions = array<i32: 0, 1>} : vector<16xf32>, vector<16xf32> -> vector<32xbf16>
      %swap3A_330 = arith.constant 22 : i32
      %swap3A_331 = arith.index_cast %swap3A_330 : i32 to index
      %swap3A_332 = arith.constant 0 : index
      %swap3A_333 = tpu.vector_load %arg19[%swap3A_331, %swap3A_332] {strides = array<i32>} : memref<64x32xbf16, #tpu.memory_space<vmem>>, vector<32xbf16>,
      tpu.vector_store %arg19[%swap3A_331, %swap3A_332], %pack3A_329 {strides = array<i32>} : memref<64x32xbf16, #tpu.memory_space<vmem>>, vector<32xbf16>,
      %slice3A_334 = vector.extract_strided_slice %get3A_277 {offsets = [7], sizes = [1], strides = [1]} : vector<16xf32> to vector<1xf32>
      %squeeze3A_335 = vector.extract %slice3A_334[0] : f32 from vector<1xf32>
      %broadcast_in_dim3A_336 = vector.broadcast %squeeze3A_335 : f32 to vector<16xf32>
      %pack3A_337 = tpu.pack_subelements %broadcast_in_dim3A_336, %broadcast_in_dim3A_336 {pack_format = #tpu.pack_format<interleaved>, positions = array<i32: 0, 1>} : vector<16xf32>, vector<16xf32> -> vector<32xbf16>
      %swap3A_338 = arith.constant 23 : i32
      %swap3A_339 = arith.index_cast %swap3A_338 : i32 to index
      %swap3A_340 = arith.constant 0 : index
      %swap3A_341 = tpu.vector_load %arg19[%swap3A_339, %swap3A_340] {strides = array<i32>} : memref<64x32xbf16, #tpu.memory_space<vmem>>, vector<32xbf16>,
      tpu.vector_store %arg19[%swap3A_339, %swap3A_340], %pack3A_337 {strides = array<i32>} : memref<64x32xbf16, #tpu.memory_space<vmem>>, vector<32xbf16>,
      %slice3A_342 = vector.extract_strided_slice %get3A_277 {offsets = [8], sizes = [1], strides = [1]} : vector<16xf32> to vector<1xf32>
      %squeeze3A_343 = vector.extract %slice3A_342[0] : f32 from vector<1xf32>
      %broadcast_in_dim3A_344 = vector.broadcast %squeeze3A_343 : f32 to vector<16xf32>
      %pack3A_345 = tpu.pack_subelements %broadcast_in_dim3A_344, %broadcast_in_dim3A_344 {pack_format = #tpu.pack_format<interleaved>, positions = array<i32: 0, 1>} : vector<16xf32>, vector<16xf32> -> vector<32xbf16>
      %swap3A_346 = arith.constant 24 : i32
      %swap3A_347 = arith.index_cast %swap3A_346 : i32 to index
      %swap3A_348 = arith.constant 0 : index
      %swap3A_349 = tpu.vector_load %arg19[%swap3A_347, %swap3A_348] {strides = array<i32>} : memref<64x32xbf16, #tpu.memory_space<vmem>>, vector<32xbf16>,
      tpu.vector_store %arg19[%swap3A_347, %swap3A_348], %pack3A_345 {strides = array<i32>} : memref<64x32xbf16, #tpu.memory_space<vmem>>, vector<32xbf16>,
      %slice3A_350 = vector.extract_strided_slice %get3A_277 {offsets = [9], sizes = [1], strides = [1]} : vector<16xf32> to vector<1xf32>
      %squeeze3A_351 = vector.extract %slice3A_350[0] : f32 from vector<1xf32>
      %broadcast_in_dim3A_352 = vector.broadcast %squeeze3A_351 : f32 to vector<16xf32>
      %pack3A_353 = tpu.pack_subelements %broadcast_in_dim3A_352, %broadcast_in_dim3A_352 {pack_format = #tpu.pack_format<interleaved>, positions = array<i32: 0, 1>} : vector<16xf32>, vector<16xf32> -> vector<32xbf16>
      %swap3A_354 = arith.constant 25 : i32
      %swap3A_355 = arith.index_cast %swap3A_354 : i32 to index
      %swap3A_356 = arith.constant 0 : index
      %swap3A_357 = tpu.vector_load %arg19[%swap3A_355, %swap3A_356] {strides = array<i32>} : memref<64x32xbf16, #tpu.memory_space<vmem>>, vector<32xbf16>,
      tpu.vector_store %arg19[%swap3A_355, %swap3A_356], %pack3A_353 {strides = array<i32>} : memref<64x32xbf16, #tpu.memory_space<vmem>>, vector<32xbf16>,
      %slice3A_358 = vector.extract_strided_slice %get3A_277 {offsets = [10], sizes = [1], strides = [1]} : vector<16xf32> to vector<1xf32>
      %squeeze3A_359 = vector.extract %slice3A_358[0] : f32 from vector<1xf32>
      %broadcast_in_dim3A_360 = vector.broadcast %squeeze3A_359 : f32 to vector<16xf32>
      %pack3A_361 = tpu.pack_subelements %broadcast_in_dim3A_360, %broadcast_in_dim3A_360 {pack_format = #tpu.pack_format<interleaved>, positions = array<i32: 0, 1>} : vector<16xf32>, vector<16xf32> -> vector<32xbf16>
      %swap3A_362 = arith.constant 26 : i32
      %swap3A_363 = arith.index_cast %swap3A_362 : i32 to index
      %swap3A_364 = arith.constant 0 : index
      %swap3A_365 = tpu.vector_load %arg19[%swap3A_363, %swap3A_364] {strides = array<i32>} : memref<64x32xbf16, #tpu.memory_space<vmem>>, vector<32xbf16>,
      tpu.vector_store %arg19[%swap3A_363, %swap3A_364], %pack3A_361 {strides = array<i32>} : memref<64x32xbf16, #tpu.memory_space<vmem>>, vector<32xbf16>,
      %slice3A_366 = vector.extract_strided_slice %get3A_277 {offsets = [11], sizes = [1], strides = [1]} : vector<16xf32> to vector<1xf32>
      %squeeze3A_367 = vector.extract %slice3A_366[0] : f32 from vector<1xf32>
      %broadcast_in_dim3A_368 = vector.broadcast %squeeze3A_367 : f32 to vector<16xf32>
      %pack3A_369 = tpu.pack_subelements %broadcast_in_dim3A_368, %broadcast_in_dim3A_368 {pack_format = #tpu.pack_format<interleaved>, positions = array<i32: 0, 1>} : vector<16xf32>, vector<16xf32> -> vector<32xbf16>
      %swap3A_370 = arith.constant 27 : i32
      %swap3A_371 = arith.index_cast %swap3A_370 : i32 to index
      %swap3A_372 = arith.constant 0 : index
      %swap3A_373 = tpu.vector_load %arg19[%swap3A_371, %swap3A_372] {strides = array<i32>} : memref<64x32xbf16, #tpu.memory_space<vmem>>, vector<32xbf16>,
      tpu.vector_store %arg19[%swap3A_371, %swap3A_372], %pack3A_369 {strides = array<i32>} : memref<64x32xbf16, #tpu.memory_space<vmem>>, vector<32xbf16>,
      %slice3A_374 = vector.extract_strided_slice %get3A_277 {offsets = [12], sizes = [1], strides = [1]} : vector<16xf32> to vector<1xf32>
      %squeeze3A_375 = vector.extract %slice3A_374[0] : f32 from vector<1xf32>
      %broadcast_in_dim3A_376 = vector.broadcast %squeeze3A_375 : f32 to vector<16xf32>
      %pack3A_377 = tpu.pack_subelements %broadcast_in_dim3A_376, %broadcast_in_dim3A_376 {pack_format = #tpu.pack_format<interleaved>, positions = array<i32: 0, 1>} : vector<16xf32>, vector<16xf32> -> vector<32xbf16>
      %swap3A_378 = arith.constant 28 : i32
      %swap3A_379 = arith.index_cast %swap3A_378 : i32 to index
      %swap3A_380 = arith.constant 0 : index
      %swap3A_381 = tpu.vector_load %arg19[%swap3A_379, %swap3A_380] {strides = array<i32>} : memref<64x32xbf16, #tpu.memory_space<vmem>>, vector<32xbf16>,
      tpu.vector_store %arg19[%swap3A_379, %swap3A_380], %pack3A_377 {strides = array<i32>} : memref<64x32xbf16, #tpu.memory_space<vmem>>, vector<32xbf16>,
      %slice3A_382 = vector.extract_strided_slice %get3A_277 {offsets = [13], sizes = [1], strides = [1]} : vector<16xf32> to vector<1xf32>
      %squeeze3A_383 = vector.extract %slice3A_382[0] : f32 from vector<1xf32>
      %broadcast_in_dim3A_384 = vector.broadcast %squeeze3A_383 : f32 to vector<16xf32>
      %pack3A_385 = tpu.pack_subelements %broadcast_in_dim3A_384, %broadcast_in_dim3A_384 {pack_format = #tpu.pack_format<interleaved>, positions = array<i32: 0, 1>} : vector<16xf32>, vector<16xf32> -> vector<32xbf16>
      %swap3A_386 = arith.constant 29 : i32
      %swap3A_387 = arith.index_cast %swap3A_386 : i32 to index
      %swap3A_388 = arith.constant 0 : index
      %swap3A_389 = tpu.vector_load %arg19[%swap3A_387, %swap3A_388] {strides = array<i32>} : memref<64x32xbf16, #tpu.memory_space<vmem>>, vector<32xbf16>,
      tpu.vector_store %arg19[%swap3A_387, %swap3A_388], %pack3A_385 {strides = array<i32>} : memref<64x32xbf16, #tpu.memory_space<vmem>>, vector<32xbf16>,
      %slice3A_390 = vector.extract_strided_slice %get3A_277 {offsets = [14], sizes = [1], strides = [1]} : vector<16xf32> to vector<1xf32>
      %squeeze3A_391 = vector.extract %slice3A_390[0] : f32 from vector<1xf32>
      %broadcast_in_dim3A_392 = vector.broadcast %squeeze3A_391 : f32 to vector<16xf32>
      %pack3A_393 = tpu.pack_subelements %broadcast_in_dim3A_392, %broadcast_in_dim3A_392 {pack_format = #tpu.pack_format<interleaved>, positions = array<i32: 0, 1>} : vector<16xf32>, vector<16xf32> -> vector<32xbf16>
      %swap3A_394 = arith.constant 30 : i32
      %swap3A_395 = arith.index_cast %swap3A_394 : i32 to index
      %swap3A_396 = arith.constant 0 : index
      %swap3A_397 = tpu.vector_load %arg19[%swap3A_395, %swap3A_396] {strides = array<i32>} : memref<64x32xbf16, #tpu.memory_space<vmem>>, vector<32xbf16>,
      tpu.vector_store %arg19[%swap3A_395, %swap3A_396], %pack3A_393 {strides = array<i32>} : memref<64x32xbf16, #tpu.memory_space<vmem>>, vector<32xbf16>,
      %slice3A_398 = vector.extract_strided_slice %get3A_277 {offsets = [15], sizes = [1], strides = [1]} : vector<16xf32> to vector<1xf32>
      %squeeze3A_399 = vector.extract %slice3A_398[0] : f32 from vector<1xf32>
      %broadcast_in_dim3A_400 = vector.broadcast %squeeze3A_399 : f32 to vector<16xf32>
      %pack3A_401 = tpu.pack_subelements %broadcast_in_dim3A_400, %broadcast_in_dim3A_400 {pack_format = #tpu.pack_format<interleaved>, positions = array<i32: 0, 1>} : vector<16xf32>, vector<16xf32> -> vector<32xbf16>
      %swap3A_402 = arith.constant 31 : i32
      %swap3A_403 = arith.index_cast %swap3A_402 : i32 to index
      %swap3A_404 = arith.constant 0 : index
      %swap3A_405 = tpu.vector_load %arg19[%swap3A_403, %swap3A_404] {strides = array<i32>} : memref<64x32xbf16, #tpu.memory_space<vmem>>, vector<32xbf16>,
      tpu.vector_store %arg19[%swap3A_403, %swap3A_404], %pack3A_401 {strides = array<i32>} : memref<64x32xbf16, #tpu.memory_space<vmem>>, vector<32xbf16>,
      %get3A_406 = arith.index_cast %scan3A_120 : i32 to index
      %get3A_407 = arith.constant 32 : index
      %get3A_408 = tpu.vector_load %arg13[%get3A_406, %get3A_407] {strides = array<i32>} : memref<128x64xf32, #tpu.memory_space<vmem>>, vector<16xf32>,
      %slice3A_409 = vector.extract_strided_slice %get3A_408 {offsets = [0], sizes = [1], strides = [1]} : vector<16xf32> to vector<1xf32>
      %squeeze3A_410 = vector.extract %slice3A_409[0] : f32 from vector<1xf32>
      %broadcast_in_dim3A_411 = vector.broadcast %squeeze3A_410 : f32 to vector<16xf32>
      %pack3A_412 = tpu.pack_subelements %broadcast_in_dim3A_411, %broadcast_in_dim3A_411 {pack_format = #tpu.pack_format<interleaved>, positions = array<i32: 0, 1>} : vector<16xf32>, vector<16xf32> -> vector<32xbf16>
      %swap3A_413 = arith.constant 32 : i32
      %swap3A_414 = arith.index_cast %swap3A_413 : i32 to index
      %swap3A_415 = arith.constant 0 : index
      %swap3A_416 = tpu.vector_load %arg19[%swap3A_414, %swap3A_415] {strides = array<i32>} : memref<64x32xbf16, #tpu.memory_space<vmem>>, vector<32xbf16>,
      tpu.vector_store %arg19[%swap3A_414, %swap3A_415], %pack3A_412 {strides = array<i32>} : memref<64x32xbf16, #tpu.memory_space<vmem>>, vector<32xbf16>,
      %slice3A_417 = vector.extract_strided_slice %get3A_408 {offsets = [1], sizes = [1], strides = [1]} : vector<16xf32> to vector<1xf32>
      %squeeze3A_418 = vector.extract %slice3A_417[0] : f32 from vector<1xf32>
      %broadcast_in_dim3A_419 = vector.broadcast %squeeze3A_418 : f32 to vector<16xf32>
      %pack3A_420 = tpu.pack_subelements %broadcast_in_dim3A_419, %broadcast_in_dim3A_419 {pack_format = #tpu.pack_format<interleaved>, positions = array<i32: 0, 1>} : vector<16xf32>, vector<16xf32> -> vector<32xbf16>
      %swap3A_421 = arith.constant 33 : i32
      %swap3A_422 = arith.index_cast %swap3A_421 : i32 to index
      %swap3A_423 = arith.constant 0 : index
      %swap3A_424 = tpu.vector_load %arg19[%swap3A_422, %swap3A_423] {strides = array<i32>} : memref<64x32xbf16, #tpu.memory_space<vmem>>, vector<32xbf16>,
      tpu.vector_store %arg19[%swap3A_422, %swap3A_423], %pack3A_420 {strides = array<i32>} : memref<64x32xbf16, #tpu.memory_space<vmem>>, vector<32xbf16>,
      %slice3A_425 = vector.extract_strided_slice %get3A_408 {offsets = [2], sizes = [1], strides = [1]} : vector<16xf32> to vector<1xf32>
      %squeeze3A_426 = vector.extract %slice3A_425[0] : f32 from vector<1xf32>
      %broadcast_in_dim3A_427 = vector.broadcast %squeeze3A_426 : f32 to vector<16xf32>
      %pack3A_428 = tpu.pack_subelements %broadcast_in_dim3A_427, %broadcast_in_dim3A_427 {pack_format = #tpu.pack_format<interleaved>, positions = array<i32: 0, 1>} : vector<16xf32>, vector<16xf32> -> vector<32xbf16>
      %swap3A_429 = arith.constant 34 : i32
      %swap3A_430 = arith.index_cast %swap3A_429 : i32 to index
      %swap3A_431 = arith.constant 0 : index
      %swap3A_432 = tpu.vector_load %arg19[%swap3A_430, %swap3A_431] {strides = array<i32>} : memref<64x32xbf16, #tpu.memory_space<vmem>>, vector<32xbf16>,
      tpu.vector_store %arg19[%swap3A_430, %swap3A_431], %pack3A_428 {strides = array<i32>} : memref<64x32xbf16, #tpu.memory_space<vmem>>, vector<32xbf16>,
      %slice3A_433 = vector.extract_strided_slice %get3A_408 {offsets = [3], sizes = [1], strides = [1]} : vector<16xf32> to vector<1xf32>
      %squeeze3A_434 = vector.extract %slice3A_433[0] : f32 from vector<1xf32>
      %broadcast_in_dim3A_435 = vector.broadcast %squeeze3A_434 : f32 to vector<16xf32>
      %pack3A_436 = tpu.pack_subelements %broadcast_in_dim3A_435, %broadcast_in_dim3A_435 {pack_format = #tpu.pack_format<interleaved>, positions = array<i32: 0, 1>} : vector<16xf32>, vector<16xf32> -> vector<32xbf16>
      %swap3A_437 = arith.constant 35 : i32
      %swap3A_438 = arith.index_cast %swap3A_437 : i32 to index
      %swap3A_439 = arith.constant 0 : index
      %swap3A_440 = tpu.vector_load %arg19[%swap3A_438, %swap3A_439] {strides = array<i32>} : memref<64x32xbf16, #tpu.memory_space<vmem>>, vector<32xbf16>,
      tpu.vector_store %arg19[%swap3A_438, %swap3A_439], %pack3A_436 {strides = array<i32>} : memref<64x32xbf16, #tpu.memory_space<vmem>>, vector<32xbf16>,
      %slice3A_441 = vector.extract_strided_slice %get3A_408 {offsets = [4], sizes = [1], strides = [1]} : vector<16xf32> to vector<1xf32>
      %squeeze3A_442 = vector.extract %slice3A_441[0] : f32 from vector<1xf32>
      %broadcast_in_dim3A_443 = vector.broadcast %squeeze3A_442 : f32 to vector<16xf32>
      %pack3A_444 = tpu.pack_subelements %broadcast_in_dim3A_443, %broadcast_in_dim3A_443 {pack_format = #tpu.pack_format<interleaved>, positions = array<i32: 0, 1>} : vector<16xf32>, vector<16xf32> -> vector<32xbf16>
      %swap3A_445 = arith.constant 36 : i32
      %swap3A_446 = arith.index_cast %swap3A_445 : i32 to index
      %swap3A_447 = arith.constant 0 : index
      %swap3A_448 = tpu.vector_load %arg19[%swap3A_446, %swap3A_447] {strides = array<i32>} : memref<64x32xbf16, #tpu.memory_space<vmem>>, vector<32xbf16>,
      tpu.vector_store %arg19[%swap3A_446, %swap3A_447], %pack3A_444 {strides = array<i32>} : memref<64x32xbf16, #tpu.memory_space<vmem>>, vector<32xbf16>,
      %slice3A_449 = vector.extract_strided_slice %get3A_408 {offsets = [5], sizes = [1], strides = [1]} : vector<16xf32> to vector<1xf32>
      %squeeze3A_450 = vector.extract %slice3A_449[0] : f32 from vector<1xf32>
      %broadcast_in_dim3A_451 = vector.broadcast %squeeze3A_450 : f32 to vector<16xf32>
      %pack3A_452 = tpu.pack_subelements %broadcast_in_dim3A_451, %broadcast_in_dim3A_451 {pack_format = #tpu.pack_format<interleaved>, positions = array<i32: 0, 1>} : vector<16xf32>, vector<16xf32> -> vector<32xbf16>
      %swap3A_453 = arith.constant 37 : i32
      %swap3A_454 = arith.index_cast %swap3A_453 : i32 to index
      %swap3A_455 = arith.constant 0 : index
      %swap3A_456 = tpu.vector_load %arg19[%swap3A_454, %swap3A_455] {strides = array<i32>} : memref<64x32xbf16, #tpu.memory_space<vmem>>, vector<32xbf16>,
      tpu.vector_store %arg19[%swap3A_454, %swap3A_455], %pack3A_452 {strides = array<i32>} : memref<64x32xbf16, #tpu.memory_space<vmem>>, vector<32xbf16>,
      %slice3A_457 = vector.extract_strided_slice %get3A_408 {offsets = [6], sizes = [1], strides = [1]} : vector<16xf32> to vector<1xf32>
      %squeeze3A_458 = vector.extract %slice3A_457[0] : f32 from vector<1xf32>
      %broadcast_in_dim3A_459 = vector.broadcast %squeeze3A_458 : f32 to vector<16xf32>
      %pack3A_460 = tpu.pack_subelements %broadcast_in_dim3A_459, %broadcast_in_dim3A_459 {pack_format = #tpu.pack_format<interleaved>, positions = array<i32: 0, 1>} : vector<16xf32>, vector<16xf32> -> vector<32xbf16>
      %swap3A_461 = arith.constant 38 : i32
      %swap3A_462 = arith.index_cast %swap3A_461 : i32 to index
      %swap3A_463 = arith.constant 0 : index
      %swap3A_464 = tpu.vector_load %arg19[%swap3A_462, %swap3A_463] {strides = array<i32>} : memref<64x32xbf16, #tpu.memory_space<vmem>>, vector<32xbf16>,
      tpu.vector_store %arg19[%swap3A_462, %swap3A_463], %pack3A_460 {strides = array<i32>} : memref<64x32xbf16, #tpu.memory_space<vmem>>, vector<32xbf16>,
      %slice3A_465 = vector.extract_strided_slice %get3A_408 {offsets = [7], sizes = [1], strides = [1]} : vector<16xf32> to vector<1xf32>
      %squeeze3A_466 = vector.extract %slice3A_465[0] : f32 from vector<1xf32>
      %broadcast_in_dim3A_467 = vector.broadcast %squeeze3A_466 : f32 to vector<16xf32>
      %pack3A_468 = tpu.pack_subelements %broadcast_in_dim3A_467, %broadcast_in_dim3A_467 {pack_format = #tpu.pack_format<interleaved>, positions = array<i32: 0, 1>} : vector<16xf32>, vector<16xf32> -> vector<32xbf16>
      %swap3A_469 = arith.constant 39 : i32
      %swap3A_470 = arith.index_cast %swap3A_469 : i32 to index
      %swap3A_471 = arith.constant 0 : index
      %swap3A_472 = tpu.vector_load %arg19[%swap3A_470, %swap3A_471] {strides = array<i32>} : memref<64x32xbf16, #tpu.memory_space<vmem>>, vector<32xbf16>,
      tpu.vector_store %arg19[%swap3A_470, %swap3A_471], %pack3A_468 {strides = array<i32>} : memref<64x32xbf16, #tpu.memory_space<vmem>>, vector<32xbf16>,
      %slice3A_473 = vector.extract_strided_slice %get3A_408 {offsets = [8], sizes = [1], strides = [1]} : vector<16xf32> to vector<1xf32>
      %squeeze3A_474 = vector.extract %slice3A_473[0] : f32 from vector<1xf32>
      %broadcast_in_dim3A_475 = vector.broadcast %squeeze3A_474 : f32 to vector<16xf32>
      %pack3A_476 = tpu.pack_subelements %broadcast_in_dim3A_475, %broadcast_in_dim3A_475 {pack_format = #tpu.pack_format<interleaved>, positions = array<i32: 0, 1>} : vector<16xf32>, vector<16xf32> -> vector<32xbf16>
      %swap3A_477 = arith.constant 40 : i32
      %swap3A_478 = arith.index_cast %swap3A_477 : i32 to index
      %swap3A_479 = arith.constant 0 : index
      %swap3A_480 = tpu.vector_load %arg19[%swap3A_478, %swap3A_479] {strides = array<i32>} : memref<64x32xbf16, #tpu.memory_space<vmem>>, vector<32xbf16>,
      tpu.vector_store %arg19[%swap3A_478, %swap3A_479], %pack3A_476 {strides = array<i32>} : memref<64x32xbf16, #tpu.memory_space<vmem>>, vector<32xbf16>,
      %slice3A_481 = vector.extract_strided_slice %get3A_408 {offsets = [9], sizes = [1], strides = [1]} : vector<16xf32> to vector<1xf32>
      %squeeze3A_482 = vector.extract %slice3A_481[0] : f32 from vector<1xf32>
      %broadcast_in_dim3A_483 = vector.broadcast %squeeze3A_482 : f32 to vector<16xf32>
      %pack3A_484 = tpu.pack_subelements %broadcast_in_dim3A_483, %broadcast_in_dim3A_483 {pack_format = #tpu.pack_format<interleaved>, positions = array<i32: 0, 1>} : vector<16xf32>, vector<16xf32> -> vector<32xbf16>
      %swap3A_485 = arith.constant 41 : i32
      %swap3A_486 = arith.index_cast %swap3A_485 : i32 to index
      %swap3A_487 = arith.constant 0 : index
      %swap3A_488 = tpu.vector_load %arg19[%swap3A_486, %swap3A_487] {strides = array<i32>} : memref<64x32xbf16, #tpu.memory_space<vmem>>, vector<32xbf16>,
      tpu.vector_store %arg19[%swap3A_486, %swap3A_487], %pack3A_484 {strides = array<i32>} : memref<64x32xbf16, #tpu.memory_space<vmem>>, vector<32xbf16>,
      %slice3A_489 = vector.extract_strided_slice %get3A_408 {offsets = [10], sizes = [1], strides = [1]} : vector<16xf32> to vector<1xf32>
      %squeeze3A_490 = vector.extract %slice3A_489[0] : f32 from vector<1xf32>
      %broadcast_in_dim3A_491 = vector.broadcast %squeeze3A_490 : f32 to vector<16xf32>
      %pack3A_492 = tpu.pack_subelements %broadcast_in_dim3A_491, %broadcast_in_dim3A_491 {pack_format = #tpu.pack_format<interleaved>, positions = array<i32: 0, 1>} : vector<16xf32>, vector<16xf32> -> vector<32xbf16>
      %swap3A_493 = arith.constant 42 : i32
      %swap3A_494 = arith.index_cast %swap3A_493 : i32 to index
      %swap3A_495 = arith.constant 0 : index
      %swap3A_496 = tpu.vector_load %arg19[%swap3A_494, %swap3A_495] {strides = array<i32>} : memref<64x32xbf16, #tpu.memory_space<vmem>>, vector<32xbf16>,
      tpu.vector_store %arg19[%swap3A_494, %swap3A_495], %pack3A_492 {strides = array<i32>} : memref<64x32xbf16, #tpu.memory_space<vmem>>, vector<32xbf16>,
      %slice3A_497 = vector.extract_strided_slice %get3A_408 {offsets = [11], sizes = [1], strides = [1]} : vector<16xf32> to vector<1xf32>
      %squeeze3A_498 = vector.extract %slice3A_497[0] : f32 from vector<1xf32>
      %broadcast_in_dim3A_499 = vector.broadcast %squeeze3A_498 : f32 to vector<16xf32>
      %pack3A_500 = tpu.pack_subelements %broadcast_in_dim3A_499, %broadcast_in_dim3A_499 {pack_format = #tpu.pack_format<interleaved>, positions = array<i32: 0, 1>} : vector<16xf32>, vector<16xf32> -> vector<32xbf16>
      %swap3A_501 = arith.constant 43 : i32
      %swap3A_502 = arith.index_cast %swap3A_501 : i32 to index
      %swap3A_503 = arith.constant 0 : index
      %swap3A_504 = tpu.vector_load %arg19[%swap3A_502, %swap3A_503] {strides = array<i32>} : memref<64x32xbf16, #tpu.memory_space<vmem>>, vector<32xbf16>,
      tpu.vector_store %arg19[%swap3A_502, %swap3A_503], %pack3A_500 {strides = array<i32>} : memref<64x32xbf16, #tpu.memory_space<vmem>>, vector<32xbf16>,
      %slice3A_505 = vector.extract_strided_slice %get3A_408 {offsets = [12], sizes = [1], strides = [1]} : vector<16xf32> to vector<1xf32>
      %squeeze3A_506 = vector.extract %slice3A_505[0] : f32 from vector<1xf32>
      %broadcast_in_dim3A_507 = vector.broadcast %squeeze3A_506 : f32 to vector<16xf32>
      %pack3A_508 = tpu.pack_subelements %broadcast_in_dim3A_507, %broadcast_in_dim3A_507 {pack_format = #tpu.pack_format<interleaved>, positions = array<i32: 0, 1>} : vector<16xf32>, vector<16xf32> -> vector<32xbf16>
      %swap3A_509 = arith.constant 44 : i32
      %swap3A_510 = arith.index_cast %swap3A_509 : i32 to index
      %swap3A_511 = arith.constant 0 : index
      %swap3A_512 = tpu.vector_load %arg19[%swap3A_510, %swap3A_511] {strides = array<i32>} : memref<64x32xbf16, #tpu.memory_space<vmem>>, vector<32xbf16>,
      tpu.vector_store %arg19[%swap3A_510, %swap3A_511], %pack3A_508 {strides = array<i32>} : memref<64x32xbf16, #tpu.memory_space<vmem>>, vector<32xbf16>,
      %slice3A_513 = vector.extract_strided_slice %get3A_408 {offsets = [13], sizes = [1], strides = [1]} : vector<16xf32> to vector<1xf32>
      %squeeze3A_514 = vector.extract %slice3A_513[0] : f32 from vector<1xf32>
      %broadcast_in_dim3A_515 = vector.broadcast %squeeze3A_514 : f32 to vector<16xf32>
      %pack3A_516 = tpu.pack_subelements %broadcast_in_dim3A_515, %broadcast_in_dim3A_515 {pack_format = #tpu.pack_format<interleaved>, positions = array<i32: 0, 1>} : vector<16xf32>, vector<16xf32> -> vector<32xbf16>
      %swap3A_517 = arith.constant 45 : i32
      %swap3A_518 = arith.index_cast %swap3A_517 : i32 to index
      %swap3A_519 = arith.constant 0 : index
      %swap3A_520 = tpu.vector_load %arg19[%swap3A_518, %swap3A_519] {strides = array<i32>} : memref<64x32xbf16, #tpu.memory_space<vmem>>, vector<32xbf16>,
      tpu.vector_store %arg19[%swap3A_518, %swap3A_519], %pack3A_516 {strides = array<i32>} : memref<64x32xbf16, #tpu.memory_space<vmem>>, vector<32xbf16>,
      %slice3A_521 = vector.extract_strided_slice %get3A_408 {offsets = [14], sizes = [1], strides = [1]} : vector<16xf32> to vector<1xf32>
      %squeeze3A_522 = vector.extract %slice3A_521[0] : f32 from vector<1xf32>
      %broadcast_in_dim3A_523 = vector.broadcast %squeeze3A_522 : f32 to vector<16xf32>
      %pack3A_524 = tpu.pack_subelements %broadcast_in_dim3A_523, %broadcast_in_dim3A_523 {pack_format = #tpu.pack_format<interleaved>, positions = array<i32: 0, 1>} : vector<16xf32>, vector<16xf32> -> vector<32xbf16>
      %swap3A_525 = arith.constant 46 : i32
      %swap3A_526 = arith.index_cast %swap3A_525 : i32 to index
      %swap3A_527 = arith.constant 0 : index
      %swap3A_528 = tpu.vector_load %arg19[%swap3A_526, %swap3A_527] {strides = array<i32>} : memref<64x32xbf16, #tpu.memory_space<vmem>>, vector<32xbf16>,
      tpu.vector_store %arg19[%swap3A_526, %swap3A_527], %pack3A_524 {strides = array<i32>} : memref<64x32xbf16, #tpu.memory_space<vmem>>, vector<32xbf16>,
      %slice3A_529 = vector.extract_strided_slice %get3A_408 {offsets = [15], sizes = [1], strides = [1]} : vector<16xf32> to vector<1xf32>
      %squeeze3A_530 = vector.extract %slice3A_529[0] : f32 from vector<1xf32>
      %broadcast_in_dim3A_531 = vector.broadcast %squeeze3A_530 : f32 to vector<16xf32>
      %pack3A_532 = tpu.pack_subelements %broadcast_in_dim3A_531, %broadcast_in_dim3A_531 {pack_format = #tpu.pack_format<interleaved>, positions = array<i32: 0, 1>} : vector<16xf32>, vector<16xf32> -> vector<32xbf16>
      %swap3A_533 = arith.constant 47 : i32
      %swap3A_534 = arith.index_cast %swap3A_533 : i32 to index
      %swap3A_535 = arith.constant 0 : index
      %swap3A_536 = tpu.vector_load %arg19[%swap3A_534, %swap3A_535] {strides = array<i32>} : memref<64x32xbf16, #tpu.memory_space<vmem>>, vector<32xbf16>,
      tpu.vector_store %arg19[%swap3A_534, %swap3A_535], %pack3A_532 {strides = array<i32>} : memref<64x32xbf16, #tpu.memory_space<vmem>>, vector<32xbf16>,
      %get3A_537 = arith.index_cast %scan3A_120 : i32 to index
      %get3A_538 = arith.constant 48 : index
      %get3A_539 = tpu.vector_load %arg13[%get3A_537, %get3A_538] {strides = array<i32>} : memref<128x64xf32, #tpu.memory_space<vmem>>, vector<16xf32>,
      %slice3A_540 = vector.extract_strided_slice %get3A_539 {offsets = [0], sizes = [1], strides = [1]} : vector<16xf32> to vector<1xf32>
      %squeeze3A_541 = vector.extract %slice3A_540[0] : f32 from vector<1xf32>
      %broadcast_in_dim3A_542 = vector.broadcast %squeeze3A_541 : f32 to vector<16xf32>
      %pack3A_543 = tpu.pack_subelements %broadcast_in_dim3A_542, %broadcast_in_dim3A_542 {pack_format = #tpu.pack_format<interleaved>, positions = array<i32: 0, 1>} : vector<16xf32>, vector<16xf32> -> vector<32xbf16>
      %swap3A_544 = arith.constant 48 : i32
      %swap3A_545 = arith.index_cast %swap3A_544 : i32 to index
      %swap3A_546 = arith.constant 0 : index
      %swap3A_547 = tpu.vector_load %arg19[%swap3A_545, %swap3A_546] {strides = array<i32>} : memref<64x32xbf16, #tpu.memory_space<vmem>>, vector<32xbf16>,
      tpu.vector_store %arg19[%swap3A_545, %swap3A_546], %pack3A_543 {strides = array<i32>} : memref<64x32xbf16, #tpu.memory_space<vmem>>, vector<32xbf16>,
      %slice3A_548 = vector.extract_strided_slice %get3A_539 {offsets = [1], sizes = [1], strides = [1]} : vector<16xf32> to vector<1xf32>
      %squeeze3A_549 = vector.extract %slice3A_548[0] : f32 from vector<1xf32>
      %broadcast_in_dim3A_550 = vector.broadcast %squeeze3A_549 : f32 to vector<16xf32>
      %pack3A_551 = tpu.pack_subelements %broadcast_in_dim3A_550, %broadcast_in_dim3A_550 {pack_format = #tpu.pack_format<interleaved>, positions = array<i32: 0, 1>} : vector<16xf32>, vector<16xf32> -> vector<32xbf16>
      %swap3A_552 = arith.constant 49 : i32
      %swap3A_553 = arith.index_cast %swap3A_552 : i32 to index
      %swap3A_554 = arith.constant 0 : index
      %swap3A_555 = tpu.vector_load %arg19[%swap3A_553, %swap3A_554] {strides = array<i32>} : memref<64x32xbf16, #tpu.memory_space<vmem>>, vector<32xbf16>,
      tpu.vector_store %arg19[%swap3A_553, %swap3A_554], %pack3A_551 {strides = array<i32>} : memref<64x32xbf16, #tpu.memory_space<vmem>>, vector<32xbf16>,
      %slice3A_556 = vector.extract_strided_slice %get3A_539 {offsets = [2], sizes = [1], strides = [1]} : vector<16xf32> to vector<1xf32>
      %squeeze3A_557 = vector.extract %slice3A_556[0] : f32 from vector<1xf32>
      %broadcast_in_dim3A_558 = vector.broadcast %squeeze3A_557 : f32 to vector<16xf32>
      %pack3A_559 = tpu.pack_subelements %broadcast_in_dim3A_558, %broadcast_in_dim3A_558 {pack_format = #tpu.pack_format<interleaved>, positions = array<i32: 0, 1>} : vector<16xf32>, vector<16xf32> -> vector<32xbf16>
      %swap3A_560 = arith.constant 50 : i32
      %swap3A_561 = arith.index_cast %swap3A_560 : i32 to index
      %swap3A_562 = arith.constant 0 : index
      %swap3A_563 = tpu.vector_load %arg19[%swap3A_561, %swap3A_562] {strides = array<i32>} : memref<64x32xbf16, #tpu.memory_space<vmem>>, vector<32xbf16>,
      tpu.vector_store %arg19[%swap3A_561, %swap3A_562], %pack3A_559 {strides = array<i32>} : memref<64x32xbf16, #tpu.memory_space<vmem>>, vector<32xbf16>,
      %slice3A_564 = vector.extract_strided_slice %get3A_539 {offsets = [3], sizes = [1], strides = [1]} : vector<16xf32> to vector<1xf32>
      %squeeze3A_565 = vector.extract %slice3A_564[0] : f32 from vector<1xf32>
      %broadcast_in_dim3A_566 = vector.broadcast %squeeze3A_565 : f32 to vector<16xf32>
      %pack3A_567 = tpu.pack_subelements %broadcast_in_dim3A_566, %broadcast_in_dim3A_566 {pack_format = #tpu.pack_format<interleaved>, positions = array<i32: 0, 1>} : vector<16xf32>, vector<16xf32> -> vector<32xbf16>
      %swap3A_568 = arith.constant 51 : i32
      %swap3A_569 = arith.index_cast %swap3A_568 : i32 to index
      %swap3A_570 = arith.constant 0 : index
      %swap3A_571 = tpu.vector_load %arg19[%swap3A_569, %swap3A_570] {strides = array<i32>} : memref<64x32xbf16, #tpu.memory_space<vmem>>, vector<32xbf16>,
      tpu.vector_store %arg19[%swap3A_569, %swap3A_570], %pack3A_567 {strides = array<i32>} : memref<64x32xbf16, #tpu.memory_space<vmem>>, vector<32xbf16>,
      %slice3A_572 = vector.extract_strided_slice %get3A_539 {offsets = [4], sizes = [1], strides = [1]} : vector<16xf32> to vector<1xf32>
      %squeeze3A_573 = vector.extract %slice3A_572[0] : f32 from vector<1xf32>
      %broadcast_in_dim3A_574 = vector.broadcast %squeeze3A_573 : f32 to vector<16xf32>
      %pack3A_575 = tpu.pack_subelements %broadcast_in_dim3A_574, %broadcast_in_dim3A_574 {pack_format = #tpu.pack_format<interleaved>, positions = array<i32: 0, 1>} : vector<16xf32>, vector<16xf32> -> vector<32xbf16>
      %swap3A_576 = arith.constant 52 : i32
      %swap3A_577 = arith.index_cast %swap3A_576 : i32 to index
      %swap3A_578 = arith.constant 0 : index
      %swap3A_579 = tpu.vector_load %arg19[%swap3A_577, %swap3A_578] {strides = array<i32>} : memref<64x32xbf16, #tpu.memory_space<vmem>>, vector<32xbf16>,
      tpu.vector_store %arg19[%swap3A_577, %swap3A_578], %pack3A_575 {strides = array<i32>} : memref<64x32xbf16, #tpu.memory_space<vmem>>, vector<32xbf16>,
      %slice3A_580 = vector.extract_strided_slice %get3A_539 {offsets = [5], sizes = [1], strides = [1]} : vector<16xf32> to vector<1xf32>
      %squeeze3A_581 = vector.extract %slice3A_580[0] : f32 from vector<1xf32>
      %broadcast_in_dim3A_582 = vector.broadcast %squeeze3A_581 : f32 to vector<16xf32>
      %pack3A_583 = tpu.pack_subelements %broadcast_in_dim3A_582, %broadcast_in_dim3A_582 {pack_format = #tpu.pack_format<interleaved>, positions = array<i32: 0, 1>} : vector<16xf32>, vector<16xf32> -> vector<32xbf16>
      %swap3A_584 = arith.constant 53 : i32
      %swap3A_585 = arith.index_cast %swap3A_584 : i32 to index
      %swap3A_586 = arith.constant 0 : index
      %swap3A_587 = tpu.vector_load %arg19[%swap3A_585, %swap3A_586] {strides = array<i32>} : memref<64x32xbf16, #tpu.memory_space<vmem>>, vector<32xbf16>,
      tpu.vector_store %arg19[%swap3A_585, %swap3A_586], %pack3A_583 {strides = array<i32>} : memref<64x32xbf16, #tpu.memory_space<vmem>>, vector<32xbf16>,
      %slice3A_588 = vector.extract_strided_slice %get3A_539 {offsets = [6], sizes = [1], strides = [1]} : vector<16xf32> to vector<1xf32>
      %squeeze3A_589 = vector.extract %slice3A_588[0] : f32 from vector<1xf32>
      %broadcast_in_dim3A_590 = vector.broadcast %squeeze3A_589 : f32 to vector<16xf32>
      %pack3A_591 = tpu.pack_subelements %broadcast_in_dim3A_590, %broadcast_in_dim3A_590 {pack_format = #tpu.pack_format<interleaved>, positions = array<i32: 0, 1>} : vector<16xf32>, vector<16xf32> -> vector<32xbf16>
      %swap3A_592 = arith.constant 54 : i32
      %swap3A_593 = arith.index_cast %swap3A_592 : i32 to index
      %swap3A_594 = arith.constant 0 : index
      %swap3A_595 = tpu.vector_load %arg19[%swap3A_593, %swap3A_594] {strides = array<i32>} : memref<64x32xbf16, #tpu.memory_space<vmem>>, vector<32xbf16>,
      tpu.vector_store %arg19[%swap3A_593, %swap3A_594], %pack3A_591 {strides = array<i32>} : memref<64x32xbf16, #tpu.memory_space<vmem>>, vector<32xbf16>,
      %slice3A_596 = vector.extract_strided_slice %get3A_539 {offsets = [7], sizes = [1], strides = [1]} : vector<16xf32> to vector<1xf32>
      %squeeze3A_597 = vector.extract %slice3A_596[0] : f32 from vector<1xf32>
      %broadcast_in_dim3A_598 = vector.broadcast %squeeze3A_597 : f32 to vector<16xf32>
      %pack3A_599 = tpu.pack_subelements %broadcast_in_dim3A_598, %broadcast_in_dim3A_598 {pack_format = #tpu.pack_format<interleaved>, positions = array<i32: 0, 1>} : vector<16xf32>, vector<16xf32> -> vector<32xbf16>
      %swap3A_600 = arith.constant 55 : i32
      %swap3A_601 = arith.index_cast %swap3A_600 : i32 to index
      %swap3A_602 = arith.constant 0 : index
      %swap3A_603 = tpu.vector_load %arg19[%swap3A_601, %swap3A_602] {strides = array<i32>} : memref<64x32xbf16, #tpu.memory_space<vmem>>, vector<32xbf16>,
      tpu.vector_store %arg19[%swap3A_601, %swap3A_602], %pack3A_599 {strides = array<i32>} : memref<64x32xbf16, #tpu.memory_space<vmem>>, vector<32xbf16>,
      %slice3A_604 = vector.extract_strided_slice %get3A_539 {offsets = [8], sizes = [1], strides = [1]} : vector<16xf32> to vector<1xf32>
      %squeeze3A_605 = vector.extract %slice3A_604[0] : f32 from vector<1xf32>
      %broadcast_in_dim3A_606 = vector.broadcast %squeeze3A_605 : f32 to vector<16xf32>
      %pack3A_607 = tpu.pack_subelements %broadcast_in_dim3A_606, %broadcast_in_dim3A_606 {pack_format = #tpu.pack_format<interleaved>, positions = array<i32: 0, 1>} : vector<16xf32>, vector<16xf32> -> vector<32xbf16>
      %swap3A_608 = arith.constant 56 : i32
      %swap3A_609 = arith.index_cast %swap3A_608 : i32 to index
      %swap3A_610 = arith.constant 0 : index
      %swap3A_611 = tpu.vector_load %arg19[%swap3A_609, %swap3A_610] {strides = array<i32>} : memref<64x32xbf16, #tpu.memory_space<vmem>>, vector<32xbf16>,
      tpu.vector_store %arg19[%swap3A_609, %swap3A_610], %pack3A_607 {strides = array<i32>} : memref<64x32xbf16, #tpu.memory_space<vmem>>, vector<32xbf16>,
      %slice3A_612 = vector.extract_strided_slice %get3A_539 {offsets = [9], sizes = [1], strides = [1]} : vector<16xf32> to vector<1xf32>
      %squeeze3A_613 = vector.extract %slice3A_612[0] : f32 from vector<1xf32>
      %broadcast_in_dim3A_614 = vector.broadcast %squeeze3A_613 : f32 to vector<16xf32>
      %pack3A_615 = tpu.pack_subelements %broadcast_in_dim3A_614, %broadcast_in_dim3A_614 {pack_format = #tpu.pack_format<interleaved>, positions = array<i32: 0, 1>} : vector<16xf32>, vector<16xf32> -> vector<32xbf16>
      %swap3A_616 = arith.constant 57 : i32
      %swap3A_617 = arith.index_cast %swap3A_616 : i32 to index
      %swap3A_618 = arith.constant 0 : index
      %swap3A_619 = tpu.vector_load %arg19[%swap3A_617, %swap3A_618] {strides = array<i32>} : memref<64x32xbf16, #tpu.memory_space<vmem>>, vector<32xbf16>,
      tpu.vector_store %arg19[%swap3A_617, %swap3A_618], %pack3A_615 {strides = array<i32>} : memref<64x32xbf16, #tpu.memory_space<vmem>>, vector<32xbf16>,
      %slice3A_620 = vector.extract_strided_slice %get3A_539 {offsets = [10], sizes = [1], strides = [1]} : vector<16xf32> to vector<1xf32>
      %squeeze3A_621 = vector.extract %slice3A_620[0] : f32 from vector<1xf32>
      %broadcast_in_dim3A_622 = vector.broadcast %squeeze3A_621 : f32 to vector<16xf32>
      %pack3A_623 = tpu.pack_subelements %broadcast_in_dim3A_622, %broadcast_in_dim3A_622 {pack_format = #tpu.pack_format<interleaved>, positions = array<i32: 0, 1>} : vector<16xf32>, vector<16xf32> -> vector<32xbf16>
      %swap3A_624 = arith.constant 58 : i32
      %swap3A_625 = arith.index_cast %swap3A_624 : i32 to index
      %swap3A_626 = arith.constant 0 : index
      %swap3A_627 = tpu.vector_load %arg19[%swap3A_625, %swap3A_626] {strides = array<i32>} : memref<64x32xbf16, #tpu.memory_space<vmem>>, vector<32xbf16>,
      tpu.vector_store %arg19[%swap3A_625, %swap3A_626], %pack3A_623 {strides = array<i32>} : memref<64x32xbf16, #tpu.memory_space<vmem>>, vector<32xbf16>,
      %slice3A_628 = vector.extract_strided_slice %get3A_539 {offsets = [11], sizes = [1], strides = [1]} : vector<16xf32> to vector<1xf32>
      %squeeze3A_629 = vector.extract %slice3A_628[0] : f32 from vector<1xf32>
      %broadcast_in_dim3A_630 = vector.broadcast %squeeze3A_629 : f32 to vector<16xf32>
      %pack3A_631 = tpu.pack_subelements %broadcast_in_dim3A_630, %broadcast_in_dim3A_630 {pack_format = #tpu.pack_format<interleaved>, positions = array<i32: 0, 1>} : vector<16xf32>, vector<16xf32> -> vector<32xbf16>
      %swap3A_632 = arith.constant 59 : i32
      %swap3A_633 = arith.index_cast %swap3A_632 : i32 to index
      %swap3A_634 = arith.constant 0 : index
      %swap3A_635 = tpu.vector_load %arg19[%swap3A_633, %swap3A_634] {strides = array<i32>} : memref<64x32xbf16, #tpu.memory_space<vmem>>, vector<32xbf16>,
      tpu.vector_store %arg19[%swap3A_633, %swap3A_634], %pack3A_631 {strides = array<i32>} : memref<64x32xbf16, #tpu.memory_space<vmem>>, vector<32xbf16>,
      %slice3A_636 = vector.extract_strided_slice %get3A_539 {offsets = [12], sizes = [1], strides = [1]} : vector<16xf32> to vector<1xf32>
      %squeeze3A_637 = vector.extract %slice3A_636[0] : f32 from vector<1xf32>
      %broadcast_in_dim3A_638 = vector.broadcast %squeeze3A_637 : f32 to vector<16xf32>
      %pack3A_639 = tpu.pack_subelements %broadcast_in_dim3A_638, %broadcast_in_dim3A_638 {pack_format = #tpu.pack_format<interleaved>, positions = array<i32: 0, 1>} : vector<16xf32>, vector<16xf32> -> vector<32xbf16>
      %swap3A_640 = arith.constant 60 : i32
      %swap3A_641 = arith.index_cast %swap3A_640 : i32 to index
      %swap3A_642 = arith.constant 0 : index
      %swap3A_643 = tpu.vector_load %arg19[%swap3A_641, %swap3A_642] {strides = array<i32>} : memref<64x32xbf16, #tpu.memory_space<vmem>>, vector<32xbf16>,
      tpu.vector_store %arg19[%swap3A_641, %swap3A_642], %pack3A_639 {strides = array<i32>} : memref<64x32xbf16, #tpu.memory_space<vmem>>, vector<32xbf16>,
      %slice3A_644 = vector.extract_strided_slice %get3A_539 {offsets = [13], sizes = [1], strides = [1]} : vector<16xf32> to vector<1xf32>
      %squeeze3A_645 = vector.extract %slice3A_644[0] : f32 from vector<1xf32>
      %broadcast_in_dim3A_646 = vector.broadcast %squeeze3A_645 : f32 to vector<16xf32>
      %pack3A_647 = tpu.pack_subelements %broadcast_in_dim3A_646, %broadcast_in_dim3A_646 {pack_format = #tpu.pack_format<interleaved>, positions = array<i32: 0, 1>} : vector<16xf32>, vector<16xf32> -> vector<32xbf16>
      %swap3A_648 = arith.constant 61 : i32
      %swap3A_649 = arith.index_cast %swap3A_648 : i32 to index
      %swap3A_650 = arith.constant 0 : index
      %swap3A_651 = tpu.vector_load %arg19[%swap3A_649, %swap3A_650] {strides = array<i32>} : memref<64x32xbf16, #tpu.memory_space<vmem>>, vector<32xbf16>,
      tpu.vector_store %arg19[%swap3A_649, %swap3A_650], %pack3A_647 {strides = array<i32>} : memref<64x32xbf16, #tpu.memory_space<vmem>>, vector<32xbf16>,
      %slice3A_652 = vector.extract_strided_slice %get3A_539 {offsets = [14], sizes = [1], strides = [1]} : vector<16xf32> to vector<1xf32>
      %squeeze3A_653 = vector.extract %slice3A_652[0] : f32 from vector<1xf32>
      %broadcast_in_dim3A_654 = vector.broadcast %squeeze3A_653 : f32 to vector<16xf32>
      %pack3A_655 = tpu.pack_subelements %broadcast_in_dim3A_654, %broadcast_in_dim3A_654 {pack_format = #tpu.pack_format<interleaved>, positions = array<i32: 0, 1>} : vector<16xf32>, vector<16xf32> -> vector<32xbf16>
      %swap3A_656 = arith.constant 62 : i32
      %swap3A_657 = arith.index_cast %swap3A_656 : i32 to index
      %swap3A_658 = arith.constant 0 : index
      %swap3A_659 = tpu.vector_load %arg19[%swap3A_657, %swap3A_658] {strides = array<i32>} : memref<64x32xbf16, #tpu.memory_space<vmem>>, vector<32xbf16>,
      tpu.vector_store %arg19[%swap3A_657, %swap3A_658], %pack3A_655 {strides = array<i32>} : memref<64x32xbf16, #tpu.memory_space<vmem>>, vector<32xbf16>,
      %slice3A_660 = vector.extract_strided_slice %get3A_539 {offsets = [15], sizes = [1], strides = [1]} : vector<16xf32> to vector<1xf32>
      %squeeze3A_661 = vector.extract %slice3A_660[0] : f32 from vector<1xf32>
      %broadcast_in_dim3A_662 = vector.broadcast %squeeze3A_661 : f32 to vector<16xf32>
      %pack3A_663 = tpu.pack_subelements %broadcast_in_dim3A_662, %broadcast_in_dim3A_662 {pack_format = #tpu.pack_format<interleaved>, positions = array<i32: 0, 1>} : vector<16xf32>, vector<16xf32> -> vector<32xbf16>
      %swap3A_664 = arith.constant 63 : i32
      %swap3A_665 = arith.index_cast %swap3A_664 : i32 to index
      %swap3A_666 = arith.constant 0 : index
      %swap3A_667 = tpu.vector_load %arg19[%swap3A_665, %swap3A_666] {strides = array<i32>} : memref<64x32xbf16, #tpu.memory_space<vmem>>, vector<32xbf16>,
      tpu.vector_store %arg19[%swap3A_665, %swap3A_666], %pack3A_663 {strides = array<i32>} : memref<64x32xbf16, #tpu.memory_space<vmem>>, vector<32xbf16>,
      %parallel_loop3A = arith.constant 0 : i32
      %parallel_loop3A_668 = arith.constant 64 : i32
      %parallel_loop3A_669 = arith.constant 1 : i32
      %parallel_loop3A_670 = arith.constant 2.001950e-01 : bf16
      scf.for %parallel_loop3A_694 = %parallel_loop3A to %parallel_loop3A_668 step %parallel_loop3A_669  : i32 {
        %parallel_loop3A_695 = arith.index_cast %parallel_loop3A_694 : i32 to index
        %parallel_loop3A_696 = arith.constant 0 : index
        %parallel_loop3A_697 = tpu.vector_load %arg19[%parallel_loop3A_695, %parallel_loop3A_696] {strides = array<i32>} : memref<64x32xbf16, #tpu.memory_space<vmem>>, vector<32xbf16>,
        %parallel_loop3A_698 = arith.constant 0 : i32
        %parallel_loop3A_699 = arith.constant 0 : i32
        %parallel_loop3A_700 = tpu.memref_slice %arg14[%rem3A_121, %parallel_loop3A_698, %parallel_loop3A_699] : memref<2x64x256xbf16, #tpu.memory_space<vmem>> -> memref<1x64x256xbf16, #tpu.memory_space<vmem>>
        %parallel_loop3A_701 = tpu.memref_squeeze %parallel_loop3A_700 : memref<1x64x256xbf16, #tpu.memory_space<vmem>> -> memref<64x256xbf16, #tpu.memory_space<vmem>>
        %parallel_loop3A_702 = arith.index_cast %parallel_loop3A_694 : i32 to index
        %parallel_loop3A_703 = arith.constant 0 : index
        %parallel_loop3A_704 = tpu.vector_load %parallel_loop3A_701[%parallel_loop3A_702, %parallel_loop3A_703] {strides = array<i32>} : memref<64x256xbf16, #tpu.memory_space<vmem>>, vector<32xbf16>,
        %parallel_loop3A_705 = arith.constant 0 : i32
        %parallel_loop3A_706 = arith.constant 0 : i32
        %parallel_loop3A_707 = tpu.memref_slice %arg15[%rem3A_121, %parallel_loop3A_705, %parallel_loop3A_706] : memref<2x64x256xbf16, #tpu.memory_space<vmem>> -> memref<1x64x256xbf16, #tpu.memory_space<vmem>>
        %parallel_loop3A_708 = tpu.memref_squeeze %parallel_loop3A_707 : memref<1x64x256xbf16, #tpu.memory_space<vmem>> -> memref<64x256xbf16, #tpu.memory_space<vmem>>
        %parallel_loop3A_709 = arith.index_cast %parallel_loop3A_694 : i32 to index
        %parallel_loop3A_710 = arith.constant 0 : index
        %parallel_loop3A_711 = tpu.vector_load %parallel_loop3A_708[%parallel_loop3A_709, %parallel_loop3A_710] {strides = array<i32>} : memref<64x256xbf16, #tpu.memory_space<vmem>>, vector<32xbf16>,
        %parallel_loop3A_712 = arith.addf %parallel_loop3A_704, %parallel_loop3A_711 : vector<32xbf16>
        %parallel_loop3A_713 = arith.constant 0 : i32
        %parallel_loop3A_714 = arith.index_cast %parallel_loop3A_713 : i32 to index
        %parallel_loop3A_715 = arith.constant 0 : index
        %parallel_loop3A_716 = tpu.vector_load %arg18[%parallel_loop3A_714, %parallel_loop3A_715] {strides = array<i32>} : memref<2x256xbf16, #tpu.memory_space<vmem>>, vector<32xbf16>,
        %parallel_loop3A_717 = arith.mulf %parallel_loop3A_697, %parallel_loop3A_716 : vector<32xbf16>
        %parallel_loop3A_718 = arith.addf %parallel_loop3A_712, %parallel_loop3A_717 : vector<32xbf16>
        %parallel_loop3A_719 = vector.broadcast %parallel_loop3A_670 : bf16 to vector<32xbf16>
        %parallel_loop3A_720 = arith.mulf %parallel_loop3A_719, %parallel_loop3A_718 : vector<32xbf16>
        %parallel_loop3A_721 = arith.maximumf %parallel_loop3A_718, %parallel_loop3A_720 : vector<32xbf16>
        %parallel_loop3A_722 = arith.constant 1 : i32
        %parallel_loop3A_723 = arith.index_cast %parallel_loop3A_722 : i32 to index
        %parallel_loop3A_724 = arith.constant 0 : index
        %parallel_loop3A_725 = tpu.vector_load %arg18[%parallel_loop3A_723, %parallel_loop3A_724] {strides = array<i32>} : memref<2x256xbf16, #tpu.memory_space<vmem>>, vector<32xbf16>,
        %parallel_loop3A_726 = arith.mulf %parallel_loop3A_721, %parallel_loop3A_725 : vector<32xbf16>
        %parallel_loop3A_727 = tpu.unpack_subelements %parallel_loop3A_726, 0 {pack_format = #tpu.pack_format<interleaved>} : vector<32xbf16> -> vector<16xf32>
        %parallel_loop3A_728 = tpu.unpack_subelements %parallel_loop3A_726, 1 {pack_format = #tpu.pack_format<interleaved>} : vector<32xbf16> -> vector<16xf32>
        %parallel_loop3A_729 = arith.addf %parallel_loop3A_727, %parallel_loop3A_728 : vector<16xf32>
        %parallel_loop3A_730 = arith.constant true
        %parallel_loop3A_731 = vector.broadcast %parallel_loop3A_730 : i1 to vector<16xi1>
        %parallel_loop3A_732 = tpu.scan <sum>, %parallel_loop3A_729 masked %parallel_loop3A_731 : vector<16xf32>, vector<16xi1> -> vector<16xf32>
        %parallel_loop3A_733 = vector.extract %parallel_loop3A_732[15] : f32 from vector<16xf32>
        %parallel_loop3A_734 = arith.constant 0 : i32
        %parallel_loop3A_735 = arith.constant 0 : i32
        %parallel_loop3A_736 = tpu.memref_slice %arg14[%rem3A_121, %parallel_loop3A_734, %parallel_loop3A_735] : memref<2x64x256xbf16, #tpu.memory_space<vmem>> -> memref<1x64x256xbf16, #tpu.memory_space<vmem>>
        %parallel_loop3A_737 = tpu.memref_squeeze %parallel_loop3A_736 : memref<1x64x256xbf16, #tpu.memory_space<vmem>> -> memref<64x256xbf16, #tpu.memory_space<vmem>>
        %parallel_loop3A_738 = arith.index_cast %parallel_loop3A_694 : i32 to index
        %parallel_loop3A_739 = arith.constant 32 : index
        %parallel_loop3A_740 = tpu.vector_load %parallel_loop3A_737[%parallel_loop3A_738, %parallel_loop3A_739] {strides = array<i32>} : memref<64x256xbf16, #tpu.memory_space<vmem>>, vector<32xbf16>,
        %parallel_loop3A_741 = arith.constant 0 : i32
        %parallel_loop3A_742 = arith.constant 0 : i32
        %parallel_loop3A_743 = tpu.memref_slice %arg15[%rem3A_121, %parallel_loop3A_741, %parallel_loop3A_742] : memref<2x64x256xbf16, #tpu.memory_space<vmem>> -> memref<1x64x256xbf16, #tpu.memory_space<vmem>>
        %parallel_loop3A_744 = tpu.memref_squeeze %parallel_loop3A_743 : memref<1x64x256xbf16, #tpu.memory_space<vmem>> -> memref<64x256xbf16, #tpu.memory_space<vmem>>
        %parallel_loop3A_745 = arith.index_cast %parallel_loop3A_694 : i32 to index
        %parallel_loop3A_746 = arith.constant 32 : index
        %parallel_loop3A_747 = tpu.vector_load %parallel_loop3A_744[%parallel_loop3A_745, %parallel_loop3A_746] {strides = array<i32>} : memref<64x256xbf16, #tpu.memory_space<vmem>>, vector<32xbf16>,
        %parallel_loop3A_748 = arith.addf %parallel_loop3A_740, %parallel_loop3A_747 : vector<32xbf16>
        %parallel_loop3A_749 = arith.constant 0 : i32
        %parallel_loop3A_750 = arith.index_cast %parallel_loop3A_749 : i32 to index
        %parallel_loop3A_751 = arith.constant 32 : index
        %parallel_loop3A_752 = tpu.vector_load %arg18[%parallel_loop3A_750, %parallel_loop3A_751] {strides = array<i32>} : memref<2x256xbf16, #tpu.memory_space<vmem>>, vector<32xbf16>,
        %parallel_loop3A_753 = arith.mulf %parallel_loop3A_697, %parallel_loop3A_752 : vector<32xbf16>
        %parallel_loop3A_754 = arith.addf %parallel_loop3A_748, %parallel_loop3A_753 : vector<32xbf16>
        %parallel_loop3A_755 = vector.broadcast %parallel_loop3A_670 : bf16 to vector<32xbf16>
        %parallel_loop3A_756 = arith.mulf %parallel_loop3A_755, %parallel_loop3A_754 : vector<32xbf16>
        %parallel_loop3A_757 = arith.maximumf %parallel_loop3A_754, %parallel_loop3A_756 : vector<32xbf16>
        %parallel_loop3A_758 = arith.constant 1 : i32
        %parallel_loop3A_759 = arith.index_cast %parallel_loop3A_758 : i32 to index
        %parallel_loop3A_760 = arith.constant 32 : index
        %parallel_loop3A_761 = tpu.vector_load %arg18[%parallel_loop3A_759, %parallel_loop3A_760] {strides = array<i32>} : memref<2x256xbf16, #tpu.memory_space<vmem>>, vector<32xbf16>,
        %parallel_loop3A_762 = arith.mulf %parallel_loop3A_757, %parallel_loop3A_761 : vector<32xbf16>
        %parallel_loop3A_763 = tpu.unpack_subelements %parallel_loop3A_762, 0 {pack_format = #tpu.pack_format<interleaved>} : vector<32xbf16> -> vector<16xf32>
        %parallel_loop3A_764 = tpu.unpack_subelements %parallel_loop3A_762, 1 {pack_format = #tpu.pack_format<interleaved>} : vector<32xbf16> -> vector<16xf32>
        %parallel_loop3A_765 = arith.addf %parallel_loop3A_763, %parallel_loop3A_764 : vector<16xf32>
        %parallel_loop3A_766 = arith.constant true
        %parallel_loop3A_767 = vector.broadcast %parallel_loop3A_766 : i1 to vector<16xi1>
        %parallel_loop3A_768 = tpu.scan <sum>, %parallel_loop3A_765 masked %parallel_loop3A_767 : vector<16xf32>, vector<16xi1> -> vector<16xf32>
        %parallel_loop3A_769 = vector.extract %parallel_loop3A_768[15] : f32 from vector<16xf32>
        %parallel_loop3A_770 = arith.constant 0 : i32
        %parallel_loop3A_771 = arith.constant 0 : i32
        %parallel_loop3A_772 = tpu.memref_slice %arg14[%rem3A_121, %parallel_loop3A_770, %parallel_loop3A_771] : memref<2x64x256xbf16, #tpu.memory_space<vmem>> -> memref<1x64x256xbf16, #tpu.memory_space<vmem>>
        %parallel_loop3A_773 = tpu.memref_squeeze %parallel_loop3A_772 : memref<1x64x256xbf16, #tpu.memory_space<vmem>> -> memref<64x256xbf16, #tpu.memory_space<vmem>>
        %parallel_loop3A_774 = arith.index_cast %parallel_loop3A_694 : i32 to index
        %parallel_loop3A_775 = arith.constant 64 : index
        %parallel_loop3A_776 = tpu.vector_load %parallel_loop3A_773[%parallel_loop3A_774, %parallel_loop3A_775] {strides = array<i32>} : memref<64x256xbf16, #tpu.memory_space<vmem>>, vector<32xbf16>,
        %parallel_loop3A_777 = arith.constant 0 : i32
        %parallel_loop3A_778 = arith.constant 0 : i32
        %parallel_loop3A_779 = tpu.memref_slice %arg15[%rem3A_121, %parallel_loop3A_777, %parallel_loop3A_778] : memref<2x64x256xbf16, #tpu.memory_space<vmem>> -> memref<1x64x256xbf16, #tpu.memory_space<vmem>>
        %parallel_loop3A_780 = tpu.memref_squeeze %parallel_loop3A_779 : memref<1x64x256xbf16, #tpu.memory_space<vmem>> -> memref<64x256xbf16, #tpu.memory_space<vmem>>
        %parallel_loop3A_781 = arith.index_cast %parallel_loop3A_694 : i32 to index
        %parallel_loop3A_782 = arith.constant 64 : index
        %parallel_loop3A_783 = tpu.vector_load %parallel_loop3A_780[%parallel_loop3A_781, %parallel_loop3A_782] {strides = array<i32>} : memref<64x256xbf16, #tpu.memory_space<vmem>>, vector<32xbf16>,
        %parallel_loop3A_784 = arith.addf %parallel_loop3A_776, %parallel_loop3A_783 : vector<32xbf16>
        %parallel_loop3A_785 = arith.constant 0 : i32
        %parallel_loop3A_786 = arith.index_cast %parallel_loop3A_785 : i32 to index
        %parallel_loop3A_787 = arith.constant 64 : index
        %parallel_loop3A_788 = tpu.vector_load %arg18[%parallel_loop3A_786, %parallel_loop3A_787] {strides = array<i32>} : memref<2x256xbf16, #tpu.memory_space<vmem>>, vector<32xbf16>,
        %parallel_loop3A_789 = arith.mulf %parallel_loop3A_697, %parallel_loop3A_788 : vector<32xbf16>
        %parallel_loop3A_790 = arith.addf %parallel_loop3A_784, %parallel_loop3A_789 : vector<32xbf16>
        %parallel_loop3A_791 = vector.broadcast %parallel_loop3A_670 : bf16 to vector<32xbf16>
        %parallel_loop3A_792 = arith.mulf %parallel_loop3A_791, %parallel_loop3A_790 : vector<32xbf16>
        %parallel_loop3A_793 = arith.maximumf %parallel_loop3A_790, %parallel_loop3A_792 : vector<32xbf16>
        %parallel_loop3A_794 = arith.constant 1 : i32
        %parallel_loop3A_795 = arith.index_cast %parallel_loop3A_794 : i32 to index
        %parallel_loop3A_796 = arith.constant 64 : index
        %parallel_loop3A_797 = tpu.vector_load %arg18[%parallel_loop3A_795, %parallel_loop3A_796] {strides = array<i32>} : memref<2x256xbf16, #tpu.memory_space<vmem>>, vector<32xbf16>,
        %parallel_loop3A_798 = arith.mulf %parallel_loop3A_793, %parallel_loop3A_797 : vector<32xbf16>
        %parallel_loop3A_799 = tpu.unpack_subelements %parallel_loop3A_798, 0 {pack_format = #tpu.pack_format<interleaved>} : vector<32xbf16> -> vector<16xf32>
        %parallel_loop3A_800 = tpu.unpack_subelements %parallel_loop3A_798, 1 {pack_format = #tpu.pack_format<interleaved>} : vector<32xbf16> -> vector<16xf32>
        %parallel_loop3A_801 = arith.addf %parallel_loop3A_799, %parallel_loop3A_800 : vector<16xf32>
        %parallel_loop3A_802 = arith.constant true
        %parallel_loop3A_803 = vector.broadcast %parallel_loop3A_802 : i1 to vector<16xi1>
        %parallel_loop3A_804 = tpu.scan <sum>, %parallel_loop3A_801 masked %parallel_loop3A_803 : vector<16xf32>, vector<16xi1> -> vector<16xf32>
        %parallel_loop3A_805 = vector.extract %parallel_loop3A_804[15] : f32 from vector<16xf32>
        %parallel_loop3A_806 = arith.constant 0 : i32
        %parallel_loop3A_807 = arith.constant 0 : i32
        %parallel_loop3A_808 = tpu.memref_slice %arg14[%rem3A_121, %parallel_loop3A_806, %parallel_loop3A_807] : memref<2x64x256xbf16, #tpu.memory_space<vmem>> -> memref<1x64x256xbf16, #tpu.memory_space<vmem>>
        %parallel_loop3A_809 = tpu.memref_squeeze %parallel_loop3A_808 : memref<1x64x256xbf16, #tpu.memory_space<vmem>> -> memref<64x256xbf16, #tpu.memory_space<vmem>>
        %parallel_loop3A_810 = arith.index_cast %parallel_loop3A_694 : i32 to index
        %parallel_loop3A_811 = arith.constant 96 : index
        %parallel_loop3A_812 = tpu.vector_load %parallel_loop3A_809[%parallel_loop3A_810, %parallel_loop3A_811] {strides = array<i32>} : memref<64x256xbf16, #tpu.memory_space<vmem>>, vector<32xbf16>,
        %parallel_loop3A_813 = arith.constant 0 : i32
        %parallel_loop3A_814 = arith.constant 0 : i32
        %parallel_loop3A_815 = tpu.memref_slice %arg15[%rem3A_121, %parallel_loop3A_813, %parallel_loop3A_814] : memref<2x64x256xbf16, #tpu.memory_space<vmem>> -> memref<1x64x256xbf16, #tpu.memory_space<vmem>>
        %parallel_loop3A_816 = tpu.memref_squeeze %parallel_loop3A_815 : memref<1x64x256xbf16, #tpu.memory_space<vmem>> -> memref<64x256xbf16, #tpu.memory_space<vmem>>
        %parallel_loop3A_817 = arith.index_cast %parallel_loop3A_694 : i32 to index
        %parallel_loop3A_818 = arith.constant 96 : index
        %parallel_loop3A_819 = tpu.vector_load %parallel_loop3A_816[%parallel_loop3A_817, %parallel_loop3A_818] {strides = array<i32>} : memref<64x256xbf16, #tpu.memory_space<vmem>>, vector<32xbf16>,
        %parallel_loop3A_820 = arith.addf %parallel_loop3A_812, %parallel_loop3A_819 : vector<32xbf16>
        %parallel_loop3A_821 = arith.constant 0 : i32
        %parallel_loop3A_822 = arith.index_cast %parallel_loop3A_821 : i32 to index
        %parallel_loop3A_823 = arith.constant 96 : index
        %parallel_loop3A_824 = tpu.vector_load %arg18[%parallel_loop3A_822, %parallel_loop3A_823] {strides = array<i32>} : memref<2x256xbf16, #tpu.memory_space<vmem>>, vector<32xbf16>,
        %parallel_loop3A_825 = arith.mulf %parallel_loop3A_697, %parallel_loop3A_824 : vector<32xbf16>
        %parallel_loop3A_826 = arith.addf %parallel_loop3A_820, %parallel_loop3A_825 : vector<32xbf16>
        %parallel_loop3A_827 = vector.broadcast %parallel_loop3A_670 : bf16 to vector<32xbf16>
        %parallel_loop3A_828 = arith.mulf %parallel_loop3A_827, %parallel_loop3A_826 : vector<32xbf16>
        %parallel_loop3A_829 = arith.maximumf %parallel_loop3A_826, %parallel_loop3A_828 : vector<32xbf16>
        %parallel_loop3A_830 = arith.constant 1 : i32
        %parallel_loop3A_831 = arith.index_cast %parallel_loop3A_830 : i32 to index
        %parallel_loop3A_832 = arith.constant 96 : index
        %parallel_loop3A_833 = tpu.vector_load %arg18[%parallel_loop3A_831, %parallel_loop3A_832] {strides = array<i32>} : memref<2x256xbf16, #tpu.memory_space<vmem>>, vector<32xbf16>,
        %parallel_loop3A_834 = arith.mulf %parallel_loop3A_829, %parallel_loop3A_833 : vector<32xbf16>
        %parallel_loop3A_835 = tpu.unpack_subelements %parallel_loop3A_834, 0 {pack_format = #tpu.pack_format<interleaved>} : vector<32xbf16> -> vector<16xf32>
        %parallel_loop3A_836 = tpu.unpack_subelements %parallel_loop3A_834, 1 {pack_format = #tpu.pack_format<interleaved>} : vector<32xbf16> -> vector<16xf32>
        %parallel_loop3A_837 = arith.addf %parallel_loop3A_835, %parallel_loop3A_836 : vector<16xf32>
        %parallel_loop3A_838 = arith.constant true
        %parallel_loop3A_839 = vector.broadcast %parallel_loop3A_838 : i1 to vector<16xi1>
        %parallel_loop3A_840 = tpu.scan <sum>, %parallel_loop3A_837 masked %parallel_loop3A_839 : vector<16xf32>, vector<16xi1> -> vector<16xf32>
        %parallel_loop3A_841 = vector.extract %parallel_loop3A_840[15] : f32 from vector<16xf32>
        %parallel_loop3A_842 = arith.constant 0 : i32
        %parallel_loop3A_843 = arith.constant 0 : i32
        %parallel_loop3A_844 = tpu.memref_slice %arg14[%rem3A_121, %parallel_loop3A_842, %parallel_loop3A_843] : memref<2x64x256xbf16, #tpu.memory_space<vmem>> -> memref<1x64x256xbf16, #tpu.memory_space<vmem>>
        %parallel_loop3A_845 = tpu.memref_squeeze %parallel_loop3A_844 : memref<1x64x256xbf16, #tpu.memory_space<vmem>> -> memref<64x256xbf16, #tpu.memory_space<vmem>>
        %parallel_loop3A_846 = arith.index_cast %parallel_loop3A_694 : i32 to index
        %parallel_loop3A_847 = arith.constant 128 : index
        %parallel_loop3A_848 = tpu.vector_load %parallel_loop3A_845[%parallel_loop3A_846, %parallel_loop3A_847] {strides = array<i32>} : memref<64x256xbf16, #tpu.memory_space<vmem>>, vector<32xbf16>,
        %parallel_loop3A_849 = arith.constant 0 : i32
        %parallel_loop3A_850 = arith.constant 0 : i32
        %parallel_loop3A_851 = tpu.memref_slice %arg15[%rem3A_121, %parallel_loop3A_849, %parallel_loop3A_850] : memref<2x64x256xbf16, #tpu.memory_space<vmem>> -> memref<1x64x256xbf16, #tpu.memory_space<vmem>>
        %parallel_loop3A_852 = tpu.memref_squeeze %parallel_loop3A_851 : memref<1x64x256xbf16, #tpu.memory_space<vmem>> -> memref<64x256xbf16, #tpu.memory_space<vmem>>
        %parallel_loop3A_853 = arith.index_cast %parallel_loop3A_694 : i32 to index
        %parallel_loop3A_854 = arith.constant 128 : index
        %parallel_loop3A_855 = tpu.vector_load %parallel_loop3A_852[%parallel_loop3A_853, %parallel_loop3A_854] {strides = array<i32>} : memref<64x256xbf16, #tpu.memory_space<vmem>>, vector<32xbf16>,
        %parallel_loop3A_856 = arith.addf %parallel_loop3A_848, %parallel_loop3A_855 : vector<32xbf16>
        %parallel_loop3A_857 = arith.constant 0 : i32
        %parallel_loop3A_858 = arith.index_cast %parallel_loop3A_857 : i32 to index
        %parallel_loop3A_859 = arith.constant 128 : index
        %parallel_loop3A_860 = tpu.vector_load %arg18[%parallel_loop3A_858, %parallel_loop3A_859] {strides = array<i32>} : memref<2x256xbf16, #tpu.memory_space<vmem>>, vector<32xbf16>,
        %parallel_loop3A_861 = arith.mulf %parallel_loop3A_697, %parallel_loop3A_860 : vector<32xbf16>
        %parallel_loop3A_862 = arith.addf %parallel_loop3A_856, %parallel_loop3A_861 : vector<32xbf16>
        %parallel_loop3A_863 = vector.broadcast %parallel_loop3A_670 : bf16 to vector<32xbf16>
        %parallel_loop3A_864 = arith.mulf %parallel_loop3A_863, %parallel_loop3A_862 : vector<32xbf16>
        %parallel_loop3A_865 = arith.maximumf %parallel_loop3A_862, %parallel_loop3A_864 : vector<32xbf16>
        %parallel_loop3A_866 = arith.constant 1 : i32
        %parallel_loop3A_867 = arith.index_cast %parallel_loop3A_866 : i32 to index
        %parallel_loop3A_868 = arith.constant 128 : index
        %parallel_loop3A_869 = tpu.vector_load %arg18[%parallel_loop3A_867, %parallel_loop3A_868] {strides = array<i32>} : memref<2x256xbf16, #tpu.memory_space<vmem>>, vector<32xbf16>,
        %parallel_loop3A_870 = arith.mulf %parallel_loop3A_865, %parallel_loop3A_869 : vector<32xbf16>
        %parallel_loop3A_871 = tpu.unpack_subelements %parallel_loop3A_870, 0 {pack_format = #tpu.pack_format<interleaved>} : vector<32xbf16> -> vector<16xf32>
        %parallel_loop3A_872 = tpu.unpack_subelements %parallel_loop3A_870, 1 {pack_format = #tpu.pack_format<interleaved>} : vector<32xbf16> -> vector<16xf32>
        %parallel_loop3A_873 = arith.addf %parallel_loop3A_871, %parallel_loop3A_872 : vector<16xf32>
        %parallel_loop3A_874 = arith.constant true
        %parallel_loop3A_875 = vector.broadcast %parallel_loop3A_874 : i1 to vector<16xi1>
        %parallel_loop3A_876 = tpu.scan <sum>, %parallel_loop3A_873 masked %parallel_loop3A_875 : vector<16xf32>, vector<16xi1> -> vector<16xf32>
        %parallel_loop3A_877 = vector.extract %parallel_loop3A_876[15] : f32 from vector<16xf32>
        %parallel_loop3A_878 = arith.constant 0 : i32
        %parallel_loop3A_879 = arith.constant 0 : i32
        %parallel_loop3A_880 = tpu.memref_slice %arg14[%rem3A_121, %parallel_loop3A_878, %parallel_loop3A_879] : memref<2x64x256xbf16, #tpu.memory_space<vmem>> -> memref<1x64x256xbf16, #tpu.memory_space<vmem>>
        %parallel_loop3A_881 = tpu.memref_squeeze %parallel_loop3A_880 : memref<1x64x256xbf16, #tpu.memory_space<vmem>> -> memref<64x256xbf16, #tpu.memory_space<vmem>>
        %parallel_loop3A_882 = arith.index_cast %parallel_loop3A_694 : i32 to index
        %parallel_loop3A_883 = arith.constant 160 : index
        %parallel_loop3A_884 = tpu.vector_load %parallel_loop3A_881[%parallel_loop3A_882, %parallel_loop3A_883] {strides = array<i32>} : memref<64x256xbf16, #tpu.memory_space<vmem>>, vector<32xbf16>,
        %parallel_loop3A_885 = arith.constant 0 : i32
        %parallel_loop3A_886 = arith.constant 0 : i32
        %parallel_loop3A_887 = tpu.memref_slice %arg15[%rem3A_121, %parallel_loop3A_885, %parallel_loop3A_886] : memref<2x64x256xbf16, #tpu.memory_space<vmem>> -> memref<1x64x256xbf16, #tpu.memory_space<vmem>>
        %parallel_loop3A_888 = tpu.memref_squeeze %parallel_loop3A_887 : memref<1x64x256xbf16, #tpu.memory_space<vmem>> -> memref<64x256xbf16, #tpu.memory_space<vmem>>
        %parallel_loop3A_889 = arith.index_cast %parallel_loop3A_694 : i32 to index
        %parallel_loop3A_890 = arith.constant 160 : index
        %parallel_loop3A_891 = tpu.vector_load %parallel_loop3A_888[%parallel_loop3A_889, %parallel_loop3A_890] {strides = array<i32>} : memref<64x256xbf16, #tpu.memory_space<vmem>>, vector<32xbf16>,
        %parallel_loop3A_892 = arith.addf %parallel_loop3A_884, %parallel_loop3A_891 : vector<32xbf16>
        %parallel_loop3A_893 = arith.constant 0 : i32
        %parallel_loop3A_894 = arith.index_cast %parallel_loop3A_893 : i32 to index
        %parallel_loop3A_895 = arith.constant 160 : index
        %parallel_loop3A_896 = tpu.vector_load %arg18[%parallel_loop3A_894, %parallel_loop3A_895] {strides = array<i32>} : memref<2x256xbf16, #tpu.memory_space<vmem>>, vector<32xbf16>,
        %parallel_loop3A_897 = arith.mulf %parallel_loop3A_697, %parallel_loop3A_896 : vector<32xbf16>
        %parallel_loop3A_898 = arith.addf %parallel_loop3A_892, %parallel_loop3A_897 : vector<32xbf16>
        %parallel_loop3A_899 = vector.broadcast %parallel_loop3A_670 : bf16 to vector<32xbf16>
        %parallel_loop3A_900 = arith.mulf %parallel_loop3A_899, %parallel_loop3A_898 : vector<32xbf16>
        %parallel_loop3A_901 = arith.maximumf %parallel_loop3A_898, %parallel_loop3A_900 : vector<32xbf16>
        %parallel_loop3A_902 = arith.constant 1 : i32
        %parallel_loop3A_903 = arith.index_cast %parallel_loop3A_902 : i32 to index
        %parallel_loop3A_904 = arith.constant 160 : index
        %parallel_loop3A_905 = tpu.vector_load %arg18[%parallel_loop3A_903, %parallel_loop3A_904] {strides = array<i32>} : memref<2x256xbf16, #tpu.memory_space<vmem>>, vector<32xbf16>,
        %parallel_loop3A_906 = arith.mulf %parallel_loop3A_901, %parallel_loop3A_905 : vector<32xbf16>
        %parallel_loop3A_907 = tpu.unpack_subelements %parallel_loop3A_906, 0 {pack_format = #tpu.pack_format<interleaved>} : vector<32xbf16> -> vector<16xf32>
        %parallel_loop3A_908 = tpu.unpack_subelements %parallel_loop3A_906, 1 {pack_format = #tpu.pack_format<interleaved>} : vector<32xbf16> -> vector<16xf32>
        %parallel_loop3A_909 = arith.addf %parallel_loop3A_907, %parallel_loop3A_908 : vector<16xf32>
        %parallel_loop3A_910 = arith.constant true
        %parallel_loop3A_911 = vector.broadcast %parallel_loop3A_910 : i1 to vector<16xi1>
        %parallel_loop3A_912 = tpu.scan <sum>, %parallel_loop3A_909 masked %parallel_loop3A_911 : vector<16xf32>, vector<16xi1> -> vector<16xf32>
        %parallel_loop3A_913 = vector.extract %parallel_loop3A_912[15] : f32 from vector<16xf32>
        %parallel_loop3A_914 = arith.constant 0 : i32
        %parallel_loop3A_915 = arith.constant 0 : i32
        %parallel_loop3A_916 = tpu.memref_slice %arg14[%rem3A_121, %parallel_loop3A_914, %parallel_loop3A_915] : memref<2x64x256xbf16, #tpu.memory_space<vmem>> -> memref<1x64x256xbf16, #tpu.memory_space<vmem>>
        %parallel_loop3A_917 = tpu.memref_squeeze %parallel_loop3A_916 : memref<1x64x256xbf16, #tpu.memory_space<vmem>> -> memref<64x256xbf16, #tpu.memory_space<vmem>>
        %parallel_loop3A_918 = arith.index_cast %parallel_loop3A_694 : i32 to index
        %parallel_loop3A_919 = arith.constant 192 : index
        %parallel_loop3A_920 = tpu.vector_load %parallel_loop3A_917[%parallel_loop3A_918, %parallel_loop3A_919] {strides = array<i32>} : memref<64x256xbf16, #tpu.memory_space<vmem>>, vector<32xbf16>,
        %parallel_loop3A_921 = arith.constant 0 : i32
        %parallel_loop3A_922 = arith.constant 0 : i32
        %parallel_loop3A_923 = tpu.memref_slice %arg15[%rem3A_121, %parallel_loop3A_921, %parallel_loop3A_922] : memref<2x64x256xbf16, #tpu.memory_space<vmem>> -> memref<1x64x256xbf16, #tpu.memory_space<vmem>>
        %parallel_loop3A_924 = tpu.memref_squeeze %parallel_loop3A_923 : memref<1x64x256xbf16, #tpu.memory_space<vmem>> -> memref<64x256xbf16, #tpu.memory_space<vmem>>
        %parallel_loop3A_925 = arith.index_cast %parallel_loop3A_694 : i32 to index
        %parallel_loop3A_926 = arith.constant 192 : index
        %parallel_loop3A_927 = tpu.vector_load %parallel_loop3A_924[%parallel_loop3A_925, %parallel_loop3A_926] {strides = array<i32>} : memref<64x256xbf16, #tpu.memory_space<vmem>>, vector<32xbf16>,
        %parallel_loop3A_928 = arith.addf %parallel_loop3A_920, %parallel_loop3A_927 : vector<32xbf16>
        %parallel_loop3A_929 = arith.constant 0 : i32
        %parallel_loop3A_930 = arith.index_cast %parallel_loop3A_929 : i32 to index
        %parallel_loop3A_931 = arith.constant 192 : index
        %parallel_loop3A_932 = tpu.vector_load %arg18[%parallel_loop3A_930, %parallel_loop3A_931] {strides = array<i32>} : memref<2x256xbf16, #tpu.memory_space<vmem>>, vector<32xbf16>,
        %parallel_loop3A_933 = arith.mulf %parallel_loop3A_697, %parallel_loop3A_932 : vector<32xbf16>
        %parallel_loop3A_934 = arith.addf %parallel_loop3A_928, %parallel_loop3A_933 : vector<32xbf16>
        %parallel_loop3A_935 = vector.broadcast %parallel_loop3A_670 : bf16 to vector<32xbf16>
        %parallel_loop3A_936 = arith.mulf %parallel_loop3A_935, %parallel_loop3A_934 : vector<32xbf16>
        %parallel_loop3A_937 = arith.maximumf %parallel_loop3A_934, %parallel_loop3A_936 : vector<32xbf16>
        %parallel_loop3A_938 = arith.constant 1 : i32
        %parallel_loop3A_939 = arith.index_cast %parallel_loop3A_938 : i32 to index
        %parallel_loop3A_940 = arith.constant 192 : index
        %parallel_loop3A_941 = tpu.vector_load %arg18[%parallel_loop3A_939, %parallel_loop3A_940] {strides = array<i32>} : memref<2x256xbf16, #tpu.memory_space<vmem>>, vector<32xbf16>,
        %parallel_loop3A_942 = arith.mulf %parallel_loop3A_937, %parallel_loop3A_941 : vector<32xbf16>
        %parallel_loop3A_943 = tpu.unpack_subelements %parallel_loop3A_942, 0 {pack_format = #tpu.pack_format<interleaved>} : vector<32xbf16> -> vector<16xf32>
        %parallel_loop3A_944 = tpu.unpack_subelements %parallel_loop3A_942, 1 {pack_format = #tpu.pack_format<interleaved>} : vector<32xbf16> -> vector<16xf32>
        %parallel_loop3A_945 = arith.addf %parallel_loop3A_943, %parallel_loop3A_944 : vector<16xf32>
        %parallel_loop3A_946 = arith.constant true
        %parallel_loop3A_947 = vector.broadcast %parallel_loop3A_946 : i1 to vector<16xi1>
        %parallel_loop3A_948 = tpu.scan <sum>, %parallel_loop3A_945 masked %parallel_loop3A_947 : vector<16xf32>, vector<16xi1> -> vector<16xf32>
        %parallel_loop3A_949 = vector.extract %parallel_loop3A_948[15] : f32 from vector<16xf32>
        %parallel_loop3A_950 = arith.constant 0 : i32
        %parallel_loop3A_951 = arith.constant 0 : i32
        %parallel_loop3A_952 = tpu.memref_slice %arg14[%rem3A_121, %parallel_loop3A_950, %parallel_loop3A_951] : memref<2x64x256xbf16, #tpu.memory_space<vmem>> -> memref<1x64x256xbf16, #tpu.memory_space<vmem>>
        %parallel_loop3A_953 = tpu.memref_squeeze %parallel_loop3A_952 : memref<1x64x256xbf16, #tpu.memory_space<vmem>> -> memref<64x256xbf16, #tpu.memory_space<vmem>>
        %parallel_loop3A_954 = arith.index_cast %parallel_loop3A_694 : i32 to index
        %parallel_loop3A_955 = arith.constant 224 : index
        %parallel_loop3A_956 = tpu.vector_load %parallel_loop3A_953[%parallel_loop3A_954, %parallel_loop3A_955] {strides = array<i32>} : memref<64x256xbf16, #tpu.memory_space<vmem>>, vector<32xbf16>,
        %parallel_loop3A_957 = arith.constant 0 : i32
        %parallel_loop3A_958 = arith.constant 0 : i32
        %parallel_loop3A_959 = tpu.memref_slice %arg15[%rem3A_121, %parallel_loop3A_957, %parallel_loop3A_958] : memref<2x64x256xbf16, #tpu.memory_space<vmem>> -> memref<1x64x256xbf16, #tpu.memory_space<vmem>>
        %parallel_loop3A_960 = tpu.memref_squeeze %parallel_loop3A_959 : memref<1x64x256xbf16, #tpu.memory_space<vmem>> -> memref<64x256xbf16, #tpu.memory_space<vmem>>
        %parallel_loop3A_961 = arith.index_cast %parallel_loop3A_694 : i32 to index
        %parallel_loop3A_962 = arith.constant 224 : index
        %parallel_loop3A_963 = tpu.vector_load %parallel_loop3A_960[%parallel_loop3A_961, %parallel_loop3A_962] {strides = array<i32>} : memref<64x256xbf16, #tpu.memory_space<vmem>>, vector<32xbf16>,
        %parallel_loop3A_964 = arith.addf %parallel_loop3A_956, %parallel_loop3A_963 : vector<32xbf16>
        %parallel_loop3A_965 = arith.constant 0 : i32
        %parallel_loop3A_966 = arith.index_cast %parallel_loop3A_965 : i32 to index
        %parallel_loop3A_967 = arith.constant 224 : index
        %parallel_loop3A_968 = tpu.vector_load %arg18[%parallel_loop3A_966, %parallel_loop3A_967] {strides = array<i32>} : memref<2x256xbf16, #tpu.memory_space<vmem>>, vector<32xbf16>,
        %parallel_loop3A_969 = arith.mulf %parallel_loop3A_697, %parallel_loop3A_968 : vector<32xbf16>
        %parallel_loop3A_970 = arith.addf %parallel_loop3A_964, %parallel_loop3A_969 : vector<32xbf16>
        %parallel_loop3A_971 = vector.broadcast %parallel_loop3A_670 : bf16 to vector<32xbf16>
        %parallel_loop3A_972 = arith.mulf %parallel_loop3A_971, %parallel_loop3A_970 : vector<32xbf16>
        %parallel_loop3A_973 = arith.maximumf %parallel_loop3A_970, %parallel_loop3A_972 : vector<32xbf16>
        %parallel_loop3A_974 = arith.constant 1 : i32
        %parallel_loop3A_975 = arith.index_cast %parallel_loop3A_974 : i32 to index
        %parallel_loop3A_976 = arith.constant 224 : index
        %parallel_loop3A_977 = tpu.vector_load %arg18[%parallel_loop3A_975, %parallel_loop3A_976] {strides = array<i32>} : memref<2x256xbf16, #tpu.memory_space<vmem>>, vector<32xbf16>,
        %parallel_loop3A_978 = arith.mulf %parallel_loop3A_973, %parallel_loop3A_977 : vector<32xbf16>
        %parallel_loop3A_979 = tpu.unpack_subelements %parallel_loop3A_978, 0 {pack_format = #tpu.pack_format<interleaved>} : vector<32xbf16> -> vector<16xf32>
        %parallel_loop3A_980 = tpu.unpack_subelements %parallel_loop3A_978, 1 {pack_format = #tpu.pack_format<interleaved>} : vector<32xbf16> -> vector<16xf32>
        %parallel_loop3A_981 = arith.addf %parallel_loop3A_979, %parallel_loop3A_980 : vector<16xf32>
        %parallel_loop3A_982 = arith.constant true
        %parallel_loop3A_983 = vector.broadcast %parallel_loop3A_982 : i1 to vector<16xi1>
        %parallel_loop3A_984 = tpu.scan <sum>, %parallel_loop3A_981 masked %parallel_loop3A_983 : vector<16xf32>, vector<16xi1> -> vector<16xf32>
        %parallel_loop3A_985 = vector.extract %parallel_loop3A_984[15] : f32 from vector<16xf32>
        %parallel_loop3A_986 = arith.constant 0 : i32
        %parallel_loop3A_987 = vector.broadcast %parallel_loop3A_986 : i32 to vector<16xi32>
        %parallel_loop3A_988 = arith.cmpi eq, %iota3A, %parallel_loop3A_987 : vector<16xi32>
        %parallel_loop3A_989 = arith.constant 0.000000e+00 : f32
        %parallel_loop3A_990 = vector.broadcast %parallel_loop3A_733 : f32 to vector<16xf32>
        %parallel_loop3A_991 = vector.broadcast %parallel_loop3A_989 : f32 to vector<16xf32>
        %parallel_loop3A_992 = arith.select %parallel_loop3A_988, %parallel_loop3A_990, %parallel_loop3A_991 : vector<16xi1>, vector<16xf32>
        %parallel_loop3A_993 = arith.constant 1 : i32
        %parallel_loop3A_994 = vector.broadcast %parallel_loop3A_993 : i32 to vector<16xi32>
        %parallel_loop3A_995 = arith.cmpi eq, %iota3A, %parallel_loop3A_994 : vector<16xi32>
        %parallel_loop3A_996 = arith.constant 0.000000e+00 : f32
        %parallel_loop3A_997 = vector.broadcast %parallel_loop3A_769 : f32 to vector<16xf32>
        %parallel_loop3A_998 = vector.broadcast %parallel_loop3A_996 : f32 to vector<16xf32>
        %parallel_loop3A_999 = arith.select %parallel_loop3A_995, %parallel_loop3A_997, %parallel_loop3A_998 : vector<16xi1>, vector<16xf32>
        %parallel_loop3A_1000 = arith.constant 2 : i32
        %parallel_loop3A_1001 = vector.broadcast %parallel_loop3A_1000 : i32 to vector<16xi32>
        %parallel_loop3A_1002 = arith.cmpi eq, %iota3A, %parallel_loop3A_1001 : vector<16xi32>
        %parallel_loop3A_1003 = arith.constant 0.000000e+00 : f32
        %parallel_loop3A_1004 = vector.broadcast %parallel_loop3A_805 : f32 to vector<16xf32>
        %parallel_loop3A_1005 = vector.broadcast %parallel_loop3A_1003 : f32 to vector<16xf32>
        %parallel_loop3A_1006 = arith.select %parallel_loop3A_1002, %parallel_loop3A_1004, %parallel_loop3A_1005 : vector<16xi1>, vector<16xf32>
        %parallel_loop3A_1007 = arith.constant 3 : i32
        %parallel_loop3A_1008 = vector.broadcast %parallel_loop3A_1007 : i32 to vector<16xi32>
        %parallel_loop3A_1009 = arith.cmpi eq, %iota3A, %parallel_loop3A_1008 : vector<16xi32>
        %parallel_loop3A_1010 = arith.constant 0.000000e+00 : f32
        %parallel_loop3A_1011 = vector.broadcast %parallel_loop3A_841 : f32 to vector<16xf32>
        %parallel_loop3A_1012 = vector.broadcast %parallel_loop3A_1010 : f32 to vector<16xf32>
        %parallel_loop3A_1013 = arith.select %parallel_loop3A_1009, %parallel_loop3A_1011, %parallel_loop3A_1012 : vector<16xi1>, vector<16xf32>
        %parallel_loop3A_1014 = arith.constant 4 : i32
        %parallel_loop3A_1015 = vector.broadcast %parallel_loop3A_1014 : i32 to vector<16xi32>
        %parallel_loop3A_1016 = arith.cmpi eq, %iota3A, %parallel_loop3A_1015 : vector<16xi32>
        %parallel_loop3A_1017 = arith.constant 0.000000e+00 : f32
        %parallel_loop3A_1018 = vector.broadcast %parallel_loop3A_877 : f32 to vector<16xf32>
        %parallel_loop3A_1019 = vector.broadcast %parallel_loop3A_1017 : f32 to vector<16xf32>
        %parallel_loop3A_1020 = arith.select %parallel_loop3A_1016, %parallel_loop3A_1018, %parallel_loop3A_1019 : vector<16xi1>, vector<16xf32>
        %parallel_loop3A_1021 = arith.constant 5 : i32
        %parallel_loop3A_1022 = vector.broadcast %parallel_loop3A_1021 : i32 to vector<16xi32>
        %parallel_loop3A_1023 = arith.cmpi eq, %iota3A, %parallel_loop3A_1022 : vector<16xi32>
        %parallel_loop3A_1024 = arith.constant 0.000000e+00 : f32
        %parallel_loop3A_1025 = vector.broadcast %parallel_loop3A_913 : f32 to vector<16xf32>
        %parallel_loop3A_1026 = vector.broadcast %parallel_loop3A_1024 : f32 to vector<16xf32>
        %parallel_loop3A_1027 = arith.select %parallel_loop3A_1023, %parallel_loop3A_1025, %parallel_loop3A_1026 : vector<16xi1>, vector<16xf32>
        %parallel_loop3A_1028 = arith.constant 6 : i32
        %parallel_loop3A_1029 = vector.broadcast %parallel_loop3A_1028 : i32 to vector<16xi32>
        %parallel_loop3A_1030 = arith.cmpi eq, %iota3A, %parallel_loop3A_1029 : vector<16xi32>
        %parallel_loop3A_1031 = arith.constant 0.000000e+00 : f32
        %parallel_loop3A_1032 = vector.broadcast %parallel_loop3A_949 : f32 to vector<16xf32>
        %parallel_loop3A_1033 = vector.broadcast %parallel_loop3A_1031 : f32 to vector<16xf32>
        %parallel_loop3A_1034 = arith.select %parallel_loop3A_1030, %parallel_loop3A_1032, %parallel_loop3A_1033 : vector<16xi1>, vector<16xf32>
        %parallel_loop3A_1035 = arith.constant 7 : i32
        %parallel_loop3A_1036 = vector.broadcast %parallel_loop3A_1035 : i32 to vector<16xi32>
        %parallel_loop3A_1037 = arith.cmpi eq, %iota3A, %parallel_loop3A_1036 : vector<16xi32>
        %parallel_loop3A_1038 = arith.constant 0.000000e+00 : f32
        %parallel_loop3A_1039 = vector.broadcast %parallel_loop3A_985 : f32 to vector<16xf32>
        %parallel_loop3A_1040 = vector.broadcast %parallel_loop3A_1038 : f32 to vector<16xf32>
        %parallel_loop3A_1041 = arith.select %parallel_loop3A_1037, %parallel_loop3A_1039, %parallel_loop3A_1040 : vector<16xi1>, vector<16xf32>
        %parallel_loop3A_1042 = arith.addf %parallel_loop3A_992, %parallel_loop3A_999 : vector<16xf32>
        %parallel_loop3A_1043 = arith.addf %parallel_loop3A_1006, %parallel_loop3A_1013 : vector<16xf32>
        %parallel_loop3A_1044 = arith.addf %parallel_loop3A_1042, %parallel_loop3A_1043 : vector<16xf32>
        %parallel_loop3A_1045 = arith.addf %parallel_loop3A_1020, %parallel_loop3A_1027 : vector<16xf32>
        %parallel_loop3A_1046 = arith.addf %parallel_loop3A_1034, %parallel_loop3A_1041 : vector<16xf32>
        %parallel_loop3A_1047 = arith.addf %parallel_loop3A_1045, %parallel_loop3A_1046 : vector<16xf32>
        %parallel_loop3A_1048 = arith.addf %parallel_loop3A_1044, %parallel_loop3A_1047 : vector<16xf32>
        %parallel_loop3A_1049 = math.exp %parallel_loop3A_1048 : vector<16xf32>
        %parallel_loop3A_1050 = arith.constant 0.000000e+00 : f32
        %parallel_loop3A_1051 = vector.broadcast %parallel_loop3A_1050 : f32 to vector<16xf32>
        %parallel_loop3A_1052 = arith.select %lt3A_34, %parallel_loop3A_1049, %parallel_loop3A_1051 : vector<16xi1>, vector<16xf32>
        %parallel_loop3A_1053 = arith.constant 0 : i32
        %parallel_loop3A_1054 = arith.constant 0 : i32
        %parallel_loop3A_1055 = tpu.memref_slice %arg17[%rem3A_121, %parallel_loop3A_1053, %parallel_loop3A_1054] : memref<2x64x16xf32, #tpu.memory_space<vmem>> -> memref<1x64x16xf32, #tpu.memory_space<vmem>>
        %parallel_loop3A_1056 = tpu.memref_squeeze %parallel_loop3A_1055 : memref<1x64x16xf32, #tpu.memory_space<vmem>> -> memref<64x16xf32, #tpu.memory_space<vmem>>
        %parallel_loop3A_1057 = arith.index_cast %parallel_loop3A_694 : i32 to index
        %parallel_loop3A_1058 = arith.constant 0 : index
        %parallel_loop3A_1059 = tpu.vector_load %parallel_loop3A_1056[%parallel_loop3A_1057, %parallel_loop3A_1058] {strides = array<i32>} : memref<64x16xf32, #tpu.memory_space<vmem>>, vector<16xf32>,
        tpu.vector_store %parallel_loop3A_1056[%parallel_loop3A_1057, %parallel_loop3A_1058], %parallel_loop3A_1052 {strides = array<i32>} : memref<64x16xf32, #tpu.memory_space<vmem>>, vector<16xf32>,
      } {sc.loop_unroll_factor = 2 : i64, sc.parallel_access}
      %parallel_loop3A_671 = arith.constant 0 : i32
      %parallel_loop3A_672 = arith.constant 64 : i32
      %parallel_loop3A_673 = arith.constant 1 : i32
      scf.for %parallel_loop3A_694 = %parallel_loop3A_671 to %parallel_loop3A_672 step %parallel_loop3A_673  : i32 {
        %parallel_loop3A_695 = arith.constant 0 : i32
        %parallel_loop3A_696 = arith.constant 0 : i32
        %parallel_loop3A_697 = tpu.memref_slice %arg17[%rem3A_121, %parallel_loop3A_695, %parallel_loop3A_696] : memref<2x64x16xf32, #tpu.memory_space<vmem>> -> memref<1x64x16xf32, #tpu.memory_space<vmem>>
        %parallel_loop3A_698 = tpu.memref_squeeze %parallel_loop3A_697 : memref<1x64x16xf32, #tpu.memory_space<vmem>> -> memref<64x16xf32, #tpu.memory_space<vmem>>
        %parallel_loop3A_699 = arith.index_cast %parallel_loop3A_694 : i32 to index
        %parallel_loop3A_700 = arith.constant 0 : index
        %parallel_loop3A_701 = tpu.vector_load %parallel_loop3A_698[%parallel_loop3A_699, %parallel_loop3A_700] {strides = array<i32>} : memref<64x16xf32, #tpu.memory_space<vmem>>, vector<16xf32>,
        %parallel_loop3A_702 = arith.constant 0 : i32
        %parallel_loop3A_703 = arith.constant 0 : i32
        %parallel_loop3A_704 = tpu.memref_slice %arg14[%rem3A_121, %parallel_loop3A_702, %parallel_loop3A_703] : memref<2x64x256xbf16, #tpu.memory_space<vmem>> -> memref<1x64x256xbf16, #tpu.memory_space<vmem>>
        %parallel_loop3A_705 = tpu.memref_squeeze %parallel_loop3A_704 : memref<1x64x256xbf16, #tpu.memory_space<vmem>> -> memref<64x256xbf16, #tpu.memory_space<vmem>>
        %parallel_loop3A_706 = arith.index_cast %parallel_loop3A_694 : i32 to index
        %parallel_loop3A_707 = arith.constant 0 : index
        %parallel_loop3A_708 = tpu.vector_load %parallel_loop3A_705[%parallel_loop3A_706, %parallel_loop3A_707] {strides = array<i32>} : memref<64x256xbf16, #tpu.memory_space<vmem>>, vector<32xbf16>,
        %parallel_loop3A_709 = tpu.unpack_subelements %parallel_loop3A_708, 0 {pack_format = #tpu.pack_format<interleaved>} : vector<32xbf16> -> vector<16xf32>
        %parallel_loop3A_710 = tpu.unpack_subelements %parallel_loop3A_708, 1 {pack_format = #tpu.pack_format<interleaved>} : vector<32xbf16> -> vector<16xf32>
        %parallel_loop3A_711 = vector.extract_strided_slice %parallel_loop3A_701 {offsets = [0], sizes = [1], strides = [1]} : vector<16xf32> to vector<1xf32>
        %parallel_loop3A_712 = vector.extract %parallel_loop3A_711[0] : f32 from vector<1xf32>
        %parallel_loop3A_713 = vector.broadcast %parallel_loop3A_712 : f32 to vector<16xf32>
        %parallel_loop3A_714 = arith.mulf %parallel_loop3A_713, %parallel_loop3A_709 : vector<16xf32>
        %parallel_loop3A_715 = arith.constant 0 : i32
        %parallel_loop3A_716 = arith.constant 0 : i32
        %parallel_loop3A_717 = tpu.memref_slice %arg16[%rem3A_121, %parallel_loop3A_715, %parallel_loop3A_716] : memref<2x64x256xf32, #tpu.memory_space<vmem>> -> memref<1x64x256xf32, #tpu.memory_space<vmem>>
        %parallel_loop3A_718 = tpu.memref_squeeze %parallel_loop3A_717 : memref<1x64x256xf32, #tpu.memory_space<vmem>> -> memref<64x256xf32, #tpu.memory_space<vmem>>
        %parallel_loop3A_719 = arith.index_cast %parallel_loop3A_694 : i32 to index
        %parallel_loop3A_720 = arith.constant 0 : index
        %parallel_loop3A_721 = tpu.vector_load %parallel_loop3A_718[%parallel_loop3A_719, %parallel_loop3A_720] {strides = array<i32>} : memref<64x256xf32, #tpu.memory_space<vmem>>, vector<16xf32>,
        tpu.vector_store %parallel_loop3A_718[%parallel_loop3A_719, %parallel_loop3A_720], %parallel_loop3A_714 {strides = array<i32>} : memref<64x256xf32, #tpu.memory_space<vmem>>, vector<16xf32>,
        %parallel_loop3A_722 = vector.broadcast %parallel_loop3A_712 : f32 to vector<16xf32>
        %parallel_loop3A_723 = arith.mulf %parallel_loop3A_722, %parallel_loop3A_710 : vector<16xf32>
        %parallel_loop3A_724 = arith.constant 0 : i32
        %parallel_loop3A_725 = arith.constant 0 : i32
        %parallel_loop3A_726 = tpu.memref_slice %arg16[%rem3A_121, %parallel_loop3A_724, %parallel_loop3A_725] : memref<2x64x256xf32, #tpu.memory_space<vmem>> -> memref<1x64x256xf32, #tpu.memory_space<vmem>>
        %parallel_loop3A_727 = tpu.memref_squeeze %parallel_loop3A_726 : memref<1x64x256xf32, #tpu.memory_space<vmem>> -> memref<64x256xf32, #tpu.memory_space<vmem>>
        %parallel_loop3A_728 = arith.index_cast %parallel_loop3A_694 : i32 to index
        %parallel_loop3A_729 = arith.constant 16 : index
        %parallel_loop3A_730 = tpu.vector_load %parallel_loop3A_727[%parallel_loop3A_728, %parallel_loop3A_729] {strides = array<i32>} : memref<64x256xf32, #tpu.memory_space<vmem>>, vector<16xf32>,
        tpu.vector_store %parallel_loop3A_727[%parallel_loop3A_728, %parallel_loop3A_729], %parallel_loop3A_723 {strides = array<i32>} : memref<64x256xf32, #tpu.memory_space<vmem>>, vector<16xf32>,
        %parallel_loop3A_731 = arith.constant 0 : i32
        %parallel_loop3A_732 = arith.constant 0 : i32
        %parallel_loop3A_733 = tpu.memref_slice %arg14[%rem3A_121, %parallel_loop3A_731, %parallel_loop3A_732] : memref<2x64x256xbf16, #tpu.memory_space<vmem>> -> memref<1x64x256xbf16, #tpu.memory_space<vmem>>
        %parallel_loop3A_734 = tpu.memref_squeeze %parallel_loop3A_733 : memref<1x64x256xbf16, #tpu.memory_space<vmem>> -> memref<64x256xbf16, #tpu.memory_space<vmem>>
        %parallel_loop3A_735 = arith.index_cast %parallel_loop3A_694 : i32 to index
        %parallel_loop3A_736 = arith.constant 32 : index
        %parallel_loop3A_737 = tpu.vector_load %parallel_loop3A_734[%parallel_loop3A_735, %parallel_loop3A_736] {strides = array<i32>} : memref<64x256xbf16, #tpu.memory_space<vmem>>, vector<32xbf16>,
        %parallel_loop3A_738 = tpu.unpack_subelements %parallel_loop3A_737, 0 {pack_format = #tpu.pack_format<interleaved>} : vector<32xbf16> -> vector<16xf32>
        %parallel_loop3A_739 = tpu.unpack_subelements %parallel_loop3A_737, 1 {pack_format = #tpu.pack_format<interleaved>} : vector<32xbf16> -> vector<16xf32>
        %parallel_loop3A_740 = vector.extract_strided_slice %parallel_loop3A_701 {offsets = [1], sizes = [1], strides = [1]} : vector<16xf32> to vector<1xf32>
        %parallel_loop3A_741 = vector.extract %parallel_loop3A_740[0] : f32 from vector<1xf32>
        %parallel_loop3A_742 = vector.broadcast %parallel_loop3A_741 : f32 to vector<16xf32>
        %parallel_loop3A_743 = arith.mulf %parallel_loop3A_742, %parallel_loop3A_738 : vector<16xf32>
        %parallel_loop3A_744 = arith.constant 0 : i32
        %parallel_loop3A_745 = arith.constant 0 : i32
        %parallel_loop3A_746 = tpu.memref_slice %arg16[%rem3A_121, %parallel_loop3A_744, %parallel_loop3A_745] : memref<2x64x256xf32, #tpu.memory_space<vmem>> -> memref<1x64x256xf32, #tpu.memory_space<vmem>>
        %parallel_loop3A_747 = tpu.memref_squeeze %parallel_loop3A_746 : memref<1x64x256xf32, #tpu.memory_space<vmem>> -> memref<64x256xf32, #tpu.memory_space<vmem>>
        %parallel_loop3A_748 = arith.index_cast %parallel_loop3A_694 : i32 to index
        %parallel_loop3A_749 = arith.constant 32 : index
        %parallel_loop3A_750 = tpu.vector_load %parallel_loop3A_747[%parallel_loop3A_748, %parallel_loop3A_749] {strides = array<i32>} : memref<64x256xf32, #tpu.memory_space<vmem>>, vector<16xf32>,
        tpu.vector_store %parallel_loop3A_747[%parallel_loop3A_748, %parallel_loop3A_749], %parallel_loop3A_743 {strides = array<i32>} : memref<64x256xf32, #tpu.memory_space<vmem>>, vector<16xf32>,
        %parallel_loop3A_751 = vector.broadcast %parallel_loop3A_741 : f32 to vector<16xf32>
        %parallel_loop3A_752 = arith.mulf %parallel_loop3A_751, %parallel_loop3A_739 : vector<16xf32>
        %parallel_loop3A_753 = arith.constant 0 : i32
        %parallel_loop3A_754 = arith.constant 0 : i32
        %parallel_loop3A_755 = tpu.memref_slice %arg16[%rem3A_121, %parallel_loop3A_753, %parallel_loop3A_754] : memref<2x64x256xf32, #tpu.memory_space<vmem>> -> memref<1x64x256xf32, #tpu.memory_space<vmem>>
        %parallel_loop3A_756 = tpu.memref_squeeze %parallel_loop3A_755 : memref<1x64x256xf32, #tpu.memory_space<vmem>> -> memref<64x256xf32, #tpu.memory_space<vmem>>
        %parallel_loop3A_757 = arith.index_cast %parallel_loop3A_694 : i32 to index
        %parallel_loop3A_758 = arith.constant 48 : index
        %parallel_loop3A_759 = tpu.vector_load %parallel_loop3A_756[%parallel_loop3A_757, %parallel_loop3A_758] {strides = array<i32>} : memref<64x256xf32, #tpu.memory_space<vmem>>, vector<16xf32>,
        tpu.vector_store %parallel_loop3A_756[%parallel_loop3A_757, %parallel_loop3A_758], %parallel_loop3A_752 {strides = array<i32>} : memref<64x256xf32, #tpu.memory_space<vmem>>, vector<16xf32>,
        %parallel_loop3A_760 = arith.constant 0 : i32
        %parallel_loop3A_761 = arith.constant 0 : i32
        %parallel_loop3A_762 = tpu.memref_slice %arg14[%rem3A_121, %parallel_loop3A_760, %parallel_loop3A_761] : memref<2x64x256xbf16, #tpu.memory_space<vmem>> -> memref<1x64x256xbf16, #tpu.memory_space<vmem>>
        %parallel_loop3A_763 = tpu.memref_squeeze %parallel_loop3A_762 : memref<1x64x256xbf16, #tpu.memory_space<vmem>> -> memref<64x256xbf16, #tpu.memory_space<vmem>>
        %parallel_loop3A_764 = arith.index_cast %parallel_loop3A_694 : i32 to index
        %parallel_loop3A_765 = arith.constant 64 : index
        %parallel_loop3A_766 = tpu.vector_load %parallel_loop3A_763[%parallel_loop3A_764, %parallel_loop3A_765] {strides = array<i32>} : memref<64x256xbf16, #tpu.memory_space<vmem>>, vector<32xbf16>,
        %parallel_loop3A_767 = tpu.unpack_subelements %parallel_loop3A_766, 0 {pack_format = #tpu.pack_format<interleaved>} : vector<32xbf16> -> vector<16xf32>
        %parallel_loop3A_768 = tpu.unpack_subelements %parallel_loop3A_766, 1 {pack_format = #tpu.pack_format<interleaved>} : vector<32xbf16> -> vector<16xf32>
        %parallel_loop3A_769 = vector.extract_strided_slice %parallel_loop3A_701 {offsets = [2], sizes = [1], strides = [1]} : vector<16xf32> to vector<1xf32>
        %parallel_loop3A_770 = vector.extract %parallel_loop3A_769[0] : f32 from vector<1xf32>
        %parallel_loop3A_771 = vector.broadcast %parallel_loop3A_770 : f32 to vector<16xf32>
        %parallel_loop3A_772 = arith.mulf %parallel_loop3A_771, %parallel_loop3A_767 : vector<16xf32>
        %parallel_loop3A_773 = arith.constant 0 : i32
        %parallel_loop3A_774 = arith.constant 0 : i32
        %parallel_loop3A_775 = tpu.memref_slice %arg16[%rem3A_121, %parallel_loop3A_773, %parallel_loop3A_774] : memref<2x64x256xf32, #tpu.memory_space<vmem>> -> memref<1x64x256xf32, #tpu.memory_space<vmem>>
        %parallel_loop3A_776 = tpu.memref_squeeze %parallel_loop3A_775 : memref<1x64x256xf32, #tpu.memory_space<vmem>> -> memref<64x256xf32, #tpu.memory_space<vmem>>
        %parallel_loop3A_777 = arith.index_cast %parallel_loop3A_694 : i32 to index
        %parallel_loop3A_778 = arith.constant 64 : index
        %parallel_loop3A_779 = tpu.vector_load %parallel_loop3A_776[%parallel_loop3A_777, %parallel_loop3A_778] {strides = array<i32>} : memref<64x256xf32, #tpu.memory_space<vmem>>, vector<16xf32>,
        tpu.vector_store %parallel_loop3A_776[%parallel_loop3A_777, %parallel_loop3A_778], %parallel_loop3A_772 {strides = array<i32>} : memref<64x256xf32, #tpu.memory_space<vmem>>, vector<16xf32>,
        %parallel_loop3A_780 = vector.broadcast %parallel_loop3A_770 : f32 to vector<16xf32>
        %parallel_loop3A_781 = arith.mulf %parallel_loop3A_780, %parallel_loop3A_768 : vector<16xf32>
        %parallel_loop3A_782 = arith.constant 0 : i32
        %parallel_loop3A_783 = arith.constant 0 : i32
        %parallel_loop3A_784 = tpu.memref_slice %arg16[%rem3A_121, %parallel_loop3A_782, %parallel_loop3A_783] : memref<2x64x256xf32, #tpu.memory_space<vmem>> -> memref<1x64x256xf32, #tpu.memory_space<vmem>>
        %parallel_loop3A_785 = tpu.memref_squeeze %parallel_loop3A_784 : memref<1x64x256xf32, #tpu.memory_space<vmem>> -> memref<64x256xf32, #tpu.memory_space<vmem>>
        %parallel_loop3A_786 = arith.index_cast %parallel_loop3A_694 : i32 to index
        %parallel_loop3A_787 = arith.constant 80 : index
        %parallel_loop3A_788 = tpu.vector_load %parallel_loop3A_785[%parallel_loop3A_786, %parallel_loop3A_787] {strides = array<i32>} : memref<64x256xf32, #tpu.memory_space<vmem>>, vector<16xf32>,
        tpu.vector_store %parallel_loop3A_785[%parallel_loop3A_786, %parallel_loop3A_787], %parallel_loop3A_781 {strides = array<i32>} : memref<64x256xf32, #tpu.memory_space<vmem>>, vector<16xf32>,
        %parallel_loop3A_789 = arith.constant 0 : i32
        %parallel_loop3A_790 = arith.constant 0 : i32
        %parallel_loop3A_791 = tpu.memref_slice %arg14[%rem3A_121, %parallel_loop3A_789, %parallel_loop3A_790] : memref<2x64x256xbf16, #tpu.memory_space<vmem>> -> memref<1x64x256xbf16, #tpu.memory_space<vmem>>
        %parallel_loop3A_792 = tpu.memref_squeeze %parallel_loop3A_791 : memref<1x64x256xbf16, #tpu.memory_space<vmem>> -> memref<64x256xbf16, #tpu.memory_space<vmem>>
        %parallel_loop3A_793 = arith.index_cast %parallel_loop3A_694 : i32 to index
        %parallel_loop3A_794 = arith.constant 96 : index
        %parallel_loop3A_795 = tpu.vector_load %parallel_loop3A_792[%parallel_loop3A_793, %parallel_loop3A_794] {strides = array<i32>} : memref<64x256xbf16, #tpu.memory_space<vmem>>, vector<32xbf16>,
        %parallel_loop3A_796 = tpu.unpack_subelements %parallel_loop3A_795, 0 {pack_format = #tpu.pack_format<interleaved>} : vector<32xbf16> -> vector<16xf32>
        %parallel_loop3A_797 = tpu.unpack_subelements %parallel_loop3A_795, 1 {pack_format = #tpu.pack_format<interleaved>} : vector<32xbf16> -> vector<16xf32>
        %parallel_loop3A_798 = vector.extract_strided_slice %parallel_loop3A_701 {offsets = [3], sizes = [1], strides = [1]} : vector<16xf32> to vector<1xf32>
        %parallel_loop3A_799 = vector.extract %parallel_loop3A_798[0] : f32 from vector<1xf32>
        %parallel_loop3A_800 = vector.broadcast %parallel_loop3A_799 : f32 to vector<16xf32>
        %parallel_loop3A_801 = arith.mulf %parallel_loop3A_800, %parallel_loop3A_796 : vector<16xf32>
        %parallel_loop3A_802 = arith.constant 0 : i32
        %parallel_loop3A_803 = arith.constant 0 : i32
        %parallel_loop3A_804 = tpu.memref_slice %arg16[%rem3A_121, %parallel_loop3A_802, %parallel_loop3A_803] : memref<2x64x256xf32, #tpu.memory_space<vmem>> -> memref<1x64x256xf32, #tpu.memory_space<vmem>>
        %parallel_loop3A_805 = tpu.memref_squeeze %parallel_loop3A_804 : memref<1x64x256xf32, #tpu.memory_space<vmem>> -> memref<64x256xf32, #tpu.memory_space<vmem>>
        %parallel_loop3A_806 = arith.index_cast %parallel_loop3A_694 : i32 to index
        %parallel_loop3A_807 = arith.constant 96 : index
        %parallel_loop3A_808 = tpu.vector_load %parallel_loop3A_805[%parallel_loop3A_806, %parallel_loop3A_807] {strides = array<i32>} : memref<64x256xf32, #tpu.memory_space<vmem>>, vector<16xf32>,
        tpu.vector_store %parallel_loop3A_805[%parallel_loop3A_806, %parallel_loop3A_807], %parallel_loop3A_801 {strides = array<i32>} : memref<64x256xf32, #tpu.memory_space<vmem>>, vector<16xf32>,
        %parallel_loop3A_809 = vector.broadcast %parallel_loop3A_799 : f32 to vector<16xf32>
        %parallel_loop3A_810 = arith.mulf %parallel_loop3A_809, %parallel_loop3A_797 : vector<16xf32>
        %parallel_loop3A_811 = arith.constant 0 : i32
        %parallel_loop3A_812 = arith.constant 0 : i32
        %parallel_loop3A_813 = tpu.memref_slice %arg16[%rem3A_121, %parallel_loop3A_811, %parallel_loop3A_812] : memref<2x64x256xf32, #tpu.memory_space<vmem>> -> memref<1x64x256xf32, #tpu.memory_space<vmem>>
        %parallel_loop3A_814 = tpu.memref_squeeze %parallel_loop3A_813 : memref<1x64x256xf32, #tpu.memory_space<vmem>> -> memref<64x256xf32, #tpu.memory_space<vmem>>
        %parallel_loop3A_815 = arith.index_cast %parallel_loop3A_694 : i32 to index
        %parallel_loop3A_816 = arith.constant 112 : index
        %parallel_loop3A_817 = tpu.vector_load %parallel_loop3A_814[%parallel_loop3A_815, %parallel_loop3A_816] {strides = array<i32>} : memref<64x256xf32, #tpu.memory_space<vmem>>, vector<16xf32>,
        tpu.vector_store %parallel_loop3A_814[%parallel_loop3A_815, %parallel_loop3A_816], %parallel_loop3A_810 {strides = array<i32>} : memref<64x256xf32, #tpu.memory_space<vmem>>, vector<16xf32>,
        %parallel_loop3A_818 = arith.constant 0 : i32
        %parallel_loop3A_819 = arith.constant 0 : i32
        %parallel_loop3A_820 = tpu.memref_slice %arg14[%rem3A_121, %parallel_loop3A_818, %parallel_loop3A_819] : memref<2x64x256xbf16, #tpu.memory_space<vmem>> -> memref<1x64x256xbf16, #tpu.memory_space<vmem>>
        %parallel_loop3A_821 = tpu.memref_squeeze %parallel_loop3A_820 : memref<1x64x256xbf16, #tpu.memory_space<vmem>> -> memref<64x256xbf16, #tpu.memory_space<vmem>>
        %parallel_loop3A_822 = arith.index_cast %parallel_loop3A_694 : i32 to index
        %parallel_loop3A_823 = arith.constant 128 : index
        %parallel_loop3A_824 = tpu.vector_load %parallel_loop3A_821[%parallel_loop3A_822, %parallel_loop3A_823] {strides = array<i32>} : memref<64x256xbf16, #tpu.memory_space<vmem>>, vector<32xbf16>,
        %parallel_loop3A_825 = tpu.unpack_subelements %parallel_loop3A_824, 0 {pack_format = #tpu.pack_format<interleaved>} : vector<32xbf16> -> vector<16xf32>
        %parallel_loop3A_826 = tpu.unpack_subelements %parallel_loop3A_824, 1 {pack_format = #tpu.pack_format<interleaved>} : vector<32xbf16> -> vector<16xf32>
        %parallel_loop3A_827 = vector.extract_strided_slice %parallel_loop3A_701 {offsets = [4], sizes = [1], strides = [1]} : vector<16xf32> to vector<1xf32>
        %parallel_loop3A_828 = vector.extract %parallel_loop3A_827[0] : f32 from vector<1xf32>
        %parallel_loop3A_829 = vector.broadcast %parallel_loop3A_828 : f32 to vector<16xf32>
        %parallel_loop3A_830 = arith.mulf %parallel_loop3A_829, %parallel_loop3A_825 : vector<16xf32>
        %parallel_loop3A_831 = arith.constant 0 : i32
        %parallel_loop3A_832 = arith.constant 0 : i32
        %parallel_loop3A_833 = tpu.memref_slice %arg16[%rem3A_121, %parallel_loop3A_831, %parallel_loop3A_832] : memref<2x64x256xf32, #tpu.memory_space<vmem>> -> memref<1x64x256xf32, #tpu.memory_space<vmem>>
        %parallel_loop3A_834 = tpu.memref_squeeze %parallel_loop3A_833 : memref<1x64x256xf32, #tpu.memory_space<vmem>> -> memref<64x256xf32, #tpu.memory_space<vmem>>
        %parallel_loop3A_835 = arith.index_cast %parallel_loop3A_694 : i32 to index
        %parallel_loop3A_836 = arith.constant 128 : index
        %parallel_loop3A_837 = tpu.vector_load %parallel_loop3A_834[%parallel_loop3A_835, %parallel_loop3A_836] {strides = array<i32>} : memref<64x256xf32, #tpu.memory_space<vmem>>, vector<16xf32>,
        tpu.vector_store %parallel_loop3A_834[%parallel_loop3A_835, %parallel_loop3A_836], %parallel_loop3A_830 {strides = array<i32>} : memref<64x256xf32, #tpu.memory_space<vmem>>, vector<16xf32>,
        %parallel_loop3A_838 = vector.broadcast %parallel_loop3A_828 : f32 to vector<16xf32>
        %parallel_loop3A_839 = arith.mulf %parallel_loop3A_838, %parallel_loop3A_826 : vector<16xf32>
        %parallel_loop3A_840 = arith.constant 0 : i32
        %parallel_loop3A_841 = arith.constant 0 : i32
        %parallel_loop3A_842 = tpu.memref_slice %arg16[%rem3A_121, %parallel_loop3A_840, %parallel_loop3A_841] : memref<2x64x256xf32, #tpu.memory_space<vmem>> -> memref<1x64x256xf32, #tpu.memory_space<vmem>>
        %parallel_loop3A_843 = tpu.memref_squeeze %parallel_loop3A_842 : memref<1x64x256xf32, #tpu.memory_space<vmem>> -> memref<64x256xf32, #tpu.memory_space<vmem>>
        %parallel_loop3A_844 = arith.index_cast %parallel_loop3A_694 : i32 to index
        %parallel_loop3A_845 = arith.constant 144 : index
        %parallel_loop3A_846 = tpu.vector_load %parallel_loop3A_843[%parallel_loop3A_844, %parallel_loop3A_845] {strides = array<i32>} : memref<64x256xf32, #tpu.memory_space<vmem>>, vector<16xf32>,
        tpu.vector_store %parallel_loop3A_843[%parallel_loop3A_844, %parallel_loop3A_845], %parallel_loop3A_839 {strides = array<i32>} : memref<64x256xf32, #tpu.memory_space<vmem>>, vector<16xf32>,
        %parallel_loop3A_847 = arith.constant 0 : i32
        %parallel_loop3A_848 = arith.constant 0 : i32
        %parallel_loop3A_849 = tpu.memref_slice %arg14[%rem3A_121, %parallel_loop3A_847, %parallel_loop3A_848] : memref<2x64x256xbf16, #tpu.memory_space<vmem>> -> memref<1x64x256xbf16, #tpu.memory_space<vmem>>
        %parallel_loop3A_850 = tpu.memref_squeeze %parallel_loop3A_849 : memref<1x64x256xbf16, #tpu.memory_space<vmem>> -> memref<64x256xbf16, #tpu.memory_space<vmem>>
        %parallel_loop3A_851 = arith.index_cast %parallel_loop3A_694 : i32 to index
        %parallel_loop3A_852 = arith.constant 160 : index
        %parallel_loop3A_853 = tpu.vector_load %parallel_loop3A_850[%parallel_loop3A_851, %parallel_loop3A_852] {strides = array<i32>} : memref<64x256xbf16, #tpu.memory_space<vmem>>, vector<32xbf16>,
        %parallel_loop3A_854 = tpu.unpack_subelements %parallel_loop3A_853, 0 {pack_format = #tpu.pack_format<interleaved>} : vector<32xbf16> -> vector<16xf32>
        %parallel_loop3A_855 = tpu.unpack_subelements %parallel_loop3A_853, 1 {pack_format = #tpu.pack_format<interleaved>} : vector<32xbf16> -> vector<16xf32>
        %parallel_loop3A_856 = vector.extract_strided_slice %parallel_loop3A_701 {offsets = [5], sizes = [1], strides = [1]} : vector<16xf32> to vector<1xf32>
        %parallel_loop3A_857 = vector.extract %parallel_loop3A_856[0] : f32 from vector<1xf32>
        %parallel_loop3A_858 = vector.broadcast %parallel_loop3A_857 : f32 to vector<16xf32>
        %parallel_loop3A_859 = arith.mulf %parallel_loop3A_858, %parallel_loop3A_854 : vector<16xf32>
        %parallel_loop3A_860 = arith.constant 0 : i32
        %parallel_loop3A_861 = arith.constant 0 : i32
        %parallel_loop3A_862 = tpu.memref_slice %arg16[%rem3A_121, %parallel_loop3A_860, %parallel_loop3A_861] : memref<2x64x256xf32, #tpu.memory_space<vmem>> -> memref<1x64x256xf32, #tpu.memory_space<vmem>>
        %parallel_loop3A_863 = tpu.memref_squeeze %parallel_loop3A_862 : memref<1x64x256xf32, #tpu.memory_space<vmem>> -> memref<64x256xf32, #tpu.memory_space<vmem>>
        %parallel_loop3A_864 = arith.index_cast %parallel_loop3A_694 : i32 to index
        %parallel_loop3A_865 = arith.constant 160 : index
        %parallel_loop3A_866 = tpu.vector_load %parallel_loop3A_863[%parallel_loop3A_864, %parallel_loop3A_865] {strides = array<i32>} : memref<64x256xf32, #tpu.memory_space<vmem>>, vector<16xf32>,
        tpu.vector_store %parallel_loop3A_863[%parallel_loop3A_864, %parallel_loop3A_865], %parallel_loop3A_859 {strides = array<i32>} : memref<64x256xf32, #tpu.memory_space<vmem>>, vector<16xf32>,
        %parallel_loop3A_867 = vector.broadcast %parallel_loop3A_857 : f32 to vector<16xf32>
        %parallel_loop3A_868 = arith.mulf %parallel_loop3A_867, %parallel_loop3A_855 : vector<16xf32>
        %parallel_loop3A_869 = arith.constant 0 : i32
        %parallel_loop3A_870 = arith.constant 0 : i32
        %parallel_loop3A_871 = tpu.memref_slice %arg16[%rem3A_121, %parallel_loop3A_869, %parallel_loop3A_870] : memref<2x64x256xf32, #tpu.memory_space<vmem>> -> memref<1x64x256xf32, #tpu.memory_space<vmem>>
        %parallel_loop3A_872 = tpu.memref_squeeze %parallel_loop3A_871 : memref<1x64x256xf32, #tpu.memory_space<vmem>> -> memref<64x256xf32, #tpu.memory_space<vmem>>
        %parallel_loop3A_873 = arith.index_cast %parallel_loop3A_694 : i32 to index
        %parallel_loop3A_874 = arith.constant 176 : index
        %parallel_loop3A_875 = tpu.vector_load %parallel_loop3A_872[%parallel_loop3A_873, %parallel_loop3A_874] {strides = array<i32>} : memref<64x256xf32, #tpu.memory_space<vmem>>, vector<16xf32>,
        tpu.vector_store %parallel_loop3A_872[%parallel_loop3A_873, %parallel_loop3A_874], %parallel_loop3A_868 {strides = array<i32>} : memref<64x256xf32, #tpu.memory_space<vmem>>, vector<16xf32>,
        %parallel_loop3A_876 = arith.constant 0 : i32
        %parallel_loop3A_877 = arith.constant 0 : i32
        %parallel_loop3A_878 = tpu.memref_slice %arg14[%rem3A_121, %parallel_loop3A_876, %parallel_loop3A_877] : memref<2x64x256xbf16, #tpu.memory_space<vmem>> -> memref<1x64x256xbf16, #tpu.memory_space<vmem>>
        %parallel_loop3A_879 = tpu.memref_squeeze %parallel_loop3A_878 : memref<1x64x256xbf16, #tpu.memory_space<vmem>> -> memref<64x256xbf16, #tpu.memory_space<vmem>>
        %parallel_loop3A_880 = arith.index_cast %parallel_loop3A_694 : i32 to index
        %parallel_loop3A_881 = arith.constant 192 : index
        %parallel_loop3A_882 = tpu.vector_load %parallel_loop3A_879[%parallel_loop3A_880, %parallel_loop3A_881] {strides = array<i32>} : memref<64x256xbf16, #tpu.memory_space<vmem>>, vector<32xbf16>,
        %parallel_loop3A_883 = tpu.unpack_subelements %parallel_loop3A_882, 0 {pack_format = #tpu.pack_format<interleaved>} : vector<32xbf16> -> vector<16xf32>
        %parallel_loop3A_884 = tpu.unpack_subelements %parallel_loop3A_882, 1 {pack_format = #tpu.pack_format<interleaved>} : vector<32xbf16> -> vector<16xf32>
        %parallel_loop3A_885 = vector.extract_strided_slice %parallel_loop3A_701 {offsets = [6], sizes = [1], strides = [1]} : vector<16xf32> to vector<1xf32>
        %parallel_loop3A_886 = vector.extract %parallel_loop3A_885[0] : f32 from vector<1xf32>
        %parallel_loop3A_887 = vector.broadcast %parallel_loop3A_886 : f32 to vector<16xf32>
        %parallel_loop3A_888 = arith.mulf %parallel_loop3A_887, %parallel_loop3A_883 : vector<16xf32>
        %parallel_loop3A_889 = arith.constant 0 : i32
        %parallel_loop3A_890 = arith.constant 0 : i32
        %parallel_loop3A_891 = tpu.memref_slice %arg16[%rem3A_121, %parallel_loop3A_889, %parallel_loop3A_890] : memref<2x64x256xf32, #tpu.memory_space<vmem>> -> memref<1x64x256xf32, #tpu.memory_space<vmem>>
        %parallel_loop3A_892 = tpu.memref_squeeze %parallel_loop3A_891 : memref<1x64x256xf32, #tpu.memory_space<vmem>> -> memref<64x256xf32, #tpu.memory_space<vmem>>
        %parallel_loop3A_893 = arith.index_cast %parallel_loop3A_694 : i32 to index
        %parallel_loop3A_894 = arith.constant 192 : index
        %parallel_loop3A_895 = tpu.vector_load %parallel_loop3A_892[%parallel_loop3A_893, %parallel_loop3A_894] {strides = array<i32>} : memref<64x256xf32, #tpu.memory_space<vmem>>, vector<16xf32>,
        tpu.vector_store %parallel_loop3A_892[%parallel_loop3A_893, %parallel_loop3A_894], %parallel_loop3A_888 {strides = array<i32>} : memref<64x256xf32, #tpu.memory_space<vmem>>, vector<16xf32>,
        %parallel_loop3A_896 = vector.broadcast %parallel_loop3A_886 : f32 to vector<16xf32>
        %parallel_loop3A_897 = arith.mulf %parallel_loop3A_896, %parallel_loop3A_884 : vector<16xf32>
        %parallel_loop3A_898 = arith.constant 0 : i32
        %parallel_loop3A_899 = arith.constant 0 : i32
        %parallel_loop3A_900 = tpu.memref_slice %arg16[%rem3A_121, %parallel_loop3A_898, %parallel_loop3A_899] : memref<2x64x256xf32, #tpu.memory_space<vmem>> -> memref<1x64x256xf32, #tpu.memory_space<vmem>>
        %parallel_loop3A_901 = tpu.memref_squeeze %parallel_loop3A_900 : memref<1x64x256xf32, #tpu.memory_space<vmem>> -> memref<64x256xf32, #tpu.memory_space<vmem>>
        %parallel_loop3A_902 = arith.index_cast %parallel_loop3A_694 : i32 to index
        %parallel_loop3A_903 = arith.constant 208 : index
        %parallel_loop3A_904 = tpu.vector_load %parallel_loop3A_901[%parallel_loop3A_902, %parallel_loop3A_903] {strides = array<i32>} : memref<64x256xf32, #tpu.memory_space<vmem>>, vector<16xf32>,
        tpu.vector_store %parallel_loop3A_901[%parallel_loop3A_902, %parallel_loop3A_903], %parallel_loop3A_897 {strides = array<i32>} : memref<64x256xf32, #tpu.memory_space<vmem>>, vector<16xf32>,
        %parallel_loop3A_905 = arith.constant 0 : i32
        %parallel_loop3A_906 = arith.constant 0 : i32
        %parallel_loop3A_907 = tpu.memref_slice %arg14[%rem3A_121, %parallel_loop3A_905, %parallel_loop3A_906] : memref<2x64x256xbf16, #tpu.memory_space<vmem>> -> memref<1x64x256xbf16, #tpu.memory_space<vmem>>
        %parallel_loop3A_908 = tpu.memref_squeeze %parallel_loop3A_907 : memref<1x64x256xbf16, #tpu.memory_space<vmem>> -> memref<64x256xbf16, #tpu.memory_space<vmem>>
        %parallel_loop3A_909 = arith.index_cast %parallel_loop3A_694 : i32 to index
        %parallel_loop3A_910 = arith.constant 224 : index
        %parallel_loop3A_911 = tpu.vector_load %parallel_loop3A_908[%parallel_loop3A_909, %parallel_loop3A_910] {strides = array<i32>} : memref<64x256xbf16, #tpu.memory_space<vmem>>, vector<32xbf16>,
        %parallel_loop3A_912 = tpu.unpack_subelements %parallel_loop3A_911, 0 {pack_format = #tpu.pack_format<interleaved>} : vector<32xbf16> -> vector<16xf32>
        %parallel_loop3A_913 = tpu.unpack_subelements %parallel_loop3A_911, 1 {pack_format = #tpu.pack_format<interleaved>} : vector<32xbf16> -> vector<16xf32>
        %parallel_loop3A_914 = vector.extract_strided_slice %parallel_loop3A_701 {offsets = [7], sizes = [1], strides = [1]} : vector<16xf32> to vector<1xf32>
        %parallel_loop3A_915 = vector.extract %parallel_loop3A_914[0] : f32 from vector<1xf32>
        %parallel_loop3A_916 = vector.broadcast %parallel_loop3A_915 : f32 to vector<16xf32>
        %parallel_loop3A_917 = arith.mulf %parallel_loop3A_916, %parallel_loop3A_912 : vector<16xf32>
        %parallel_loop3A_918 = arith.constant 0 : i32
        %parallel_loop3A_919 = arith.constant 0 : i32
        %parallel_loop3A_920 = tpu.memref_slice %arg16[%rem3A_121, %parallel_loop3A_918, %parallel_loop3A_919] : memref<2x64x256xf32, #tpu.memory_space<vmem>> -> memref<1x64x256xf32, #tpu.memory_space<vmem>>
        %parallel_loop3A_921 = tpu.memref_squeeze %parallel_loop3A_920 : memref<1x64x256xf32, #tpu.memory_space<vmem>> -> memref<64x256xf32, #tpu.memory_space<vmem>>
        %parallel_loop3A_922 = arith.index_cast %parallel_loop3A_694 : i32 to index
        %parallel_loop3A_923 = arith.constant 224 : index
        %parallel_loop3A_924 = tpu.vector_load %parallel_loop3A_921[%parallel_loop3A_922, %parallel_loop3A_923] {strides = array<i32>} : memref<64x256xf32, #tpu.memory_space<vmem>>, vector<16xf32>,
        tpu.vector_store %parallel_loop3A_921[%parallel_loop3A_922, %parallel_loop3A_923], %parallel_loop3A_917 {strides = array<i32>} : memref<64x256xf32, #tpu.memory_space<vmem>>, vector<16xf32>,
        %parallel_loop3A_925 = vector.broadcast %parallel_loop3A_915 : f32 to vector<16xf32>
        %parallel_loop3A_926 = arith.mulf %parallel_loop3A_925, %parallel_loop3A_913 : vector<16xf32>
        %parallel_loop3A_927 = arith.constant 0 : i32
        %parallel_loop3A_928 = arith.constant 0 : i32
        %parallel_loop3A_929 = tpu.memref_slice %arg16[%rem3A_121, %parallel_loop3A_927, %parallel_loop3A_928] : memref<2x64x256xf32, #tpu.memory_space<vmem>> -> memref<1x64x256xf32, #tpu.memory_space<vmem>>
        %parallel_loop3A_930 = tpu.memref_squeeze %parallel_loop3A_929 : memref<1x64x256xf32, #tpu.memory_space<vmem>> -> memref<64x256xf32, #tpu.memory_space<vmem>>
        %parallel_loop3A_931 = arith.index_cast %parallel_loop3A_694 : i32 to index
        %parallel_loop3A_932 = arith.constant 240 : index
        %parallel_loop3A_933 = tpu.vector_load %parallel_loop3A_930[%parallel_loop3A_931, %parallel_loop3A_932] {strides = array<i32>} : memref<64x256xf32, #tpu.memory_space<vmem>>, vector<16xf32>,
        tpu.vector_store %parallel_loop3A_930[%parallel_loop3A_931, %parallel_loop3A_932], %parallel_loop3A_926 {strides = array<i32>} : memref<64x256xf32, #tpu.memory_space<vmem>>, vector<16xf32>,
      } {sc.loop_unroll_factor = 2 : i64, sc.parallel_access}
      %dma_start3A_674 = arith.constant 0 : i32
      %dma_start3A_675 = arith.constant 0 : i32
      %dma_start3A_676 = tpu.memref_slice %arg16[%rem3A_121, %dma_start3A_674, %dma_start3A_675] : memref<2x64x256xf32, #tpu.memory_space<vmem>> -> memref<1x64x256xf32, #tpu.memory_space<vmem>>
      %dma_start3A_677 = tpu.memref_squeeze %dma_start3A_676 : memref<1x64x256xf32, #tpu.memory_space<vmem>> -> memref<64x256xf32, #tpu.memory_space<vmem>>
      %dma_start3A_678 = arith.constant 0 : i32
      %dma_start3A_679 = tpu.memref_slice %arg12[%scan3A_120, %dma_start3A_678] : memref<128x64xi32, #tpu.memory_space<vmem>> -> memref<1x64xi32, #tpu.memory_space<vmem>>
      %dma_start3A_680 = tpu.memref_squeeze %dma_start3A_679 : memref<1x64xi32, #tpu.memory_space<vmem>> -> memref<64xi32, #tpu.memory_space<vmem>>
      %dma_start3A_681 = arith.constant 0 : i32
      %dma_start3A_682 = arith.constant 0 : i32
      %dma_start3A_683 = tpu.memref_slice %arg24[%dma_start3A_681, %dma_start3A_682] : memref<2048x256xf32, #tpu.memory_space<vmem_shared>> -> memref<2048x256xf32, #tpu.memory_space<vmem_shared>>
      tpu.enqueue_indirect_dma source(%dma_start3A_677 : memref<64x256xf32, #tpu.memory_space<vmem>>) target(%dma_start3A_683 : memref<2048x256xf32, #tpu.memory_space<vmem_shared>>) offsets(%dma_start3A_680 : memref<64xi32, #tpu.memory_space<vmem>>) semaphore(%arg22 : memref<!tpu.dma_semaphore, #tpu.memory_space<semaphore_mem>>) {add = true}
      %dma_start3A_684 = arith.constant 0 : i32
      %dma_start3A_685 = arith.constant 0 : i32
      %dma_start3A_686 = tpu.memref_slice %arg17[%rem3A_121, %dma_start3A_684, %dma_start3A_685] : memref<2x64x16xf32, #tpu.memory_space<vmem>> -> memref<1x64x16xf32, #tpu.memory_space<vmem>>
      %dma_start3A_687 = tpu.memref_squeeze %dma_start3A_686 : memref<1x64x16xf32, #tpu.memory_space<vmem>> -> memref<64x16xf32, #tpu.memory_space<vmem>>
      %dma_start3A_688 = arith.constant 0 : i32
      %dma_start3A_689 = tpu.memref_slice %arg12[%scan3A_120, %dma_start3A_688] : memref<128x64xi32, #tpu.memory_space<vmem>> -> memref<1x64xi32, #tpu.memory_space<vmem>>
      %dma_start3A_690 = tpu.memref_squeeze %dma_start3A_689 : memref<1x64xi32, #tpu.memory_space<vmem>> -> memref<64xi32, #tpu.memory_space<vmem>>
      %dma_start3A_691 = arith.constant 0 : i32
      %dma_start3A_692 = arith.constant 0 : i32
      %dma_start3A_693 = tpu.memref_slice %arg25[%dma_start3A_691, %dma_start3A_692] : memref<2048x16xf32, #tpu.memory_space<vmem_shared>> -> memref<2048x16xf32, #tpu.memory_space<vmem_shared>>
      tpu.enqueue_indirect_dma source(%dma_start3A_687 : memref<64x16xf32, #tpu.memory_space<vmem>>) target(%dma_start3A_693 : memref<2048x16xf32, #tpu.memory_space<vmem_shared>>) offsets(%dma_start3A_690 : memref<64xi32, #tpu.memory_space<vmem>>) semaphore(%arg23 : memref<!tpu.dma_semaphore, #tpu.memory_space<semaphore_mem>>) {add = true}
    }
    %scan3A_62 = arith.constant 128 : i32
    %dma_wait3A = arith.constant 0 : i32
    %dma_wait3A_63 = arith.constant 126 : i32
    %dma_wait3A_64 = arith.constant 0 : i32
    %dma_wait3A_65 = arith.constant 0 : i32
    %dma_wait3A_66 = tpu.memref_slice %arg16[%dma_wait3A, %dma_wait3A_64, %dma_wait3A_65] : memref<2x64x256xf32, #tpu.memory_space<vmem>> -> memref<1x64x256xf32, #tpu.memory_space<vmem>>
    %dma_wait3A_67 = tpu.memref_squeeze %dma_wait3A_66 : memref<1x64x256xf32, #tpu.memory_space<vmem>> -> memref<64x256xf32, #tpu.memory_space<vmem>>
    %dma_wait3A_68 = arith.constant 0 : i32
    %dma_wait3A_69 = tpu.memref_slice %arg12[%dma_wait3A_63, %dma_wait3A_68] : memref<128x64xi32, #tpu.memory_space<vmem>> -> memref<1x64xi32, #tpu.memory_space<vmem>>
    %dma_wait3A_70 = tpu.memref_squeeze %dma_wait3A_69 : memref<1x64xi32, #tpu.memory_space<vmem>> -> memref<64xi32, #tpu.memory_space<vmem>>
    %dma_wait3A_71 = arith.constant 0 : i32
    %dma_wait3A_72 = arith.constant 0 : i32
    %dma_wait3A_73 = tpu.memref_slice %arg24[%dma_wait3A_71, %dma_wait3A_72] : memref<2048x256xf32, #tpu.memory_space<vmem_shared>> -> memref<2048x256xf32, #tpu.memory_space<vmem_shared>>
    tpu.wait_indirect_dma semaphore(%arg22 : memref<!tpu.dma_semaphore, #tpu.memory_space<semaphore_mem>>) src(%dma_wait3A_67 : memref<64x256xf32, #tpu.memory_space<vmem>>) dst(%dma_wait3A_73 : memref<2048x256xf32, #tpu.memory_space<vmem_shared>>)
    %dma_wait3A_74 = arith.constant 0 : i32
    %dma_wait3A_75 = arith.constant 126 : i32
    %dma_wait3A_76 = arith.constant 0 : i32
    %dma_wait3A_77 = arith.constant 0 : i32
    %dma_wait3A_78 = tpu.memref_slice %arg17[%dma_wait3A_74, %dma_wait3A_76, %dma_wait3A_77] : memref<2x64x16xf32, #tpu.memory_space<vmem>> -> memref<1x64x16xf32, #tpu.memory_space<vmem>>
    %dma_wait3A_79 = tpu.memref_squeeze %dma_wait3A_78 : memref<1x64x16xf32, #tpu.memory_space<vmem>> -> memref<64x16xf32, #tpu.memory_space<vmem>>
    %dma_wait3A_80 = arith.constant 0 : i32
    %dma_wait3A_81 = tpu.memref_slice %arg12[%dma_wait3A_75, %dma_wait3A_80] : memref<128x64xi32, #tpu.memory_space<vmem>> -> memref<1x64xi32, #tpu.memory_space<vmem>>
    %dma_wait3A_82 = tpu.memref_squeeze %dma_wait3A_81 : memref<1x64xi32, #tpu.memory_space<vmem>> -> memref<64xi32, #tpu.memory_space<vmem>>
    %dma_wait3A_83 = arith.constant 0 : i32
    %dma_wait3A_84 = arith.constant 0 : i32
    %dma_wait3A_85 = tpu.memref_slice %arg25[%dma_wait3A_83, %dma_wait3A_84] : memref<2048x16xf32, #tpu.memory_space<vmem_shared>> -> memref<2048x16xf32, #tpu.memory_space<vmem_shared>>
    tpu.wait_indirect_dma semaphore(%arg23 : memref<!tpu.dma_semaphore, #tpu.memory_space<semaphore_mem>>) src(%dma_wait3A_79 : memref<64x16xf32, #tpu.memory_space<vmem>>) dst(%dma_wait3A_85 : memref<2048x16xf32, #tpu.memory_space<vmem_shared>>)
    %dma_wait3A_86 = arith.constant 1 : i32
    %dma_wait3A_87 = arith.constant 127 : i32
    %dma_wait3A_88 = arith.constant 0 : i32
    %dma_wait3A_89 = arith.constant 0 : i32
    %dma_wait3A_90 = tpu.memref_slice %arg16[%dma_wait3A_86, %dma_wait3A_88, %dma_wait3A_89] : memref<2x64x256xf32, #tpu.memory_space<vmem>> -> memref<1x64x256xf32, #tpu.memory_space<vmem>>
    %dma_wait3A_91 = tpu.memref_squeeze %dma_wait3A_90 : memref<1x64x256xf32, #tpu.memory_space<vmem>> -> memref<64x256xf32, #tpu.memory_space<vmem>>
    %dma_wait3A_92 = arith.constant 0 : i32
    %dma_wait3A_93 = tpu.memref_slice %arg12[%dma_wait3A_87, %dma_wait3A_92] : memref<128x64xi32, #tpu.memory_space<vmem>> -> memref<1x64xi32, #tpu.memory_space<vmem>>
    %dma_wait3A_94 = tpu.memref_squeeze %dma_wait3A_93 : memref<1x64xi32, #tpu.memory_space<vmem>> -> memref<64xi32, #tpu.memory_space<vmem>>
    %dma_wait3A_95 = arith.constant 0 : i32
    %dma_wait3A_96 = arith.constant 0 : i32
    %dma_wait3A_97 = tpu.memref_slice %arg24[%dma_wait3A_95, %dma_wait3A_96] : memref<2048x256xf32, #tpu.memory_space<vmem_shared>> -> memref<2048x256xf32, #tpu.memory_space<vmem_shared>>
    tpu.wait_indirect_dma semaphore(%arg22 : memref<!tpu.dma_semaphore, #tpu.memory_space<semaphore_mem>>) src(%dma_wait3A_91 : memref<64x256xf32, #tpu.memory_space<vmem>>) dst(%dma_wait3A_97 : memref<2048x256xf32, #tpu.memory_space<vmem_shared>>)
    %dma_wait3A_98 = arith.constant 1 : i32
    %dma_wait3A_99 = arith.constant 127 : i32
    %dma_wait3A_100 = arith.constant 0 : i32
    %dma_wait3A_101 = arith.constant 0 : i32
    %dma_wait3A_102 = tpu.memref_slice %arg17[%dma_wait3A_98, %dma_wait3A_100, %dma_wait3A_101] : memref<2x64x16xf32, #tpu.memory_space<vmem>> -> memref<1x64x16xf32, #tpu.memory_space<vmem>>
    %dma_wait3A_103 = tpu.memref_squeeze %dma_wait3A_102 : memref<1x64x16xf32, #tpu.memory_space<vmem>> -> memref<64x16xf32, #tpu.memory_space<vmem>>
    %dma_wait3A_104 = arith.constant 0 : i32
    %dma_wait3A_105 = tpu.memref_slice %arg12[%dma_wait3A_99, %dma_wait3A_104] : memref<128x64xi32, #tpu.memory_space<vmem>> -> memref<1x64xi32, #tpu.memory_space<vmem>>
    %dma_wait3A_106 = tpu.memref_squeeze %dma_wait3A_105 : memref<1x64xi32, #tpu.memory_space<vmem>> -> memref<64xi32, #tpu.memory_space<vmem>>
    %dma_wait3A_107 = arith.constant 0 : i32
    %dma_wait3A_108 = arith.constant 0 : i32
    %dma_wait3A_109 = tpu.memref_slice %arg25[%dma_wait3A_107, %dma_wait3A_108] : memref<2048x16xf32, #tpu.memory_space<vmem_shared>> -> memref<2048x16xf32, #tpu.memory_space<vmem_shared>>
    tpu.wait_indirect_dma semaphore(%arg23 : memref<!tpu.dma_semaphore, #tpu.memory_space<semaphore_mem>>) src(%dma_wait3A_103 : memref<64x16xf32, #tpu.memory_space<vmem>>) dst(%dma_wait3A_109 : memref<2048x16xf32, #tpu.memory_space<vmem_shared>>)
    %barrier3A_110 = arith.constant 0 : index
    tpu.barrier barrier_id(%barrier3A_110)
    %mul3A_111 = arith.constant 2048 : i32
    %mul3A_112 = arith.muli %arg0, %mul3A_111 : i32
    %mul3A_113 = arith.constant 128 : i32
    %mul3A_114 = arith.muli %arg1, %mul3A_113 : i32
    %add3A_115 = arith.addi %mul3A_112, %mul3A_114 : i32
    %mul3A_116 = arith.constant 128 : i32
    %mul3A_117 = arith.muli %arg1, %mul3A_116 : i32
    "tpu.region"() ({
      %run_scoped3A_120 = tpu.sem_alloc : memref<!tpu.dma_semaphore, #tpu.memory_space<semaphore_mem>>
      %dma_start3A_121 = arith.constant 0 : i32
      %dma_start3A_122 = tpu.memref_slice %arg9[%add3A_115, %dma_start3A_121] : memref<4096x256xf32, #tpu.memory_space<hbm>> -> memref<128x256xf32, #tpu.memory_space<hbm>>
      %dma_start3A_123 = arith.constant 0 : i32
      %dma_start3A_124 = tpu.memref_slice %arg24[%mul3A_117, %dma_start3A_123] : memref<2048x256xf32, #tpu.memory_space<vmem_shared>> -> memref<128x256xf32, #tpu.memory_space<vmem_shared>>
      tpu.enqueue_dma source(%dma_start3A_124 : memref<128x256xf32, #tpu.memory_space<vmem_shared>>) target(%dma_start3A_122 : memref<128x256xf32, #tpu.memory_space<hbm>>) target_semaphore(%run_scoped3A_120 : memref<!tpu.dma_semaphore, #tpu.memory_space<semaphore_mem>>)
      %dma_wait3A_125 = arith.constant 0 : i32
      %dma_wait3A_126 = tpu.memref_slice %arg9[%add3A_115, %dma_wait3A_125] : memref<4096x256xf32, #tpu.memory_space<hbm>> -> memref<128x256xf32, #tpu.memory_space<hbm>>
      %dma_wait3A_127 = arith.constant 0 : i32
      %dma_wait3A_128 = tpu.memref_slice %arg24[%mul3A_117, %dma_wait3A_127] : memref<2048x256xf32, #tpu.memory_space<vmem_shared>> -> memref<128x256xf32, #tpu.memory_space<vmem_shared>>
      tpu.wait_dma2 semaphore(%run_scoped3A_120 : memref<!tpu.dma_semaphore, #tpu.memory_space<semaphore_mem>>) src(%dma_wait3A_128 : memref<128x256xf32, #tpu.memory_space<vmem_shared>>) dst(%dma_wait3A_126 : memref<128x256xf32, #tpu.memory_space<hbm>>)
      tpu.yield
    }) : () -> ()
    %mul3A_118 = arith.constant 128 : i32
    %mul3A_119 = arith.muli %arg1, %mul3A_118 : i32
    "tpu.region"() ({
      %run_scoped3A_120 = tpu.sem_alloc : memref<!tpu.dma_semaphore, #tpu.memory_space<semaphore_mem>>
      %dma_start3A_121 = arith.constant 0 : i32
      %dma_start3A_122 = tpu.memref_slice %arg10[%add3A_115, %dma_start3A_121] : memref<4096x16xf32, #tpu.memory_space<hbm>> -> memref<128x16xf32, #tpu.memory_space<hbm>>
      %dma_start3A_123 = arith.constant 0 : i32
      %dma_start3A_124 = tpu.memref_slice %arg25[%mul3A_119, %dma_start3A_123] : memref<2048x16xf32, #tpu.memory_space<vmem_shared>> -> memref<128x16xf32, #tpu.memory_space<vmem_shared>>
      tpu.enqueue_dma source(%dma_start3A_124 : memref<128x16xf32, #tpu.memory_space<vmem_shared>>) target(%dma_start3A_122 : memref<128x16xf32, #tpu.memory_space<hbm>>) target_semaphore(%run_scoped3A_120 : memref<!tpu.dma_semaphore, #tpu.memory_space<semaphore_mem>>)
      %dma_wait3A_125 = arith.constant 0 : i32
      %dma_wait3A_126 = tpu.memref_slice %arg10[%add3A_115, %dma_wait3A_125] : memref<4096x16xf32, #tpu.memory_space<hbm>> -> memref<128x16xf32, #tpu.memory_space<hbm>>
      %dma_wait3A_127 = arith.constant 0 : i32
      %dma_wait3A_128 = tpu.memref_slice %arg25[%mul3A_119, %dma_wait3A_127] : memref<2048x16xf32, #tpu.memory_space<vmem_shared>> -> memref<128x16xf32, #tpu.memory_space<vmem_shared>>
      tpu.wait_dma2 semaphore(%run_scoped3A_120 : memref<!tpu.dma_semaphore, #tpu.memory_space<semaphore_mem>>) src(%dma_wait3A_128 : memref<128x16xf32, #tpu.memory_space<vmem_shared>>) dst(%dma_wait3A_126 : memref<128x16xf32, #tpu.memory_space<hbm>>)
      tpu.yield
    }) : () -> ()
    return
  }
}

module attributes {stable_mosaic.version = 14 : i64} {
  func.func @_pre_body(%arg0: memref<2048x256xf32, #tpu.memory_space<vmem>>, %arg1: memref<2048x128xf32, #tpu.memory_space<vmem>>, %arg2: memref<256x256xf32, #tpu.memory_space<vmem>>, %arg3: memref<256xf32, #tpu.memory_space<vmem>>, %arg4: memref<256x256xf32, #tpu.memory_space<vmem>>, %arg5: memref<256x256xf32, #tpu.memory_space<vmem>>, %arg6: memref<256xf32, #tpu.memory_space<vmem>>, %arg7: memref<256x256xf32, #tpu.memory_space<vmem>>, %arg8: memref<256x256xf32, #tpu.memory_space<vmem>>, %arg9: memref<256xf32, #tpu.memory_space<vmem>>, %arg10: memref<2048x256xf32, #tpu.memory_space<vmem>>, %arg11: memref<2048x256xf32, #tpu.memory_space<vmem>>) attributes {dimension_semantics = [], scalar_prefetch = 0 : i64, scratch_operands = 0 : i64, tpu.core_type = #tpu.core_type<tc>} {
    %get3A = arith.constant 0 : index
    %get3A_0 = arith.constant 0 : index
    %get3A_1 = vector.load %arg0[%get3A, %get3A_0] : memref<2048x256xf32, #tpu.memory_space<vmem>>, vector<2048x256xf32>
    %get3A_2 = arith.constant 0 : index
    %get3A_3 = arith.constant 0 : index
    %get3A_4 = vector.load %arg1[%get3A_2, %get3A_3] : memref<2048x128xf32, #tpu.memory_space<vmem>>, vector<2048x128xf32>
    %dot_general3A = arith.constant dense<0.000000e+00> : vector<128x256xf32>
    %dot_general3A_5 = tpu.matmul %get3A_4, %get3A_1, %dot_general3A {dimension_numbers = #tpu.dot_dimension_numbers<[0], [0], [1], [1], [0, 1, 1, 1], [], []>, transpose_lhs_hint = false} : vector<2048x128xf32>, vector<2048x256xf32>, vector<128x256xf32> -> vector<128x256xf32>
    %get3A_6 = arith.constant 0 : index
    %get3A_7 = arith.constant 0 : index
    %get3A_8 = vector.load %arg2[%get3A_6, %get3A_7] : memref<256x256xf32, #tpu.memory_space<vmem>>, vector<256x256xf32>
    %dot_general3A_9 = arith.constant dense<0.000000e+00> : vector<128x256xf32>
    %dot_general3A_10 = tpu.matmul %dot_general3A_5, %get3A_8, %dot_general3A_9 {dimension_numbers = #tpu.dot_dimension_numbers<[1], [0], [0], [1], [0, 0, 1, 1], [], []>, transpose_lhs_hint = false} : vector<128x256xf32>, vector<256x256xf32>, vector<128x256xf32> -> vector<128x256xf32>
    %get3A_11 = arith.constant 0 : index
    %get3A_12 = vector.load %arg3[%get3A_11] : memref<256xf32, #tpu.memory_space<vmem>>, vector<256xf32>
    %broadcast_in_dim3A = vector.shape_cast %get3A_12 : vector<256xf32> to vector<1x256xf32>
    %add3A = vector.broadcast %broadcast_in_dim3A : vector<1x256xf32> to vector<128x256xf32>
    %add3A_13 = arith.addf %dot_general3A_10, %add3A : vector<128x256xf32>
    %dot_general3A_14 = arith.constant dense<0.000000e+00> : vector<2048x256xf32>
    %dot_general3A_15 = tpu.matmul %get3A_4, %add3A_13, %dot_general3A_14 {dimension_numbers = #tpu.dot_dimension_numbers<[1], [0], [0], [1], [0, 0, 1, 1], [], []>, transpose_lhs_hint = false} : vector<2048x128xf32>, vector<128x256xf32>, vector<2048x256xf32> -> vector<2048x256xf32>
    %get3A_16 = arith.constant 0 : index
    %get3A_17 = arith.constant 0 : index
    %get3A_18 = vector.load %arg4[%get3A_16, %get3A_17] : memref<256x256xf32, #tpu.memory_space<vmem>>, vector<256x256xf32>
    %dot_general3A_19 = arith.constant dense<0.000000e+00> : vector<2048x256xf32>
    %dot_general3A_20 = tpu.matmul %get3A_1, %get3A_18, %dot_general3A_19 {dimension_numbers = #tpu.dot_dimension_numbers<[1], [0], [0], [1], [0, 0, 1, 1], [], []>, transpose_lhs_hint = false} : vector<2048x256xf32>, vector<256x256xf32>, vector<2048x256xf32> -> vector<2048x256xf32>
    %get3A_21 = arith.constant 0 : index
    %get3A_22 = arith.constant 0 : index
    %get3A_23 = vector.load %arg5[%get3A_21, %get3A_22] : memref<256x256xf32, #tpu.memory_space<vmem>>, vector<256x256xf32>
    %dot_general3A_24 = arith.constant dense<0.000000e+00> : vector<2048x256xf32>
    %dot_general3A_25 = tpu.matmul %dot_general3A_15, %get3A_23, %dot_general3A_24 {dimension_numbers = #tpu.dot_dimension_numbers<[1], [0], [0], [1], [0, 0, 1, 1], [], []>, transpose_lhs_hint = false} : vector<2048x256xf32>, vector<256x256xf32>, vector<2048x256xf32> -> vector<2048x256xf32>
    %add3A_26 = arith.addf %dot_general3A_20, %dot_general3A_25 : vector<2048x256xf32>
    %get3A_27 = arith.constant 0 : index
    %get3A_28 = vector.load %arg6[%get3A_27] : memref<256xf32, #tpu.memory_space<vmem>>, vector<256xf32>
    %broadcast_in_dim3A_29 = vector.shape_cast %get3A_28 : vector<256xf32> to vector<1x256xf32>
    %add3A_30 = vector.broadcast %broadcast_in_dim3A_29 : vector<1x256xf32> to vector<2048x256xf32>
    %add3A_31 = arith.addf %add3A_26, %add3A_30 : vector<2048x256xf32>
    %swap3A = arith.constant 0 : index
    %swap3A_32 = arith.constant 0 : index
    %swap3A_33 = vector.load %arg10[%swap3A, %swap3A_32] : memref<2048x256xf32, #tpu.memory_space<vmem>>, vector<2048x256xf32>
    tpu.vector_store %arg10[%swap3A, %swap3A_32], %add3A_31 {strides = array<i32>} : memref<2048x256xf32, #tpu.memory_space<vmem>>, vector<2048x256xf32>,
    %get3A_34 = arith.constant 0 : index
    %get3A_35 = arith.constant 0 : index
    %get3A_36 = vector.load %arg7[%get3A_34, %get3A_35] : memref<256x256xf32, #tpu.memory_space<vmem>>, vector<256x256xf32>
    %dot_general3A_37 = arith.constant dense<0.000000e+00> : vector<2048x256xf32>
    %dot_general3A_38 = tpu.matmul %get3A_1, %get3A_36, %dot_general3A_37 {dimension_numbers = #tpu.dot_dimension_numbers<[1], [0], [0], [1], [0, 0, 1, 1], [], []>, transpose_lhs_hint = false} : vector<2048x256xf32>, vector<256x256xf32>, vector<2048x256xf32> -> vector<2048x256xf32>
    %get3A_39 = arith.constant 0 : index
    %get3A_40 = arith.constant 0 : index
    %get3A_41 = vector.load %arg8[%get3A_39, %get3A_40] : memref<256x256xf32, #tpu.memory_space<vmem>>, vector<256x256xf32>
    %dot_general3A_42 = arith.constant dense<0.000000e+00> : vector<2048x256xf32>
    %dot_general3A_43 = tpu.matmul %dot_general3A_15, %get3A_41, %dot_general3A_42 {dimension_numbers = #tpu.dot_dimension_numbers<[1], [0], [0], [1], [0, 0, 1, 1], [], []>, transpose_lhs_hint = false} : vector<2048x256xf32>, vector<256x256xf32>, vector<2048x256xf32> -> vector<2048x256xf32>
    %add3A_44 = arith.addf %dot_general3A_38, %dot_general3A_43 : vector<2048x256xf32>
    %get3A_45 = arith.constant 0 : index
    %get3A_46 = vector.load %arg9[%get3A_45] : memref<256xf32, #tpu.memory_space<vmem>>, vector<256xf32>
    %broadcast_in_dim3A_47 = vector.shape_cast %get3A_46 : vector<256xf32> to vector<1x256xf32>
    %add3A_48 = vector.broadcast %broadcast_in_dim3A_47 : vector<1x256xf32> to vector<2048x256xf32>
    %add3A_49 = arith.addf %add3A_44, %add3A_48 : vector<2048x256xf32>
    %swap3A_50 = arith.constant 0 : index
    %swap3A_51 = arith.constant 0 : index
    %swap3A_52 = vector.load %arg11[%swap3A_50, %swap3A_51] : memref<2048x256xf32, #tpu.memory_space<vmem>>, vector<2048x256xf32>
    tpu.vector_store %arg11[%swap3A_50, %swap3A_51], %add3A_49 {strides = array<i32>} : memref<2048x256xf32, #tpu.memory_space<vmem>>, vector<2048x256xf32>,
    return
  }
}

module attributes {stable_mosaic.version = 14 : i64} {
  func.func @_post_body(%arg0: memref<2048x256xf32, #tpu.memory_space<vmem>>, %arg1: memref<2048x256xf32, #tpu.memory_space<vmem>>, %arg2: memref<2048x256xf32, #tpu.memory_space<vmem>>, %arg3: memref<2048x128xf32, #tpu.memory_space<vmem>>, %arg4: memref<2x2048x256xf32, #tpu.memory_space<vmem>>, %arg5: memref<2x2048x16xf32, #tpu.memory_space<vmem>>, %arg6: memref<1x256xf32, #tpu.memory_space<vmem>>, %arg7: memref<1x256xf32, #tpu.memory_space<vmem>>, %arg8: memref<256xf32, #tpu.memory_space<vmem>>, %arg9: memref<256xf32, #tpu.memory_space<vmem>>, %arg10: memref<256xf32, #tpu.memory_space<vmem>>, %arg11: memref<256x256xf32, #tpu.memory_space<vmem>>, %arg12: memref<256xf32, #tpu.memory_space<vmem>>, %arg13: memref<256xf32, #tpu.memory_space<vmem>>, %arg14: memref<256xf32, #tpu.memory_space<vmem>>, %arg15: memref<256x256xf32, #tpu.memory_space<vmem>>, %arg16: memref<256xf32, #tpu.memory_space<vmem>>, %arg17: memref<256xf32, #tpu.memory_space<vmem>>, %arg18: memref<256xf32, #tpu.memory_space<vmem>>, %arg19: memref<2048x256xf32, #tpu.memory_space<vmem>>) attributes {dimension_semantics = [], scalar_prefetch = 0 : i64, scratch_operands = 0 : i64, tpu.core_type = #tpu.core_type<tc>} {
    %get3A = arith.constant 0 : index
    %get3A_0 = arith.constant 0 : index
    %get3A_1 = vector.load %arg0[%get3A, %get3A_0] : memref<2048x256xf32, #tpu.memory_space<vmem>>, vector<2048x256xf32>
    %get3A_2 = arith.constant 0 : index
    %get3A_3 = arith.constant 0 : index
    %get3A_4 = vector.load %arg1[%get3A_2, %get3A_3] : memref<2048x256xf32, #tpu.memory_space<vmem>>, vector<2048x256xf32>
    %get3A_5 = arith.constant 0 : index
    %get3A_6 = arith.constant 0 : index
    %get3A_7 = vector.load %arg2[%get3A_5, %get3A_6] : memref<2048x256xf32, #tpu.memory_space<vmem>>, vector<2048x256xf32>
    %get3A_8 = arith.constant 0 : index
    %get3A_9 = arith.constant 0 : index
    %get3A_10 = vector.load %arg3[%get3A_8, %get3A_9] : memref<2048x128xf32, #tpu.memory_space<vmem>>, vector<2048x128xf32>
    %reduce_sum3A = vector.shape_cast %get3A_10 : vector<2048x128xf32> to vector<1x2048x128xf32>
    %reduce_sum3A_11 = arith.constant dense<0.000000e+00> : vector<1xf32>
    %reduce_sum3A_12 = vector.multi_reduction <add>, %reduce_sum3A, %reduce_sum3A_11 [1, 2] : vector<1x2048x128xf32> to vector<1xf32>
    %reduce_sum3A_13 = vector.shape_cast %reduce_sum3A_12 : vector<1xf32> to vector<1x1x1xf32>
    %reduce_sum3A_14 = vector.extract %reduce_sum3A_13[0, 0, 0] : f32 from vector<1x1x1xf32>
    %div3A = arith.constant 2.621440e+05 : f32
    %div3A_15 = arith.divf %reduce_sum3A_14, %div3A : f32
    %iota3A = tpu.iota {dimensions = array<i32: 0>} : vector<16x256xi32>
    %iota3A_16 = tpu.iota {dimensions = array<i32: 1>} : vector<16x256xi32>
    %jit3A = arith.constant 32 : i32
    %div3A_17 = vector.broadcast %jit3A : i32 to vector<16x256xi32>
    %div3A_18 = arith.divsi %iota3A_16, %div3A_17 : vector<16x256xi32>
    %sign3A = arith.constant 0 : i32
    %sign3A_19 = vector.broadcast %sign3A : i32 to vector<16x256xi32>
    %sign3A_20 = arith.cmpi sgt, %iota3A_16, %sign3A_19 : vector<16x256xi32>
    %sign3A_21 = arith.extui %sign3A_20 : vector<16x256xi1> to vector<16x256xi32>
    %sign3A_22 = arith.constant 0 : i32
    %sign3A_23 = vector.broadcast %sign3A_22 : i32 to vector<16x256xi32>
    %sign3A_24 = arith.cmpi slt, %iota3A_16, %sign3A_23 : vector<16x256xi32>
    %sign3A_25 = arith.extui %sign3A_24 : vector<16x256xi1> to vector<16x256xi32>
    %sign3A_26 = arith.subi %sign3A_21, %sign3A_25 : vector<16x256xi32>
    %sign3A_27 = arith.constant 0 : i32
    %sign3A_28 = arith.cmpi sgt, %jit3A, %sign3A_27 : i32
    %sign3A_29 = arith.extui %sign3A_28 : i1 to i32
    %sign3A_30 = arith.constant 0 : i32
    %sign3A_31 = arith.cmpi slt, %jit3A, %sign3A_30 : i32
    %sign3A_32 = arith.extui %sign3A_31 : i1 to i32
    %sign3A_33 = arith.subi %sign3A_29, %sign3A_32 : i32
    %ne3A = vector.broadcast %sign3A_33 : i32 to vector<16x256xi32>
    %ne3A_34 = arith.cmpi ne, %sign3A_26, %ne3A : vector<16x256xi32>
    %rem3A = vector.broadcast %jit3A : i32 to vector<16x256xi32>
    %rem3A_35 = arith.remsi %iota3A_16, %rem3A : vector<16x256xi32>
    %ne3A_36 = arith.constant 0 : i32
    %ne3A_37 = vector.broadcast %ne3A_36 : i32 to vector<16x256xi32>
    %ne3A_38 = arith.cmpi ne, %rem3A_35, %ne3A_37 : vector<16x256xi32>
    %and3A = arith.andi %ne3A_34, %ne3A_38 : vector<16x256xi1>
    %sub3A = arith.constant 1 : i32
    %sub3A_39 = vector.broadcast %sub3A : i32 to vector<16x256xi32>
    %sub3A_40 = arith.subi %div3A_18, %sub3A_39 : vector<16x256xi32>
    %select_n3A = arith.select %and3A, %sub3A_40, %div3A_18 : vector<16x256xi1>, vector<16x256xi32>
    %eq3A = arith.cmpi eq, %select_n3A, %iota3A : vector<16x256xi32>
    %convert_element_type3A = arith.extui %eq3A : vector<16x256xi1> to vector<16x256xi32>
    %convert_element_type3A_41 = arith.sitofp %convert_element_type3A : vector<16x256xi32> to vector<16x256xf32>
    %add3A = arith.addf %get3A_4, %get3A_7 : vector<2048x256xf32>
    %get3A_42 = arith.constant 0 : index
    %get3A_43 = arith.constant 0 : index
    %get3A_44 = vector.load %arg6[%get3A_42, %get3A_43] : memref<1x256xf32, #tpu.memory_space<vmem>>, vector<1x256xf32>
    %mul3A = vector.broadcast %div3A_15 : f32 to vector<1x256xf32>
    %mul3A_45 = arith.mulf %mul3A, %get3A_44 : vector<1x256xf32>
    %add3A_46 = vector.broadcast %mul3A_45 : vector<1x256xf32> to vector<2048x256xf32>
    %add3A_47 = arith.addf %add3A, %add3A_46 : vector<2048x256xf32>
    %mul3A_48 = arith.constant 2.000000e-01 : f32
    %mul3A_49 = vector.broadcast %mul3A_48 : f32 to vector<2048x256xf32>
    %mul3A_50 = arith.mulf %mul3A_49, %add3A_47 : vector<2048x256xf32>
    %max3A = arith.maximumf %add3A_47, %mul3A_50 : vector<2048x256xf32>
    %get3A_51 = arith.constant 0 : index
    %get3A_52 = arith.constant 0 : index
    %get3A_53 = vector.load %arg7[%get3A_51, %get3A_52] : memref<1x256xf32, #tpu.memory_space<vmem>>, vector<1x256xf32>
    %mul3A_54 = vector.broadcast %get3A_53 : vector<1x256xf32> to vector<2048x256xf32>
    %mul3A_55 = arith.mulf %max3A, %mul3A_54 : vector<2048x256xf32>
    %dot_general3A = arith.constant dense<0.000000e+00> : vector<2048x16xf32>
    %dot_general3A_56 = tpu.matmul %mul3A_55, %convert_element_type3A_41, %dot_general3A {dimension_numbers = #tpu.dot_dimension_numbers<[1], [1], [0], [0], [0, 0, 1, 0], [], []>, transpose_lhs_hint = false} : vector<2048x256xf32>, vector<16x256xf32>, vector<2048x16xf32> -> vector<2048x16xf32>
    %exp3A = math.exp %dot_general3A_56 : vector<2048x16xf32>
    %get3A_57 = arith.constant 0 : index
    %get3A_58 = arith.constant 0 : index
    %get3A_59 = arith.constant 0 : index
    %get3A_60 = vector.load %arg5[%get3A_57, %get3A_58, %get3A_59] : memref<2x2048x16xf32, #tpu.memory_space<vmem>>, vector<1x2048x16xf32>
    %get3A_61 = vector.shape_cast %get3A_60 : vector<1x2048x16xf32> to vector<2048x16xf32>
    %get3A_62 = arith.constant 1 : index
    %get3A_63 = arith.constant 0 : index
    %get3A_64 = arith.constant 0 : index
    %get3A_65 = vector.load %arg5[%get3A_62, %get3A_63, %get3A_64] : memref<2x2048x16xf32, #tpu.memory_space<vmem>>, vector<1x2048x16xf32>
    %get3A_66 = vector.shape_cast %get3A_65 : vector<1x2048x16xf32> to vector<2048x16xf32>
    %add3A_67 = arith.addf %get3A_61, %get3A_66 : vector<2048x16xf32>
    %add3A_68 = arith.addf %add3A_67, %exp3A : vector<2048x16xf32>
    %get3A_69 = arith.constant 0 : index
    %get3A_70 = arith.constant 0 : index
    %get3A_71 = arith.constant 0 : index
    %get3A_72 = vector.load %arg4[%get3A_69, %get3A_70, %get3A_71] : memref<2x2048x256xf32, #tpu.memory_space<vmem>>, vector<1x2048x256xf32>
    %get3A_73 = vector.shape_cast %get3A_72 : vector<1x2048x256xf32> to vector<2048x256xf32>
    %get3A_74 = arith.constant 1 : index
    %get3A_75 = arith.constant 0 : index
    %get3A_76 = arith.constant 0 : index
    %get3A_77 = vector.load %arg4[%get3A_74, %get3A_75, %get3A_76] : memref<2x2048x256xf32, #tpu.memory_space<vmem>>, vector<1x2048x256xf32>
    %get3A_78 = vector.shape_cast %get3A_77 : vector<1x2048x256xf32> to vector<2048x256xf32>
    %add3A_79 = arith.addf %get3A_73, %get3A_78 : vector<2048x256xf32>
    %dot_general3A_80 = arith.constant dense<0.000000e+00> : vector<2048x256xf32>
    %dot_general3A_81 = tpu.matmul %exp3A, %convert_element_type3A_41, %dot_general3A_80 {dimension_numbers = #tpu.dot_dimension_numbers<[1], [0], [0], [1], [0, 0, 1, 1], [], []>, transpose_lhs_hint = false} : vector<2048x16xf32>, vector<16x256xf32>, vector<2048x256xf32> -> vector<2048x256xf32>
    %mul3A_82 = arith.mulf %dot_general3A_81, %get3A_4 : vector<2048x256xf32>
    %add3A_83 = arith.addf %add3A_79, %mul3A_82 : vector<2048x256xf32>
    %add3A_84 = arith.constant 1.000000e-16 : f32
    %add3A_85 = vector.broadcast %add3A_84 : f32 to vector<2048x16xf32>
    %add3A_86 = arith.addf %add3A_68, %add3A_85 : vector<2048x16xf32>
    %div3A_87 = arith.constant 1.000000e+00 : f32
    %div3A_88 = vector.broadcast %div3A_87 : f32 to vector<2048x16xf32>
    %div3A_89 = arith.divf %div3A_88, %add3A_86 : vector<2048x16xf32>
    %dot_general3A_90 = arith.constant dense<0.000000e+00> : vector<2048x256xf32>
    %dot_general3A_91 = tpu.matmul %div3A_89, %convert_element_type3A_41, %dot_general3A_90 {dimension_numbers = #tpu.dot_dimension_numbers<[1], [0], [0], [1], [0, 0, 1, 1], [], []>, transpose_lhs_hint = false} : vector<2048x16xf32>, vector<16x256xf32>, vector<2048x256xf32> -> vector<2048x256xf32>
    %mul3A_92 = arith.mulf %add3A_83, %dot_general3A_91 : vector<2048x256xf32>
    %get3A_93 = arith.constant 0 : index
    %get3A_94 = vector.load %arg8[%get3A_93] : memref<256xf32, #tpu.memory_space<vmem>>, vector<256xf32>
    %broadcast_in_dim3A = vector.shape_cast %get3A_94 : vector<256xf32> to vector<1x256xf32>
    %add3A_95 = vector.broadcast %broadcast_in_dim3A : vector<1x256xf32> to vector<2048x256xf32>
    %add3A_96 = arith.addf %mul3A_92, %add3A_95 : vector<2048x256xf32>
    %max3A_97 = arith.constant 0.000000e+00 : f32
    %max3A_98 = vector.broadcast %max3A_97 : f32 to vector<2048x256xf32>
    %max3A_99 = arith.maximumf %add3A_96, %max3A_98 : vector<2048x256xf32>
    %add3A_100 = arith.addf %get3A_1, %max3A_99 : vector<2048x256xf32>
    %get3A_101 = arith.constant 0 : index
    %get3A_102 = vector.load %arg9[%get3A_101] : memref<256xf32, #tpu.memory_space<vmem>>, vector<256xf32>
    %get3A_103 = arith.constant 0 : index
    %get3A_104 = vector.load %arg10[%get3A_103] : memref<256xf32, #tpu.memory_space<vmem>>, vector<256xf32>
    %reduce_sum3A_105 = vector.shape_cast %add3A_100 : vector<2048x256xf32> to vector<1x2048x256xf32>
    %reduce_sum3A_106 = arith.constant dense<0.000000e+00> : vector<1xf32>
    %reduce_sum3A_107 = vector.multi_reduction <add>, %reduce_sum3A_105, %reduce_sum3A_106 [1, 2] : vector<1x2048x256xf32> to vector<1xf32>
    %reduce_sum3A_108 = vector.shape_cast %reduce_sum3A_107 : vector<1xf32> to vector<1x1x1xf32>
    %reduce_sum3A_109 = vector.extract %reduce_sum3A_108[0, 0, 0] : f32 from vector<1x1x1xf32>
    %div3A_110 = arith.constant 5.242880e+05 : f32
    %div3A_111 = arith.divf %reduce_sum3A_109, %div3A_110 : f32
    %jit3A_112 = arith.constant 0 : i32
    %reduce_sum3A_113 = vector.shape_cast %add3A_100 : vector<2048x256xf32> to vector<1x2048x256xf32>
    %reduce_sum3A_114 = arith.constant dense<0.000000e+00> : vector<1xf32>
    %reduce_sum3A_115 = vector.multi_reduction <add>, %reduce_sum3A_113, %reduce_sum3A_114 [1, 2] : vector<1x2048x256xf32> to vector<1xf32>
    %reduce_sum3A_116 = vector.shape_cast %reduce_sum3A_115 : vector<1xf32> to vector<1x1x1xf32>
    %reduce_sum3A_117 = vector.extract %reduce_sum3A_116[0, 0, 0] : f32 from vector<1x1x1xf32>
    %broadcast_in_dim3A_118 = vector.broadcast %reduce_sum3A_117 : f32 to vector<1x1xf32>
    %div3A_119 = arith.constant 5.242880e+05 : f32
    %div3A_120 = vector.broadcast %div3A_119 : f32 to vector<1x1xf32>
    %div3A_121 = arith.divf %broadcast_in_dim3A_118, %div3A_120 : vector<1x1xf32>
    %sub3A_122 = vector.broadcast %div3A_121 : vector<1x1xf32> to vector<2048x256xf32>
    %sub3A_123 = arith.subf %add3A_100, %sub3A_122 : vector<2048x256xf32>
    %square3A = arith.mulf %sub3A_123, %sub3A_123 : vector<2048x256xf32>
    %convert_element_type3A_124 = arith.sitofp %jit3A_112 : i32 to f32
    %sub3A_125 = arith.constant 5.242880e+05 : f32
    %sub3A_126 = arith.subf %sub3A_125, %convert_element_type3A_124 : f32
    %reduce_sum3A_127 = vector.shape_cast %square3A : vector<2048x256xf32> to vector<1x2048x256xf32>
    %reduce_sum3A_128 = arith.constant dense<0.000000e+00> : vector<1xf32>
    %reduce_sum3A_129 = vector.multi_reduction <add>, %reduce_sum3A_127, %reduce_sum3A_128 [1, 2] : vector<1x2048x256xf32> to vector<1xf32>
    %reduce_sum3A_130 = vector.shape_cast %reduce_sum3A_129 : vector<1xf32> to vector<1x1x1xf32>
    %reduce_sum3A_131 = vector.extract %reduce_sum3A_130[0, 0, 0] : f32 from vector<1x1x1xf32>
    %div3A_132 = arith.divf %reduce_sum3A_131, %sub3A_126 : f32
    %gt3A = arith.constant 0.000000e+00 : f32
    %gt3A_133 = arith.cmpf ogt, %sub3A_126, %gt3A : f32
    %jit3A_134 = arith.constant 0x7FC00000 : f32
    %select_n3A_135 = arith.select %gt3A_133, %div3A_132, %jit3A_134 : f32
    %sqrt3A = math.sqrt %select_n3A_135 : f32
    %sub3A_136 = vector.broadcast %div3A_111 : f32 to vector<2048x256xf32>
    %sub3A_137 = arith.subf %add3A_100, %sub3A_136 : vector<2048x256xf32>
    %add3A_138 = arith.constant 9.99999974E-6 : f32
    %add3A_139 = arith.addf %sqrt3A, %add3A_138 : f32
    %div3A_140 = vector.broadcast %add3A_139 : f32 to vector<2048x256xf32>
    %div3A_141 = arith.divf %sub3A_137, %div3A_140 : vector<2048x256xf32>
    %broadcast_in_dim3A_142 = vector.shape_cast %get3A_102 : vector<256xf32> to vector<1x256xf32>
    %mul3A_143 = vector.broadcast %broadcast_in_dim3A_142 : vector<1x256xf32> to vector<2048x256xf32>
    %mul3A_144 = arith.mulf %div3A_141, %mul3A_143 : vector<2048x256xf32>
    %broadcast_in_dim3A_145 = vector.shape_cast %get3A_104 : vector<256xf32> to vector<1x256xf32>
    %add3A_146 = vector.broadcast %broadcast_in_dim3A_145 : vector<1x256xf32> to vector<2048x256xf32>
    %add3A_147 = arith.addf %mul3A_144, %add3A_146 : vector<2048x256xf32>
    %get3A_148 = arith.constant 0 : index
    %get3A_149 = arith.constant 0 : index
    %get3A_150 = vector.load %arg11[%get3A_148, %get3A_149] : memref<256x256xf32, #tpu.memory_space<vmem>>, vector<256x256xf32>
    %dot_general3A_151 = arith.constant dense<0.000000e+00> : vector<2048x256xf32>
    %dot_general3A_152 = tpu.matmul %add3A_147, %get3A_150, %dot_general3A_151 {dimension_numbers = #tpu.dot_dimension_numbers<[1], [0], [0], [1], [0, 0, 1, 1], [], []>, transpose_lhs_hint = false} : vector<2048x256xf32>, vector<256x256xf32>, vector<2048x256xf32> -> vector<2048x256xf32>
    %add3A_153 = arith.addf %add3A_147, %dot_general3A_152 : vector<2048x256xf32>
    %get3A_154 = arith.constant 0 : index
    %get3A_155 = vector.load %arg12[%get3A_154] : memref<256xf32, #tpu.memory_space<vmem>>, vector<256xf32>
    %broadcast_in_dim3A_156 = vector.shape_cast %get3A_155 : vector<256xf32> to vector<1x256xf32>
    %add3A_157 = vector.broadcast %broadcast_in_dim3A_156 : vector<1x256xf32> to vector<2048x256xf32>
    %add3A_158 = arith.addf %add3A_153, %add3A_157 : vector<2048x256xf32>
    %get3A_159 = arith.constant 0 : index
    %get3A_160 = vector.load %arg13[%get3A_159] : memref<256xf32, #tpu.memory_space<vmem>>, vector<256xf32>
    %get3A_161 = arith.constant 0 : index
    %get3A_162 = vector.load %arg14[%get3A_161] : memref<256xf32, #tpu.memory_space<vmem>>, vector<256xf32>
    %reduce_sum3A_163 = vector.shape_cast %add3A_158 : vector<2048x256xf32> to vector<1x2048x256xf32>
    %reduce_sum3A_164 = arith.constant dense<0.000000e+00> : vector<1xf32>
    %reduce_sum3A_165 = vector.multi_reduction <add>, %reduce_sum3A_163, %reduce_sum3A_164 [1, 2] : vector<1x2048x256xf32> to vector<1xf32>
    %reduce_sum3A_166 = vector.shape_cast %reduce_sum3A_165 : vector<1xf32> to vector<1x1x1xf32>
    %reduce_sum3A_167 = vector.extract %reduce_sum3A_166[0, 0, 0] : f32 from vector<1x1x1xf32>
    %div3A_168 = arith.constant 5.242880e+05 : f32
    %div3A_169 = arith.divf %reduce_sum3A_167, %div3A_168 : f32
    %jit3A_170 = arith.constant 0 : i32
    %reduce_sum3A_171 = vector.shape_cast %add3A_158 : vector<2048x256xf32> to vector<1x2048x256xf32>
    %reduce_sum3A_172 = arith.constant dense<0.000000e+00> : vector<1xf32>
    %reduce_sum3A_173 = vector.multi_reduction <add>, %reduce_sum3A_171, %reduce_sum3A_172 [1, 2] : vector<1x2048x256xf32> to vector<1xf32>
    %reduce_sum3A_174 = vector.shape_cast %reduce_sum3A_173 : vector<1xf32> to vector<1x1x1xf32>
    %reduce_sum3A_175 = vector.extract %reduce_sum3A_174[0, 0, 0] : f32 from vector<1x1x1xf32>
    %broadcast_in_dim3A_176 = vector.broadcast %reduce_sum3A_175 : f32 to vector<1x1xf32>
    %div3A_177 = arith.constant 5.242880e+05 : f32
    %div3A_178 = vector.broadcast %div3A_177 : f32 to vector<1x1xf32>
    %div3A_179 = arith.divf %broadcast_in_dim3A_176, %div3A_178 : vector<1x1xf32>
    %sub3A_180 = vector.broadcast %div3A_179 : vector<1x1xf32> to vector<2048x256xf32>
    %sub3A_181 = arith.subf %add3A_158, %sub3A_180 : vector<2048x256xf32>
    %square3A_182 = arith.mulf %sub3A_181, %sub3A_181 : vector<2048x256xf32>
    %convert_element_type3A_183 = arith.sitofp %jit3A_170 : i32 to f32
    %sub3A_184 = arith.constant 5.242880e+05 : f32
    %sub3A_185 = arith.subf %sub3A_184, %convert_element_type3A_183 : f32
    %reduce_sum3A_186 = vector.shape_cast %square3A_182 : vector<2048x256xf32> to vector<1x2048x256xf32>
    %reduce_sum3A_187 = arith.constant dense<0.000000e+00> : vector<1xf32>
    %reduce_sum3A_188 = vector.multi_reduction <add>, %reduce_sum3A_186, %reduce_sum3A_187 [1, 2] : vector<1x2048x256xf32> to vector<1xf32>
    %reduce_sum3A_189 = vector.shape_cast %reduce_sum3A_188 : vector<1xf32> to vector<1x1x1xf32>
    %reduce_sum3A_190 = vector.extract %reduce_sum3A_189[0, 0, 0] : f32 from vector<1x1x1xf32>
    %div3A_191 = arith.divf %reduce_sum3A_190, %sub3A_185 : f32
    %gt3A_192 = arith.constant 0.000000e+00 : f32
    %gt3A_193 = arith.cmpf ogt, %sub3A_185, %gt3A_192 : f32
    %jit3A_194 = arith.constant 0x7FC00000 : f32
    %select_n3A_195 = arith.select %gt3A_193, %div3A_191, %jit3A_194 : f32
    %sqrt3A_196 = math.sqrt %select_n3A_195 : f32
    %sub3A_197 = vector.broadcast %div3A_169 : f32 to vector<2048x256xf32>
    %sub3A_198 = arith.subf %add3A_158, %sub3A_197 : vector<2048x256xf32>
    %add3A_199 = arith.constant 9.99999974E-6 : f32
    %add3A_200 = arith.addf %sqrt3A_196, %add3A_199 : f32
    %div3A_201 = vector.broadcast %add3A_200 : f32 to vector<2048x256xf32>
    %div3A_202 = arith.divf %sub3A_198, %div3A_201 : vector<2048x256xf32>
    %broadcast_in_dim3A_203 = vector.shape_cast %get3A_160 : vector<256xf32> to vector<1x256xf32>
    %mul3A_204 = vector.broadcast %broadcast_in_dim3A_203 : vector<1x256xf32> to vector<2048x256xf32>
    %mul3A_205 = arith.mulf %div3A_202, %mul3A_204 : vector<2048x256xf32>
    %broadcast_in_dim3A_206 = vector.shape_cast %get3A_162 : vector<256xf32> to vector<1x256xf32>
    %add3A_207 = vector.broadcast %broadcast_in_dim3A_206 : vector<1x256xf32> to vector<2048x256xf32>
    %add3A_208 = arith.addf %mul3A_205, %add3A_207 : vector<2048x256xf32>
    %get3A_209 = arith.constant 0 : index
    %get3A_210 = arith.constant 0 : index
    %get3A_211 = vector.load %arg15[%get3A_209, %get3A_210] : memref<256x256xf32, #tpu.memory_space<vmem>>, vector<256x256xf32>
    %dot_general3A_212 = arith.constant dense<0.000000e+00> : vector<2048x256xf32>
    %dot_general3A_213 = tpu.matmul %add3A_208, %get3A_211, %dot_general3A_212 {dimension_numbers = #tpu.dot_dimension_numbers<[1], [0], [0], [1], [0, 0, 1, 1], [], []>, transpose_lhs_hint = false} : vector<2048x256xf32>, vector<256x256xf32>, vector<2048x256xf32> -> vector<2048x256xf32>
    %add3A_214 = arith.addf %add3A_208, %dot_general3A_213 : vector<2048x256xf32>
    %get3A_215 = arith.constant 0 : index
    %get3A_216 = vector.load %arg16[%get3A_215] : memref<256xf32, #tpu.memory_space<vmem>>, vector<256xf32>
    %broadcast_in_dim3A_217 = vector.shape_cast %get3A_216 : vector<256xf32> to vector<1x256xf32>
    %add3A_218 = vector.broadcast %broadcast_in_dim3A_217 : vector<1x256xf32> to vector<2048x256xf32>
    %add3A_219 = arith.addf %add3A_214, %add3A_218 : vector<2048x256xf32>
    %get3A_220 = arith.constant 0 : index
    %get3A_221 = vector.load %arg17[%get3A_220] : memref<256xf32, #tpu.memory_space<vmem>>, vector<256xf32>
    %get3A_222 = arith.constant 0 : index
    %get3A_223 = vector.load %arg18[%get3A_222] : memref<256xf32, #tpu.memory_space<vmem>>, vector<256xf32>
    %reduce_sum3A_224 = vector.shape_cast %add3A_219 : vector<2048x256xf32> to vector<1x2048x256xf32>
    %reduce_sum3A_225 = arith.constant dense<0.000000e+00> : vector<1xf32>
    %reduce_sum3A_226 = vector.multi_reduction <add>, %reduce_sum3A_224, %reduce_sum3A_225 [1, 2] : vector<1x2048x256xf32> to vector<1xf32>
    %reduce_sum3A_227 = vector.shape_cast %reduce_sum3A_226 : vector<1xf32> to vector<1x1x1xf32>
    %reduce_sum3A_228 = vector.extract %reduce_sum3A_227[0, 0, 0] : f32 from vector<1x1x1xf32>
    %div3A_229 = arith.constant 5.242880e+05 : f32
    %div3A_230 = arith.divf %reduce_sum3A_228, %div3A_229 : f32
    %jit3A_231 = arith.constant 0 : i32
    %reduce_sum3A_232 = vector.shape_cast %add3A_219 : vector<2048x256xf32> to vector<1x2048x256xf32>
    %reduce_sum3A_233 = arith.constant dense<0.000000e+00> : vector<1xf32>
    %reduce_sum3A_234 = vector.multi_reduction <add>, %reduce_sum3A_232, %reduce_sum3A_233 [1, 2] : vector<1x2048x256xf32> to vector<1xf32>
    %reduce_sum3A_235 = vector.shape_cast %reduce_sum3A_234 : vector<1xf32> to vector<1x1x1xf32>
    %reduce_sum3A_236 = vector.extract %reduce_sum3A_235[0, 0, 0] : f32 from vector<1x1x1xf32>
    %broadcast_in_dim3A_237 = vector.broadcast %reduce_sum3A_236 : f32 to vector<1x1xf32>
    %div3A_238 = arith.constant 5.242880e+05 : f32
    %div3A_239 = vector.broadcast %div3A_238 : f32 to vector<1x1xf32>
    %div3A_240 = arith.divf %broadcast_in_dim3A_237, %div3A_239 : vector<1x1xf32>
    %sub3A_241 = vector.broadcast %div3A_240 : vector<1x1xf32> to vector<2048x256xf32>
    %sub3A_242 = arith.subf %add3A_219, %sub3A_241 : vector<2048x256xf32>
    %square3A_243 = arith.mulf %sub3A_242, %sub3A_242 : vector<2048x256xf32>
    %convert_element_type3A_244 = arith.sitofp %jit3A_231 : i32 to f32
    %sub3A_245 = arith.constant 5.242880e+05 : f32
    %sub3A_246 = arith.subf %sub3A_245, %convert_element_type3A_244 : f32
    %reduce_sum3A_247 = vector.shape_cast %square3A_243 : vector<2048x256xf32> to vector<1x2048x256xf32>
    %reduce_sum3A_248 = arith.constant dense<0.000000e+00> : vector<1xf32>
    %reduce_sum3A_249 = vector.multi_reduction <add>, %reduce_sum3A_247, %reduce_sum3A_248 [1, 2] : vector<1x2048x256xf32> to vector<1xf32>
    %reduce_sum3A_250 = vector.shape_cast %reduce_sum3A_249 : vector<1xf32> to vector<1x1x1xf32>
    %reduce_sum3A_251 = vector.extract %reduce_sum3A_250[0, 0, 0] : f32 from vector<1x1x1xf32>
    %div3A_252 = arith.divf %reduce_sum3A_251, %sub3A_246 : f32
    %gt3A_253 = arith.constant 0.000000e+00 : f32
    %gt3A_254 = arith.cmpf ogt, %sub3A_246, %gt3A_253 : f32
    %jit3A_255 = arith.constant 0x7FC00000 : f32
    %select_n3A_256 = arith.select %gt3A_254, %div3A_252, %jit3A_255 : f32
    %sqrt3A_257 = math.sqrt %select_n3A_256 : f32
    %sub3A_258 = vector.broadcast %div3A_230 : f32 to vector<2048x256xf32>
    %sub3A_259 = arith.subf %add3A_219, %sub3A_258 : vector<2048x256xf32>
    %add3A_260 = arith.constant 9.99999974E-6 : f32
    %add3A_261 = arith.addf %sqrt3A_257, %add3A_260 : f32
    %div3A_262 = vector.broadcast %add3A_261 : f32 to vector<2048x256xf32>
    %div3A_263 = arith.divf %sub3A_259, %div3A_262 : vector<2048x256xf32>
    %broadcast_in_dim3A_264 = vector.shape_cast %get3A_221 : vector<256xf32> to vector<1x256xf32>
    %mul3A_265 = vector.broadcast %broadcast_in_dim3A_264 : vector<1x256xf32> to vector<2048x256xf32>
    %mul3A_266 = arith.mulf %div3A_263, %mul3A_265 : vector<2048x256xf32>
    %broadcast_in_dim3A_267 = vector.shape_cast %get3A_223 : vector<256xf32> to vector<1x256xf32>
    %add3A_268 = vector.broadcast %broadcast_in_dim3A_267 : vector<1x256xf32> to vector<2048x256xf32>
    %add3A_269 = arith.addf %mul3A_266, %add3A_268 : vector<2048x256xf32>
    %swap3A = arith.constant 0 : index
    %swap3A_270 = arith.constant 0 : index
    %swap3A_271 = vector.load %arg19[%swap3A, %swap3A_270] : memref<2048x256xf32, #tpu.memory_space<vmem>>, vector<2048x256xf32>
    tpu.vector_store %arg19[%swap3A, %swap3A_270], %add3A_269 {strides = array<i32>} : memref<2048x256xf32, #tpu.memory_space<vmem>>, vector<2048x256xf32>,
    return
  }
}

</mosaic_0001>

<sc_bundles>
// kernel: kernel.5.cloned.1.call-start
scs
__scs_entry_jumppad:
0x0: {  	(pc) =	sbr.rel $0x88, $3  }
0x1: {  	(tag) =	ssettag $0x0;
	lr =	simm.s32 $0x1  }
0x2: {  	[smem:$0x3F8A] =	sst lr;
	_ =	strace $0xD0000000  }
0x3: {  	_ = 	snop  }
0x4: {  	_ = 	snop  }
0x5: {  	_ = 	snop  }
0x6: {  	_ = 	snop  }
0x7: {  	_ = 	snop  }
__scs_overlays_trampoline_lowered:
0x8: {  	[smem:$0x3F99] =	sst s0  }
0x9: {  	[smem:$0x3F9A] =	sst s1  }
0xa: {  	[smem:$0x3F9B] =	sst s2  }
0xb: {  	[smem:$0x3F9C] =	sst s3  }
0xc: {  	[smem:$0x3F9D] =	sst s4  }
0xd: {  	[smem:$0x3F9E] =	sst s5  }
0xe: {  	[smem:$0x3F9F] =	sst s6  }
0xf: {  	[smem:$0x3FA0] =	sst s7  }
0x10: {  	[smem:$0x3FA1] =	sst s8  }
0x11: {  	[smem:$0x3FA2] =	sst s9;
	s0 =	simm.s32 @!p0 $0x0  }
0x12: {  	s1 =	sld [smem:$0x3F88];
	s0 =	simm.s32 @p0 $0x1  }
0x13: {  	[smem:$0x3FA3] =	sst s0;
	s0 =	simm.s32 @!p1 $0x0  }
0x14: {  	s2 =	sld [smem:$0x3F87];
	s0 =	simm.s32 @p1 $0x1  }
0x15: {  	[smem:$0x3FA4] =	sst s0;
	s0 =	simm.s32 @!p2 $0x0  }
0x16: {  	s3 =	sld [smem:$0x3FDB];
	s0 =	simm.s32 @p2 $0x1  }
0x17: {  	s4 =	simm.s32 $0x1BF5;
	[smem:$0x3FA6] =	sst s0  }
0x18: {  	s0 =	sld [smem:$0x3F89];
	_ =	swait.ge [sflag:s4], $0x0  }
0x19: {  	s7 =	sld [smem:$0x3F8A]  }
0x1a: {  	s8 =	sadd.s32 $0xFFFFE003, lr  }
0x1b: {  	s9 =	sadd.s32 $0xFFFFFEF7, lr;
	s5 =	simm.s32 $0xFFFFFFFF;
	p2 =	slt.u32 s8, $0xFFFFF086  }
0x1c: {  	p1 =	slt.u32 s9, $0xF7A;
	s5 =	simm.s32 @!p2 $0x0  }
0x1d: {  	s5 =	simm.s32 @p1 $0x1;
	p0 =	seq.s32 s7, s2  }
0x1e: {  	s7 =	smul.u32 @!p0 $0xF7A, s2;
	p2 =	seq.s32 @!p0 s5, $0x0  }
0x1f: {  	s9 =	smul.u32 $0xF7A, s1;
	s8 =	simm.s32 @!p0 $0x1BF5;
	p2 =	por !p2, p0  }
0x20: {  	[sflag:s8] =	ssyncset.s32 @!p0 $0xFFFFF086;
	s6 =	sadd.s32 @!p0 s3, s7;
	s7 =	simm.s32 @!p0 $0x108  }
0x21: {  	s3 =	sadd.s32 s3, s9;
	s6 =	sadd.s32 @!p0 $0x88, s6;
	s7 =	simm.s32 @p2 $0x1082  }
0x22: {  	[simem:s7], [sflag:s8] =	dma.local @!p0 [hbm:s6], $0xF7A  }
0x23: {  	s9 =	sor.u32 $0xD0000000, s2;
	s6 =	simm.s32 $0x108;
	_ =	swait.ge @!p0 [sflag:s8], $0x0  }
0x24: {  	s3 =	sadd.s32 $0x88, s3;
	s6 =	simm.s32 @!p1 $0x1082;
	[sflag:s4] =	ssyncset.s32 $0xFFFFF086  }
0x25: {  	[simem:s6], [sflag:s4] =	dma.local [hbm:s3], $0xF7A  }
0x26: {  	[smem:$0x3F8A] =	sst s1;
	(tag) =	ssettag s2;
	_ =	strace s9  }
0x27: {  	s1 =	sld [smem:$0x3F9A]  }
0x28: {  	s2 =	sld [smem:$0x3F9B]  }
0x29: {  	s4 =	sld [smem:$0x3F9D]  }
0x2a: {  	p0 =	seq.s32 s5, $0x0;
	s5 =	sld [smem:$0x3F9E]  }
0x2b: {  	s6 =	sld [smem:$0x3F9F]  }
0x2c: {  	s7 =	sld [smem:$0x3FA0]  }
0x2d: {  	s3 =	simm.s32 $0x108;
	s8 =	sld [smem:$0x3FA1]  }
0x2e: {  	s3 =	simm.s32 @!p0 $0x1082;
	s9 =	sld [smem:$0x3FA2]  }
0x2f: {  	lr =	sadd.s32 s0, s3;
	s0 =	sld [smem:$0x3F99]  }
0x30: {  	s3 =	sld [smem:$0x3F9C]  }
0x31: {  	[smem:$0x3FA5] =	sst s10  }
0x32: {  	s10 =	sld [smem:$0x3FA3];
	_ =	sdelay $0x3  }
0x33: {  	p0 =	seq.s32 s10, $0x1;
	s10 =	sld [smem:$0x3FA5];
	_ =	sdelay $0x3  }
0x34: {  	[smem:$0x3FA5] =	sst s10  }
0x35: {  	s10 =	sld [smem:$0x3FA4];
	_ =	sdelay $0x3  }
0x36: {  	p1 =	seq.s32 s10, $0x1;
	s10 =	sld [smem:$0x3FA5];
	_ =	sdelay $0x3  }
0x37: {  	[smem:$0x3FA5] =	sst s10  }
0x38: {  	s10 =	sld [smem:$0x3FA6]  }
0x39: {  	_ = 	snop;
	(pc) =	sbr.ind lr, $3  }
0x3a: {  	_ = 	snop  }
0x3b: {  	_ = 	snop  }
0x3c: {  	p2 =	seq.s32 s10, $0x1;
	s10 =	sld [smem:$0x3FA5]  }
0x3d: {  	_ =	shalt  }
0x3e: {  	_ =	shalt  }
0x3f: {  	_ =	shalt  }
0x40: {  	_ =	shalt  }
0x41: {  	_ =	shalt  }
0x42: {  	_ =	shalt  }
0x43: {  	_ =	shalt  }
0x44: {  	_ =	shalt  }
0x45: {  	_ =	shalt  }
0x46: {  	_ =	shalt  }
0x47: {  	_ =	shalt  }
0x48: {  	_ =	shalt  }
0x49: {  	_ =	shalt  }
0x4a: {  	_ =	shalt  }
0x4b: {  	_ =	shalt  }
0x4c: {  	_ =	shalt  }
0x4d: {  	_ =	shalt  }
0x4e: {  	_ =	shalt  }
0x4f: {  	_ =	shalt  }
0x50: {  	_ =	shalt  }
0x51: {  	_ =	shalt  }
0x52: {  	_ =	shalt  }
0x53: {  	_ =	shalt  }
0x54: {  	_ =	shalt  }
0x55: {  	_ =	shalt  }
0x56: {  	_ =	shalt  }
0x57: {  	_ =	shalt  }
0x58: {  	_ =	shalt  }
0x59: {  	_ =	shalt  }
0x5a: {  	_ =	shalt  }
0x5b: {  	_ =	shalt  }
0x5c: {  	_ =	shalt  }
0x5d: {  	_ =	shalt  }
0x5e: {  	_ =	shalt  }
0x5f: {  	_ =	shalt  }
0x60: {  	_ =	shalt  }
0x61: {  	_ =	shalt  }
0x62: {  	_ =	shalt  }
0x63: {  	_ =	shalt  }
0x64: {  	_ =	shalt  }
0x65: {  	_ =	shalt  }
0x66: {  	_ =	shalt  }
0x67: {  	_ =	shalt  }
0x68: {  	_ =	shalt  }
0x69: {  	_ =	shalt  }
0x6a: {  	_ =	shalt  }
0x6b: {  	_ =	shalt  }
0x6c: {  	_ =	shalt  }
0x6d: {  	_ =	shalt  }
0x6e: {  	_ =	shalt  }
0x6f: {  	_ =	shalt  }
0x70: {  	_ =	shalt  }
0x71: {  	_ =	shalt  }
0x72: {  	_ =	shalt  }
0x73: {  	_ =	shalt  }
0x74: {  	_ =	shalt  }
0x75: {  	_ =	shalt  }
0x76: {  	_ =	shalt  }
0x77: {  	_ =	shalt  }
0x78: {  	_ =	shalt  }
0x79: {  	_ =	shalt  }
0x7a: {  	_ =	shalt  }
0x7b: {  	_ =	shalt  }
0x7c: {  	_ =	shalt  }
0x7d: {  	_ =	shalt  }
0x7e: {  	_ =	shalt  }
0x7f: {  	_ =	shalt  }
0x80: {  	_ =	shalt  }
0x81: {  	_ =	shalt  }
0x82: {  	_ =	shalt  }
0x83: {  	_ =	shalt  }
0x84: {  	_ =	shalt  }
0x85: {  	_ =	shalt  }
0x86: {  	_ =	shalt  }
0x87: {  	_ =	shalt  }
.Lfunc_end0:
.L_simem_size_0:
called_computation_lowered:
.L_overlay_start_0:
0x88: {  	s2 =	sld [smem:$0x3FD9]  }
0x89: {  	s3 =	sld [smem:$0x3FFE];
	_ =	sdelay $0x1  }
0x8a: {  	s1 =	srdreg.scid  }
0x8b: {  	s0 =	sand.u32 $0x1, s1  }
0x8c: {  	s17 =	sshll.u32 s0, $0xA;
	s2 =	sadd.s32 s3, s2  }
0x8d: {  	s2 =	sadd.s32 s2, s17  }
0x8e: {  	[smem:$0x3FB1] =	sst s2  }
0x8f: {  	_ = 	snop  }
0x90: {  	s2 =	sld [smem:$0x3FC7]  }
0x91: {  	s18 =	sld [smem:$0x3FD0];
	(tm) =	ssettm $0x1  }
0x92: {  	s4 =	sld [smem:$0x3FFB];
	_ =	sdelay $0x3  }
0x93: {  	_ =	strace s4  }
0x94: {  	s4 =	sld [smem:$0x3FFC];
	_ =	sdelay $0x3  }
0x95: {  	_ =	strace s4  }
0x96: {  	s4 =	sld [smem:$0x3FFD];
	_ =	sdelay $0x3  }
0x97: {  	_ =	strace s4  }
0x98: {  	_ =	strace $0x8FFFFFFF  }
0x99: {  	s19 =	sld [smem:$0x3FDB];
	_ =	sdelay $0x1  }
0x9a: {  	s5 =	simm.s32 $_scs_section_size  }
0x9b: {  	s6 =	simm.s32 $_size__tile_overlayer_lowered;
	s7 =	simm.s32 $_tile_overlayer_lowered  }
0x9c: {  	s22 =	simm.s32 $0x1BFF;
	s21 =	sshll.u32 s7, $0x1;
	s4 =	sadd.s32 s5, s19  }
0x9d: {  	s8 =	simm.s32 $0x0;
	s20 =	sshll.u32 s6, $0x1;
	s6 =	sadd.s32 s21, s4  }
0x9e: {  	[timem:s8], [sflag:s22] =	dma.local [hbm:s6], s20  }
0x9f: {  	_ =	swait.ge [sflag:s22], s20  }
0xa0: {  	s5 =	ssub.s32 $0x0, s20;
	[sflag:s22] =	ssyncset.done $0x0  }
0xa1: {  	[sflag:s22] =	ssyncadd.s32 s5;
	_ =	sdelay $0x1  }
0xa2: {  	s23 =	simm.s32 $0x1B8B  }
0xa3: {  	_ =	swait.ge [sflag:s23], $0x1  }
0xa4: {  	[sflag:s23] =	ssyncset.done $0x0  }
0xa5: {  	s25 =	simm.s32 $0x1B8E;
	s24 =	sld [smem:$0x3FFE];
	[sflag:s23] =	ssyncadd.s32 $0xFFFFFFFF  }
0xa6: {  	s26 =	simm.s32 $execute0_lowered;
	[smem:$0x3FD2] =	sst s25  }
0xa7: {  	s6 =	sshll.u32 s26, $0x1;
	_ =	strace $0x80000046;
	[dreg:$0x1] =	wrdreg $0xFFFFFFFF  }
0xa8: {  	s28 =	simm.s32 $_size_execute0_lowered;
	s4 =	sadd.s32 s4, s6;
	[dreg:$0x0] =	wrdreg $0x0  }
0xa9: {  	s6 =	sshll.u32 s28, $0x1;
	[dreg:$0x2] =	wrdreg s4  }
0xaa: {  	[dreg:$0x3] =	wrdreg s6  }
0xab: {  	[dreg:$0x4] =	wrdreg $0xC0  }
0xac: {  	_ =	task [dreg:s8], $0x5FFFF  }
0xad: {  	[dreg:$0x1] =	wrdreg $0xFFFFFFFF  }
0xae: {  	[dreg:$0x0] =	wrdreg $0x60  }
0xaf: {  	[dreg:$0x2] =	wrdreg s18  }
0xb0: {  	[dreg:$0x3] =	wrdreg s24  }
0xb1: {  	[dreg:$0x4] =	wrdreg s2  }
0xb2: {  	[dreg:$0x5] =	wrdreg $0x16D000  }
0xb3: {  	[dreg:$0x6] =	wrdreg $0x1ED000  }
0xb4: {  	[dreg:$0x7] =	wrdreg $0x9  }
0xb5: {  	_ =	task.clear_ibuf [dreg:s8], $0x8FFFF;
	_ =	strace $0x90000046  }
0xb6: {  	s29 =	simm.s32 $0x9;
	_ =	strace $0x80000048  }
0xb7: {  	_ =	swait.ge [sflag:s29], $0x1  }
0xb8: {  	[sflag:s29] =	ssyncadd.s32 $0xFFFFFFFF  }
0xb9: {  	_ =	strace $0x90000048  }
0xba: {  	_ =	sfence  }
0xbb: {  	s30 =	sld [smem:$0x0];
	_ =	sdelay $0x2  }
0xbc: {  	s31 =	sshll.u32 s1, $0xD;
	s1 =	sshrl.u32 s1, $0x2  }
0xbd: {  	s3 =	sand.u32 $0x4000, s31;
	s1 =	sadd.s32 s1, s30  }
0xbe: {  	s0 =	sor.u32 s3, s0;
	s1 =	sshll.u32 s1, $0x11  }
0xbf: {  	s0 =	sor.u32 s1, s0  }
0xc0: {  	s0 =	sadd.s32 $0x8F2B, s0  }
0xc1: {  	[sflag:s0] =	ssyncadd.remote.s32 $0x1  }
0xc2: {  	_ =	sfence.sel $0xFFFF  }
0xc3: {  	[dreg:$0x0] =	wrdreg $0xFFFFFFFF;
	(pc) =	sbr.abs _section_cstart, $3  }
0xc4: {  	[dreg:$0x1] =	wrdreg $0xFFFFFFFF  }
0xc5: {  	_ =	task.clear_ibuf [dreg:s8], $0x2FFFF;
	_ =	strace $0x9FFFFFFF  }
0xc6: {  	(tm) =	ssettm $0x7FFFFFFF  }
0xc7: {  	_ =	shalt  }
tec
execute0_lowered:
.L_overlay_start_1:
0x0: {  	(tag) =	ssettag $0x1  }
0x1: {  	s0 =	rddreg [dreg:$0x0]  }
0x2: {  	s1 =	rddreg [dreg:$0x1]  }
0x3: {  	s2 =	rddreg [dreg:$0x2];
	s4 =	srdreg.scid  }
0x4: {  	s3 =	rddreg [dreg:$0x3];
	s15 =	stileid.u32  }
0x5: {  	s5 =	simm.s32 $0x0;
	s19 =	simm.s32 $0x5;
	s30 =	simm.s32 $0x1  }
0x6: {  	s31 =	simm.s32 $0x2;
	s7 =	sand.u32 $0x1, s4;
	s4 =	rddreg [dreg:$0x4]  }
0x7: {  	s8 =	sshll.u32 s15, $0xD;
	[smem:$0x7FF] =	sst s5;
	s11 =	sadd.s32 $0x1AC00, s1  }
0x8: {  	s21 =	sshll.u32 s15, $0x7;
	s13 =	sadd.s32 $0x1AA00, s1;
	s24 =	sshll.u32 s15, $0xF  }
0x9: {  	s6 =	sshll.u32 s7, $0x11;
	_ =	strace $0x80000047;
	[dreg:$0x6] =	wrdreg s11  }
0xa: {  	s12 =	sshll.u32 s7, $0xB;
	[dreg:$0x7] =	wrdreg s13;
	s7 =	ssub.s32 $0x2, s7  }
0xb: {  	s25 =	sor.u32 $0x40, s21;
	s11 =	simm.s32 $0x2000;
	s6 =	sor.u32 s8, s6  }
0xc: {  	s12 =	sor.u32 s21, s12;
	s14 =	sshrl.u32 s7, $0x1;
	s26 =	sshll.u32 s25, $0x8  }
0xd: {  	s8 =	sshrl.u32 s8, $0x2;
	s21 =	simm.s32 $0x4;
	s9 =	sshrl.u32 s6, $0x3  }
0xe: {  	s6 =	sadd.s32 $0x2A00, s1;
	s7 =	ssub.s32 s7, s14;
	s2 =	sadd.s32 s2, s9  }
0xf: {  	s10 =	sadd.s32 s9, s1;
	s9 =	sadd.s32 s26, s3;
	[dreg:$0xa] =	wrdreg s2  }
0x10: {  	s22 =	sshll.u32 s12, $0x5;
	s29 =	smax.u32 s7, $0x1;
	[dreg:$0xb] =	wrdreg s9  }
0x11: {  	s12 =	sshll.u32 s12, $0x1;
	s23 =	sadd.s32 $0x12A00, s10;
	[dreg:$0x10] =	wrdreg s29  }
0x12: {  	s13 =	sadd.s32 s22, s1;
	s10 =	sadd.s32 $0xAA00, s10;
	[dreg:$0x8] =	wrdreg s23  }
0x13: {  	s1 =	sadd.s32 s12, s1;
	s28 =	sadd.s32 $0x1AE00, s13;
	[dreg:$0x9] =	wrdreg s10  }
0x14: {  	v0 =	vimm.f32 $0.0e+00;
	v1 =	vimm.bf16 $2.0020e-01;
	s2 =	sshll.u32 s25, $0x4;
	s1 =	sadd.s32 $0x3AE00, s1;
	[dreg:$0xe] =	wrdreg s28  }
0x15: {  	vm0 =	vmmov $0x1;
	vm1 =	vcmask $0x704;
	vm2 =	vcmask $0xB08;
	s26 =	simm.s32 $0x40;
	s2 =	sadd.s32 s2, s4;
	[dreg:$0xf] =	wrdreg s1  }
0x16: {  	vm3 =	vcmask $0xF0C;
	vm4 =	vcmask $0x1310;
	vm5 =	vcmask $0x1714;
	s22 =	simm.s32 $0x0;
	s10 =	sadd.s32 s24, s3;
	[dreg:$0xd] =	wrdreg s2  }
0x17: {  	vm6 =	vcmask $0x1B18;
	vm7 =	vcmask $0x1F1C;
	vm8 =	vmmov $0xff;
	s9 =	sadd.s32 s8, s4;
	s2 =	simm.s32 $0x3;
	[dreg:$0xc] =	wrdreg s10  }
.LBB2_1:
0x18: {  	s1 =	rddreg [dreg:$0x8]  }
0x19: {  	[tilespmem:s5], [sflag:$0x5] =	stream.linear.gather [hbm4b:s1+s5], $0x2000, $0x38;
	[tilespmem:$0x1F500] =	vst v63  }
0x1a: {  	_ =	swait.ge [sflag:s19], $0x2000  }
0x1b: {  	[sflag:s19] =	ssyncset.done $0x0  }
0x1c: {  	s20 =	rddreg [dreg:$0x9];
	[sflag:s19] =	ssyncadd.s32 $0xFFFFE000  }
0x1d: {  	[tilespmem:s11], [sflag:$0x5] =	stream.linear.gather [hbm4b:s20+s5], $0x2000, $0x38;
	[tilespmem:$0x1F500] =	vst v63  }
0x1e: {  	_ =	swait.ge [sflag:s19], $0x2000  }
0x1f: {  	[sflag:s19] =	ssyncset.done $0x0  }
0x20: {  	s7 =	simm.s32 $0x4000;
	s23 =	rddreg [dreg:$0xa];
	[sflag:s19] =	ssyncadd.s32 $0xFFFFE000  }
0x21: {  	[tilespmem:s7], [sflag:$0x5] =	stream.linear.gather [hbm4b:s23+s5], $0x2000, $0x38;
	[tilespmem:$0x1F500] =	vst v63  }
0x22: {  	_ =	swait.ge [sflag:s19], $0x2000  }
0x23: {  	[sflag:s19] =	ssyncset.done $0x0  }
0x24: {  	s25 =	simm.s32 $0x16800;
	s24 =	rddreg [dreg:$0x6];
	[sflag:s19] =	ssyncadd.s32 $0xFFFFE000  }
0x25: {  	[tilespmem:s25], [sflag:$0x5] =	stream.linear.gather [hbm4b:s24+s5], $0x80, $0x38;
	[tilespmem:$0x1F500] =	vst v63  }
0x26: {  	_ =	swait.ge [sflag:s19], $0x80  }
0x27: {  	[sflag:s19] =	ssyncset.done $0x0  }
0x28: {  	s29 =	simm.s32 $0x16880;
	s28 =	rddreg [dreg:$0x7];
	[sflag:s19] =	ssyncadd.s32 $0xFFFFFF80  }
0x29: {  	[tilespmem:s29], [sflag:$0x5] =	stream.linear.gather [hbm4b:s28+s5], $0x80, $0x38;
	[tilespmem:$0x1F500] =	vst v63  }
0x2a: {  	_ =	swait.ge [sflag:s19], $0x80  }
0x2b: {  	[sflag:s19] =	ssyncset.done $0x0  }
0x2c: {  	s1 =	simm.s32 $0xE080;
	[sflag:s19] =	ssyncadd.s32 $0xFFFFFF80  }
0x2d: {  	[tilespmem:s1+$0x60] =	vst v0  }
0x2e: {  	[tilespmem:s1+$0x50] =	vst v0  }
0x2f: {  	[tilespmem:s1+$0x40] =	vst v0  }
0x30: {  	[tilespmem:s1+$0x30] =	vst v0  }
0x31: {  	[tilespmem:s1+$0x20] =	vst v0  }
0x32: {  	[tilespmem:s1+$0x10] =	vst v0  }
0x33: {  	[tilespmem:s1+$0x0] =	vst v0  }
0x34: {  	[tilespmem:s1+$0xFFFFFFF0] =	vst v0  }
0x35: {  	[tilespmem:s1+$0xFFFFFFE0] =	vst v0  }
0x36: {  	[tilespmem:s1+$0xFFFFFFD0] =	vst v0  }
0x37: {  	[tilespmem:s1+$0xFFFFFFC0] =	vst v0  }
0x38: {  	[tilespmem:s1+$0xFFFFFFB0] =	vst v0  }
0x39: {  	[tilespmem:s1+$0xFFFFFFA0] =	vst v0  }
0x3a: {  	[tilespmem:s1+$0xFFFFFF90] =	vst v0  }
0x3b: {  	[tilespmem:s1+$0xFFFFFF80] =	vst v0  }
0x3c: {  	s8 =	simm.s32 $0x0;
	s7 =	simm.s32 $0x40;
	[tilespmem:s1+$0x70] =	vst v0  }
.LBB2_2:
0x3d: {  	p0 =	sne.s32 s7, $0xFC0;
	[tilespmem:s8+$0x16400] =	vst v0  }
0x3e: {  	s1 =	sadd.s32 $0x100, s1;
	[tilespmem:s8+$0x16000] =	vst v0  }
0x3f: {  	[tilespmem:s1+$0x60] =	vst v0  }
0x40: {  	[tilespmem:s1+$0x50] =	vst v0  }
0x41: {  	[tilespmem:s1+$0x40] =	vst v0  }
0x42: {  	[tilespmem:s1+$0x30] =	vst v0  }
0x43: {  	[tilespmem:s1+$0x20] =	vst v0  }
0x44: {  	[tilespmem:s1+$0x10] =	vst v0  }
0x45: {  	[tilespmem:s1+$0x0] =	vst v0  }
0x46: {  	[tilespmem:s1+$0xFFFFFFF0] =	vst v0  }
0x47: {  	[tilespmem:s1+$0xFFFFFFE0] =	vst v0  }
0x48: {  	[tilespmem:s1+$0xFFFFFFD0] =	vst v0  }
0x49: {  	[tilespmem:s1+$0xFFFFFFC0] =	vst v0  }
.Ltmp0:
0x4a: {  	[tilespmem:s1+$0xFFFFFFB0] =	vst v0;
	(pc) =	sbr.rel @p0 .LBB2_2-.Ltmp0, $4  }
0x4b: {  	[tilespmem:s1+$0xFFFFFFA0] =	vst v0  }
0x4c: {  	[tilespmem:s1+$0xFFFFFF90] =	vst v0  }
0x4d: {  	[tilespmem:s1+$0xFFFFFF80] =	vst v0  }
0x4e: {  	s8 =	sshra.s32 s7, $0x2;
	s7 =	sadd.s32 $0x40, s7;
	[tilespmem:s1+$0x70] =	vst v0  }
0x4f: {  	[tilespmem:s8+$0x16400] =	vst v0  }
0x50: {  	[tilespmem:s8+$0x16000] =	vst v0;
	s7 =	simm.s32 $0xE000  }
0x51: {  	[spmem:s10] =	stream.linear.scatter [tilespmem:s7], [sflag:$0x5], $0x4000, $0x38;
	[tilespmem:$0x1F500] =	vst v63  }
0x52: {  	_ =	swait.ge [sflag:s19], $0x4000  }
0x53: {  	[sflag:s19] =	ssyncset.done $0x0  }
0x54: {  	s1 =	rddreg [dreg:$0xb];
	[sflag:s19] =	ssyncadd.s32 $0xFFFFC000  }
0x55: {  	[spmem:s1] =	stream.linear.scatter [tilespmem:s7], [sflag:$0x5], $0x4000, $0x38;
	[tilespmem:$0x1F500] =	vst v63  }
0x56: {  	_ =	swait.ge [sflag:s19], $0x4000  }
0x57: {  	[sflag:s19] =	ssyncset.done $0x0  }
0x58: {  	s24 =	simm.s32 $0x16000;
	[sflag:s19] =	ssyncadd.s32 $0xFFFFC000  }
0x59: {  	[spmem:s9] =	stream.linear.scatter [tilespmem:s24], [sflag:$0x5], $0x400, $0x38;
	[tilespmem:$0x1F500] =	vst v63  }
0x5a: {  	_ =	swait.ge [sflag:s19], $0x400  }
0x5b: {  	[sflag:s19] =	ssyncset.done $0x0  }
0x5c: {  	s25 =	rddreg [dreg:$0xd];
	[sflag:s19] =	ssyncadd.s32 $0xFFFFFC00  }
0x5d: {  	[spmem:s25] =	stream.linear.scatter [tilespmem:s24], [sflag:$0x5], $0x400, $0x38;
	[tilespmem:$0x1F500] =	vst v63  }
0x5e: {  	_ =	swait.ge [sflag:s19], $0x400  }
0x5f: {  	[sflag:s19] =	ssyncset.done $0x0  }
0x60: {  	[sflag:s19] =	ssyncadd.s32 $0xFFFFFC00  }
0x61: {  	s23 =	simm.s32 $0x0;
	s28 =	simm.s32 $0x6000;
	[bflag:$0x0] =	sbarrier.arrive $0xFFFF  }
0x62: {  	[tilespmem:s28], [sflag:$0x1] =	stream.indirect.gather [hbm4b:s0+s26], $0x80, s23, s26, $0xb8;
	[tilespmem:$0x1F500] =	vst v63  }
0x63: {  	s14 =	smov.u32 s9;
	s29 =	simm.s32 $0xA000;
	p0 =	por $0x0, $0x0  }
0x64: {  	[tilespmem:s29], [sflag:$0x2] =	stream.indirect.gather [hbm4b:s6+s26], $0x80, s11, s26, $0xb8;
	[tilespmem:$0x1F500] =	vst v63  }
.LBB2_4:
0x65: {  	_ =	swait.ge [sflag:s30], $0x2000;
	s28 =	sand.u32 $0x1, s23;
	p1 =	seq.s32 s23, $0x7F  }
0x66: {  	[sflag:s30] =	ssyncset.done $0x0;
	s25 =	sshll.u32 @!p1 s28, $0xE;
	s29 =	sshll.u32 @!p1 s23, $0x6  }
0x67: {  	s9 =	simm.s32 @!p1 $0x40;
	p2 =	slt.u32 @!p1 s23, $0x2;
	[sflag:s30] =	ssyncadd.s32 $0xFFFFE000  }
0x68: {  	s1 =	sshrl.u32 @!p1 s25, $0x1;
	p2 =	por p1, !p2;
	_ =	swait.ge [sflag:s31], $0x2000  }
.Ltmp1:
0x69: {  	s1 =	sxor.u32 @!p1 $0x2000, s1;
	[sflag:s31] =	ssyncset.done $0x0;
	(pc) =	sbr.rel @!p2 .LBB2_6-.Ltmp1, $4  }
0x6a: {  	s8 =	sadd.s32 @!p1 $0x40, s29;
	s7 =	sadd.s32 @!p1 $0x6000, s1;
	[sflag:s31] =	ssyncadd.s32 $0xFFFFE000  }
0x6b: {  	[tilespmem:s7], [sflag:$0x1] =	stream.indirect.gather @!p1 [hbm4b:s0+s9], $0x80, s8, s9, $0xb8;
	[tilespmem:$0x1F500] =	vst v63  }
0x6c: {  	s1 =	sadd.s32 @!p1 $0xA000, s1;
	s7 =	sadd.s32 @!p1 $0x2040, s29  }
0x6d: {  	[tilespmem:s1], [sflag:$0x2] =	stream.indirect.gather @!p1 [hbm4b:s6+s9], $0x80, s7, s9, $0xb8;
	[tilespmem:$0x1F500] =	vst v63  }
0x6e: {  	_ =	swait.ge [sflag:s2], $0x4000  }
0x6f: {  	[sflag:s2] =	ssyncset.done $0x0  }
0x70: {  	[sflag:s2] =	ssyncadd.s32 $0xFFFFC000  }
0x71: {  	_ =	swait.ge [sflag:s21], $0x400  }
0x72: {  	[sflag:s21] =	ssyncset.done $0x0  }
0x73: {  	s25 =	simm.s32 @p1 $0x4000;
	s29 =	simm.s32 @p1 $0x1FC0;
	[sflag:s21] =	ssyncadd.s32 $0xFFFFFC00  }
.LBB2_6:
0x74: {  	v2 =	vld [tilespmem:s29+$0x4000];
	_ =	sdelay $0x4  }
0x75: {  	v3 =	vbroadcast v2, $0x0  }
0x76: {  	v4 =	vbroadcast v2, $0x1  }
0x77: {  	v5 =	vbroadcast v2, $0x2;
	v3 =	vpack.i.f32.bf16 v3, v3  }
0x78: {  	[tilespmem:$0x16900] =	vst v3;
	v3 =	vpack.i.f32.bf16 v4, v4;
	v4 =	vbroadcast v2, $0x3  }
0x79: {  	[tilespmem:$0x16910] =	vst v3;
	v3 =	vpack.i.f32.bf16 v5, v5;
	v5 =	vbroadcast v2, $0x4  }
0x7a: {  	[tilespmem:$0x16920] =	vst v3;
	v3 =	vpack.i.f32.bf16 v4, v4;
	v4 =	vbroadcast v2, $0x5  }
0x7b: {  	[tilespmem:$0x16930] =	vst v3;
	v3 =	vpack.i.f32.bf16 v5, v5;
	v5 =	vbroadcast v2, $0x6  }
0x7c: {  	[tilespmem:$0x16940] =	vst v3;
	v3 =	vpack.i.f32.bf16 v4, v4;
	v4 =	vbroadcast v2, $0x7  }
0x7d: {  	[tilespmem:$0x16950] =	vst v3;
	v3 =	vpack.i.f32.bf16 v5, v5;
	v5 =	vbroadcast v2, $0x8  }
0x7e: {  	[tilespmem:$0x16960] =	vst v3;
	v3 =	vpack.i.f32.bf16 v4, v4;
	v4 =	vbroadcast v2, $0x9  }
0x7f: {  	[tilespmem:$0x16970] =	vst v3;
	v3 =	vpack.i.f32.bf16 v5, v5;
	v5 =	vbroadcast v2, $0xA  }
0x80: {  	[tilespmem:$0x16980] =	vst v3;
	v3 =	vpack.i.f32.bf16 v4, v4;
	v4 =	vbroadcast v2, $0xB  }
0x81: {  	[tilespmem:$0x16990] =	vst v3;
	v3 =	vpack.i.f32.bf16 v5, v5;
	v5 =	vbroadcast v2, $0xC  }
0x82: {  	[tilespmem:$0x169A0] =	vst v3;
	v3 =	vpack.i.f32.bf16 v4, v4;
	v4 =	vbroadcast v2, $0xD  }
0x83: {  	[tilespmem:$0x169B0] =	vst v3;
	v3 =	vpack.i.f32.bf16 v5, v5;
	v5 =	vbroadcast v2, $0xE  }
0x84: {  	v2 =	vbroadcast v2, $0xF;
	[tilespmem:$0x169C0] =	vst v3;
	v3 =	vpack.i.f32.bf16 v4, v4  }
0x85: {  	[tilespmem:$0x169D0] =	vst v3;
	v3 =	vpack.i.f32.bf16 v5, v5  }
0x86: {  	v2 =	vpack.i.f32.bf16 v2, v2;
	[tilespmem:$0x169E0] =	vst v3  }
0x87: {  	[tilespmem:$0x169F0] =	vst v2  }
0x88: {  	v2 =	vld [tilespmem:s29+$0x4010];
	_ =	sdelay $0x4  }
0x89: {  	v3 =	vbroadcast v2, $0x0  }
0x8a: {  	v4 =	vbroadcast v2, $0x1  }
0x8b: {  	v5 =	vbroadcast v2, $0x2;
	v3 =	vpack.i.f32.bf16 v3, v3  }
0x8c: {  	[tilespmem:$0x16A00] =	vst v3;
	v3 =	vpack.i.f32.bf16 v4, v4;
	v4 =	vbroadcast v2, $0x3  }
0x8d: {  	[tilespmem:$0x16A10] =	vst v3;
	v3 =	vpack.i.f32.bf16 v5, v5;
	v5 =	vbroadcast v2, $0x4  }
0x8e: {  	[tilespmem:$0x16A20] =	vst v3;
	v3 =	vpack.i.f32.bf16 v4, v4;
	v4 =	vbroadcast v2, $0x5  }
0x8f: {  	[tilespmem:$0x16A30] =	vst v3;
	v3 =	vpack.i.f32.bf16 v5, v5;
	v5 =	vbroadcast v2, $0x6  }
0x90: {  	[tilespmem:$0x16A40] =	vst v3;
	v3 =	vpack.i.f32.bf16 v4, v4;
	v4 =	vbroadcast v2, $0x7  }
0x91: {  	[tilespmem:$0x16A50] =	vst v3;
	v3 =	vpack.i.f32.bf16 v5, v5;
	v5 =	vbroadcast v2, $0x8  }
0x92: {  	[tilespmem:$0x16A60] =	vst v3;
	v3 =	vpack.i.f32.bf16 v4, v4;
	v4 =	vbroadcast v2, $0x9  }
0x93: {  	[tilespmem:$0x16A70] =	vst v3;
	v3 =	vpack.i.f32.bf16 v5, v5;
	v5 =	vbroadcast v2, $0xA  }
0x94: {  	[tilespmem:$0x16A80] =	vst v3;
	v3 =	vpack.i.f32.bf16 v4, v4;
	v4 =	vbroadcast v2, $0xB  }
0x95: {  	[tilespmem:$0x16A90] =	vst v3;
	v3 =	vpack.i.f32.bf16 v5, v5;
	v5 =	vbroadcast v2, $0xC  }
0x96: {  	[tilespmem:$0x16AA0] =	vst v3;
	v3 =	vpack.i.f32.bf16 v4, v4;
	v4 =	vbroadcast v2, $0xD  }
0x97: {  	[tilespmem:$0x16AB0] =	vst v3;
	v3 =	vpack.i.f32.bf16 v5, v5;
	v5 =	vbroadcast v2, $0xE  }
0x98: {  	v2 =	vbroadcast v2, $0xF;
	[tilespmem:$0x16AC0] =	vst v3;
	v3 =	vpack.i.f32.bf16 v4, v4  }
0x99: {  	[tilespmem:$0x16AD0] =	vst v3;
	v3 =	vpack.i.f32.bf16 v5, v5  }
0x9a: {  	v2 =	vpack.i.f32.bf16 v2, v2;
	[tilespmem:$0x16AE0] =	vst v3  }
0x9b: {  	[tilespmem:$0x16AF0] =	vst v2  }
0x9c: {  	v2 =	vld [tilespmem:s29+$0x4020];
	_ =	sdelay $0x4  }
0x9d: {  	v3 =	vbroadcast v2, $0x0  }
0x9e: {  	v4 =	vbroadcast v2, $0x1  }
0x9f: {  	v5 =	vbroadcast v2, $0x2;
	v3 =	vpack.i.f32.bf16 v3, v3  }
0xa0: {  	[tilespmem:$0x16B00] =	vst v3;
	v3 =	vpack.i.f32.bf16 v4, v4;
	v4 =	vbroadcast v2, $0x3  }
0xa1: {  	[tilespmem:$0x16B10] =	vst v3;
	v3 =	vpack.i.f32.bf16 v5, v5;
	v5 =	vbroadcast v2, $0x4  }
0xa2: {  	[tilespmem:$0x16B20] =	vst v3;
	v3 =	vpack.i.f32.bf16 v4, v4;
	v4 =	vbroadcast v2, $0x5  }
0xa3: {  	[tilespmem:$0x16B30] =	vst v3;
	v3 =	vpack.i.f32.bf16 v5, v5;
	v5 =	vbroadcast v2, $0x6  }
0xa4: {  	[tilespmem:$0x16B40] =	vst v3;
	v3 =	vpack.i.f32.bf16 v4, v4;
	v4 =	vbroadcast v2, $0x7  }
0xa5: {  	[tilespmem:$0x16B50] =	vst v3;
	v3 =	vpack.i.f32.bf16 v5, v5;
	v5 =	vbroadcast v2, $0x8  }
0xa6: {  	[tilespmem:$0x16B60] =	vst v3;
	v3 =	vpack.i.f32.bf16 v4, v4;
	v4 =	vbroadcast v2, $0x9  }
0xa7: {  	[tilespmem:$0x16B70] =	vst v3;
	v3 =	vpack.i.f32.bf16 v5, v5;
	v5 =	vbroadcast v2, $0xA  }
0xa8: {  	[tilespmem:$0x16B80] =	vst v3;
	v3 =	vpack.i.f32.bf16 v4, v4;
	v4 =	vbroadcast v2, $0xB  }
0xa9: {  	[tilespmem:$0x16B90] =	vst v3;
	v3 =	vpack.i.f32.bf16 v5, v5;
	v5 =	vbroadcast v2, $0xC  }
0xaa: {  	[tilespmem:$0x16BA0] =	vst v3;
	v3 =	vpack.i.f32.bf16 v4, v4;
	v4 =	vbroadcast v2, $0xD  }
0xab: {  	[tilespmem:$0x16BB0] =	vst v3;
	v3 =	vpack.i.f32.bf16 v5, v5;
	v5 =	vbroadcast v2, $0xE  }
0xac: {  	v2 =	vbroadcast v2, $0xF;
	[tilespmem:$0x16BC0] =	vst v3;
	v3 =	vpack.i.f32.bf16 v4, v4  }
0xad: {  	[tilespmem:$0x16BD0] =	vst v3;
	v3 =	vpack.i.f32.bf16 v5, v5  }
0xae: {  	v2 =	vpack.i.f32.bf16 v2, v2;
	[tilespmem:$0x16BE0] =	vst v3  }
0xaf: {  	[tilespmem:$0x16BF0] =	vst v2  }
0xb0: {  	v2 =	vld [tilespmem:s29+$0x4030];
	_ =	sdelay $0x4  }
0xb1: {  	v3 =	vbroadcast v2, $0x0  }
0xb2: {  	v4 =	vbroadcast v2, $0x1  }
0xb3: {  	v5 =	vbroadcast v2, $0x2;
	v3 =	vpack.i.f32.bf16 v3, v3  }
0xb4: {  	[tilespmem:$0x16C00] =	vst v3;
	v3 =	vpack.i.f32.bf16 v4, v4;
	v4 =	vbroadcast v2, $0x3  }
0xb5: {  	[tilespmem:$0x16C10] =	vst v3;
	v3 =	vpack.i.f32.bf16 v5, v5;
	v5 =	vbroadcast v2, $0x4  }
0xb6: {  	[tilespmem:$0x16C20] =	vst v3;
	v3 =	vpack.i.f32.bf16 v4, v4;
	v4 =	vbroadcast v2, $0x5  }
0xb7: {  	[tilespmem:$0x16C30] =	vst v3;
	v3 =	vpack.i.f32.bf16 v5, v5;
	v5 =	vbroadcast v2, $0x6  }
0xb8: {  	[tilespmem:$0x16C40] =	vst v3;
	v3 =	vpack.i.f32.bf16 v4, v4;
	v4 =	vbroadcast v2, $0x7  }
0xb9: {  	[tilespmem:$0x16C50] =	vst v3;
	v3 =	vpack.i.f32.bf16 v5, v5;
	v5 =	vbroadcast v2, $0x8  }
0xba: {  	[tilespmem:$0x16C60] =	vst v3;
	v3 =	vpack.i.f32.bf16 v4, v4;
	v4 =	vbroadcast v2, $0x9  }
0xbb: {  	[tilespmem:$0x16C70] =	vst v3;
	v3 =	vpack.i.f32.bf16 v5, v5;
	v5 =	vbroadcast v2, $0xA  }
0xbc: {  	v10 =	vld [tilespmem:$0x16880];
	[tilespmem:$0x16C80] =	vst v3;
	v3 =	vpack.i.f32.bf16 v4, v4;
	v4 =	vbroadcast v2, $0xB  }
0xbd: {  	v8 =	vld [tilespmem:$0x16890];
	[tilespmem:$0x16C90] =	vst v3;
	v3 =	vpack.i.f32.bf16 v5, v5;
	v5 =	vbroadcast v2, $0xC  }
0xbe: {  	v9 =	vld [tilespmem:$0x168A0];
	[tilespmem:$0x16CA0] =	vst v3;
	v3 =	vpack.i.f32.bf16 v4, v4;
	v4 =	vbroadcast v2, $0xD  }
0xbf: {  	v7 =	vld [tilespmem:$0x168B0];
	[tilespmem:$0x16CB0] =	vst v3;
	v3 =	vpack.i.f32.bf16 v5, v5;
	v5 =	vbroadcast v2, $0xE;
	v2 =	vbroadcast v2, $0xF  }
0xc0: {  	[tilespmem:$0x16CC0] =	vst v3;
	v3 =	vpack.i.f32.bf16 v4, v4;
	v4 =	vld [tilespmem:$0x16820]  }
0xc1: {  	[tilespmem:$0x16CD0] =	vst v3;
	v3 =	vpack.i.f32.bf16 v5, v5;
	v2 =	vpack.i.f32.bf16 v2, v2;
	v5 =	vld [tilespmem:$0x16830]  }
0xc2: {  	[tilespmem:$0x16CF0] =	vst v2;
	v2 =	vld [tilespmem:$0x16800]  }
0xc3: {  	s8 =	sshrl.u32 s25, $0x1;
	s16 =	simm.s32 $0x16910;
	[tilespmem:$0x16CE0] =	vst v3;
	v3 =	vld [tilespmem:$0x16810]  }
0xc4: {  	s24 =	sadd.s32 $0x6080, s8;
	v16 =	vld [tilespmem:s16+$0x0]  }
0xc5: {  	s15 =	sadd.s32 $0xA080, s8;
	v6 =	vld [tilespmem:s24+$0x0]  }
0xc6: {  	v11 =	vld [tilespmem:s15+$0x0]  }
0xc7: {  	v12 =	vld [tilespmem:s24+$0x10]  }
0xc8: {  	v13 =	vld [tilespmem:s15+$0x10]  }
0xc9: {  	v14 =	vld [tilespmem:s24+$0x20]  }
0xca: {  	v15 =	vld [tilespmem:s15+$0x20]  }
0xcb: {  	v17 =	vld [tilespmem:s24+$0x30]  }
0xcc: {  	v18 =	vld [tilespmem:s15+$0x30]  }
0xcd: {  	v21 =	vld [tilespmem:s15+$0x40]  }
0xce: {  	v24 =	vld [tilespmem:s15+$0x50]  }
0xcf: {  	v25 =	vld [tilespmem:s15+$0x60]  }
0xd0: {  	v28 =	vld [tilespmem:s15+$0x70]  }
0xd1: {  	v32 =	vld [tilespmem:s24+$0xFFFFFF90];
	v6 =	vadd.bf16 v11, v6;
	v11 =	vmul.bf16 v16, v2  }
0xd2: {  	v34 =	vld [tilespmem:s24+$0xFFFFFFF0];
	v14 =	vadd.bf16 v15, v14;
	v15 =	vmul.bf16 v16, v4  }
0xd3: {  	v19 =	vadd.bf16 v6, v11;
	v6 =	vld [tilespmem:$0x16840];
	v11 =	vadd.bf16 v13, v12;
	v12 =	vmul.bf16 v16, v3  }
0xd4: {  	v13 =	vld [tilespmem:s24+$0x40];
	v14 =	vadd.bf16 v14, v15;
	v15 =	vadd.bf16 v18, v17;
	v17 =	vmul.bf16 v16, v5  }
0xd5: {  	s1 =	simm.s32 $0x1;
	v35 =	vld [tilespmem:s15+$0xFFFFFFF0];
	v20 =	vmul.bf16 v1, v19;
	v22 =	vadd.bf16 v11, v12  }
0xd6: {  	s1 =	simm.s32 @!p0 $0x0;
	s20 =	sadd.s32 $0x100, s24;
	v11 =	vld [tilespmem:$0x16850];
	v15 =	vadd.bf16 v15, v17  }
0xd7: {  	s7 =	sshll.u32 s28, $0xA;
	s1 =	sshll.u32 s1, $0xA;
	v57 =	vld [tilespmem:s20+$0xFFFFFF80];
	v12 =	vmax.bf16 v19, v20;
	v23 =	vmul.bf16 v1, v22  }
0xd8: {  	s18 =	sor.u32 $0x16010, s1;
	s1 =	sor.u32 $0x16000, s7;
	s7 =	sadd.s32 $0x100, s15;
	v19 =	vld [tilespmem:s24+$0x50];
	v27 =	vmul.bf16 v1, v15;
	v20 =	vmul.bf16 v12, v10  }
0xd9: {  	v43 =	vld [tilespmem:s7+$0xFFFFFF80];
	v17 =	vadd.bf16 v21, v13;
	v21 =	vmul.bf16 v16, v6  }
0xda: {  	v12 =	vld [tilespmem:$0x16860];
	v22 =	vmax.bf16 v22, v23;
	v15 =	vmax.bf16 v15, v27;
	v18 =	vunpack.i.u.bf16.f32 v20  }
0xdb: {  	v23 =	vld [tilespmem:s24+$0x60];
	v20 =	vunpack.i.l.bf16.f32 v20;
	v17 =	vadd.bf16 v17, v21;
	v21 =	vmul.bf16 v16, v11  }
0xdc: {  	v13 =	vld [tilespmem:$0x16870];
	v18 =	vadd.f32 v20, v18;
	v20 =	vmul.bf16 v22, v8;
	v22 =	vmul.bf16 v1, v14  }
0xdd: {  	v27 =	vld [tilespmem:s24+$0xFFFFFF80];
	v29 =	vmul.bf16 v15, v7;
	v19 =	vadd.bf16 v24, v19;
	v30 =	vmul.bf16 v1, v17  }
0xde: {  	v26 =	vunpack.i.u.bf16.f32 v20;
	v20 =	vunpack.i.l.bf16.f32 v20;
	v14 =	vmax.bf16 v14, v22;
	v22 =	vld [tilespmem:s24+$0x70]  }
0xdf: {  	v15 =	vld [tilespmem:$0x168D0];
	v31 =	vunpack.i.u.bf16.f32 v29;
	v20 =	vadd.f32 v20, v26;
	v26 =	vmul.bf16 v14, v9  }
0xe0: {  	v14 =	vld [tilespmem:$0x168C0];
	v19 =	vadd.bf16 v19, v21;
	v21 =	vadd.bf16 v25, v23;
	v23 =	vmul.bf16 v16, v12  }
0xe1: {  	v29 =	vunpack.i.l.bf16.f32 v29;
	(xrf2) =	vadd.scan.msk.f32 $0xffff, v18;
	v25 =	vld [tilespmem:s15+$0xFFFFFF80];
	v17 =	vmax.bf16 v17, v30;
	v24 =	vunpack.i.u.bf16.f32 v26  }
0xe2: {  	v26 =	vunpack.i.l.bf16.f32 v26;
	v21 =	vadd.bf16 v21, v23;
	v30 =	vmul.bf16 v1, v19;
	(xrf2) =	vadd.scan.msk.f32 $0xffff, v20;
	v20 =	vld [tilespmem:s24+$0xFFFFFFB0]  }
0xe3: {  	v24 =	vadd.f32 v26, v24;
	v22 =	vadd.bf16 v28, v22;
	v28 =	vmul.bf16 v16, v13;
	v16 =	vld [tilespmem:$0x168E0]  }
0xe4: {  	v26 =	vadd.f32 v29, v31;
	v29 =	vmul.bf16 v1, v21;
	v19 =	vmax.bf16 v19, v30;
	v30 =	vld [tilespmem:s24+$0xFFFFFFA0]  }
0xe5: {  	v23 =	vmul.bf16 v17, v14;
	v17 =	vld [tilespmem:$0x168F0];
	v22 =	vadd.bf16 v22, v28  }
0xe6: {  	v19 =	vmul.bf16 v19, v15;
	(xrf2) =	vadd.scan.msk.f32 $0xffff, v24;
	v28 =	vld [tilespmem:s15+$0xFFFFFF90];
	v21 =	vmax.bf16 v21, v29  }
0xe7: {  	v29 =	vld [tilespmem:s15+$0xFFFFFFB0];
	(xrf2) =	vadd.scan.msk.f32 $0xffff, v26;
	v31 =	vunpack.i.u.bf16.f32 v23;
	v18 =	vunpack.i.l.bf16.f32 v23;
	v33 =	vmul.bf16 v1, v22  }
0xe8: {  	v23 =	vld [tilespmem:s15+$0xFFFFFFA0];
	v24 =	vunpack.i.u.bf16.f32 v19;
	v19 =	vunpack.i.l.bf16.f32 v19;
	v18 =	vadd.f32 v18, v31  }
0xe9: {  	v19 =	vadd.f32 v19, v24;
	v24 =	vld [tilespmem:s24+$0xFFFFFFC0];
	v21 =	vmul.bf16 v21, v16;
	v22 =	vmax.bf16 v22, v33  }
0xea: {  	v31 =	vld [tilespmem:s16+$0xFFFFFFF0];
	(xrf2) =	vadd.scan.msk.f32 $0xffff, v18;
	v22 =	vmul.bf16 v22, v17  }
0xeb: {  	v18 =	vld [tilespmem:s15+$0xFFFFFFC0];
	v26 =	vunpack.i.u.bf16.f32 v21;
	v21 =	vunpack.i.l.bf16.f32 v21;
	(xrf2) =	vadd.scan.msk.f32 $0xffff, v19  }
0xec: {  	v19 =	vld [tilespmem:s24+$0xFFFFFFD0];
	v21 =	vadd.f32 v21, v26;
	v26 =	vunpack.i.u.bf16.f32 v22;
	v22 =	vunpack.i.l.bf16.f32 v22  }
0xed: {  	v25 =	vadd.bf16 v25, v27;
	v22 =	vadd.f32 v22, v26;
	v26 =	vld [tilespmem:s15+$0xFFFFFFD0]  }
0xee: {  	v44, _, _ =	vpop (xrf2);
	v28 =	vadd.bf16 v28, v32;
	v20 =	vadd.bf16 v29, v20;
	(xrf2) =	vadd.scan.msk.f32 $0xffff, v21;
	v21 =	vld [tilespmem:s24+$0xFFFFFFE0]  }
0xef: {  	v27, _, _ =	vpop (xrf2);
	v23 =	vadd.bf16 v23, v30;
	v30 =	vadd.bf16 v35, v34;
	v2 =	vmul.bf16 v2, v31;
	(xrf2) =	vadd.scan.msk.f32 $0xffff, v22;
	v22 =	vld [tilespmem:s15+$0xFFFFFFE0]  }
0xf0: {  	v34 =	vadd.bf16 v43, v57;
	v27 =	vbroadcast v27, $0xF;
	v50 =	vmul.bf16 v6, v31;
	v45, _, _ =	vpop (xrf2)  }
0xf1: {  	v11 =	vmul.bf16 v11, v31;
	v18 =	vadd.bf16 v18, v24;
	v29, _, _ =	vpop (xrf2);
	v32 =	vbroadcast v45, $0xF  }
0xf2: {  	v25 =	vadd.bf16 v2, v25;
	v27 =	vnsel vm1, $0x0, v27;
	v29 =	vbroadcast v29, $0xF  }
0xf3: {  	v32 =	vnsel vm2, $0x0, v32;
	v19 =	vadd.bf16 v26, v19;
	v26 =	vmul.bf16 v3, v31  }
0xf4: {  	v29 =	vnsel vm3, $0x0, v29;
	v24, _, _ =	vpop (xrf2);
	v21 =	vadd.bf16 v22, v21;
	v22 =	vbroadcast v44, $0xF  }
0xf5: {  	v3, _, _ =	vpop (xrf2);
	v2 =	vbroadcast v24, $0xF;
	v26 =	vadd.bf16 v26, v28;
	v28 =	vmul.bf16 v5, v31  }
0xf6: {  	v19 =	vadd.bf16 v11, v19;
	v3 =	vbroadcast v3, $0xF;
	v22 =	vnsel vm0, $0x0, v22  }
0xf7: {  	v47 =	vnsel vm4, $0x0, v2;
	v22 =	vadd.f32 v27, v22;
	v27 =	vadd.f32 v29, v32  }
0xf8: {  	v52 =	vld [tilespmem:s20+$0x10];
	v20 =	vadd.bf16 v28, v20;
	v46, _, _ =	vpop (xrf2);
	v48 =	vnsel vm5, $0x0, v3;
	v29 =	vmul.bf16 v4, v31  }
0xf9: {  	v54 =	vld [tilespmem:s7+$0x40];
	v33 =	vbroadcast v46, $0xF;
	v24, _, _ =	vpop (xrf2);
	v22 =	vadd.f32 v27, v22;
	v27 =	vmul.bf16 v12, v31  }
0xfa: {  	v55 =	vld [tilespmem:s7+$0x50];
	v23 =	vadd.bf16 v29, v23;
	v29 =	vmul.bf16 v13, v31;
	v24 =	vbroadcast v24, $0xF  }
0xfb: {  	v36 =	vld [tilespmem:s7+$0x60];
	v49 =	vadd.f32 v48, v47;
	v31 =	vmul.bf16 v1, v25;
	v33 =	vnsel vm6, $0x0, v33  }
0xfc: {  	s17 =	simm.s32 $0x16930;
	v38 =	vld [tilespmem:s7+$0x70];
	v21 =	vadd.bf16 v27, v21;
	v27 =	vadd.bf16 v29, v30;
	v24 =	vnsel vm7, $0x0, v24  }
0xfd: {  	v28 =	vld [tilespmem:s17+$0x0];
	v25 =	vmax.bf16 v25, v31;
	v29 =	vmul.bf16 v1, v23;
	v24 =	vadd.f32 v24, v33  }
0xfe: {  	v18 =	vadd.bf16 v50, v18;
	v3 =	vld [tilespmem:$0x16880];
	v30 =	vmul.bf16 v1, v20;
	v25 =	vmul.bf16 v25, v10  }
0xff: {  	v12 =	vld [tilespmem:$0x16800];
	v23 =	vmax.bf16 v23, v29;
	v29 =	vmul.bf16 v1, v19;
	v24 =	vadd.f32 v24, v49  }
0x100: {  	v13 =	vld [tilespmem:$0x16810];
	v51 =	vmul.bf16 v1, v21;
	v20 =	vmax.bf16 v20, v30;
	v9 =	vmul.bf16 v23, v9  }
0x101: {  	v31 =	vld [tilespmem:s7+$0x0];
	v19 =	vmax.bf16 v19, v29;
	v22 =	vadd.f32 v24, v22;
	v24 =	vmul.bf16 v1, v26  }
0x102: {  	v30 =	vld [tilespmem:s7+$0x10];
	v7 =	vmul.bf16 v20, v7;
	v21 =	vmax.bf16 v21, v51;
	v29 =	vmul.bf16 v19, v15  }
0x103: {  	v16 =	vmul.bf16 v21, v16;
	v19 =	vld [tilespmem:s7+$0x30];
	v24 =	vmax.bf16 v26, v24;
	v26 =	vmul.bf16 v1, v18  }
0x104: {  	v32 =	vunpack.i.l.bf16.f32 v9;
	v33 =	vunpack.i.u.bf16.f32 v7;
	v11 =	vmul.f32 $1.442695020e+00, v22;
	v22 =	vld [tilespmem:s20+$0x0]  }
0x105: {  	v8 =	vmul.bf16 v24, v8;
	v24 =	vld [tilespmem:s20+$0x20];
	v18 =	vmax.bf16 v18, v26;
	v26 =	vmul.bf16 v1, v27  }
0x106: {  	(erf) = vpow2.f32 v11;
	v20 =	vmul.bf16 v18, v14;
	v14 =	vld [tilespmem:s7+$0x20];
	v18 =	vunpack.i.l.bf16.f32 v25  }
0x107: {  	v15 =	vunpack.i.u.bf16.f32 v8;
	v21 =	vunpack.i.l.bf16.f32 v8;
	v8 =	vld [tilespmem:$0x16840];
	v23 =	vmax.bf16 v27, v26  }
0x108: {  	v26 =	vunpack.i.u.bf16.f32 v25;
	v25 =	vmul.bf16 v28, v12;
	v27 =	vld [tilespmem:s20+$0x30];
	v21 =	vadd.f32 v21, v15  }
0x109: {  	v22 =	vadd.bf16 v31, v22;
	v17 =	vmul.bf16 v23, v17;
	v23 =	vunpack.i.u.bf16.f32 v9;
	v31 =	vld [tilespmem:s20+$0x40]  }
0x10a: {  	v11 =	vld [tilespmem:$0x16820];
	v26 =	vadd.f32 v18, v26;
	v39 =	vunpack.i.u.bf16.f32 v20;
	v20 =	vunpack.i.l.bf16.f32 v20  }
0x10b: {  	v9 =	vld [tilespmem:$0x16850];
	v22 =	vadd.bf16 v22, v25;
	v25 =	vadd.bf16 v30, v52;
	v30 =	vmul.bf16 v28, v13  }
0x10c: {  	v10 =	vld [tilespmem:$0x16830];
	v7 =	vunpack.i.l.bf16.f32 v7;
	v32 =	vadd.f32 v32, v23;
	v23 =	vadd.f32 v20, v39  }
0x10d: {  	v14 =	vadd.bf16 v14, v24;
	v24 =	vld [tilespmem:s20+$0x50];
	v53 =	vmul.bf16 v1, v22;
	v25 =	vadd.bf16 v25, v30  }
0x10e: {  	v2 =	vld [tilespmem:$0x16890];
	v56 =	vmul.bf16 v28, v8;
	v19 =	vadd.bf16 v19, v27;
	v31 =	vadd.bf16 v54, v31  }
0x10f: {  	v59 =	vld [tilespmem:s20+$0xFFFFFF90];
	v18 =	vmax.bf16 v22, v53;
	v22 =	vmul.bf16 v28, v11;
	v30 =	vmul.bf16 v1, v25  }
0x110: {  	v6 =	vld [tilespmem:$0x168C0];
	v58 =	vmul.bf16 v28, v9;
	v15 =	vmul.bf16 v18, v3;
	v31 =	vadd.bf16 v31, v56  }
0x111: {  	v4 =	vld [tilespmem:$0x168A0];
	v14 =	vadd.bf16 v14, v22;
	v22 =	vmul.bf16 v28, v10;
	v25 =	vmax.bf16 v25, v30  }
0x112: {  	v18 =	vld [tilespmem:$0x16860];
	v24 =	vadd.bf16 v55, v24;
	v27 =	vunpack.i.u.bf16.f32 v15;
	v15 =	vunpack.i.l.bf16.f32 v15  }
0x113: {  	v30 =	vld [tilespmem:s20+$0x60];
	v42 =	vmul.bf16 v1, v31;
	v27 =	vadd.f32 v15, v27;
	v15 =	vmul.bf16 v25, v2  }
0x114: {  	v5 =	vld [tilespmem:$0x168B0];
	v45 =	vunpack.i.u.bf16.f32 v17;
	v25 =	vmul.bf16 v1, v14;
	v22 =	vadd.bf16 v19, v22  }
0x115: {  	v19 =	vld [tilespmem:$0x16870];
	v35 =	vadd.bf16 v24, v58;
	v31 =	vmax.bf16 v31, v42;
	v37 =	vunpack.i.u.bf16.f32 v15  }
0x116: {  	(xrf2) =	vadd.scan.msk.f32 $0xffff, v26;
	v15 =	vunpack.i.l.bf16.f32 v15;
	v14 =	vmax.bf16 v14, v25;
	v25 =	vld [tilespmem:s20+$0x70];
	v26 =	vmul.bf16 v31, v6  }
0x117: {  	v60 =	vld [tilespmem:s7+$0xFFFFFF90];
	v37 =	vadd.f32 v15, v37;
	v15 =	vmul.bf16 v14, v4;
	v14 =	vmul.bf16 v1, v22  }
0x118: {  	v63 =	vld [tilespmem:s7+$0xFFFFFFA0];
	v17 =	vunpack.i.l.bf16.f32 v17;
	v24 =	vadd.bf16 v36, v30;
	v30 =	vmul.bf16 v28, v18  }
0x119: {  	v31 =	vmul.bf16 v1, v35;
	v62 =	vunpack.i.u.bf16.f32 v26;
	v22 =	vmax.bf16 v22, v14;
	v14 =	vld [tilespmem:$0x168D0]  }
0x11a: {  	v40 =	vunpack.i.u.bf16.f32 v15;
	v41 =	vunpack.i.l.bf16.f32 v15;
	v15 =	vld [tilespmem:$0x168E0];
	v30 =	vadd.bf16 v24, v30  }
0x11b: {  	v48 =	vld [tilespmem:s7+$0xFFFFFFB0];
	v28 =	vmul.bf16 v28, v19;
	v22 =	vmul.bf16 v22, v5;
	v25 =	vadd.bf16 v38, v25  }
0x11c: {  	v49 =	vld [tilespmem:s20+$0xFFFFFFC0];
	v31 =	vmax.bf16 v35, v31;
	v26 =	vunpack.i.l.bf16.f32 v26;
	v61 =	vmul.bf16 v1, v30  }
0x11d: {  	(xrf2) =	vadd.scan.msk.f32 $0xffff, v21;
	v24 =	vld [tilespmem:$0x168F0];
	v21 =	vadd.f32 v41, v40;
	v44 =	vunpack.i.u.bf16.f32 v22;
	v25 =	vadd.bf16 v25, v28  }
0x11e: {  	v51 =	vld [tilespmem:s7+$0xFFFFFFD0];
	(xrf2) =	vadd.scan.msk.f32 $0xffff, v27;
	v22 =	vunpack.i.l.bf16.f32 v22;
	v30 =	vmax.bf16 v30, v61;
	v27 =	vmul.bf16 v31, v14  }
0x11f: {  	(xrf2) =	vadd.scan.msk.f32 $0xffff, v37;
	v22 =	vadd.f32 v22, v44;
	v28 =	vld [tilespmem:s20+$0xFFFFFFA0];
	v30 =	vmul.bf16 v30, v15;
	v47 =	vmul.bf16 v1, v25  }
0x120: {  	v20 =	vadd.f32 v17, v45;
	v26 =	vadd.f32 v26, v62;
	(xrf2) =	vadd.scan.msk.f32 $0xffff, v21;
	v31 =	vld [tilespmem:s20+$0xFFFFFFB0];
	v21 =	vunpack.i.u.bf16.f32 v27  }
0x121: {  	v52 =	vld [tilespmem:s20+$0xFFFFFFE0];
	(xrf2) =	vadd.scan.msk.f32 $0xffff, v22;
	v27 =	vunpack.i.l.bf16.f32 v27;
	v22 =	vunpack.i.u.bf16.f32 v30;
	v25 =	vmax.bf16 v25, v47  }
0x122: {  	(xrf2) =	vadd.scan.msk.f32 $0xffff, v26;
	v26 =	vld [tilespmem:s20+$0xFFFFFFD0];
	v21 =	vadd.f32 v27, v21;
	v27 =	vunpack.i.l.bf16.f32 v30;
	v25 =	vmul.bf16 v25, v24  }
0x123: {  	v50 =	vunpack.i.u.bf16.f32 v29;
	v53 =	vld [tilespmem:s7+$0xFFFFFFE0];
	v36 =	vadd.bf16 v60, v59;
	v22 =	vadd.f32 v27, v22  }
0x124: {  	v30 =	vld [tilespmem:s7+$0xFFFFFFC0];
	v28 =	vadd.bf16 v63, v28;
	v27 =	vunpack.i.u.bf16.f32 v25;
	v25 =	vunpack.i.l.bf16.f32 v25  }
0x125: {  	v55 =	vpop (erf);
	(xrf2) =	vadd.scan.msk.f32 $0xffff, v21;
	v31 =	vadd.bf16 v48, v31;
	v21 =	vadd.f32 v25, v27;
	v25 =	vunpack.i.l.bf16.f32 v29  }
0x126: {  	v54 =	vld [tilespmem:s20+$0xFFFFFFF0];
	(xrf2) =	vadd.scan.msk.f32 $0xffff, v22;
	v27 =	vunpack.i.u.bf16.f32 v16;
	v29 =	vunpack.i.l.bf16.f32 v16;
	v16 =	vadd.f32 v7, v33;
	v7, _, _ =	vpop (xrf2)  }
0x127: {  	v26 =	vadd.bf16 v51, v26;
	v22, _, _ =	vpop (xrf2);
	(xrf2) =	vadd.scan.msk.f32 $0xffff, v21;
	v21 =	vadd.f32 v25, v50;
	v25 =	vld [tilespmem:s17+$0xFFFFFFF0]  }
0x128: {  	v7 =	vbroadcast v7, $0xF;
	v56, _, _ =	vpop (xrf2);
	v57 =	vbroadcast v22, $0xF;
	v22 =	vadd.f32 v29, v27;
	v27 =	vld [tilespmem:s7+$0xFFFFFFF0]  }
0x129: {  	v33 =	vadd.bf16 v53, v52;
	v30 =	vadd.bf16 v30, v49;
	v29, _, _ =	vpop (xrf2);
	v63 =	vbroadcast v56, $0xF  }
0x12a: {  	v17 =	vnsel vm0, $0x0, v7;
	v58, _, _ =	vpop (xrf2);
	v59 =	vnsel vm1, $0x0, v57;
	v29 =	vbroadcast v29, $0xF  }
0x12b: {  	v7 =	vnsel vm8, $0x0, v55;
	v60, _, _ =	vpop (xrf2);
	v17 =	vadd.f32 v59, v17;
	v38 =	vnsel vm0, $0x0, v63  }
0x12c: {  	v45 =	vbroadcast v60, $0xF;
	v29 =	vnsel vm1, $0x0, v29;
	v12 =	vmul.bf16 v12, v25  }
0x12d: {  	v13 =	vmul.bf16 v13, v25;
	v27 =	vadd.bf16 v27, v54;
	v11 =	vmul.bf16 v11, v25  }
0x12e: {  	v29 =	vadd.f32 v29, v38;
	v10 =	vmul.bf16 v10, v25;
	v49 =	vmul.bf16 v8, v25  }
0x12f: {  	v18 =	vmul.bf16 v18, v25;
	v19 =	vmul.bf16 v19, v25;
	v35 =	vnsel vm3, $0x0, v45  }
0x130: {  	v61, _, _ =	vpop (xrf2);
	v34 =	vadd.bf16 v12, v34;
	v12 =	vbroadcast v58, $0xF;
	v36 =	vadd.bf16 v13, v36  }
0x131: {  	v62, _, _ =	vpop (xrf2);
	v13 =	vbroadcast v61, $0xF;
	v28 =	vadd.bf16 v11, v28;
	v10 =	vadd.bf16 v10, v31  }
0x132: {  	v44, _, _ =	vpop (xrf2);
	v46 =	vbroadcast v62, $0xF;
	v30 =	vadd.bf16 v49, v30;
	v27 =	vadd.bf16 v19, v27  }
0x133: {  	s7 =	sadd.s32 $0x100, s7;
	v39 =	vbroadcast v44, $0xF;
	v12 =	vnsel vm2, $0x0, v12;
	v31 =	vmul.bf16 v1, v36  }
0x134: {  	s8 =	sadd.s32 $0x100, s20;
	v56 =	vld [tilespmem:s7+$0x0];
	v13 =	vnsel vm4, $0x0, v13;
	v50 =	vmul.bf16 v1, v28;
	v51 =	vmul.bf16 v1, v10  }
0x135: {  	v57 =	vld [tilespmem:s8+$0x10];
	v37 =	vnsel vm5, $0x0, v46;
	v52 =	vmul.bf16 v1, v30;
	v55 =	vmul.bf16 v1, v27  }
0x136: {  	v63 =	vld [tilespmem:s7+$0x30];
	v47, _, _ =	vpop (xrf2);
	v39 =	vnsel vm6, $0x0, v39;
	v12 =	vadd.f32 v35, v12;
	v13 =	vadd.f32 v37, v13  }
0x137: {  	v8 =	vld [tilespmem:$0x16890];
	v40 =	vbroadcast v47, $0xF;
	v31 =	vmax.bf16 v36, v31;
	v28 =	vmax.bf16 v28, v50  }
0x138: {  	v11 =	vld [tilespmem:$0x168A0];
	v10 =	vmax.bf16 v10, v51;
	v30 =	vmax.bf16 v30, v52;
	v27 =	vmax.bf16 v27, v55  }
0x139: {  	v62 =	vld [tilespmem:s7+$0x20];
	v12 =	vadd.f32 v12, v29;
	v29 =	vmul.bf16 v9, v25;
	v25 =	vmul.bf16 v1, v34  }
0x13a: {  	v51 =	vld [tilespmem:s8+$0x50];
	v31 =	vmul.bf16 v31, v2;
	v4 =	vmul.bf16 v28, v4;
	v40 =	vnsel vm7, $0x0, v40  }
0x13b: {  	v9 =	vld [tilespmem:$0x16880];
	v5 =	vmul.bf16 v10, v5;
	v6 =	vmul.bf16 v30, v6;
	v48 =	vadd.f32 v40, v39  }
0x13c: {  	s9 =	simm.s32 $0x16950;
	v24 =	vmul.bf16 v27, v24;
	v26 =	vadd.bf16 v29, v26;
	v29 =	vadd.bf16 v18, v33;
	v18 =	vld [tilespmem:$0x16800]  }
0x13d: {  	v25 =	vmax.bf16 v34, v25;
	v34 =	vld [tilespmem:s9+$0x0];
	v58 =	vunpack.i.u.bf16.f32 v4;
	v59 =	vunpack.i.l.bf16.f32 v4  }
0x13e: {  	v60 =	vunpack.i.u.bf16.f32 v5;
	v3 =	vmul.bf16 v25, v3;
	v25 =	vld [tilespmem:s8+$0x0];
	v13 =	vadd.f32 v48, v13  }
0x13f: {  	(xrf2) =	vadd.scan.msk.f32 $0xffff, v32;
	v2 =	vld [tilespmem:$0x16820];
	v61 =	vunpack.i.l.bf16.f32 v5;
	v32 =	vunpack.i.u.bf16.f32 v6;
	v53 =	vmul.bf16 v1, v26  }
0x140: {  	v5 =	vld [tilespmem:s8+$0x20];
	v40 =	vunpack.i.l.bf16.f32 v6;
	v54 =	vmul.bf16 v1, v29;
	v13 =	vadd.f32 v13, v12  }
0x141: {  	v6 =	vld [tilespmem:s8+$0x30];
	v28 =	vunpack.i.u.bf16.f32 v3;
	v30 =	vunpack.i.l.bf16.f32 v3;
	v26 =	vmax.bf16 v26, v53  }
0x142: {  	v3 =	vld [tilespmem:$0x16830];
	v29 =	vmax.bf16 v29, v54;
	v10 =	vmul.bf16 v26, v14;
	v19 =	vmul.f32 $1.442695020e+00, v13  }
0x143: {  	v14 =	vmul.bf16 v29, v15;
	v29 =	vld [tilespmem:s7+$0x10];
	v4 =	vadd.bf16 v56, v25;
	v25 =	vmul.bf16 v34, v18  }
0x144: {  	v44 =	vunpack.i.l.bf16.f32 v24;
	(erf) = vpow2.f32 v19;
	v19 =	vld [tilespmem:$0x16810]  }
0x145: {  	v30 =	vadd.f32 v30, v28;
	v54 =	vld [tilespmem:s7+$0x50];
	v15 =	vunpack.i.u.bf16.f32 v31;
	v25 =	vadd.bf16 v4, v25  }
0x146: {  	v12 =	vld [tilespmem:$0x168B0];
	v31 =	vunpack.i.l.bf16.f32 v31;
	v49 =	vmul.bf16 v34, v2;
	v52 =	vadd.bf16 v63, v6  }
0x147: {  	v28 =	vld [tilespmem:s8+$0x40];
	v31 =	vadd.f32 v31, v15;
	v41 =	vunpack.i.u.bf16.f32 v10;
	v48 =	vmul.bf16 v1, v25  }
0x148: {  	(xrf2) =	vadd.scan.msk.f32 $0xffff, v16;
	v6 =	vld [tilespmem:$0x16860];
	v42 =	vunpack.i.l.bf16.f32 v10;
	v26 =	vunpack.i.u.bf16.f32 v14;
	v27 =	vunpack.i.l.bf16.f32 v14  }
0x149: {  	(xrf2) =	vadd.scan.msk.f32 $0xffff, v23;
	v63 =	vld [tilespmem:s7+$0xFFFFFF80];
	v14 =	vadd.bf16 v29, v57;
	v15 =	vmax.bf16 v25, v48;
	v29 =	vmul.bf16 v34, v19  }
0x14a: {  	(xrf2) =	vadd.scan.msk.f32 $0xffff, v21;
	v56, _, _ =	vpop (xrf2);
	v10 =	vunpack.i.u.bf16.f32 v24;
	v4 =	vld [tilespmem:$0x16840];
	v21 =	vadd.bf16 v54, v51;
	v35 =	vmul.bf16 v15, v9  }
0x14b: {  	v36 =	vbroadcast v56, $0xF;
	v54 =	vld [tilespmem:s8+$0xFFFFFF90];
	v25 =	vadd.bf16 v62, v5;
	v24 =	vadd.bf16 v14, v29  }
0x14c: {  	v53 =	vmul.bf16 v34, v3;
	v29 =	vld [tilespmem:s7+$0x40];
	v55 =	vunpack.i.u.bf16.f32 v35;
	v35 =	vunpack.i.l.bf16.f32 v35  }
0x14d: {  	v25 =	vadd.bf16 v25, v49;
	v35 =	vadd.f32 v35, v55;
	v55 =	vld [tilespmem:s7+$0xFFFFFF90];
	v50 =	vmul.bf16 v1, v24  }
0x14e: {  	(xrf2) =	vadd.scan.msk.f32 $0xffff, v22;
	v26 =	vadd.f32 v27, v26;
	v27 =	vadd.f32 v44, v10;
	v36 =	vnsel vm2, $0x0, v36;
	v5 =	vld [tilespmem:$0x16850]  }
0x14f: {  	(xrf2) =	vadd.scan.msk.f32 $0xffff, v20;
	v33 =	vadd.bf16 v52, v53;
	v62 =	vld [tilespmem:s8+$0xFFFFFF80];
	v57 =	vmul.bf16 v1, v25;
	v24 =	vmax.bf16 v24, v50  }
0x150: {  	(xrf2) =	vadd.scan.msk.f32 $0xffff, v30;
	v30 =	vmul.bf16 v34, v6;
	v14 =	vadd.f32 v59, v58;
	v58 =	vld [tilespmem:s8+$0x60];
	v24 =	vmul.bf16 v24, v8  }
0x151: {  	v15 =	vadd.f32 v61, v60;
	v16 =	vmul.bf16 v34, v4;
	v59 =	vld [tilespmem:s7+$0x60];
	v25 =	vmax.bf16 v25, v57  }
0x152: {  	v60 =	vld [tilespmem:s8+$0x70];
	v29 =	vadd.bf16 v29, v28;
	v37 =	vadd.bf16 v55, v54;
	v46 =	vunpack.i.u.bf16.f32 v24  }
0x153: {  	v28 =	vld [tilespmem:$0x16870];
	v23 =	vunpack.i.l.bf16.f32 v24;
	v24 =	vmul.bf16 v25, v11;
	v25 =	vmul.bf16 v1, v33  }
0x154: {  	v61 =	vld [tilespmem:s7+$0x70];
	v16 =	vadd.bf16 v29, v16;
	v29 =	vmul.bf16 v34, v5;
	v39 =	vadd.f32 v23, v46  }
0x155: {  	v13 =	vld [tilespmem:$0x168C0];
	v23 =	vunpack.i.u.bf16.f32 v24;
	v24 =	vunpack.i.l.bf16.f32 v24;
	v20 =	vmax.bf16 v33, v25  }
0x156: {  	v22 =	vld [tilespmem:$0x168D0];
	v25 =	vmul.bf16 v1, v16;
	v21 =	vadd.bf16 v21, v29;
	v29 =	vadd.bf16 v59, v58  }
0x157: {  	v10 =	vld [tilespmem:s7+$0xFFFFFFE0];
	v33 =	vadd.bf16 v63, v62;
	v20 =	vmul.bf16 v20, v12;
	v24 =	vadd.f32 v24, v23  }
0x158: {  	v52 =	vld [tilespmem:s7+$0xFFFFFFC0];
	v34 =	vmul.bf16 v34, v28;
	v16 =	vmax.bf16 v16, v25;
	v25 =	vmul.bf16 v1, v21  }
0x159: {  	(xrf2) =	vadd.scan.msk.f32 $0xffff, v31;
	v57 =	vld [tilespmem:s8+$0xFFFFFFA0];
	v29 =	vadd.bf16 v29, v30;
	v30 =	vadd.bf16 v61, v60;
	v31 =	vunpack.i.u.bf16.f32 v20  }
0x15a: {  	v47, _, _ =	vpop (xrf2);
	v23 =	vld [tilespmem:$0x168E0];
	v16 =	vmul.bf16 v16, v13;
	v20 =	vunpack.i.l.bf16.f32 v20;
	v21 =	vmax.bf16 v21, v25  }
0x15b: {  	v58, _, _ =	vpop (xrf2);
	v63 =	vld [tilespmem:s8+$0xFFFFFFC0];
	v48 =	vmul.bf16 v1, v29;
	v30 =	vadd.bf16 v30, v34;
	v20 =	vadd.f32 v20, v31  }
0x15c: {  	v49, _, _ =	vpop (xrf2);
	v25 =	vld [tilespmem:$0x168F0];
	v34 =	vbroadcast v58, $0xF;
	v56 =	vunpack.i.u.bf16.f32 v16;
	v16 =	vunpack.i.l.bf16.f32 v16  }
0x15d: {  	v31 =	vld [tilespmem:s7+$0xFFFFFFA0];
	v58 =	vbroadcast v49, $0xF;
	v21 =	vmul.bf16 v21, v22;
	v16 =	vadd.f32 v16, v56  }
0x15e: {  	v53 =	vld [tilespmem:s8+$0xFFFFFFD0];
	(xrf2) =	vadd.scan.msk.f32 $0xffff, v35;
	v29 =	vmax.bf16 v29, v48;
	v50 =	vmul.bf16 v1, v30;
	v34 =	vnsel vm4, $0x0, v34  }
0x15f: {  	v62 =	vld [tilespmem:s7+$0xFFFFFFB0];
	(xrf2) =	vadd.scan.msk.f32 $0xffff, v39;
	v51, _, _ =	vpop (xrf2);
	v59 =	vunpack.i.u.bf16.f32 v21;
	v21 =	vunpack.i.l.bf16.f32 v21;
	v29 =	vmul.bf16 v29, v23  }
0x160: {  	v46, _, _ =	vpop (xrf2);
	(xrf2) =	vadd.scan.msk.f32 $0xffff, v24;
	v56 =	vld [tilespmem:s8+$0xFFFFFFE0];
	v61 =	vadd.f32 v21, v59;
	v21 =	vadd.f32 v40, v32;
	v30 =	vmax.bf16 v30, v50  }
0x161: {  	v60 =	vld [tilespmem:s8+$0xFFFFFFB0];
	(xrf2) =	vadd.scan.msk.f32 $0xffff, v20;
	v32 =	vadd.bf16 v52, v63;
	v63 =	vbroadcast v46, $0xF;
	v24 =	vunpack.i.u.bf16.f32 v29  }
0x162: {  	(xrf2) =	vadd.scan.msk.f32 $0xffff, v16;
	v16 =	vld [tilespmem:s7+$0xFFFFFFD0];
	v29 =	vunpack.i.l.bf16.f32 v29;
	v30 =	vmul.bf16 v30, v25;
	v31 =	vadd.bf16 v31, v57  }
0x163: {  	v46 =	vld [tilespmem:s9+$0xFFFFFFF0];
	v57 =	vbroadcast v47, $0xF;
	v50, _, _ =	vpop (xrf2);
	v29 =	vadd.f32 v29, v24;
	v24 =	vadd.f32 v42, v41  }
0x164: {  	v42 =	vnsel vm5, $0x0, v58;
	v20 =	vbroadcast v50, $0xF;
	v55 =	vunpack.i.u.bf16.f32 v30  }
0x165: {  	v54, _, _ =	vpop (xrf2);
	v30 =	vunpack.i.l.bf16.f32 v30;
	v41 =	vnsel vm3, $0x0, v57;
	v35 =	vadd.bf16 v10, v56  }
0x166: {  	v59 =	vld [tilespmem:s8+$0xFFFFFFF0];
	(xrf2) =	vadd.scan.msk.f32 $0xffff, v61;
	v34 =	vadd.f32 v42, v34;
	v40 =	vbroadcast v54, $0xF;
	v30 =	vadd.f32 v30, v55  }
0x167: {  	v61 =	vld [tilespmem:s7+$0xFFFFFFF0];
	(xrf2) =	vadd.scan.msk.f32 $0xffff, v29;
	v29 =	vadd.bf16 v62, v60;
	v55 =	vnsel vm7, $0x0, v63;
	v20 =	vnsel vm0, $0x0, v20  }
0x168: {  	v62 =	vpop (erf);
	v38 =	vadd.bf16 v16, v53;
	v18 =	vmul.bf16 v18, v46;
	v19 =	vmul.bf16 v19, v46  }
0x169: {  	v10 =	vnsel vm8, $0x0, v62;
	v2 =	vmul.bf16 v2, v46;
	v3 =	vmul.bf16 v3, v46  }
0x16a: {  	v4 =	vmul.bf16 v4, v46;
	v5 =	vmul.bf16 v5, v46;
	v60 =	vnsel vm1, $0x0, v40  }
0x16b: {  	v6 =	vmul.bf16 v6, v46;
	v28 =	vmul.bf16 v28, v46;
	(xrf2) =	vadd.scan.msk.f32 $0xffff, v30;
	v16 =	vadd.f32 v60, v20  }
0x16c: {  	v52, _, _ =	vpop (xrf2);
	v30 =	vbroadcast v51, $0xF;
	v20 =	vadd.f32 v41, v36;
	v57 =	vadd.bf16 v61, v59  }
0x16d: {  	v53, _, _ =	vpop (xrf2);
	v59 =	vbroadcast v52, $0xF;
	v18 =	vadd.bf16 v18, v33;
	v19 =	vadd.bf16 v19, v37  }
0x16e: {  	v60 =	vbroadcast v53, $0xF;
	v31 =	vadd.bf16 v2, v31;
	v29 =	vadd.bf16 v3, v29  }
0x16f: {  	v54, _, _ =	vpop (xrf2);
	v32 =	vadd.bf16 v4, v32;
	v51 =	vadd.bf16 v5, v38;
	v30 =	vnsel vm6, $0x0, v30  }
0x170: {  	v62 =	vbroadcast v54, $0xF;
	v35 =	vadd.bf16 v6, v35;
	v56, _, _ =	vpop (xrf2);
	v17 =	vadd.f32 v20, v17  }
0x171: {  	v20 =	vadd.f32 v55, v30;
	v63 =	vbroadcast v56, $0xF;
	v42 =	vnsel vm1, $0x0, v60  }
0x172: {  	v33 =	vnsel vm2, $0x0, v62;
	v50 =	vmul.bf16 v1, v18;
	v52 =	vmul.bf16 v1, v31;
	v30, _, _ =	vpop (xrf2)  }
0x173: {  	v28 =	vadd.bf16 v28, v57;
	v53 =	vmul.bf16 v1, v29;
	v54 =	vmul.bf16 v1, v32;
	v58, _, _ =	vpop (xrf2)  }
0x174: {  	v55 =	vmul.bf16 v1, v51;
	v56 =	vmul.bf16 v1, v35;
	v20 =	vadd.f32 v20, v34;
	v61, _, _ =	vpop (xrf2)  }
0x175: {  	v2 =	vld [tilespmem:$0x16880];
	v34 =	vnsel vm0, $0x0, v59;
	v30 =	vbroadcast v30, $0xF;
	v45 =	vbroadcast v58, $0xF;
	v47, _, _ =	vpop (xrf2)  }
0x176: {  	v3 =	vld [tilespmem:$0x16890];
	v36 =	vnsel vm3, $0x0, v63;
	v48 =	vbroadcast v61, $0xF;
	v40 =	vbroadcast v47, $0xF  }
0x177: {  	v5 =	vld [tilespmem:$0x168A0];
	v34 =	vadd.f32 v42, v34;
	v33 =	vadd.f32 v36, v33;
	v30 =	vnsel vm4, $0x0, v30  }
0x178: {  	v4 =	vld [tilespmem:$0x168B0];
	v37 =	vnsel vm5, $0x0, v45;
	v41 =	vnsel vm6, $0x0, v48;
	v40 =	vnsel vm7, $0x0, v40  }
0x179: {  	s11 =	sadd.s32 $0x100, s8;
	v6 =	vld [tilespmem:$0x168C0];
	v18 =	vmax.bf16 v18, v50;
	v30 =	vadd.f32 v37, v30;
	v49 =	vadd.f32 v40, v41  }
0x17a: {  	s13 =	sadd.s32 $0x100, s7;
	v31 =	vmax.bf16 v31, v52;
	v29 =	vmax.bf16 v29, v53;
	v59 =	vld [tilespmem:s11+$0x0];
	v17 =	vadd.f32 v20, v17  }
0x17b: {  	v57 =	vmul.bf16 v1, v28;
	v50 =	vld [tilespmem:s13+$0x20];
	v20 =	vadd.f32 v33, v34;
	v30 =	vadd.f32 v49, v30  }
0x17c: {  	v52 =	vld [tilespmem:s11+$0x30];
	v9 =	vmul.bf16 v18, v9;
	v11 =	vmul.bf16 v31, v11;
	v58 =	vmax.bf16 v35, v56  }
0x17d: {  	v28 =	vmax.bf16 v28, v57;
	v33 =	vmul.bf16 v58, v23;
	v23 =	vld [tilespmem:s11+$0x10];
	v20 =	vadd.f32 v30, v20  }
0x17e: {  	s10 =	simm.s32 $0x16970;
	v32 =	vmax.bf16 v32, v54;
	v38 =	vmul.bf16 v28, v25;
	v25 =	vld [tilespmem:s13+$0x10];
	v30 =	vmul.bf16 v1, v19  }
0x17f: {  	v18 =	vmax.bf16 v51, v55;
	v12 =	vmul.bf16 v29, v12;
	v37 =	vld [tilespmem:s10+$0x0];
	v20 =	vmul.f32 $1.442695020e+00, v20  }
0x180: {  	v29 =	vmul.bf16 v32, v13;
	v60 =	vmul.bf16 v18, v22;
	v30 =	vmax.bf16 v19, v30;
	v19 =	vld [tilespmem:$0x16800]  }
0x181: {  	v31 =	vunpack.i.u.bf16.f32 v9;
	v8 =	vmul.bf16 v30, v8;
	v30 =	vld [tilespmem:s13+$0x0];
	(erf) = vpow2.f32 v20  }
0x182: {  	v9 =	vunpack.i.l.bf16.f32 v9;
	v28 =	vunpack.i.u.bf16.f32 v11;
	v11 =	vunpack.i.l.bf16.f32 v11;
	v20 =	vld [tilespmem:$0x16810]  }
0x183: {  	v13 =	vld [tilespmem:$0x16820];
	v63 =	vunpack.i.u.bf16.f32 v12;
	v12 =	vunpack.i.l.bf16.f32 v12;
	v42 =	vunpack.i.u.bf16.f32 v29  }
0x184: {  	v18 =	vld [tilespmem:$0x16830];
	v43 =	vunpack.i.l.bf16.f32 v29;
	v29 =	vunpack.i.u.bf16.f32 v60;
	v9 =	vadd.f32 v9, v31  }
0x185: {  	v54 =	vld [tilespmem:s13+$0x30];
	v31 =	vadd.f32 v12, v63;
	v17 =	vmul.f32 $1.442695020e+00, v17;
	v36 =	vunpack.i.l.bf16.f32 v33  }
0x186: {  	v56 =	vld [tilespmem:s11+$0x40];
	v25 =	vadd.bf16 v25, v23;
	v48 =	vmul.bf16 v37, v19;
	v34 =	vadd.bf16 v30, v59  }
0x187: {  	v49 =	vld [tilespmem:s11+$0x20];
	v61 =	vunpack.i.u.bf16.f32 v8;
	v62 =	vunpack.i.l.bf16.f32 v8;
	v53 =	vmul.bf16 v37, v20  }
0x188: {  	v46 =	vunpack.i.u.bf16.f32 v38;
	v35 =	vadd.f32 v62, v61;
	v62 =	vld [tilespmem:s11+$0x50];
	v51 =	vadd.bf16 v34, v48  }
0x189: {  	(xrf2) =	vadd.scan.msk.f32 $0xffff, v14;
	v57 =	vmul.bf16 v37, v13;
	v61 =	vmul.bf16 v37, v18;
	v48 =	vld [tilespmem:s13+$0x50];
	v40 =	vadd.bf16 v25, v53  }
0x18a: {  	(xrf2) =	vadd.scan.msk.f32 $0xffff, v15;
	v30 =	vunpack.i.l.bf16.f32 v60;
	v60 =	vadd.bf16 v54, v52;
	v25 =	vld [tilespmem:$0x16850];
	v55 =	vmul.bf16 v1, v51;
	v8 =	vpop (erf)  }
0x18b: {  	(xrf2) =	vadd.scan.msk.f32 $0xffff, v21;
	v58 =	vld [tilespmem:s13+$0x40];
	v59 =	vmul.bf16 v1, v40;
	v22 =	vnsel vm8, $0x0, v8;
	v8 =	vunpack.i.u.bf16.f32 v33  }
0x18c: {  	(xrf2) =	vadd.scan.msk.f32 $0xffff, v24;
	v23 =	vld [tilespmem:$0x16840];
	v33 =	vadd.f32 v11, v28;
	v11 =	vmax.bf16 v51, v55;
	v28 =	vadd.bf16 v50, v49  }
0x18d: {  	v14 =	vld [tilespmem:$0x16870];
	(xrf2) =	vadd.scan.msk.f32 $0xffff, v26;
	v38 =	vunpack.i.l.bf16.f32 v38;
	v32 =	vadd.bf16 v60, v61;
	v11 =	vmul.bf16 v11, v2  }
0x18e: {  	(xrf2) =	vadd.scan.msk.f32 $0xffff, v27;
	v27 =	vld [tilespmem:s11+$0xFFFFFF80];
	v40 =	vmax.bf16 v40, v59;
	v24 =	vadd.bf16 v48, v62;
	v12 =	vadd.bf16 v28, v57  }
0x18f: {  	v52 =	vld [tilespmem:s11+$0x60];
	v54 =	vmul.bf16 v37, v25;
	v63 =	vunpack.i.u.bf16.f32 v11;
	v11 =	vunpack.i.l.bf16.f32 v11  }
0x190: {  	v53 =	vld [tilespmem:s13+$0x60];
	v45 =	vadd.f32 v11, v63;
	v11 =	vmul.bf16 v40, v3;
	v49 =	vmul.bf16 v1, v12  }
0x191: {  	v50 =	vadd.bf16 v58, v56;
	v51 =	vmul.bf16 v37, v23;
	v59 =	vld [tilespmem:s13+$0xFFFFFF80];
	v24 =	vadd.bf16 v24, v54  }
0x192: {  	v28 =	vld [tilespmem:$0x16860];
	v15 =	vunpack.i.u.bf16.f32 v11;
	v11 =	vunpack.i.l.bf16.f32 v11;
	v12 =	vmax.bf16 v12, v49  }
0x193: {  	v55 =	vld [tilespmem:s11+$0x70];
	v15 =	vadd.f32 v11, v15;
	v11 =	vmul.bf16 v12, v5;
	v12 =	vmul.bf16 v1, v32  }
0x194: {  	(erf) = vpow2.f32 v17;
	v56 =	vld [tilespmem:s13+$0x70];
	v21 =	vadd.bf16 v50, v51;
	v61 =	vmul.bf16 v1, v24  }
0x195: {  	(xrf2) =	vadd.scan.msk.f32 $0xffff, v9;
	v9 =	vld [tilespmem:$0x168D0];
	v26 =	vunpack.i.u.bf16.f32 v11;
	v11 =	vunpack.i.l.bf16.f32 v11;
	v12 =	vmax.bf16 v32, v12  }
0x196: {  	v26 =	vadd.f32 v11, v26;
	v11 =	vmul.bf16 v12, v4;
	v12 =	vmul.bf16 v1, v21  }
0x197: {  	(xrf2) =	vadd.scan.msk.f32 $0xffff, v35;
	v57 =	vadd.bf16 v53, v52;
	v35 =	vadd.bf16 v59, v27;
	v58 =	vmul.bf16 v37, v28  }
0x198: {  	v48 =	vld [tilespmem:s11+$0xFFFFFFA0];
	v37 =	vmul.bf16 v37, v14;
	v24 =	vmax.bf16 v24, v61;
	v12 =	vmax.bf16 v21, v12  }
0x199: {  	v63 =	vld [tilespmem:s13+$0xFFFFFF90];
	v34 =	vadd.bf16 v57, v58;
	v32 =	vadd.bf16 v56, v55;
	v12 =	vmul.bf16 v12, v6  }
0x19a: {  	v24 =	vmul.bf16 v24, v9;
	v60 =	vunpack.i.u.bf16.f32 v11;
	v11 =	vunpack.i.l.bf16.f32 v11;
	v21 =	vld [tilespmem:s11+$0xFFFFFF90]  }
0x19b: {  	v62, _, _ =	vpop (xrf2);
	v41 =	vadd.f32 v11, v60;
	v11 =	vld [tilespmem:$0x168E0];
	v56 =	vunpack.i.u.bf16.f32 v12;
	v12 =	vunpack.i.l.bf16.f32 v12  }
0x19c: {  	v39 =	vbroadcast v62, $0xF;
	v32 =	vadd.bf16 v32, v37;
	v47 =	vadd.f32 v12, v56;
	v12 =	vld [tilespmem:$0x168F0]  }
0x19d: {  	v27 =	vld [tilespmem:s13+$0xFFFFFFA0];
	(xrf2) =	vadd.scan.msk.f32 $0xffff, v45;
	v57 =	vmul.bf16 v1, v34;
	v59 =	vunpack.i.u.bf16.f32 v24;
	v24 =	vunpack.i.l.bf16.f32 v24  }
0x19e: {  	v44, _, _ =	vpop (xrf2);
	v52 =	vld [tilespmem:s11+$0xFFFFFFB0];
	v39 =	vnsel vm2, $0x0, v39;
	(xrf2) =	vadd.scan.msk.f32 $0xffff, v15;
	v24 =	vadd.f32 v24, v59;
	v53 =	vmul.bf16 v1, v32  }
0x19f: {  	v58, _, _ =	vpop (xrf2);
	(xrf2) =	vadd.scan.msk.f32 $0xffff, v26;
	v26 =	vadd.f32 v43, v42;
	v42 =	vadd.f32 v30, v29;
	v30 =	vld [tilespmem:s11+$0xFFFFFFD0];
	v34 =	vmax.bf16 v34, v57  }
0x1a0: {  	v37, _, _ =	vpop (xrf2);
	v58 =	vbroadcast v58, $0xF;
	v57 =	vld [tilespmem:s13+$0xFFFFFFD0];
	v32 =	vmax.bf16 v32, v53;
	v34 =	vmul.bf16 v34, v11  }
0x1a1: {  	v62 =	vld [tilespmem:s11+$0xFFFFFFC0];
	v37 =	vbroadcast v37, $0xF;
	v60, _, _ =	vpop (xrf2);
	(xrf2) =	vadd.scan.msk.f32 $0xffff, v41;
	v21 =	vadd.bf16 v63, v21;
	v32 =	vmul.bf16 v32, v12  }
0x1a2: {  	v61 =	vld [tilespmem:s13+$0xFFFFFFB0];
	v45, _, _ =	vpop (xrf2);
	(xrf2) =	vadd.scan.msk.f32 $0xffff, v47;
	v47 =	vadd.bf16 v27, v48;
	v63 =	vunpack.i.u.bf16.f32 v34;
	v34 =	vunpack.i.l.bf16.f32 v34  }
0x1a3: {  	v55 =	vld [tilespmem:s13+$0xFFFFFFC0];
	v15, _, _ =	vpop (xrf2);
	v34 =	vadd.f32 v34, v63;
	v27 =	vunpack.i.u.bf16.f32 v32;
	v29 =	vunpack.i.l.bf16.f32 v32  }
0x1a4: {  	v59 =	vld [tilespmem:s13+$0xFFFFFFE0];
	v37 =	vnsel vm5, $0x0, v37;
	v60 =	vbroadcast v60, $0xF;
	v54, _, _ =	vpop (xrf2);
	(xrf2) =	vadd.scan.msk.f32 $0xffff, v24;
	v29 =	vadd.f32 v29, v27  }
0x1a5: {  	v53 =	vld [tilespmem:s10+$0xFFFFFFF0];
	v15 =	vbroadcast v15, $0xF;
	v30 =	vadd.bf16 v57, v30;
	v56 =	vbroadcast v54, $0xF;
	(xrf2) =	vadd.scan.msk.f32 $0xffff, v34  }
0x1a6: {  	v40 =	vnsel vm6, $0x0, v60;
	v24 =	vadd.f32 v36, v8;
	v8 =	vbroadcast v44, $0xF;
	v32 =	vld [tilespmem:s11+$0xFFFFFFE0];
	(xrf2) =	vadd.scan.msk.f32 $0xffff, v29  }
0x1a7: {  	v15 =	vnsel vm0, $0x0, v15;
	v41 =	vnsel vm1, $0x0, v56;
	v63 =	vld [tilespmem:s13+$0xFFFFFFF0];
	v27 =	vadd.bf16 v61, v52  }
0x1a8: {  	v54, _, _ =	vpop (xrf2);
	v61 =	vld [tilespmem:s11+$0xFFFFFFF0];
	v52 =	vnsel vm3, $0x0, v8;
	v29 =	vadd.bf16 v55, v62;
	v62 =	vbroadcast v45, $0xF  }
0x1a9: {  	v36 =	vnsel vm4, $0x0, v58;
	v8 =	vadd.f32 v41, v15;
	v15 =	vadd.f32 v52, v39;
	v55, _, _ =	vpop (xrf2)  }
0x1aa: {  	v36 =	vadd.f32 v37, v36;
	(xrf2) =	vadd.scan.msk.f32 $0xffff, v33;
	v60 =	vbroadcast v55, $0xF;
	v57 =	vnsel vm7, $0x0, v62  }
0x1ab: {  	v56, _, _ =	vpop (xrf2);
	v32 =	vadd.bf16 v59, v32;
	v59 =	vadd.f32 v15, v16;
	v16 =	vmul.bf16 v19, v53  }
0x1ac: {  	v58, _, _ =	vpop (xrf2);
	v19 =	vmul.bf16 v20, v53;
	(xrf2) =	vadd.scan.msk.f32 $0xffff, v31;
	v31 =	vbroadcast v54, $0xF;
	v15 =	vadd.f32 v57, v40  }
0x1ad: {  	[tilespmem:s18+$0x0] =	vst v7;
	v62 =	vbroadcast v56, $0xF;
	v17, _, _ =	vpop (xrf2);
	v33 =	vadd.bf16 v63, v61;
	v37 =	vbroadcast v58, $0xF  }
0x1ae: {  	v7 =	vnsel vm1, $0x0, v60;
	(xrf2) =	vadd.scan.msk.f32 $0xffff, v26;
	v26 =	vmul.bf16 v13, v53;
	v20, _, _ =	vpop (xrf2);
	v36 =	vadd.f32 v15, v36  }
0x1af: {  	v17 =	vbroadcast v17, $0xF;
	v15 =	vadd.bf16 v16, v35;
	v16 =	vadd.bf16 v19, v21;
	v61, _, _ =	vpop (xrf2)  }
0x1b0: {  	v19 =	vbroadcast v20, $0xF;
	v21 =	vnsel vm0, $0x0, v31;
	v35 =	vnsel vm2, $0x0, v62;
	v20, _, _ =	vpop (xrf2)  }
0x1b1: {  	s17 =	sadd.s32 $0x20, s18;
	(xrf2) =	vadd.scan.msk.f32 $0xffff, v42;
	v37 =	vnsel vm3, $0x0, v37;
	v31 =	vbroadcast v61, $0xF;
	v20 =	vbroadcast v20, $0xF  }
0x1b2: {  	s15 =	sadd.s32 $0x20, s17;
	[tilespmem:s17+$0x0] =	vst v10;
	v10 =	vnsel vm4, $0x0, v17;
	v63 =	vadd.f32 v7, v21;
	v17 =	vnsel vm5, $0x0, v19  }
0x1b3: {  	[tilespmem:s15+$0x0] =	vst v22;
	v13 =	vadd.f32 v17, v10;
	v19 =	vnsel vm6, $0x0, v31;
	v20 =	vnsel vm7, $0x0, v20  }
0x1b4: {  	v14 =	vmul.bf16 v14, v53;
	v35 =	vadd.f32 v37, v35;
	v22, _, _ =	vpop (xrf2);
	(xrf2) =	vadd.scan.msk.f32 $0xffff, v24;
	v19 =	vadd.f32 v20, v19  }
0x1b5: {  	v34 =	vadd.f32 v38, v46;
	v21 =	vmul.bf16 v25, v53;
	v10 =	vadd.f32 v36, v59  }
0x1b6: {  	s12 =	simm.s32 $0x6;
	v7 =	vpop (erf);
	v17 =	vadd.f32 v35, v63;
	v31 =	vmul.bf16 v18, v53;
	v18 =	vadd.f32 v19, v13  }
0x1b7: {  	s16 =	smov.u32 s15;
	s9 =	smov.u32 s17;
	s7 =	smov.u32 s18;
	v20 =	vmul.bf16 v23, v53;
	v23 =	vmul.bf16 v28, v53;
	v13, _, _ =	vpop (xrf2);
	v19 =	vadd.bf16 v26, v47;
	(xrf2) =	vadd.scan.msk.f32 $0xffff, v34  }
.LBB2_7:
0x1b8: {  	v24 =	vld [tilespmem:$0x16880];
	v25 =	vmul.bf16 v1, v15;
	v26 =	vadd.bf16 v31, v27;
	v17 =	vadd.f32 v18, v17;
	v18, _, _ =	vpop (xrf2)  }
0x1b9: {  	v27 =	vmul.bf16 v1, v16;
	v29 =	vadd.bf16 v20, v29;
	v21 =	vadd.bf16 v21, v30;
	v28 =	vld [tilespmem:$0x16890]  }
0x1ba: {  	v31 =	vadd.bf16 v23, v32;
	v14 =	vadd.bf16 v14, v33;
	v30 =	vld [tilespmem:$0x168A0];
	v17 =	vmul.f32 $1.442695020e+00, v17  }
0x1bb: {  	v37 =	vmul.bf16 v1, v19;
	v25 =	vmax.bf16 v15, v25;
	v33 =	vmul.bf16 v1, v26;
	v32 =	vld [tilespmem:$0x168B0];
	v20, _, _ =	vpop (xrf2)  }
0x1bc: {  	v35 =	vmax.bf16 v16, v27;
	v27 =	vmul.bf16 v1, v29;
	v34 =	vld [tilespmem:$0x168C0];
	(erf) = vpow2.f32 v17  }
0x1bd: {  	v36 =	vmul.bf16 v1, v31;
	v17 =	vmax.bf16 v19, v37;
	v19 =	vmul.bf16 v1, v21;
	v15 =	vld [tilespmem:$0x16800]  }
0x1be: {  	s10 =	sadd.s32 $0x20, s10;
	v26 =	vmax.bf16 v26, v33;
	v29 =	vmax.bf16 v29, v27;
	v33 =	vmul.bf16 v1, v14;
	v16 =	vld [tilespmem:$0x16810];
	v23, _, _ =	vpop (xrf2)  }
0x1bf: {  	s11 =	sadd.s32 $0x100, s11;
	v37 =	vmul.bf16 v25, v2;
	v2 =	vmovc v24;
	v19 =	vmax.bf16 v21, v19;
	v21 =	vmax.bf16 v31, v36;
	v27 =	vld [tilespmem:s10+$0x0]  }
0x1c0: {  	s13 =	sadd.s32 $0x100, s13;
	v17 =	vmul.bf16 v17, v5;
	v31 =	vmul.bf16 v35, v3;
	v33 =	vmax.bf16 v14, v33;
	v3 =	vmovc v28;
	v24 =	vld [tilespmem:s11+$0x0]  }
0x1c1: {  	v26 =	vmul.bf16 v26, v4;
	v29 =	vmul.bf16 v29, v6;
	v38 =	vunpack.i.u.bf16.f32 v37;
	v28 =	vld [tilespmem:s13+$0x0];
	v25, _, _ =	vpop (xrf2)  }
0x1c2: {  	v39 =	vunpack.i.l.bf16.f32 v37;
	v9 =	vmul.bf16 v19, v9;
	v11 =	vmul.bf16 v21, v11;
	v5 =	vmovc v30;
	v4 =	vmovc v32;
	v14 =	vld [tilespmem:$0x16820]  }
0x1c3: {  	v12 =	vmul.bf16 v33, v12;
	v21 =	vunpack.i.u.bf16.f32 v31;
	v30 =	vunpack.i.l.bf16.f32 v31;
	v6 =	vmovc v34;
	v19 =	vld [tilespmem:s11+$0x10]  }
0x1c4: {  	v40 =	vunpack.i.u.bf16.f32 v17;
	v41 =	vunpack.i.l.bf16.f32 v17;
	v42 =	vunpack.i.u.bf16.f32 v26;
	v35 =	vld [tilespmem:s13+$0x10]  }
0x1c5: {  	v26 =	vunpack.i.l.bf16.f32 v26;
	v36 =	vunpack.i.l.bf16.f32 v29;
	v34 =	vunpack.i.u.bf16.f32 v29;
	v17 =	vld [tilespmem:$0x16830];
	v29 =	vpop (erf)  }
0x1c6: {  	s15 =	sadd.s32 $0x20, s15;
	v24 =	vadd.bf16 v28, v24;
	v28 =	vmul.bf16 v27, v15;
	v43 =	vld [tilespmem:s11+$0x20];
	v29 =	vnsel vm8, $0x0, v29  }
0x1c7: {  	v32 =	vunpack.i.u.bf16.f32 v9;
	v33 =	vunpack.i.l.bf16.f32 v9;
	v31 =	vunpack.i.u.bf16.f32 v11;
	v44 =	vld [tilespmem:s13+$0x20];
	[tilespmem:s15+$0x0] =	vst v29  }
0x1c8: {  	v37 =	vunpack.i.l.bf16.f32 v11;
	v29 =	vunpack.i.u.bf16.f32 v12;
	v9 =	vadd.bf16 v24, v28;
	v24 =	vld [tilespmem:s11+$0x30]  }
0x1c9: {  	v28 =	vmul.bf16 v27, v16;
	v11 =	vadd.bf16 v35, v19;
	v45 =	vld [tilespmem:s13+$0x30];
	v35 =	vunpack.i.l.bf16.f32 v12  }
0x1ca: {  	v38 =	vadd.f32 v39, v38;
	v39 =	vadd.f32 v30, v21;
	v19 =	vld [tilespmem:$0x16840];
	v12 =	vmul.bf16 v1, v9  }
0x1cb: {  	v30 =	vbroadcast v22, $0xF;
	v11 =	vadd.bf16 v11, v28;
	v46 =	vld [tilespmem:s11+$0x40];
	v28 =	vadd.f32 v41, v40  }
0x1cc: {  	v40 =	vmul.bf16 v27, v14;
	v9 =	vmax.bf16 v9, v12;
	v12 =	vadd.bf16 v44, v43;
	v41 =	vld [tilespmem:s13+$0x40];
	(xrf2) =	vadd.scan.msk.f32 $0xffff, v38  }
0x1cd: {  	v22 =	vadd.f32 v26, v42;
	v21 =	vld [tilespmem:$0x16850];
	v9 =	vmul.bf16 v9, v2;
	v38 =	vmul.bf16 v1, v11  }
0x1ce: {  	v12 =	vadd.bf16 v12, v40;
	v26 =	vadd.bf16 v45, v24;
	v40 =	vmul.bf16 v27, v17;
	v42 =	vld [tilespmem:s11+$0x50]  }
0x1cf: {  	v43 =	vunpack.i.u.bf16.f32 v9;
	v9 =	vunpack.i.l.bf16.f32 v9;
	v11 =	vmax.bf16 v11, v38;
	v38 =	vld [tilespmem:s13+$0x50];
	(xrf2) =	vadd.scan.msk.f32 $0xffff, v39  }
0x1d0: {  	v24 =	vld [tilespmem:$0x16860];
	v9 =	vadd.f32 v9, v43;
	v11 =	vmul.bf16 v11, v3;
	v39 =	vmul.bf16 v1, v12  }
0x1d1: {  	v40 =	vadd.bf16 v26, v40;
	v43 =	vmul.bf16 v27, v19;
	v41 =	vadd.bf16 v41, v46;
	v44 =	vld [tilespmem:s11+$0x60]  }
0x1d2: {  	v45 =	vunpack.i.u.bf16.f32 v11;
	v11 =	vunpack.i.l.bf16.f32 v11;
	v12 =	vmax.bf16 v12, v39;
	v39 =	vld [tilespmem:s13+$0x60];
	(xrf2) =	vadd.scan.msk.f32 $0xffff, v9  }
0x1d3: {  	v26 =	vld [tilespmem:$0x16870];
	v9 =	vadd.f32 v11, v45;
	v11 =	vmul.bf16 v12, v5;
	v12 =	vmul.bf16 v1, v40  }
0x1d4: {  	v41 =	vadd.bf16 v41, v43;
	v38 =	vadd.bf16 v38, v42;
	v42 =	vmul.bf16 v27, v21;
	v43 =	vld [tilespmem:s11+$0x70]  }
0x1d5: {  	v45 =	vunpack.i.u.bf16.f32 v11;
	v11 =	vunpack.i.l.bf16.f32 v11;
	v12 =	vmax.bf16 v40, v12;
	v40 =	vld [tilespmem:s13+$0x70];
	(xrf2) =	vadd.scan.msk.f32 $0xffff, v9  }
0x1d6: {  	v46 =	vld [tilespmem:s11+$0xFFFFFF80];
	v11 =	vadd.f32 v11, v45;
	v12 =	vmul.bf16 v12, v4;
	v45 =	vmul.bf16 v1, v41;
	v47, _, _ =	vpop (xrf2)  }
0x1d7: {  	s12 =	sadd.s32 $0x2, s12;
	v38 =	vadd.bf16 v38, v42;
	v42 =	vmul.bf16 v27, v24;
	v9 =	vld [tilespmem:$0x168D0];
	v39 =	vadd.bf16 v39, v44  }
0x1d8: {  	p1 =	slt.u32 s12, $0x3E;
	v44 =	vld [tilespmem:s13+$0xFFFFFF80];
	v48 =	vunpack.i.u.bf16.f32 v12;
	v12 =	vunpack.i.l.bf16.f32 v12;
	v41 =	vmax.bf16 v41, v45;
	(xrf2) =	vadd.scan.msk.f32 $0xffff, v11  }
0x1d9: {  	v45 =	vld [tilespmem:s11+$0xFFFFFF90];
	v12 =	vadd.f32 v12, v48;
	v41 =	vmul.bf16 v41, v6;
	v48 =	vmul.bf16 v1, v38;
	v49, _, _ =	vpop (xrf2)  }
0x1da: {  	v27 =	vmul.bf16 v27, v26;
	v39 =	vadd.bf16 v39, v42;
	v11 =	vld [tilespmem:$0x168E0];
	v40 =	vadd.bf16 v40, v43  }
0x1db: {  	v42 =	vld [tilespmem:s13+$0xFFFFFF90];
	v43 =	vunpack.i.u.bf16.f32 v41;
	v41 =	vunpack.i.l.bf16.f32 v41;
	v38 =	vmax.bf16 v38, v48;
	(xrf2) =	vadd.scan.msk.f32 $0xffff, v12  }
0x1dc: {  	v48 =	vld [tilespmem:s11+$0xFFFFFFA0];
	v41 =	vadd.f32 v41, v43;
	v38 =	vmul.bf16 v38, v9;
	v43 =	vmul.bf16 v1, v39;
	v50, _, _ =	vpop (xrf2)  }
0x1dd: {  	v27 =	vadd.bf16 v40, v27;
	v40 =	vbroadcast v47, $0xF;
	v44 =	vadd.bf16 v44, v46;
	v12 =	vld [tilespmem:$0x168F0]  }
0x1de: {  	v46 =	vld [tilespmem:s13+$0xFFFFFFA0];
	v51 =	vunpack.i.u.bf16.f32 v38;
	v38 =	vunpack.i.l.bf16.f32 v38;
	v39 =	vmax.bf16 v39, v43;
	(xrf2) =	vadd.scan.msk.f32 $0xffff, v41  }
0x1df: {  	v52 =	vmul.bf16 v1, v27;
	v41 =	vld [tilespmem:s11+$0xFFFFFFB0];
	v38 =	vadd.f32 v38, v51;
	v39 =	vmul.bf16 v39, v11;
	v47, _, _ =	vpop (xrf2)  }
0x1e0: {  	v34 =	vadd.f32 v36, v34;
	v36 =	vbroadcast v49, $0xF;
	v42 =	vadd.bf16 v42, v45;
	v45 =	vld [tilespmem:s13+$0xFFFFFFB0]  }
0x1e1: {  	v27 =	vmax.bf16 v27, v52;
	v49 =	vld [tilespmem:s11+$0xFFFFFFC0];
	v51 =	vunpack.i.u.bf16.f32 v39;
	v39 =	vunpack.i.l.bf16.f32 v39;
	(xrf2) =	vadd.scan.msk.f32 $0xffff, v38  }
0x1e2: {  	v38 =	vld [tilespmem:s13+$0xFFFFFFC0];
	v39 =	vadd.f32 v39, v51;
	v27 =	vmul.bf16 v27, v12;
	v43, _, _ =	vpop (xrf2);
	v51 =	vadd.f32 v33, v32  }
0x1e3: {  	v13 =	vbroadcast v13, $0xF;
	v31 =	vadd.f32 v37, v31;
	v46 =	vadd.bf16 v46, v48;
	v32 =	vld [tilespmem:s11+$0xFFFFFFD0]  }
0x1e4: {  	v35 =	vadd.f32 v35, v29;
	v33 =	vld [tilespmem:s13+$0xFFFFFFD0];
	v37 =	vunpack.i.u.bf16.f32 v27;
	v48 =	vunpack.i.l.bf16.f32 v27;
	(xrf2) =	vadd.scan.msk.f32 $0xffff, v39  }
0x1e5: {  	v18 =	vbroadcast v18, $0xF;
	v27 =	vadd.bf16 v45, v41;
	v39 =	vld [tilespmem:s11+$0xFFFFFFE0];
	v37 =	vadd.f32 v48, v37;
	v41, _, _ =	vpop (xrf2)  }
0x1e6: {  	v20 =	vbroadcast v20, $0xF;
	v23 =	vbroadcast v23, $0xF;
	v40 =	vnsel vm0, $0x0, v40;
	v45 =	vld [tilespmem:s13+$0xFFFFFFE0]  }
0x1e7: {  	v25 =	vbroadcast v25, $0xF;
	v36 =	vnsel vm1, $0x0, v36;
	v29 =	vadd.bf16 v38, v49;
	v38 =	vld [tilespmem:s11+$0xFFFFFFF0];
	(xrf2) =	vadd.scan.msk.f32 $0xffff, v37  }
0x1e8: {  	v13 =	vnsel vm3, $0x0, v13;
	v18 =	vnsel vm4, $0x0, v18;
	v49 =	vnsel vm2, $0x0, v30;
	v37 =	vld [tilespmem:s13+$0xFFFFFFF0];
	v48, _, _ =	vpop (xrf2)  }
0x1e9: {  	v20 =	vnsel vm5, $0x0, v20;
	v23 =	vnsel vm6, $0x0, v23;
	v52 =	vld [tilespmem:s10+$0xFFFFFFF0];
	v30 =	vadd.bf16 v33, v32  }
0x1ea: {  	v25 =	vnsel vm7, $0x0, v25;
	v13 =	vadd.f32 v13, v49;
	v33 =	vadd.f32 v36, v40;
	(xrf2) =	vadd.scan.msk.f32 $0xffff, v28  }
0x1eb: {  	v10 =	vmul.f32 $1.442695020e+00, v10;
	v18 =	vadd.f32 v20, v18;
	v32 =	vadd.bf16 v45, v39;
	v28, _, _ =	vpop (xrf2)  }
0x1ec: {  	v7 =	vnsel vm8, $0x0, v7;
	v36 =	vadd.f32 v13, v8;
	v13 =	vadd.f32 v25, v23;
	v8 =	vmovc v33  }
0x1ed: {  	v33 =	vadd.bf16 v37, v38;
	(xrf2) =	vadd.scan.msk.f32 $0xffff, v22;
	(erf) = vpow2.f32 v10;
	[tilespmem:s7+$0xFFFFFFF0] =	vst v7;
	s7 =	smov.u32 s9;
	s9 =	smov.u32 s16;
	s16 =	smov.u32 s15  }
0x1ee: {  	v18 =	vadd.f32 v13, v18;
	v7 =	vmul.bf16 v15, v52;
	v10 =	vmul.bf16 v16, v52;
	v20, _, _ =	vpop (xrf2)  }
0x1ef: {  	v13 =	vbroadcast v50, $0xF;
	v22 =	vbroadcast v47, $0xF  }
0x1f0: {  	v23 =	vbroadcast v41, $0xF;
	v15 =	vadd.bf16 v7, v44;
	v7 =	vbroadcast v43, $0xF;
	(xrf2) =	vadd.scan.msk.f32 $0xffff, v34  }
0x1f1: {  	v25 =	vbroadcast v28, $0xF;
	v16 =	vadd.bf16 v10, v42;
	v10 =	vbroadcast v48, $0xF;
	v28, _, _ =	vpop (xrf2)  }
0x1f2: {  	v13 =	vnsel vm0, $0x0, v13;
	v20 =	vbroadcast v20, $0xF;
	v28 =	vbroadcast v28, $0xF  }
0x1f3: {  	v23 =	vnsel vm3, $0x0, v23;
	v34 =	vnsel vm1, $0x0, v22;
	v7 =	vnsel vm2, $0x0, v7;
	(xrf2) =	vadd.scan.msk.f32 $0xffff, v51  }
0x1f4: {  	v25 =	vnsel vm5, $0x0, v25;
	v20 =	vnsel vm6, $0x0, v20;
	v10 =	vnsel vm4, $0x0, v10;
	v22, _, _ =	vpop (xrf2)  }
.Ltmp2:
0x1f5: {  	v34 =	vadd.f32 v34, v13;
	v23 =	vadd.f32 v23, v7;
	v28 =	vnsel vm7, $0x0, v28;
	(pc) =	sbr.rel @p1 .LBB2_7-.Ltmp2, $4  }
0x1f6: {  	v14 =	vmul.bf16 v14, v52;
	v25 =	vadd.f32 v25, v10;
	v28 =	vadd.f32 v28, v20;
	(xrf2) =	vadd.scan.msk.f32 $0xffff, v31;
	v7 =	vpop (erf)  }
0x1f7: {  	v10 =	vadd.f32 v18, v36;
	v20 =	vmul.bf16 v19, v52;
	v31 =	vmul.bf16 v17, v52;
	v13, _, _ =	vpop (xrf2)  }
0x1f8: {  	v21 =	vmul.bf16 v21, v52;
	v17 =	vadd.f32 v23, v34;
	v18 =	vadd.f32 v28, v25  }
0x1f9: {  	v19 =	vadd.bf16 v14, v46;
	v14 =	vmul.bf16 v26, v52;
	v23 =	vmul.bf16 v24, v52;
	(xrf2) =	vadd.scan.msk.f32 $0xffff, v35  }
0x1fa: {  	v24 =	vmul.bf16 v1, v15  }
0x1fb: {  	v25 =	vadd.bf16 v31, v27;
	v26 =	vmul.bf16 v1, v16;
	v20 =	vadd.bf16 v20, v29  }
0x1fc: {  	v21 =	vadd.bf16 v21, v30;
	v23 =	vadd.bf16 v23, v32;
	v51 =	vmul.bf16 v1, v19  }
0x1fd: {  	v14 =	vadd.bf16 v14, v33;
	v15 =	vmax.bf16 v15, v24;
	v52 =	vmul.bf16 v1, v25  }
0x1fe: {  	v16 =	vmax.bf16 v16, v26;
	v53 =	vmul.bf16 v1, v20;
	v54 =	vmul.bf16 v1, v21  }
0x1ff: {  	v19 =	vmax.bf16 v19, v51;
	v28 =	vmul.bf16 v1, v23;
	v55 =	vmul.bf16 v1, v14  }
0x200: {  	v2 =	vmul.bf16 v15, v2;
	v3 =	vmul.bf16 v16, v3;
	v24 =	vmax.bf16 v25, v52  }
0x201: {  	v20 =	vmax.bf16 v20, v53;
	v15 =	vmax.bf16 v21, v54;
	v5 =	vmul.bf16 v19, v5  }
0x202: {  	v56 =	vmax.bf16 v23, v28;
	v16 =	vunpack.i.u.bf16.f32 v2;
	v2 =	vunpack.i.l.bf16.f32 v2  }
0x203: {  	v19 =	vunpack.i.u.bf16.f32 v3;
	v3 =	vunpack.i.l.bf16.f32 v3;
	v4 =	vmul.bf16 v24, v4  }
0x204: {  	v6 =	vmul.bf16 v20, v6;
	v14 =	vmax.bf16 v14, v55;
	v2 =	vadd.f32 v2, v16  }
0x205: {  	v9 =	vmul.bf16 v15, v9;
	v3 =	vadd.f32 v3, v19;
	v11 =	vmul.bf16 v56, v11  }
0x206: {  	(xrf2) =	vadd.scan.msk.f32 $0xffff, v2;
	v2 =	vmul.bf16 v14, v12;
	v12 =	vunpack.i.u.bf16.f32 v5;
	v5 =	vunpack.i.l.bf16.f32 v5  }
0x207: {  	(xrf2) =	vadd.scan.msk.f32 $0xffff, v3;
	v3 =	vunpack.i.u.bf16.f32 v4;
	v4 =	vunpack.i.l.bf16.f32 v4;
	v5 =	vadd.f32 v5, v12  }
0x208: {  	v12 =	vunpack.i.u.bf16.f32 v6;
	v6 =	vunpack.i.l.bf16.f32 v6;
	v3 =	vadd.f32 v4, v3  }
0x209: {  	v4 =	vunpack.i.u.bf16.f32 v9;
	v9 =	vunpack.i.l.bf16.f32 v9;
	v6 =	vadd.f32 v6, v12  }
0x20a: {  	(xrf2) =	vadd.scan.msk.f32 $0xffff, v5;
	v5 =	vunpack.i.u.bf16.f32 v11;
	v11 =	vunpack.i.l.bf16.f32 v11;
	v4 =	vadd.f32 v9, v4  }
0x20b: {  	(xrf2) =	vadd.scan.msk.f32 $0xffff, v3;
	v5 =	vadd.f32 v11, v5  }
0x20c: {  	v9 =	vunpack.i.u.bf16.f32 v2;
	v2 =	vunpack.i.l.bf16.f32 v2;
	v3, _, _ =	vpop (xrf2);
	(xrf2) =	vadd.scan.msk.f32 $0xffff, v6  }
0x20d: {  	v2 =	vadd.f32 v2, v9;
	v6, _, _ =	vpop (xrf2);
	(xrf2) =	vadd.scan.msk.f32 $0xffff, v4  }
0x20e: {  	v4, _, _ =	vpop (xrf2);
	(xrf2) =	vadd.scan.msk.f32 $0xffff, v5  }
0x20f: {  	v5, _, _ =	vpop (xrf2);
	(xrf2) =	vadd.scan.msk.f32 $0xffff, v2;
	_ =	sdelay $0x1  }
0x210: {  	v13 =	vbroadcast v13, $0xF;
	v12 =	vbroadcast v22, $0xF  }
0x211: {  	v3 =	vbroadcast v3, $0xF;
	v6 =	vbroadcast v6, $0xF;
	v2, _, _ =	vpop (xrf2)  }
0x212: {  	v13 =	vnsel vm3, $0x0, v13;
	v4 =	vbroadcast v4, $0xF;
	v5 =	vbroadcast v5, $0xF;
	v9, _, _ =	vpop (xrf2)  }
0x213: {  	v12 =	vnsel vm2, $0x0, v12;
	v2 =	vbroadcast v2, $0xF;
	v9 =	vbroadcast v9, $0xF;
	v14, _, _ =	vpop (xrf2)  }
0x214: {  	v3 =	vnsel vm4, $0x0, v3;
	v6 =	vnsel vm5, $0x0, v6;
	v4 =	vnsel vm6, $0x0, v4;
	v15, _, _ =	vpop (xrf2)  }
0x215: {  	v5 =	vnsel vm7, $0x0, v5;
	v2 =	vnsel vm0, $0x0, v2;
	v9 =	vnsel vm1, $0x0, v9;
	v16, _, _ =	vpop (xrf2)  }
0x216: {  	v2 =	vadd.f32 v9, v2;
	v9 =	vadd.f32 v13, v12;
	v13 =	vbroadcast v14, $0xF;
	v12, _, _ =	vpop (xrf2)  }
0x217: {  	v3 =	vadd.f32 v6, v3;
	v4 =	vadd.f32 v5, v4;
	v14 =	vbroadcast v15, $0xF;
	v6, _, _ =	vpop (xrf2)  }
0x218: {  	v15 =	vbroadcast v16, $0xF;
	v13 =	vnsel vm2, $0x0, v13;
	v12 =	vbroadcast v12, $0xF;
	v5, _, _ =	vpop (xrf2)  }
0x219: {  	v14 =	vnsel vm3, $0x0, v14;
	v6 =	vbroadcast v6, $0xF;
	v5 =	vbroadcast v5, $0xF  }
0x21a: {  	v11 =	vadd.f32 v18, v17;
	v13 =	vadd.f32 v14, v13;
	v15 =	vnsel vm4, $0x0, v15  }
0x21b: {  	v12 =	vnsel vm5, $0x0, v12;
	v6 =	vnsel vm6, $0x0, v6;
	v5 =	vnsel vm7, $0x0, v5  }
0x21c: {  	v12 =	vadd.f32 v12, v15;
	v5 =	vadd.f32 v5, v6  }
0x21d: {  	v3 =	vadd.f32 v4, v3;
	v6 =	vadd.f32 v9, v8  }
0x21e: {  	v4 =	vmul.f32 $1.442695020e+00, v11;
	v2 =	vadd.f32 v13, v2;
	v5 =	vadd.f32 v5, v12  }
0x21f: {  	v3 =	vadd.f32 v3, v6  }
0x220: {  	(erf) = vpow2.f32 v4;
	v4 =	vmul.f32 $1.442695020e+00, v10;
	v2 =	vadd.f32 v5, v2  }
0x221: {  	v3 =	vmul.f32 $1.442695020e+00, v3  }
0x222: {  	(erf) = vpow2.f32 v4;
	v2 =	vmul.f32 $1.442695020e+00, v2  }
0x223: {  	(erf) = vpow2.f32 v3  }
0x224: {  	(erf) = vpow2.f32 v2;
	_ =	sdelay $0x4  }
0x225: {  	v2 =	vpop (erf)  }
0x226: {  	s10 =	sadd.s32 $0x20, s15;
	v2 =	vnsel vm8, $0x0, v2  }
0x227: {  	v3 =	vpop (erf);
	[tilespmem:s10+$0x0] =	vst v2;
	v2 =	vnsel vm8, $0x0, v7  }
0x228: {  	[tilespmem:s7+$0xFFFFFFF0] =	vst v2;
	v2 =	vnsel vm8, $0x0, v3;
	v4 =	vpop (erf)  }
0x229: {  	[tilespmem:s9+$0xFFFFFFF0] =	vst v2;
	v2 =	vnsel vm8, $0x0, v4;
	v3 =	vpop (erf)  }
0x22a: {  	[tilespmem:s16+$0xFFFFFFF0] =	vst v2;
	v2 =	vnsel vm8, $0x0, v3  }
0x22b: {  	[tilespmem:s10+$0xFFFFFFF0] =	vst v2  }
0x22c: {  	v4 =	vld [tilespmem:s18+$0x0]  }
0x22d: {  	v2 =	vld [tilespmem:s24+$0x0];
	_ =	sdelay $0x3  }
0x22e: {  	v3 =	vbroadcast v4, $0x0  }
0x22f: {  	v5 =	vunpack.i.l.bf16.f32 v2  }
0x230: {  	v2 =	vunpack.i.u.bf16.f32 v2;
	v6 =	vmul.f32 v5, v3  }
0x231: {  	s10 =	sadd.s32 $0xE100, s25;
	v5 =	vld [tilespmem:s18+$0xFFFFFFF0];
	v2 =	vmul.f32 v2, v3  }
0x232: {  	v3 =	vld [tilespmem:s24+$0xFFFFFF80];
	[tilespmem:s10+$0x0] =	vst v6  }
0x233: {  	[tilespmem:s10+$0x10] =	vst v2  }
0x234: {  	v2 =	vld [tilespmem:s24+$0x10];
	_ =	sdelay $0x1  }
0x235: {  	v6 =	vbroadcast v5, $0x0  }
0x236: {  	v7 =	vunpack.i.l.bf16.f32 v3  }
0x237: {  	v8 =	vbroadcast v4, $0x1;
	v3 =	vunpack.i.u.bf16.f32 v3;
	v7 =	vmul.f32 v7, v6  }
0x238: {  	v3 =	vmul.f32 v3, v6;
	v6 =	vunpack.i.l.bf16.f32 v2  }
0x239: {  	v2 =	vunpack.i.u.bf16.f32 v2;
	[tilespmem:s10+$0xFFFFFF00] =	vst v7;
	v6 =	vmul.f32 v6, v8  }
0x23a: {  	[tilespmem:s10+$0xFFFFFF10] =	vst v3;
	v2 =	vmul.f32 v2, v8  }
0x23b: {  	v3 =	vld [tilespmem:s24+$0xFFFFFF90];
	[tilespmem:s10+$0x20] =	vst v6  }
0x23c: {  	[tilespmem:s10+$0x30] =	vst v2  }
0x23d: {  	v2 =	vld [tilespmem:s24+$0x20];
	_ =	sdelay $0x1  }
0x23e: {  	v6 =	vbroadcast v5, $0x1  }
0x23f: {  	v7 =	vunpack.i.l.bf16.f32 v3  }
0x240: {  	v8 =	vbroadcast v4, $0x2;
	v3 =	vunpack.i.u.bf16.f32 v3;
	v7 =	vmul.f32 v7, v6  }
0x241: {  	v3 =	vmul.f32 v3, v6;
	v6 =	vunpack.i.l.bf16.f32 v2  }
0x242: {  	v2 =	vunpack.i.u.bf16.f32 v2;
	[tilespmem:s10+$0xFFFFFF20] =	vst v7;
	v6 =	vmul.f32 v6, v8  }
0x243: {  	[tilespmem:s10+$0xFFFFFF30] =	vst v3;
	v2 =	vmul.f32 v2, v8  }
0x244: {  	v3 =	vld [tilespmem:s24+$0xFFFFFFA0];
	[tilespmem:s10+$0x40] =	vst v6  }
0x245: {  	[tilespmem:s10+$0x50] =	vst v2  }
0x246: {  	v7 =	vld [tilespmem:s24+$0x30]  }
0x247: {  	v2 =	vld [tilespmem:s17+$0x0]  }
0x248: {  	v8 =	vld [tilespmem:s20+$0x0];
	v6 =	vbroadcast v5, $0x2  }
0x249: {  	v9 =	vunpack.i.l.bf16.f32 v3  }
0x24a: {  	v10 =	vbroadcast v4, $0x3;
	v3 =	vunpack.i.u.bf16.f32 v3;
	v9 =	vmul.f32 v9, v6  }
0x24b: {  	v3 =	vmul.f32 v3, v6;
	v6 =	vld [tilespmem:s17+$0xFFFFFFF0];
	v11 =	vunpack.i.l.bf16.f32 v7  }
0x24c: {  	v12 =	vbroadcast v2, $0x0;
	v7 =	vunpack.i.u.bf16.f32 v7;
	[tilespmem:s10+$0xFFFFFF40] =	vst v9;
	v9 =	vld [tilespmem:s20+$0xFFFFFF80];
	v11 =	vmul.f32 v11, v10  }
0x24d: {  	[tilespmem:s10+$0xFFFFFF50] =	vst v3;
	v3 =	vunpack.i.l.bf16.f32 v8;
	v7 =	vmul.f32 v7, v10  }
0x24e: {  	v8 =	vunpack.i.u.bf16.f32 v8;
	v10 =	vld [tilespmem:s24+$0xFFFFFFB0];
	v3 =	vmul.f32 v3, v12;
	[tilespmem:s10+$0x60] =	vst v11  }
0x24f: {  	s7 =	sadd.s32 $0x200, s10;
	v8 =	vmul.f32 v8, v12;
	[tilespmem:s10+$0x70] =	vst v7  }
0x250: {  	v7 =	vbroadcast v6, $0x0;
	[tilespmem:s7+$0x0] =	vst v3;
	v3 =	vld [tilespmem:s24+$0x40]  }
0x251: {  	[tilespmem:s7+$0x10] =	vst v8;
	v11 =	vunpack.i.l.bf16.f32 v9  }
0x252: {  	v8 =	vbroadcast v5, $0x3;
	v12 =	vld [tilespmem:s20+$0x10];
	v9 =	vunpack.i.u.bf16.f32 v9;
	v11 =	vmul.f32 v11, v7  }
0x253: {  	v7 =	vmul.f32 v9, v7;
	v9 =	vunpack.i.l.bf16.f32 v10  }
0x254: {  	v10 =	vunpack.i.u.bf16.f32 v10;
	v9 =	vmul.f32 v9, v8;
	[tilespmem:s7+$0xFFFFFF00] =	vst v11;
	v11 =	vbroadcast v4, $0x4  }
0x255: {  	[tilespmem:s7+$0xFFFFFF10] =	vst v7;
	v7 =	vmul.f32 v10, v8;
	v8 =	vunpack.i.l.bf16.f32 v3  }
0x256: {  	v3 =	vunpack.i.u.bf16.f32 v3;
	v10 =	vld [tilespmem:s20+$0xFFFFFF90];
	[tilespmem:s10+$0xFFFFFF60] =	vst v9;
	v9 =	vbroadcast v2, $0x1;
	v8 =	vmul.f32 v8, v11  }
0x257: {  	v13 =	vunpack.i.l.bf16.f32 v12;
	[tilespmem:s10+$0xFFFFFF70] =	vst v7;
	v3 =	vmul.f32 v3, v11  }
0x258: {  	v7 =	vunpack.i.u.bf16.f32 v12;
	v11 =	vmul.f32 v13, v9;
	v12 =	vld [tilespmem:s24+$0xFFFFFFC0];
	[tilespmem:s10+$0x80] =	vst v8  }
0x259: {  	v7 =	vmul.f32 v7, v9;
	[tilespmem:s10+$0x90] =	vst v3  }
0x25a: {  	v3 =	vbroadcast v6, $0x1;
	[tilespmem:s7+$0x20] =	vst v11;
	v8 =	vld [tilespmem:s24+$0x50]  }
0x25b: {  	[tilespmem:s7+$0x30] =	vst v7;
	v9 =	vunpack.i.l.bf16.f32 v10  }
0x25c: {  	v7 =	vbroadcast v5, $0x4;
	v10 =	vunpack.i.u.bf16.f32 v10;
	v11 =	vld [tilespmem:s20+$0x20];
	v9 =	vmul.f32 v9, v3  }
0x25d: {  	v3 =	vmul.f32 v10, v3;
	v10 =	vunpack.i.l.bf16.f32 v12  }
0x25e: {  	[tilespmem:s7+$0xFFFFFF20] =	vst v9;
	v9 =	vunpack.i.u.bf16.f32 v12;
	v10 =	vmul.f32 v10, v7;
	v12 =	vbroadcast v4, $0x5  }
0x25f: {  	[tilespmem:s7+$0xFFFFFF30] =	vst v3;
	v3 =	vmul.f32 v9, v7;
	v7 =	vunpack.i.l.bf16.f32 v8  }
0x260: {  	v9 =	vbroadcast v2, $0x2;
	v8 =	vunpack.i.u.bf16.f32 v8;
	[tilespmem:s10+$0xFFFFFF80] =	vst v10;
	v7 =	vmul.f32 v7, v12;
	v10 =	vld [tilespmem:s20+$0xFFFFFFA0]  }
0x261: {  	v13 =	vunpack.i.l.bf16.f32 v11;
	[tilespmem:s10+$0xFFFFFF90] =	vst v3;
	v3 =	vmul.f32 v8, v12  }
0x262: {  	v8 =	vunpack.i.u.bf16.f32 v11;
	v11 =	vmul.f32 v13, v9;
	[tilespmem:s10+$0xA0] =	vst v7;
	v7 =	vld [tilespmem:s24+$0xFFFFFFD0]  }
0x263: {  	v8 =	vmul.f32 v8, v9;
	[tilespmem:s10+$0xB0] =	vst v3  }
0x264: {  	[tilespmem:s7+$0x40] =	vst v11;
	v11 =	vbroadcast v6, $0x2;
	v9 =	vld [tilespmem:s24+$0x60]  }
0x265: {  	[tilespmem:s7+$0x50] =	vst v8;
	v3 =	vunpack.i.l.bf16.f32 v10  }
0x266: {  	s11 =	sadd.s32 $0x20, s17;
	v12 =	vbroadcast v5, $0x5;
	v8 =	vld [tilespmem:s20+$0x30];
	v10 =	vunpack.i.u.bf16.f32 v10;
	v13 =	vmul.f32 v3, v11  }
0x267: {  	v3 =	vld [tilespmem:s11+$0x0];
	v10 =	vmul.f32 v10, v11;
	v11 =	vunpack.i.l.bf16.f32 v7  }
0x268: {  	v14 =	vld [tilespmem:s8+$0x0];
	v15 =	vbroadcast v4, $0x6;
	v7 =	vunpack.i.u.bf16.f32 v7;
	[tilespmem:s7+$0xFFFFFF40] =	vst v13;
	v11 =	vmul.f32 v11, v12  }
0x269: {  	v13 =	vld [tilespmem:s11+$0xFFFFFFF0];
	[tilespmem:s7+$0xFFFFFF50] =	vst v10;
	v7 =	vmul.f32 v7, v12;
	v16 =	vunpack.i.l.bf16.f32 v9  }
0x26a: {  	v17 =	vbroadcast v2, $0x3;
	v10 =	vld [tilespmem:s8+$0xFFFFFF80];
	v9 =	vunpack.i.u.bf16.f32 v9;
	v16 =	vmul.f32 v16, v15;
	[tilespmem:s10+$0xFFFFFFA0] =	vst v11  }
0x26b: {  	v11 =	vunpack.i.l.bf16.f32 v8;
	v9 =	vmul.f32 v9, v15;
	[tilespmem:s10+$0xFFFFFFB0] =	vst v7  }
0x26c: {  	v8 =	vunpack.i.u.bf16.f32 v8;
	v15 =	vbroadcast v3, $0x0;
	v11 =	vmul.f32 v11, v17;
	[tilespmem:s10+$0xC0] =	vst v16  }
0x26d: {  	v18 =	vunpack.i.l.bf16.f32 v14;
	v8 =	vmul.f32 v8, v17;
	v16 =	vld [tilespmem:s20+$0xFFFFFFB0];
	[tilespmem:s10+$0xD0] =	vst v9  }
0x26e: {  	v14 =	vunpack.i.u.bf16.f32 v14;
	v9 =	vbroadcast v13, $0x0;
	v17 =	vmul.f32 v18, v15;
	[tilespmem:s7+$0x60] =	vst v11  }
0x26f: {  	s9 =	sadd.s32 $0x200, s7;
	v18 =	vld [tilespmem:s24+$0x70];
	v11 =	vunpack.i.l.bf16.f32 v10;
	v14 =	vmul.f32 v14, v15;
	[tilespmem:s7+$0x70] =	vst v8  }
0x270: {  	v10 =	vunpack.i.u.bf16.f32 v10;
	v15 =	vld [tilespmem:s20+$0x40];
	v11 =	vmul.f32 v11, v9;
	[tilespmem:s9+$0x0] =	vst v17  }
0x271: {  	v17 =	vbroadcast v6, $0x3;
	v9 =	vmul.f32 v10, v9;
	[tilespmem:s9+$0x10] =	vst v14  }
0x272: {  	v19 =	vbroadcast v5, $0x7;
	v8 =	vbroadcast v5, $0x6;
	v10 =	vunpack.i.l.bf16.f32 v16;
	[tilespmem:s9+$0xFFFFFF00] =	vst v11;
	v11 =	vld [tilespmem:s8+$0x10]  }
0x273: {  	v14 =	vbroadcast v4, $0x7;
	[tilespmem:s9+$0xFFFFFF10] =	vst v9;
	v7 =	vunpack.i.u.bf16.f32 v16;
	v4 =	vmul.f32 v10, v17  }
0x274: {  	v5 =	vunpack.i.u.bf16.f32 v18;
	v9 =	vld [tilespmem:s8+$0xFFFFFF90];
	v10 =	vbroadcast v2, $0x4;
	v12 =	vmul.f32 v7, v17  }
0x275: {  	v20 =	vbroadcast v3, $0x1;
	v5 =	vmul.f32 v5, v14;
	[tilespmem:s7+$0xFFFFFF60] =	vst v4;
	v4 =	vunpack.i.l.bf16.f32 v15  }
0x276: {  	v16 =	vbroadcast v6, $0x4;
	v17 =	vld [tilespmem:s24+$0xFFFFFFE0];
	v15 =	vunpack.i.u.bf16.f32 v15;
	[tilespmem:s7+$0xFFFFFF70] =	vst v12;
	v4 =	vmul.f32 v4, v10  }
0x277: {  	v7 =	vbroadcast v6, $0x5;
	[tilespmem:s10+$0xF0] =	vst v5;
	v10 =	vmul.f32 v15, v10;
	v5 =	vunpack.i.l.bf16.f32 v11  }
0x278: {  	v12 =	vbroadcast v13, $0x1;
	v57 =	vld [tilespmem:s20+$0xFFFFFFC0];
	v11 =	vunpack.i.u.bf16.f32 v11;
	v15 =	vmul.f32 v5, v20;
	[tilespmem:s7+$0x80] =	vst v4  }
0x279: {  	v5 =	vbroadcast v6, $0x6;
	v58 =	vunpack.i.l.bf16.f32 v9;
	v11 =	vmul.f32 v11, v20;
	[tilespmem:s7+$0x90] =	vst v10  }
0x27a: {  	v4 =	vbroadcast v6, $0x7;
	v6 =	vunpack.i.u.bf16.f32 v9;
	v9 =	vmul.f32 v58, v12;
	[tilespmem:s9+$0x20] =	vst v15  }
0x27b: {  	v60 =	vbroadcast v2, $0x5;
	v20 =	vunpack.i.l.bf16.f32 v17;
	v10 =	vld [tilespmem:s20+$0x50];
	v6 =	vmul.f32 v6, v12;
	[tilespmem:s9+$0x30] =	vst v11  }
0x27c: {  	v61 =	vbroadcast v3, $0x2;
	v12 =	vunpack.i.u.bf16.f32 v17;
	v17 =	vmul.f32 v20, v8;
	[tilespmem:s9+$0xFFFFFF20] =	vst v9  }
0x27d: {  	v15 =	vbroadcast v13, $0x2;
	v8 =	vmul.f32 v12, v8;
	v20 =	vld [tilespmem:s8+$0x20];
	[tilespmem:s9+$0xFFFFFF30] =	vst v6;
	v6 =	vunpack.i.l.bf16.f32 v57  }
0x27e: {  	v11 =	vbroadcast v13, $0x3;
	v21 =	vunpack.i.u.bf16.f32 v57;
	[tilespmem:s10+$0xFFFFFFC0] =	vst v17;
	v59 =	vld [tilespmem:s8+$0xFFFFFFA0];
	v6 =	vmul.f32 v6, v16  }
0x27f: {  	v12 =	vbroadcast v13, $0x5;
	v16 =	vmul.f32 v21, v16;
	[tilespmem:s10+$0xFFFFFFD0] =	vst v8  }
0x280: {  	v9 =	vbroadcast v13, $0x4;
	v17 =	vunpack.i.l.bf16.f32 v10;
	[tilespmem:s7+$0xFFFFFF80] =	vst v6;
	v6 =	vunpack.i.u.bf16.f32 v10  }
0x281: {  	v18 =	vunpack.i.l.bf16.f32 v18;
	[tilespmem:s7+$0xFFFFFF90] =	vst v16;
	v10 =	vmul.f32 v17, v60;
	v17 =	vld [tilespmem:s24+$0xFFFFFFF0];
	v16 =	vmul.f32 v6, v60  }
0x282: {  	v8 =	vbroadcast v13, $0x6;
	v6 =	vbroadcast v13, $0x7;
	v62 =	vunpack.i.l.bf16.f32 v20  }
0x283: {  	v20 =	vunpack.i.u.bf16.f32 v20;
	v63 =	vmul.f32 v62, v61;
	v13 =	vunpack.i.l.bf16.f32 v59;
	[tilespmem:s7+$0xB0] =	vst v16;
	v16 =	vld [tilespmem:s20+$0xFFFFFFD0]  }
0x284: {  	[tilespmem:s7+$0xA0] =	vst v10;
	v20 =	vmul.f32 v20, v61;
	v10 =	vmul.f32 v18, v14;
	v14 =	vunpack.i.u.bf16.f32 v59  }
0x285: {  	v13 =	vmul.f32 v13, v15;
	v18 =	vmul.f32 v14, v15;
	v15 =	vld [tilespmem:s20+$0x60];
	[tilespmem:s9+$0x40] =	vst v63  }
0x286: {  	s13 =	simm.s32 $0x4;
	[tilespmem:s9+$0x50] =	vst v20;
	v20 =	vunpack.i.u.bf16.f32 v17;
	v14 =	vunpack.i.l.bf16.f32 v17  }
0x287: {  	s12 =	smov.u32 s8;
	s15 =	sadd.s32 $0x20, s11;
	s11 =	smov.u32 s9;
	[tilespmem:s9+$0xFFFFFF40] =	vst v13;
	v17 =	vld [tilespmem:s8+$0x30];
	v14 =	vmul.f32 v14, v19;
	v13 =	vmul.f32 v20, v19  }
.LBB2_9:
0x288: {  	v19 =	vld [tilespmem:s15+$0x0];
	[tilespmem:s9+$0xFFFFFF50] =	vst v18;
	s8 =	sadd.s32 $0x100, s8;
	v18 =	vunpack.i.u.bf16.f32 v16;
	v16 =	vunpack.i.l.bf16.f32 v16  }
0x289: {  	v21 =	vbroadcast v2, $0x6;
	v20 =	vld [tilespmem:s8+$0x0];
	v16 =	vmul.f32 v16, v7;
	[tilespmem:s10+$0xFFFFFFE0] =	vst v14  }
0x28a: {  	v18 =	vmul.f32 v18, v7;
	v7 =	vmov v12;
	v14 =	vld [tilespmem:s15+$0xFFFFFFF0];
	v22 =	vunpack.i.l.bf16.f32 v15;
	[tilespmem:s10+$0xFFFFFFF0] =	vst v13  }
0x28b: {  	v13 =	vbroadcast v3, $0x3;
	v15 =	vunpack.i.u.bf16.f32 v15;
	v12 =	vld [tilespmem:s8+$0xFFFFFF80];
	[tilespmem:s7+$0xFFFFFFA0] =	vst v16;
	v16 =	vmul.f32 v22, v21  }
0x28c: {  	v15 =	vmul.f32 v15, v21;
	v22 =	vld [tilespmem:s12+$0xFFFFFFB0];
	v23 =	vunpack.i.l.bf16.f32 v17;
	[tilespmem:s7+$0xFFFFFFB0] =	vst v18  }
0x28d: {  	v17 =	vunpack.i.u.bf16.f32 v17;
	v18 =	vbroadcast v19, $0x0;
	v21 =	vmul.f32 v23, v13;
	v23 =	vld [tilespmem:s20+$0xFFFFFFE0];
	[tilespmem:s7+$0xC0] =	vst v16  }
0x28e: {  	v13 =	vmul.f32 v17, v13;
	v16 =	vunpack.i.l.bf16.f32 v20;
	[tilespmem:s7+$0xD0] =	vst v15  }
0x28f: {  	s13 =	sadd.s32 $0x2, s13;
	v17 =	vunpack.i.u.bf16.f32 v20;
	v15 =	vbroadcast v14, $0x0;
	v16 =	vmul.f32 v16, v18;
	[tilespmem:s9+$0x60] =	vst v21;
	v20 =	vld [tilespmem:s20+$0x70]  }
0x290: {  	p1 =	slt.u32 s13, $0x3E;
	v17 =	vmul.f32 v17, v18;
	s9 =	sadd.s32 $0x200, s9;
	v21 =	vunpack.i.u.bf16.f32 v12;
	v12 =	vunpack.i.l.bf16.f32 v12;
	[tilespmem:s11+$0x70] =	vst v13  }
0x291: {  	v12 =	vmul.f32 v12, v15;
	v13 =	vmul.f32 v21, v15;
	[tilespmem:s9+$0x0] =	vst v16;
	v15 =	vunpack.i.u.bf16.f32 v22;
	v16 =	vld [tilespmem:s12+$0x40]  }
0x292: {  	v18 =	vbroadcast v14, $0x1;
	v21 =	vbroadcast v14, $0x2;
	[tilespmem:s9+$0x10] =	vst v17;
	v17 =	vunpack.i.l.bf16.f32 v22  }
0x293: {  	v25 =	vbroadcast v2, $0x7;
	v2 =	vmovc v3;
	v3 =	vmovc v19;
	v24 =	vunpack.i.u.bf16.f32 v23;
	[tilespmem:s9+$0xFFFFFF00] =	vst v12;
	v12 =	vbroadcast v14, $0x3;
	v22 =	vld [tilespmem:s8+$0x10]  }
0x294: {  	v15 =	vmul.f32 v15, v11;
	[tilespmem:s9+$0xFFFFFF10] =	vst v13;
	v13 =	vmul.f32 v17, v11;
	v27 =	vunpack.i.u.bf16.f32 v20  }
0x295: {  	v19 =	vbroadcast v2, $0x4;
	v23 =	vunpack.i.l.bf16.f32 v23;
	v17 =	vld [tilespmem:s8+$0xFFFFFF90];
	v26 =	vmul.f32 v27, v25;
	[tilespmem:s10+$0xE0] =	vst v10;
	v11 =	vmovc v12;
	s10 =	smov.u32 s7;
	s7 =	smov.u32 s11;
	s11 =	smov.u32 s9  }
0x296: {  	v27 =	vbroadcast v14, $0x4;
	v12 =	vbroadcast v14, $0x5;
	[tilespmem:s7+$0xFFFFFF60] =	vst v13;
	v10 =	vunpack.i.l.bf16.f32 v16  }
0x297: {  	v13 =	vbroadcast v3, $0x1;
	v16 =	vunpack.i.u.bf16.f32 v16;
	v10 =	vmul.f32 v10, v19;
	[tilespmem:s10+$0xF0] =	vst v26  }
0x298: {  	v26 =	vbroadcast v14, $0x6;
	v28 =	vunpack.i.l.bf16.f32 v22;
	[tilespmem:s7+$0xFFFFFF70] =	vst v15;
	v15 =	vmul.f32 v16, v19  }
0x299: {  	v23 =	vmul.f32 v23, v5;
	v16 =	vunpack.i.u.bf16.f32 v22;
	v19 =	vmul.f32 v28, v13;
	v22 =	vld [tilespmem:s12+$0xFFFFFFC0];
	[tilespmem:s7+$0x80] =	vst v10  }
0x29a: {  	v13 =	vmul.f32 v16, v13;
	v10 =	vunpack.i.u.bf16.f32 v17;
	v17 =	vunpack.i.l.bf16.f32 v17;
	[tilespmem:s7+$0x90] =	vst v15  }
0x29b: {  	v15 =	vmul.f32 v17, v18;
	v16 =	vmul.f32 v10, v18;
	[tilespmem:s9+$0x20] =	vst v19;
	v17 =	vld [tilespmem:s12+$0x50];
	v10 =	vunpack.i.l.bf16.f32 v20  }
0x29c: {  	v19 =	vbroadcast v14, $0x7;
	[tilespmem:s9+$0x30] =	vst v13;
	v13 =	vmul.f32 v24, v5;
	v5 =	vmovc v8;
	v8 =	vmov v26  }
0x29d: {  	v10 =	vmul.f32 v10, v25;
	[tilespmem:s9+$0xFFFFFF20] =	vst v15;
	v14 =	vld [tilespmem:s8+$0x20]  }
0x29e: {  	[tilespmem:s9+$0xFFFFFF30] =	vst v16;
	v15 =	vunpack.i.u.bf16.f32 v22;
	v16 =	vunpack.i.l.bf16.f32 v22  }
0x29f: {  	v20 =	vbroadcast v2, $0x5;
	v18 =	vld [tilespmem:s8+$0xFFFFFFA0];
	v16 =	vmul.f32 v16, v9;
	[tilespmem:s10+$0xFFFFFFC0] =	vst v23  }
0x2a0: {  	v15 =	vmul.f32 v15, v9;
	v9 =	vmov v27;
	v22 =	vunpack.i.l.bf16.f32 v17;
	[tilespmem:s10+$0xFFFFFFD0] =	vst v13  }
0x2a1: {  	v13 =	vbroadcast v3, $0x2;
	[tilespmem:s7+$0xFFFFFF80] =	vst v16;
	v16 =	vunpack.i.u.bf16.f32 v17;
	v17 =	vmul.f32 v22, v20;
	v22 =	vld [tilespmem:s20+$0xFFFFFFF0];
	s20 =	smov.u32 s12;
	s12 =	smov.u32 s8  }
0x2a2: {  	v23 =	vunpack.i.l.bf16.f32 v14;
	[tilespmem:s7+$0xFFFFFF90] =	vst v15;
	v15 =	vmul.f32 v16, v20  }
.Ltmp3:
0x2a3: {  	v14 =	vunpack.i.u.bf16.f32 v14;
	v20 =	vmul.f32 v23, v13;
	v16 =	vld [tilespmem:s20+$0xFFFFFFD0];
	[tilespmem:s7+$0xA0] =	vst v17;
	(pc) =	sbr.rel @p1 .LBB2_9-.Ltmp3, $4  }
0x2a4: {  	v13 =	vmul.f32 v14, v13;
	v17 =	vunpack.i.u.bf16.f32 v18;
	v18 =	vunpack.i.l.bf16.f32 v18;
	[tilespmem:s7+$0xB0] =	vst v15  }
0x2a5: {  	v14 =	vmul.f32 v18, v21;
	v18 =	vmul.f32 v17, v21;
	[tilespmem:s9+$0x40] =	vst v20;
	v15 =	vld [tilespmem:s20+$0x60]  }
0x2a6: {  	[tilespmem:s9+$0x50] =	vst v13;
	v13 =	vunpack.i.u.bf16.f32 v22;
	v20 =	vunpack.i.l.bf16.f32 v22  }
0x2a7: {  	s15 =	sadd.s32 $0x20, s15;
	[tilespmem:s9+$0xFFFFFF40] =	vst v14;
	v17 =	vld [tilespmem:s8+$0x30];
	v14 =	vmul.f32 v20, v4;
	v13 =	vmul.f32 v13, v4;
	v4 =	vmovc v6;
	v6 =	vmov v19  }
0x2a8: {  	[tilespmem:s9+$0xFFFFFF50] =	vst v18  }
0x2a9: {  	v18 =	vld [tilespmem:s12+$0xFFFFFFB0];
	_ =	sdelay $0x1  }
0x2aa: {  	v19 =	vbroadcast v3, $0x3  }
0x2ab: {  	v20 =	vunpack.i.l.bf16.f32 v17  }
0x2ac: {  	v63 =	vunpack.i.u.bf16.f32 v17;
	v20 =	vmul.f32 v20, v19  }
0x2ad: {  	v17 =	vmul.f32 v63, v19;
	v21 =	vunpack.i.l.bf16.f32 v18  }
0x2ae: {  	v18 =	vunpack.i.u.bf16.f32 v18;
	[tilespmem:s9+$0x60] =	vst v20;
	v19 =	vmul.f32 v21, v11  }
0x2af: {  	v22 =	vmul.f32 v18, v11;
	[tilespmem:s11+$0x70] =	vst v17  }
0x2b0: {  	v17 =	vld [tilespmem:s12+$0x40];
	[tilespmem:s11+$0xFFFFFF60] =	vst v19  }
0x2b1: {  	[tilespmem:s11+$0xFFFFFF70] =	vst v22  }
0x2b2: {  	v11 =	vld [tilespmem:s12+$0xFFFFFFC0];
	_ =	sdelay $0x1  }
0x2b3: {  	v23 =	vbroadcast v3, $0x4  }
0x2b4: {  	v24 =	vunpack.i.l.bf16.f32 v17  }
0x2b5: {  	v17 =	vunpack.i.u.bf16.f32 v17;
	v19 =	vmul.f32 v24, v23  }
0x2b6: {  	v17 =	vmul.f32 v17, v23;
	v25 =	vunpack.i.l.bf16.f32 v11  }
0x2b7: {  	v11 =	vunpack.i.u.bf16.f32 v11;
	v18 =	vmul.f32 v25, v9;
	[tilespmem:s11+$0x80] =	vst v19  }
0x2b8: {  	v26 =	vmul.f32 v11, v9;
	[tilespmem:s11+$0x90] =	vst v17  }
0x2b9: {  	v27 =	vld [tilespmem:s12+$0x50];
	[tilespmem:s11+$0xFFFFFF80] =	vst v18  }
0x2ba: {  	v29 =	vunpack.i.u.bf16.f32 v16;
	[tilespmem:s11+$0xFFFFFF90] =	vst v26  }
0x2bb: {  	v28 =	vunpack.i.l.bf16.f32 v16;
	v31 =	vmul.f32 v29, v7;
	v9 =	vld [tilespmem:s12+$0xFFFFFFD0]  }
0x2bc: {  	v17 =	vmul.f32 v28, v7  }
0x2bd: {  	v30 =	vbroadcast v3, $0x5;
	[tilespmem:s7+$0xFFFFFFB0] =	vst v31  }
0x2be: {  	[tilespmem:s7+$0xFFFFFFA0] =	vst v17;
	v32 =	vunpack.i.l.bf16.f32 v27  }
0x2bf: {  	v17 =	vld [tilespmem:s20+$0xFFFFFFE0];
	v11 =	vunpack.i.u.bf16.f32 v27;
	v16 =	vmul.f32 v32, v30  }
0x2c0: {  	v33 =	vmul.f32 v11, v30;
	v34 =	vunpack.i.l.bf16.f32 v9  }
0x2c1: {  	v9 =	vunpack.i.u.bf16.f32 v9;
	v11 =	vmul.f32 v34, v12;
	[tilespmem:s11+$0xA0] =	vst v16  }
0x2c2: {  	v36 =	vbroadcast v2, $0x6;
	v35 =	vmul.f32 v9, v12;
	[tilespmem:s11+$0xB0] =	vst v33  }
0x2c3: {  	v39 =	vunpack.i.u.bf16.f32 v15;
	v37 =	vld [tilespmem:s12+$0x60];
	[tilespmem:s11+$0xFFFFFFA0] =	vst v11  }
0x2c4: {  	v7 =	vmul.f32 v39, v36;
	v41 =	vunpack.i.l.bf16.f32 v17;
	[tilespmem:s11+$0xFFFFFFB0] =	vst v35  }
0x2c5: {  	v42 =	vunpack.i.u.bf16.f32 v17;
	v9 =	vmul.f32 v41, v5;
	v40 =	vld [tilespmem:s12+$0xFFFFFFE0]  }
0x2c6: {  	v38 =	vunpack.i.l.bf16.f32 v15;
	[tilespmem:s7+$0xD0] =	vst v7;
	v44 =	vmul.f32 v42, v5  }
0x2c7: {  	v43 =	vbroadcast v3, $0x6;
	v11 =	vmul.f32 v38, v36;
	[tilespmem:s7+$0xFFFFFFC0] =	vst v9  }
0x2c8: {  	[tilespmem:s7+$0xFFFFFFD0] =	vst v44;
	v45 =	vunpack.i.l.bf16.f32 v37  }
0x2c9: {  	[tilespmem:s7+$0xC0] =	vst v11;
	v50 =	vld [tilespmem:s20+$0xFFFFFFF0];
	v46 =	vunpack.i.u.bf16.f32 v37;
	v7 =	vmul.f32 v45, v43  }
0x2ca: {  	[tilespmem:s10+$0xE0] =	vst v10;
	v47 =	vld [tilespmem:s20+$0x70];
	v48 =	vmul.f32 v46, v43;
	v49 =	vunpack.i.l.bf16.f32 v40  }
0x2cb: {  	v51 =	vunpack.i.u.bf16.f32 v40;
	v9 =	vmul.f32 v49, v8;
	[tilespmem:s11+$0xC0] =	vst v7  }
0x2cc: {  	v52 =	vmul.f32 v51, v8;
	[tilespmem:s11+$0xD0] =	vst v48  }
0x2cd: {  	[tilespmem:s11+$0xFFFFFFC0] =	vst v9;
	v53 =	vld [tilespmem:s12+$0x70]  }
0x2ce: {  	v2 =	vbroadcast v2, $0x7;
	v57 =	vunpack.i.u.bf16.f32 v50;
	[tilespmem:s11+$0xFFFFFFD0] =	vst v52  }
0x2cf: {  	[tilespmem:s10+$0xFFFFFFE0] =	vst v14;
	v54 =	vunpack.i.u.bf16.f32 v47;
	v59 =	vmul.f32 v57, v4;
	v55 =	vld [tilespmem:s12+$0xFFFFFFF0]  }
0x2d0: {  	[tilespmem:s10+$0xFFFFFFF0] =	vst v13;
	v56 =	vunpack.i.l.bf16.f32 v50;
	v5 =	vmul.f32 v54, v2  }
0x2d1: {  	v3 =	vbroadcast v3, $0x7;
	v58 =	vunpack.i.l.bf16.f32 v47;
	v9 =	vmul.f32 v56, v4;
	[tilespmem:s7+$0xFFFFFFF0] =	vst v59  }
0x2d2: {  	v2 =	vmul.f32 v58, v2;
	[tilespmem:s7+$0xF0] =	vst v5;
	v60 =	vunpack.i.u.bf16.f32 v53  }
0x2d3: {  	[tilespmem:s7+$0xFFFFFFE0] =	vst v9;
	v63 =	vunpack.i.l.bf16.f32 v53;
	v61 =	vmul.f32 v60, v3  }
0x2d4: {  	[tilespmem:s7+$0xE0] =	vst v2;
	v62 =	vunpack.i.l.bf16.f32 v55;
	v3 =	vmul.f32 v63, v3  }
0x2d5: {  	s23 =	sadd.s32 $0x1, s23;
	v2 =	vunpack.i.u.bf16.f32 v55;
	v5 =	vmul.f32 v62, v6;
	[tilespmem:s11+$0xF0] =	vst v61  }
0x2d6: {  	p1 =	sne.s32 s23, $0x80;
	v2 =	vmul.f32 v2, v6;
	[tilespmem:s11+$0xE0] =	vst v3  }
.Ltmp4:
0x2d7: {  	s28 =	sshll.u32 s28, $0xE;
	[tilespmem:s11+$0xFFFFFFE0] =	vst v5;
	(pc) =	sbr.rel @p1 .LBB2_4-.Ltmp4, $4  }
0x2d8: {  	s8 =	sadd.s32 $0x2000, s29;
	s7 =	sadd.s32 $0xE000, s28;
	[tilespmem:s11+$0xFFFFFFF0] =	vst v2  }
0x2d9: {  	[spmem:s3] =	stream.indirect.scatter.add.f32 [tilespmem:s7], [sflag:$0x3], $0x100, s8, s26, $0xb8;
	[tilespmem:$0x1F500] =	vst v63  }
0x2da: {  	p0 =	por !p0, !p0  }
0x2db: {  	[spmem:s4] =	stream.indirect.scatter.add.f32 [tilespmem:s1], [sflag:$0x4], $0x10, s8, s26, $0xb8;
	[tilespmem:$0x1F500] =	vst v63  }
0x2dc: {  	_ =	swait.ge [sflag:s2], $0x4000  }
0x2dd: {  	[sflag:s2] =	ssyncset.done $0x0  }
0x2de: {  	[sflag:s2] =	ssyncadd.s32 $0xFFFFC000  }
0x2df: {  	_ =	swait.ge [sflag:s21], $0x400  }
0x2e0: {  	[sflag:s21] =	ssyncset.done $0x0  }
0x2e1: {  	[sflag:s21] =	ssyncadd.s32 $0xFFFFFC00  }
0x2e2: {  	_ =	swait.ge [sflag:s2], $0x4000  }
0x2e3: {  	[sflag:s2] =	ssyncset.done $0x0  }
0x2e4: {  	[sflag:s2] =	ssyncadd.s32 $0xFFFFC000  }
0x2e5: {  	_ =	swait.ge [sflag:s21], $0x400  }
0x2e6: {  	[sflag:s21] =	ssyncset.done $0x0  }
0x2e7: {  	[sflag:s21] =	ssyncadd.s32 $0xFFFFFC00  }
0x2e8: {  	s1 =	stileid.u32;
	[bflag:$0x0] =	sbarrier.arrive $0xFFFF  }
0x2e9: {  	s1 =	sshll.u32 s1, $0x6;
	s10 =	rddreg [dreg:$0xc]  }
0x2ea: {  	s1 =	sor.u32 $0x1C05, s1;
	s8 =	rddreg [dreg:$0xe];
	s7 =	sshrl.u32 s10, $0x3  }
0x2eb: {  	[hbm:s8], [sflag:s1] =	dma.local [spmem:s7], $0x1000  }
0x2ec: {  	_ =	swait.ge [sflag:s19], $0x1000  }
0x2ed: {  	[sflag:s19] =	ssyncset.done $0x0  }
0x2ee: {  	s25 =	sshrl.u32 s14, $0x3;
	s28 =	rddreg [dreg:$0xf];
	[sflag:s19] =	ssyncadd.s32 $0xFFFFF000  }
0x2ef: {  	[hbm:s28], [sflag:s1] =	dma.local [spmem:s25], $0x100  }
0x2f0: {  	_ =	swait.ge [sflag:s19], $0x100  }
0x2f1: {  	s22 =	sadd.s32 $0x1, s22;
	s29 =	rddreg [dreg:$0x10]  }
0x2f2: {  	p0 =	sne.s32 s22, s29  }
.Ltmp5:
0x2f3: {  	_ = 	snop;
	(pc) =	sbr.rel @p0 .LBB2_1-.Ltmp5, $3  }
0x2f4: {  	_ =	sdelay $0x1  }
0x2f5: {  	[sflag:s19] =	ssyncset.done $0x0  }
0x2f6: {  	s9 =	smov.u32 s14;
	s11 =	simm.s32 $0x2000;
	[sflag:s19] =	ssyncadd.s32 $0xFFFFFF00  }
0x2f7: {  	_ =	sfence.sel $0x180000  }
0x2f8: {  	[bflag:$0x0] =	sbarrier.arrive $0xFFFF  }
0x2f9: {  	_ =	strace $0x90000047  }
0x2fa: {  	s0 =	stileid.u32;
	[bflag:$0x2] =	sbarrier.arrive $0xFFFF  }
0x2fb: {  	p0 =	sne.s32 s0, $0x0;
	s0 =	rddreg [dreg:$0x5]  }
0x2fc: {  	s0 =	sadd.s32 @!p0 $0x100000, s0  }
0x2fd: {  	[sflag:s0] =	ssyncadd.tile.s32 @!p0 $0x1;
	_ =	shalt  }
.Lfunc_end2:
_tile_overlayer_lowered:
.L_overlay_start_2:
0x2fe: {  	(tag) =	ssettag $0x2  }
0x2ff: {  	s0 =	rddreg [dreg:$0x0];
	s2 =	stileid.u32  }
0x300: {  	s1 =	rddreg [dreg:$0x1];
	p0 =	sne.s32 s2, $0x0  }
0x301: {  	s3 =	rddreg [dreg:$0x2];
	[bflag:$0x3] =	sbarrier.arrive $0xFFFF;
	s2 =	simm.s32 @!p0 $0x1C05  }
0x302: {  	[timem:s3], [sflag:s2] =	dma.local @!p0 [hbm:s0], s1  }
0x303: {  	s0 =	simm.s32 @!p0 $0x5  }
0x304: {  	_ =	swait.ge @!p0 [sflag:s0], s1  }
0x305: {  	s1 =	ssub.s32 @!p0 $0x0, s1;
	[sflag:s0] =	ssyncset.done @!p0 $0x0  }
0x306: {  	[sflag:s0] =	ssyncadd.s32 @!p0 s1  }
0x307: {  	[bflag:$0x3] =	sbarrier.arrive $0xFFFF  }
0x308: {  	_ =	shalt  }

</sc_bundles>
